<compile_context>
chip_gen: v7x
topology: tpu7x:2x2x1
jax: 0.10.2.dev20260603
libtpu: 0.0.44.dev20260713+nightly
codegen_flags: <defaults>
</compile_context>

<pallas_src>
import functools

import jax
import jax.numpy as jnp
from jax import lax
from jax.experimental import pallas as pl
from jax.experimental.pallas import tpu as pltpu
from jax.experimental.pallas import tpu_sc as plsc

_N = 10000
_E = 320000
_D_IN = 128
_DQ = _D_IN // 4
_H1 = 256
_H2 = 32
_C = 16

_NC = 2
_NS = 16
_NW = _NC * _NS
_CHUNK = 128
_CPW = 80
_CPS = 160
_EPAD = _CPW * _CHUNK * _NW
_RPS = 624
_TAIL = _N - _NS * _RPS

_BLK = 1000

_ECH = _E // _CHUNK
_PCH = _EPAD // _CHUNK - _ECH

_SC_PARAMS = pltpu.CompilerParams(use_tc_tiling_on_sc=False)


def _mesh():
    return plsc.VectorSubcoreMesh(core_axis_name="c", subcore_axis_name="s")


def _load_idx(echunks, pchunks, idx_v, base, count):
    nreal = count - _PCH

    @pl.when(base + count <= _ECH)
    def _():
        pltpu.sync_copy(echunks.at[pl.ds(base, count)], idx_v)

    @pl.when(base + count > _ECH)
    def _():
        pltpu.sync_copy(echunks.at[pl.ds(base, nreal)],
                        idx_v.at[pl.ds(0, nreal)])
        pltpu.sync_copy(pchunks, idx_v.at[pl.ds(nreal, _PCH)])


def _init_acc(zeros, acc, s, sl, tl):
    pltpu.sync_copy(zeros.at[sl], acc.at[sl])

    @pl.when(s == _NS - 1)
    def _():
        pltpu.sync_copy(zeros.at[tl], acc.at[tl])


def _pipelined_edge_loop(vals, sidx, didx, rows0, rows1, acc,
                         semg0, semg1, sems0, sems1, cpw):
    plsc.subcore_barrier()
    pltpu.async_copy(vals.at[sidx.at[0]], rows0, semg0)
    pltpu.async_copy(vals.at[sidx.at[1]], rows1, semg1)

    @pl.loop(0, cpw // 2)
    def _(u):
        t0 = 2 * u
        t1 = t0 + 1
        pltpu.make_async_copy(vals.at[sidx.at[t0]], rows0, semg0).wait()
        pltpu.async_copy(rows0, acc.at[didx.at[t0]], sems0, add=True)
        pltpu.make_async_copy(vals.at[sidx.at[t1]], rows1, semg1).wait()
        pltpu.async_copy(rows1, acc.at[didx.at[t1]], sems1, add=True)

        @pl.when(t0 + 2 < cpw)
        def _():
            pltpu.make_async_copy(rows0, acc.at[didx.at[t0]], sems0).wait()
            pltpu.async_copy(vals.at[sidx.at[t0 + 2]], rows0, semg0)
            pltpu.make_async_copy(rows1, acc.at[didx.at[t1]], sems1).wait()
            pltpu.async_copy(vals.at[sidx.at[t1 + 2]], rows1, semg1)

    pltpu.make_async_copy(rows0, acc.at[didx.at[cpw - 2]], sems0).wait()
    pltpu.make_async_copy(rows1, acc.at[didx.at[cpw - 1]], sems1).wait()
    plsc.subcore_barrier()


@functools.cache
def _make_agg(d):
    out = jax.ShapeDtypeStruct((_N, 128), jnp.float32)

    @functools.partial(
        pl.kernel,
        out_type=out,
        mesh=_mesh(),
        compiler_params=_SC_PARAMS,
        scratch_types=[
            pltpu.VMEM((_CPW, _CHUNK), jnp.int32),
            pltpu.VMEM((_CPW, _CHUNK), jnp.int32),
            pltpu.VMEM((_CHUNK, d), jnp.float32),
            pltpu.VMEM((_CHUNK, d), jnp.float32),
            pltpu.VMEM_SHARED((_N + 8, d), jnp.float32),
            pltpu.VMEM_SHARED((_N + 8, d), jnp.float32),
            pltpu.SemaphoreType.DMA,
            pltpu.SemaphoreType.DMA,
            pltpu.SemaphoreType.DMA,
            pltpu.SemaphoreType.DMA,
        ],
    )
    def agg(vals, edges, pads, zeros, outp,
            sidx, didx, rows0, rows1, acc, srcbuf, semg0, semg1, sems0, sems1):
        c = lax.axis_index("c")
        s = lax.axis_index("s")
        w = c * _NS + s
        sl = pl.ds(s * _RPS, _RPS)
        tl = pl.ds(_NS * _RPS, _TAIL)
        _init_acc(zeros, acc, s, sl, tl)
        pltpu.sync_copy(vals.at[sl], srcbuf.at[sl])

        @pl.when(s == _NS - 1)
        def _():
            pltpu.sync_copy(vals.at[tl], srcbuf.at[tl])

        _load_idx(edges.at[0], pads.at[0], sidx, w * _CPW, _CPW)
        _load_idx(edges.at[1], pads.at[1], didx, w * _CPW, _CPW)
        _pipelined_edge_loop(srcbuf, sidx, didx, rows0, rows1, acc,
                             semg0, semg1, sems0, sems1, _CPW)
        cb = pl.ds(c * d, d)
        pltpu.sync_copy(acc.at[sl], outp.at[sl, cb])

        @pl.when(s == _NS - 1)
        def _():
            pltpu.sync_copy(acc.at[tl], outp.at[tl, cb])

    return agg


def _make_deg():
    out = jax.ShapeDtypeStruct((_N, 128), jnp.float32)

    @functools.partial(
        pl.kernel,
        out_type=out,
        mesh=_mesh(),
        compiler_params=_SC_PARAMS,
        scratch_types=[
            pltpu.VMEM((_CPW, _CHUNK), jnp.int32),
            pltpu.VMEM((_CHUNK, 16), jnp.float32),
            pltpu.VMEM_SHARED((_N + 8, 16), jnp.float32),
            pltpu.SemaphoreType.DMA,
        ],
    )
    def deg(ones_hbm, edges, pads, zeros, outp, didx, ones, acc, sem):
        c = lax.axis_index("c")
        s = lax.axis_index("s")
        w = c * _NS + s
        sl = pl.ds(s * _RPS, _RPS)
        tl = pl.ds(_NS * _RPS, _TAIL)
        _init_acc(zeros, acc, s, sl, tl)
        pltpu.sync_copy(ones_hbm, ones)
        _load_idx(edges.at[1], pads.at[1], didx, w * _CPW, _CPW)
        plsc.subcore_barrier()

        @pl.loop(0, _CPW // 8)
        def _(g):
            base = g * 8
            for j in range(8):
                pltpu.async_copy(ones, acc.at[didx.at[base + j]], sem, add=True)
            for j in range(8):
                pltpu.make_async_copy(ones, acc.at[didx.at[base + j]], sem).wait()

        plsc.subcore_barrier()
        cb = pl.ds(c * 16, 16)
        pltpu.sync_copy(acc.at[sl], outp.at[sl, cb])

        @pl.when(s == _NS - 1)
        def _():
            pltpu.sync_copy(acc.at[tl], outp.at[tl, cb])

    return deg


def _make_agg_cols():
    out = jax.ShapeDtypeStruct((_N, _D_IN), jnp.float32)

    @functools.partial(
        pl.kernel,
        out_type=out,
        mesh=_mesh(),
        compiler_params=_SC_PARAMS,
        scratch_types=[
            pltpu.VMEM((_CPS, _CHUNK), jnp.int32),
            pltpu.VMEM((_CPS, _CHUNK), jnp.int32),
            pltpu.VMEM((_CHUNK, _DQ), jnp.float32),
            pltpu.VMEM((_CHUNK, _DQ), jnp.float32),
            pltpu.VMEM_SHARED((_N + 8, _DQ), jnp.float32),
            pltpu.VMEM_SHARED((_N + 8, _DQ), jnp.float32),
            pltpu.SemaphoreType.DMA,
            pltpu.SemaphoreType.DMA,
            pltpu.SemaphoreType.DMA,
            pltpu.SemaphoreType.DMA,
        ],
    )
    def agg(vals, edges, pads, zeros, outx,
            sidx, didx, rows0, rows1, acc, srcbuf, semg0, semg1, sems0, sems1):
        c = lax.axis_index("c")
        s = lax.axis_index("s")
        sl = pl.ds(s * _RPS, _RPS)
        tl = pl.ds(_NS * _RPS, _TAIL)
        _load_idx(edges.at[0], pads.at[0], sidx, s * _CPS, _CPS)
        _load_idx(edges.at[1], pads.at[1], didx, s * _CPS, _CPS)
        for p in range(2):
            q = c * 2 + p
            cq = pl.ds(q * _DQ, _DQ)
            _init_acc(zeros, acc, s, sl, tl)
            pltpu.sync_copy(vals.at[sl, cq], srcbuf.at[sl])

            @pl.when(s == _NS - 1)
            def _():
                pltpu.sync_copy(vals.at[tl, cq], srcbuf.at[tl])

            _pipelined_edge_loop(srcbuf, sidx, didx, rows0, rows1, acc,
                                 semg0, semg1, sems0, sems1, _CPS)
            pltpu.sync_copy(acc.at[sl], outx.at[sl, cq])

            @pl.when(s == _NS - 1)
            def _():
                pltpu.sync_copy(acc.at[tl], outx.at[tl, cq])

    return agg


def _dinv(dd):
    return lax.rsqrt(dd[:, :1] + dd[:, 16:17] + 1.0)


def _row_spec(d):
    return pl.BlockSpec((_BLK, d), lambda i: (i, 0))


def _quarter_spec():
    return pl.BlockSpec((4, _BLK, _DQ), lambda i: (0, i, 0))


def _full_spec(r, c):
    return pl.BlockSpec((r, c), lambda i: (0, 0))


def _k_scale(x, dd):
    def body(x_ref, dd_ref, o_ref):
        o_ref[...] = x_ref[...] * _dinv(dd_ref[...])

    return pl.pallas_call(
        body,
        grid=(_N // _BLK,),
        in_specs=[_row_spec(_D_IN), _row_spec(128)],
        out_specs=_row_spec(_D_IN),
        out_shape=jax.ShapeDtypeStruct((_N, _D_IN), jnp.float32),
    )(x, dd)


def _k_layer12(ax, xs, dd, W1, b1, W2):
    def body(ax_ref, xs_ref, dd_ref, w1_ref, b1_ref, w2_ref, o_ref):
        di = _dinv(dd_ref[...])
        agg = (ax_ref[...] + xs_ref[...]) * di
        h = jnp.dot(agg, w1_ref[...], preferred_element_type=jnp.float32)
        h = jnp.maximum(h + b1_ref[...], 0.0)
        o_ref[...] = jnp.dot(h, w2_ref[...], preferred_element_type=jnp.float32) * di

    return pl.pallas_call(
        body,
        grid=(_N // _BLK,),
        in_specs=[_row_spec(_D_IN), _row_spec(_D_IN), _row_spec(128),
                  _full_spec(_D_IN, _H1), _full_spec(1, _H1),
                  _full_spec(_H1, _H2)],
        out_specs=_row_spec(_H2),
        out_shape=jax.ShapeDtypeStruct((_N, _H2), jnp.float32),
    )(ax, xs, dd, W1, b1.reshape(1, _H1), W2)


def _k_layer23(apk, t2s, dd, b2, W3):
    def body(apk_ref, t_ref, dd_ref, b2_ref, w3_ref, o_ref):
        di = _dinv(dd_ref[...])
        apk = apk_ref[...]
        h = (apk[:, :_H2] + apk[:, _H2:2 * _H2] + t_ref[...]) * di + b2_ref[...]
        h = jnp.maximum(h, 0.0)
        o_ref[...] = jnp.dot(h, w3_ref[...], preferred_element_type=jnp.float32) * di

    return pl.pallas_call(
        body,
        grid=(_N // _BLK,),
        in_specs=[_row_spec(128), _row_spec(_H2), _row_spec(128),
                  _full_spec(1, _H2), _full_spec(_H2, _C)],
        out_specs=_row_spec(_C),
        out_shape=jax.ShapeDtypeStruct((_N, _C), jnp.float32),
    )(apk, t2s, dd, b2.reshape(1, _H2), W3)


def _k_out(apk, t3s, dd, b3):
    def body(apk_ref, t_ref, dd_ref, b3_ref, o_ref):
        di = _dinv(dd_ref[...])
        apk = apk_ref[...]
        o_ref[...] = ((apk[:, :_C] + apk[:, _C:2 * _C] + t_ref[...]) * di
                      + b3_ref[...])

    return pl.pallas_call(
        body,
        grid=(_N // _BLK,),
        in_specs=[_row_spec(128), _row_spec(_C), _row_spec(128),
                  _full_spec(1, _C)],
        out_specs=_row_spec(_C),
        out_shape=jax.ShapeDtypeStruct((_N, _C), jnp.float32),
    )(apk, t3s, dd, b3.reshape(1, _C))


def kernel(x, edge_index, W1, b1, W2, b2, W3, b3):
    edges = edge_index.astype(jnp.int32).reshape(2, _ECH, _CHUNK)
    npad = _PCH * _CHUNK
    pads = jnp.stack([
        jnp.zeros((npad,), jnp.int32),
        _N + (jnp.arange(npad, dtype=jnp.int32) % 8),
    ]).reshape(2, _PCH, _CHUNK)

    ones_blk = jnp.ones((_CHUNK, 16), jnp.float32)
    z16 = jnp.zeros((_N, 16), jnp.float32)
    z32 = jnp.zeros((_N, _H2), jnp.float32)

    degk = _make_deg()
    agg16 = _make_agg(16)
    agg32 = _make_agg(_H2)
    agg64 = _make_agg_cols()

    dd = degk(ones_blk, edges, pads, z16)
    xs = _k_scale(x, dd)
    ax = agg64(xs, edges, pads, z32)
    t2s = _k_layer12(ax, xs, dd, W1, b1, W2)
    a2 = agg32(t2s, edges, pads, z32)
    t3s = _k_layer23(a2, t2s, dd, b2, W3)
    a3 = agg16(t3s, edges, pads, z16)
    return _k_out(a3, t3s, dd, b3)

# --- scband reference (transcript-rebuilt; emitter-appended) ---
"""Pipeline reference for scband-gcn-16793322127453 (READ-ONLY COPY).

The authoritative reference and input builder live on the scoring server;
editing this copy changes nothing except your own understanding.
"""

import jax, jax.numpy as jnp
import numpy as np

N = 10000
E = 320000
D_IN = 128
H1 = 256
H2 = 32
C = 16


def setup_inputs(seed: int = 0) -> dict:
    key = jax.random.key(seed)
    ks = jax.random.split(key, 8)
    x = jax.random.normal(ks[0], (N, D_IN), dtype=jnp.float32)
    edge_index = jax.random.randint(ks[1], (2, E), 0, N)
    W1 = jax.random.normal(ks[2], (D_IN, H1), dtype=jnp.float32) / np.sqrt(D_IN)
    b1 = jnp.zeros((H1,), dtype=jnp.float32)
    W2 = jax.random.normal(ks[3], (H1, H2), dtype=jnp.float32) / np.sqrt(H1)
    b2 = jnp.zeros((H2,), dtype=jnp.float32)
    W3 = jax.random.normal(ks[4], (H2, C), dtype=jnp.float32) / np.sqrt(H2)
    b3 = jnp.zeros((C,), dtype=jnp.float32)
    return {"x": x, "edge_index": edge_index, "W1": W1, "b1": b1,
            "W2": W2, "b2": b2, "W3": W3, "b3": b3}


def _gcn_conv(x, src, dst, W, b):
    # GCNConv: x' = D^{-1/2} (A + I) D^{-1/2} (x W) + b
    h = x @ W
    n = x.shape[0]
    si = jnp.arange(n, dtype=src.dtype)
    s = jnp.concatenate([src, si])  # add self loops
    d = jnp.concatenate([dst, si])
    deg = jnp.zeros((n,), dtype=h.dtype).at[d].add(1.0)
    dinv = jnp.where(deg > 0, jax.lax.rsqrt(jnp.maximum(deg, 1e-12)), 0.0)
    norm = dinv[s] * dinv[d]
    msg = h[s] * norm[:, None]
    out = jnp.zeros((n, h.shape[1]), dtype=h.dtype).at[d].add(msg)
    return out + b


def reference(x, edge_index, W1, b1, W2, b2, W3, b3):
    src = edge_index[0]
    dst = edge_index[1]
    h = _gcn_conv(x, src, dst, W1, b1)
    h = jax.nn.relu(h)
    # dropout is identity in eval mode
    h = _gcn_conv(h, src, dst, W2, b2)
    h = jax.nn.relu(h)
    out = _gcn_conv(h, src, dst, W3, b3)
    return out

if __name__ == "__main__":
    import jax
    _d = setup_inputs()
    print(jax.jit(kernel)(*tuple(_d.values())))

</pallas_src>

<mosaic_0001>
#map = affine_map<(d0, d1) -> (0, 0)>
#map1 = affine_map<(d0, d1) -> (0, 0, 0)>
module attributes {stable_mosaic.version = 14 : i64} {
  func.func @agg(%arg0: i32, %arg1: i32, %arg2: memref<10000x128xf32, #tpu.memory_space<hbm>>, %arg3: memref<2x2500x128xi32, #tpu.memory_space<hbm>>, %arg4: memref<2x60x128xi32, #tpu.memory_space<hbm>>, %arg5: memref<10000x32xf32, #tpu.memory_space<hbm>>, %arg6: memref<10000x128xf32, #tpu.memory_space<hbm>>, %arg7: memref<160x128xi32, #tpu.memory_space<vmem>>, %arg8: memref<160x128xi32, #tpu.memory_space<vmem>>, %arg9: memref<128x32xf32, #tpu.memory_space<vmem>>, %arg10: memref<128x32xf32, #tpu.memory_space<vmem>>, %arg11: memref<10008x32xf32, #tpu.memory_space<vmem_shared>>, %arg12: memref<10008x32xf32, #tpu.memory_space<vmem_shared>>, %arg13: memref<!tpu.dma_semaphore, #tpu.memory_space<semaphore_mem>>, %arg14: memref<!tpu.dma_semaphore, #tpu.memory_space<semaphore_mem>>, %arg15: memref<!tpu.dma_semaphore, #tpu.memory_space<semaphore_mem>>, %arg16: memref<!tpu.dma_semaphore, #tpu.memory_space<semaphore_mem>>) attributes {dimension_semantics = [#tpu.dimension_semantics<core_parallel>, #tpu.dimension_semantics<subcore_parallel>], iteration_bounds = array<i64: 2, 16>, scalar_prefetch = 0 : i64, scratch_operands = 10 : i64, tpu.core_type = #tpu.core_type<sc_vector_subcore>, window_params = [{transform_indices = #map}, {transform_indices = #map1}, {transform_indices = #map1}, {transform_indices = #map}, {transform_indices = #map}]} {
    %mul3A = arith.constant 624 : i32
    %mul3A_0 = arith.muli %arg1, %mul3A : i32
    %mul3A_1 = arith.constant 160 : i32
    %mul3A_2 = arith.muli %arg1, %mul3A_1 : i32
    %add3A = arith.constant 160 : i32
    %add3A_3 = arith.addi %mul3A_2, %add3A : i32
    %le3A = arith.constant 2500 : i32
    %le3A_4 = arith.cmpi sle, %add3A_3, %le3A : i32
    %convert_element_type3A = arith.extui %le3A_4 : i1 to i32
    %cond3A = arith.constant 0 : i32
    %cond3A_5 = arith.constant 0 : i32
    %cond3A_6 = arith.cmpi ne, %convert_element_type3A, %cond3A_5 : i32
    scf.if %cond3A_6 {
      "tpu.region"() ({
        %run_scoped3A = tpu.sem_alloc : memref<!tpu.dma_semaphore, #tpu.memory_space<semaphore_mem>>
        %dma_start3A_141 = arith.constant 0 : i32
        %dma_start3A_142 = arith.constant 0 : i32
        %dma_start3A_143 = tpu.memref_slice %arg3[%cond3A, %dma_start3A_141, %dma_start3A_142] : memref<2x2500x128xi32, #tpu.memory_space<hbm>> -> memref<1x2500x128xi32, #tpu.memory_space<hbm>>
        %dma_start3A_144 = tpu.memref_squeeze %dma_start3A_143 : memref<1x2500x128xi32, #tpu.memory_space<hbm>> -> memref<2500x128xi32, #tpu.memory_space<hbm>>
        %dma_start3A_145 = arith.constant 0 : i32
        %dma_start3A_146 = tpu.memref_slice %dma_start3A_144[%mul3A_2, %dma_start3A_145] : memref<2500x128xi32, #tpu.memory_space<hbm>> -> memref<160x128xi32, #tpu.memory_space<hbm>>
        %dma_start3A_147 = arith.constant 0 : i32
        %dma_start3A_148 = arith.constant 0 : i32
        %dma_start3A_149 = tpu.memref_slice %arg3[%cond3A, %dma_start3A_147, %dma_start3A_148] : memref<2x2500x128xi32, #tpu.memory_space<hbm>> -> memref<1x2500x128xi32, #tpu.memory_space<hbm>>
        %dma_start3A_150 = tpu.memref_squeeze %dma_start3A_149 : memref<1x2500x128xi32, #tpu.memory_space<hbm>> -> memref<2500x128xi32, #tpu.memory_space<hbm>>
        %dma_start3A_151 = arith.constant 0 : i32
        %dma_start3A_152 = tpu.memref_slice %dma_start3A_150[%mul3A_2, %dma_start3A_151] : memref<2500x128xi32, #tpu.memory_space<hbm>> -> memref<160x128xi32, #tpu.memory_space<hbm>>
        tpu.enqueue_dma source(%dma_start3A_152 : memref<160x128xi32, #tpu.memory_space<hbm>>) target(%arg7 : memref<160x128xi32, #tpu.memory_space<vmem>>) target_semaphore(%run_scoped3A : memref<!tpu.dma_semaphore, #tpu.memory_space<semaphore_mem>>)
        %dma_wait3A_153 = arith.constant 0 : i32
        %dma_wait3A_154 = arith.constant 0 : i32
        %dma_wait3A_155 = tpu.memref_slice %arg3[%cond3A, %dma_wait3A_153, %dma_wait3A_154] : memref<2x2500x128xi32, #tpu.memory_space<hbm>> -> memref<1x2500x128xi32, #tpu.memory_space<hbm>>
        %dma_wait3A_156 = tpu.memref_squeeze %dma_wait3A_155 : memref<1x2500x128xi32, #tpu.memory_space<hbm>> -> memref<2500x128xi32, #tpu.memory_space<hbm>>
        %dma_wait3A_157 = arith.constant 0 : i32
        %dma_wait3A_158 = tpu.memref_slice %dma_wait3A_156[%mul3A_2, %dma_wait3A_157] : memref<2500x128xi32, #tpu.memory_space<hbm>> -> memref<160x128xi32, #tpu.memory_space<hbm>>
        %dma_wait3A_159 = arith.constant 0 : i32
        %dma_wait3A_160 = arith.constant 0 : i32
        %dma_wait3A_161 = tpu.memref_slice %arg3[%cond3A, %dma_wait3A_159, %dma_wait3A_160] : memref<2x2500x128xi32, #tpu.memory_space<hbm>> -> memref<1x2500x128xi32, #tpu.memory_space<hbm>>
        %dma_wait3A_162 = tpu.memref_squeeze %dma_wait3A_161 : memref<1x2500x128xi32, #tpu.memory_space<hbm>> -> memref<2500x128xi32, #tpu.memory_space<hbm>>
        %dma_wait3A_163 = arith.constant 0 : i32
        %dma_wait3A_164 = tpu.memref_slice %dma_wait3A_162[%mul3A_2, %dma_wait3A_163] : memref<2500x128xi32, #tpu.memory_space<hbm>> -> memref<160x128xi32, #tpu.memory_space<hbm>>
        tpu.wait_dma2 semaphore(%run_scoped3A : memref<!tpu.dma_semaphore, #tpu.memory_space<semaphore_mem>>) src(%dma_wait3A_164 : memref<160x128xi32, #tpu.memory_space<hbm>>) dst(%arg7 : memref<160x128xi32, #tpu.memory_space<vmem>>)
        tpu.yield
      }) : () -> ()
    } else {
    }
    %add3A_7 = arith.constant 160 : i32
    %add3A_8 = arith.addi %mul3A_2, %add3A_7 : i32
    %gt3A = arith.constant 2500 : i32
    %gt3A_9 = arith.cmpi sgt, %add3A_8, %gt3A : i32
    %convert_element_type3A_10 = arith.extui %gt3A_9 : i1 to i32
    %cond3A_11 = arith.constant 0 : i32
    %cond3A_12 = arith.constant 0 : i32
    %cond3A_13 = arith.constant 0 : i32
    %cond3A_14 = arith.cmpi ne, %convert_element_type3A_10, %cond3A_13 : i32
    scf.if %cond3A_14 {
      "tpu.region"() ({
        %run_scoped3A = tpu.sem_alloc : memref<!tpu.dma_semaphore, #tpu.memory_space<semaphore_mem>>
        %dma_start3A_141 = arith.constant 0 : i32
        %dma_start3A_142 = arith.constant 0 : i32
        %dma_start3A_143 = tpu.memref_slice %arg7[%dma_start3A_141, %dma_start3A_142] : memref<160x128xi32, #tpu.memory_space<vmem>> -> memref<100x128xi32, #tpu.memory_space<vmem>>
        %dma_start3A_144 = arith.constant 0 : i32
        %dma_start3A_145 = arith.constant 0 : i32
        %dma_start3A_146 = tpu.memref_slice %arg3[%cond3A_11, %dma_start3A_144, %dma_start3A_145] : memref<2x2500x128xi32, #tpu.memory_space<hbm>> -> memref<1x2500x128xi32, #tpu.memory_space<hbm>>
        %dma_start3A_147 = tpu.memref_squeeze %dma_start3A_146 : memref<1x2500x128xi32, #tpu.memory_space<hbm>> -> memref<2500x128xi32, #tpu.memory_space<hbm>>
        %dma_start3A_148 = arith.constant 0 : i32
        %dma_start3A_149 = tpu.memref_slice %dma_start3A_147[%mul3A_2, %dma_start3A_148] : memref<2500x128xi32, #tpu.memory_space<hbm>> -> memref<100x128xi32, #tpu.memory_space<hbm>>
        %dma_start3A_150 = arith.constant 0 : i32
        %dma_start3A_151 = arith.constant 0 : i32
        %dma_start3A_152 = tpu.memref_slice %arg7[%dma_start3A_150, %dma_start3A_151] : memref<160x128xi32, #tpu.memory_space<vmem>> -> memref<100x128xi32, #tpu.memory_space<vmem>>
        %dma_start3A_153 = arith.constant 0 : i32
        %dma_start3A_154 = arith.constant 0 : i32
        %dma_start3A_155 = tpu.memref_slice %arg3[%cond3A_11, %dma_start3A_153, %dma_start3A_154] : memref<2x2500x128xi32, #tpu.memory_space<hbm>> -> memref<1x2500x128xi32, #tpu.memory_space<hbm>>
        %dma_start3A_156 = tpu.memref_squeeze %dma_start3A_155 : memref<1x2500x128xi32, #tpu.memory_space<hbm>> -> memref<2500x128xi32, #tpu.memory_space<hbm>>
        %dma_start3A_157 = arith.constant 0 : i32
        %dma_start3A_158 = tpu.memref_slice %dma_start3A_156[%mul3A_2, %dma_start3A_157] : memref<2500x128xi32, #tpu.memory_space<hbm>> -> memref<100x128xi32, #tpu.memory_space<hbm>>
        tpu.enqueue_dma source(%dma_start3A_158 : memref<100x128xi32, #tpu.memory_space<hbm>>) target(%dma_start3A_152 : memref<100x128xi32, #tpu.memory_space<vmem>>) target_semaphore(%run_scoped3A : memref<!tpu.dma_semaphore, #tpu.memory_space<semaphore_mem>>)
        %dma_wait3A_159 = arith.constant 0 : i32
        %dma_wait3A_160 = arith.constant 0 : i32
        %dma_wait3A_161 = tpu.memref_slice %arg7[%dma_wait3A_159, %dma_wait3A_160] : memref<160x128xi32, #tpu.memory_space<vmem>> -> memref<100x128xi32, #tpu.memory_space<vmem>>
        %dma_wait3A_162 = arith.constant 0 : i32
        %dma_wait3A_163 = arith.constant 0 : i32
        %dma_wait3A_164 = tpu.memref_slice %arg3[%cond3A_11, %dma_wait3A_162, %dma_wait3A_163] : memref<2x2500x128xi32, #tpu.memory_space<hbm>> -> memref<1x2500x128xi32, #tpu.memory_space<hbm>>
        %dma_wait3A_165 = tpu.memref_squeeze %dma_wait3A_164 : memref<1x2500x128xi32, #tpu.memory_space<hbm>> -> memref<2500x128xi32, #tpu.memory_space<hbm>>
        %dma_wait3A_166 = arith.constant 0 : i32
        %dma_wait3A_167 = tpu.memref_slice %dma_wait3A_165[%mul3A_2, %dma_wait3A_166] : memref<2500x128xi32, #tpu.memory_space<hbm>> -> memref<100x128xi32, #tpu.memory_space<hbm>>
        %dma_wait3A_168 = arith.constant 0 : i32
        %dma_wait3A_169 = arith.constant 0 : i32
        %dma_wait3A_170 = tpu.memref_slice %arg7[%dma_wait3A_168, %dma_wait3A_169] : memref<160x128xi32, #tpu.memory_space<vmem>> -> memref<100x128xi32, #tpu.memory_space<vmem>>
        %dma_wait3A_171 = arith.constant 0 : i32
        %dma_wait3A_172 = arith.constant 0 : i32
        %dma_wait3A_173 = tpu.memref_slice %arg3[%cond3A_11, %dma_wait3A_171, %dma_wait3A_172] : memref<2x2500x128xi32, #tpu.memory_space<hbm>> -> memref<1x2500x128xi32, #tpu.memory_space<hbm>>
        %dma_wait3A_174 = tpu.memref_squeeze %dma_wait3A_173 : memref<1x2500x128xi32, #tpu.memory_space<hbm>> -> memref<2500x128xi32, #tpu.memory_space<hbm>>
        %dma_wait3A_175 = arith.constant 0 : i32
        %dma_wait3A_176 = tpu.memref_slice %dma_wait3A_174[%mul3A_2, %dma_wait3A_175] : memref<2500x128xi32, #tpu.memory_space<hbm>> -> memref<100x128xi32, #tpu.memory_space<hbm>>
        tpu.wait_dma2 semaphore(%run_scoped3A : memref<!tpu.dma_semaphore, #tpu.memory_space<semaphore_mem>>) src(%dma_wait3A_176 : memref<100x128xi32, #tpu.memory_space<hbm>>) dst(%dma_wait3A_170 : memref<100x128xi32, #tpu.memory_space<vmem>>)
        tpu.yield
      }) : () -> ()
      "tpu.region"() ({
        %run_scoped3A = tpu.sem_alloc : memref<!tpu.dma_semaphore, #tpu.memory_space<semaphore_mem>>
        %dma_start3A_141 = arith.constant 100 : i32
        %dma_start3A_142 = arith.constant 0 : i32
        %dma_start3A_143 = tpu.memref_slice %arg7[%dma_start3A_141, %dma_start3A_142] : memref<160x128xi32, #tpu.memory_space<vmem>> -> memref<60x128xi32, #tpu.memory_space<vmem>>
        %dma_start3A_144 = arith.constant 0 : i32
        %dma_start3A_145 = arith.constant 0 : i32
        %dma_start3A_146 = tpu.memref_slice %arg4[%cond3A_12, %dma_start3A_144, %dma_start3A_145] : memref<2x60x128xi32, #tpu.memory_space<hbm>> -> memref<1x60x128xi32, #tpu.memory_space<hbm>>
        %dma_start3A_147 = tpu.memref_squeeze %dma_start3A_146 : memref<1x60x128xi32, #tpu.memory_space<hbm>> -> memref<60x128xi32, #tpu.memory_space<hbm>>
        %dma_start3A_148 = arith.constant 100 : i32
        %dma_start3A_149 = arith.constant 0 : i32
        %dma_start3A_150 = tpu.memref_slice %arg7[%dma_start3A_148, %dma_start3A_149] : memref<160x128xi32, #tpu.memory_space<vmem>> -> memref<60x128xi32, #tpu.memory_space<vmem>>
        %dma_start3A_151 = arith.constant 0 : i32
        %dma_start3A_152 = arith.constant 0 : i32
        %dma_start3A_153 = tpu.memref_slice %arg4[%cond3A_12, %dma_start3A_151, %dma_start3A_152] : memref<2x60x128xi32, #tpu.memory_space<hbm>> -> memref<1x60x128xi32, #tpu.memory_space<hbm>>
        %dma_start3A_154 = tpu.memref_squeeze %dma_start3A_153 : memref<1x60x128xi32, #tpu.memory_space<hbm>> -> memref<60x128xi32, #tpu.memory_space<hbm>>
        tpu.enqueue_dma source(%dma_start3A_154 : memref<60x128xi32, #tpu.memory_space<hbm>>) target(%dma_start3A_150 : memref<60x128xi32, #tpu.memory_space<vmem>>) target_semaphore(%run_scoped3A : memref<!tpu.dma_semaphore, #tpu.memory_space<semaphore_mem>>)
        %dma_wait3A_155 = arith.constant 100 : i32
        %dma_wait3A_156 = arith.constant 0 : i32
        %dma_wait3A_157 = tpu.memref_slice %arg7[%dma_wait3A_155, %dma_wait3A_156] : memref<160x128xi32, #tpu.memory_space<vmem>> -> memref<60x128xi32, #tpu.memory_space<vmem>>
        %dma_wait3A_158 = arith.constant 0 : i32
        %dma_wait3A_159 = arith.constant 0 : i32
        %dma_wait3A_160 = tpu.memref_slice %arg4[%cond3A_12, %dma_wait3A_158, %dma_wait3A_159] : memref<2x60x128xi32, #tpu.memory_space<hbm>> -> memref<1x60x128xi32, #tpu.memory_space<hbm>>
        %dma_wait3A_161 = tpu.memref_squeeze %dma_wait3A_160 : memref<1x60x128xi32, #tpu.memory_space<hbm>> -> memref<60x128xi32, #tpu.memory_space<hbm>>
        %dma_wait3A_162 = arith.constant 100 : i32
        %dma_wait3A_163 = arith.constant 0 : i32
        %dma_wait3A_164 = tpu.memref_slice %arg7[%dma_wait3A_162, %dma_wait3A_163] : memref<160x128xi32, #tpu.memory_space<vmem>> -> memref<60x128xi32, #tpu.memory_space<vmem>>
        %dma_wait3A_165 = arith.constant 0 : i32
        %dma_wait3A_166 = arith.constant 0 : i32
        %dma_wait3A_167 = tpu.memref_slice %arg4[%cond3A_12, %dma_wait3A_165, %dma_wait3A_166] : memref<2x60x128xi32, #tpu.memory_space<hbm>> -> memref<1x60x128xi32, #tpu.memory_space<hbm>>
        %dma_wait3A_168 = tpu.memref_squeeze %dma_wait3A_167 : memref<1x60x128xi32, #tpu.memory_space<hbm>> -> memref<60x128xi32, #tpu.memory_space<hbm>>
        tpu.wait_dma2 semaphore(%run_scoped3A : memref<!tpu.dma_semaphore, #tpu.memory_space<semaphore_mem>>) src(%dma_wait3A_168 : memref<60x128xi32, #tpu.memory_space<hbm>>) dst(%dma_wait3A_164 : memref<60x128xi32, #tpu.memory_space<vmem>>)
        tpu.yield
      }) : () -> ()
    } else {
    }
    %mul3A_15 = arith.constant 160 : i32
    %mul3A_16 = arith.muli %arg1, %mul3A_15 : i32
    %add3A_17 = arith.constant 160 : i32
    %add3A_18 = arith.addi %mul3A_16, %add3A_17 : i32
    %le3A_19 = arith.constant 2500 : i32
    %le3A_20 = arith.cmpi sle, %add3A_18, %le3A_19 : i32
    %convert_element_type3A_21 = arith.extui %le3A_20 : i1 to i32
    %cond3A_22 = arith.constant 1 : i32
    %cond3A_23 = arith.constant 0 : i32
    %cond3A_24 = arith.cmpi ne, %convert_element_type3A_21, %cond3A_23 : i32
    scf.if %cond3A_24 {
      "tpu.region"() ({
        %run_scoped3A = tpu.sem_alloc : memref<!tpu.dma_semaphore, #tpu.memory_space<semaphore_mem>>
        %dma_start3A_141 = arith.constant 0 : i32
        %dma_start3A_142 = arith.constant 0 : i32
        %dma_start3A_143 = tpu.memref_slice %arg3[%cond3A_22, %dma_start3A_141, %dma_start3A_142] : memref<2x2500x128xi32, #tpu.memory_space<hbm>> -> memref<1x2500x128xi32, #tpu.memory_space<hbm>>
        %dma_start3A_144 = tpu.memref_squeeze %dma_start3A_143 : memref<1x2500x128xi32, #tpu.memory_space<hbm>> -> memref<2500x128xi32, #tpu.memory_space<hbm>>
        %dma_start3A_145 = arith.constant 0 : i32
        %dma_start3A_146 = tpu.memref_slice %dma_start3A_144[%mul3A_16, %dma_start3A_145] : memref<2500x128xi32, #tpu.memory_space<hbm>> -> memref<160x128xi32, #tpu.memory_space<hbm>>
        %dma_start3A_147 = arith.constant 0 : i32
        %dma_start3A_148 = arith.constant 0 : i32
        %dma_start3A_149 = tpu.memref_slice %arg3[%cond3A_22, %dma_start3A_147, %dma_start3A_148] : memref<2x2500x128xi32, #tpu.memory_space<hbm>> -> memref<1x2500x128xi32, #tpu.memory_space<hbm>>
        %dma_start3A_150 = tpu.memref_squeeze %dma_start3A_149 : memref<1x2500x128xi32, #tpu.memory_space<hbm>> -> memref<2500x128xi32, #tpu.memory_space<hbm>>
        %dma_start3A_151 = arith.constant 0 : i32
        %dma_start3A_152 = tpu.memref_slice %dma_start3A_150[%mul3A_16, %dma_start3A_151] : memref<2500x128xi32, #tpu.memory_space<hbm>> -> memref<160x128xi32, #tpu.memory_space<hbm>>
        tpu.enqueue_dma source(%dma_start3A_152 : memref<160x128xi32, #tpu.memory_space<hbm>>) target(%arg8 : memref<160x128xi32, #tpu.memory_space<vmem>>) target_semaphore(%run_scoped3A : memref<!tpu.dma_semaphore, #tpu.memory_space<semaphore_mem>>)
        %dma_wait3A_153 = arith.constant 0 : i32
        %dma_wait3A_154 = arith.constant 0 : i32
        %dma_wait3A_155 = tpu.memref_slice %arg3[%cond3A_22, %dma_wait3A_153, %dma_wait3A_154] : memref<2x2500x128xi32, #tpu.memory_space<hbm>> -> memref<1x2500x128xi32, #tpu.memory_space<hbm>>
        %dma_wait3A_156 = tpu.memref_squeeze %dma_wait3A_155 : memref<1x2500x128xi32, #tpu.memory_space<hbm>> -> memref<2500x128xi32, #tpu.memory_space<hbm>>
        %dma_wait3A_157 = arith.constant 0 : i32
        %dma_wait3A_158 = tpu.memref_slice %dma_wait3A_156[%mul3A_16, %dma_wait3A_157] : memref<2500x128xi32, #tpu.memory_space<hbm>> -> memref<160x128xi32, #tpu.memory_space<hbm>>
        %dma_wait3A_159 = arith.constant 0 : i32
        %dma_wait3A_160 = arith.constant 0 : i32
        %dma_wait3A_161 = tpu.memref_slice %arg3[%cond3A_22, %dma_wait3A_159, %dma_wait3A_160] : memref<2x2500x128xi32, #tpu.memory_space<hbm>> -> memref<1x2500x128xi32, #tpu.memory_space<hbm>>
        %dma_wait3A_162 = tpu.memref_squeeze %dma_wait3A_161 : memref<1x2500x128xi32, #tpu.memory_space<hbm>> -> memref<2500x128xi32, #tpu.memory_space<hbm>>
        %dma_wait3A_163 = arith.constant 0 : i32
        %dma_wait3A_164 = tpu.memref_slice %dma_wait3A_162[%mul3A_16, %dma_wait3A_163] : memref<2500x128xi32, #tpu.memory_space<hbm>> -> memref<160x128xi32, #tpu.memory_space<hbm>>
        tpu.wait_dma2 semaphore(%run_scoped3A : memref<!tpu.dma_semaphore, #tpu.memory_space<semaphore_mem>>) src(%dma_wait3A_164 : memref<160x128xi32, #tpu.memory_space<hbm>>) dst(%arg8 : memref<160x128xi32, #tpu.memory_space<vmem>>)
        tpu.yield
      }) : () -> ()
    } else {
    }
    %add3A_25 = arith.constant 160 : i32
    %add3A_26 = arith.addi %mul3A_16, %add3A_25 : i32
    %gt3A_27 = arith.constant 2500 : i32
    %gt3A_28 = arith.cmpi sgt, %add3A_26, %gt3A_27 : i32
    %convert_element_type3A_29 = arith.extui %gt3A_28 : i1 to i32
    %cond3A_30 = arith.constant 1 : i32
    %cond3A_31 = arith.constant 1 : i32
    %cond3A_32 = arith.constant 0 : i32
    %cond3A_33 = arith.cmpi ne, %convert_element_type3A_29, %cond3A_32 : i32
    scf.if %cond3A_33 {
      "tpu.region"() ({
        %run_scoped3A = tpu.sem_alloc : memref<!tpu.dma_semaphore, #tpu.memory_space<semaphore_mem>>
        %dma_start3A_141 = arith.constant 0 : i32
        %dma_start3A_142 = arith.constant 0 : i32
        %dma_start3A_143 = tpu.memref_slice %arg8[%dma_start3A_141, %dma_start3A_142] : memref<160x128xi32, #tpu.memory_space<vmem>> -> memref<100x128xi32, #tpu.memory_space<vmem>>
        %dma_start3A_144 = arith.constant 0 : i32
        %dma_start3A_145 = arith.constant 0 : i32
        %dma_start3A_146 = tpu.memref_slice %arg3[%cond3A_30, %dma_start3A_144, %dma_start3A_145] : memref<2x2500x128xi32, #tpu.memory_space<hbm>> -> memref<1x2500x128xi32, #tpu.memory_space<hbm>>
        %dma_start3A_147 = tpu.memref_squeeze %dma_start3A_146 : memref<1x2500x128xi32, #tpu.memory_space<hbm>> -> memref<2500x128xi32, #tpu.memory_space<hbm>>
        %dma_start3A_148 = arith.constant 0 : i32
        %dma_start3A_149 = tpu.memref_slice %dma_start3A_147[%mul3A_16, %dma_start3A_148] : memref<2500x128xi32, #tpu.memory_space<hbm>> -> memref<100x128xi32, #tpu.memory_space<hbm>>
        %dma_start3A_150 = arith.constant 0 : i32
        %dma_start3A_151 = arith.constant 0 : i32
        %dma_start3A_152 = tpu.memref_slice %arg8[%dma_start3A_150, %dma_start3A_151] : memref<160x128xi32, #tpu.memory_space<vmem>> -> memref<100x128xi32, #tpu.memory_space<vmem>>
        %dma_start3A_153 = arith.constant 0 : i32
        %dma_start3A_154 = arith.constant 0 : i32
        %dma_start3A_155 = tpu.memref_slice %arg3[%cond3A_30, %dma_start3A_153, %dma_start3A_154] : memref<2x2500x128xi32, #tpu.memory_space<hbm>> -> memref<1x2500x128xi32, #tpu.memory_space<hbm>>
        %dma_start3A_156 = tpu.memref_squeeze %dma_start3A_155 : memref<1x2500x128xi32, #tpu.memory_space<hbm>> -> memref<2500x128xi32, #tpu.memory_space<hbm>>
        %dma_start3A_157 = arith.constant 0 : i32
        %dma_start3A_158 = tpu.memref_slice %dma_start3A_156[%mul3A_16, %dma_start3A_157] : memref<2500x128xi32, #tpu.memory_space<hbm>> -> memref<100x128xi32, #tpu.memory_space<hbm>>
        tpu.enqueue_dma source(%dma_start3A_158 : memref<100x128xi32, #tpu.memory_space<hbm>>) target(%dma_start3A_152 : memref<100x128xi32, #tpu.memory_space<vmem>>) target_semaphore(%run_scoped3A : memref<!tpu.dma_semaphore, #tpu.memory_space<semaphore_mem>>)
        %dma_wait3A_159 = arith.constant 0 : i32
        %dma_wait3A_160 = arith.constant 0 : i32
        %dma_wait3A_161 = tpu.memref_slice %arg8[%dma_wait3A_159, %dma_wait3A_160] : memref<160x128xi32, #tpu.memory_space<vmem>> -> memref<100x128xi32, #tpu.memory_space<vmem>>
        %dma_wait3A_162 = arith.constant 0 : i32
        %dma_wait3A_163 = arith.constant 0 : i32
        %dma_wait3A_164 = tpu.memref_slice %arg3[%cond3A_30, %dma_wait3A_162, %dma_wait3A_163] : memref<2x2500x128xi32, #tpu.memory_space<hbm>> -> memref<1x2500x128xi32, #tpu.memory_space<hbm>>
        %dma_wait3A_165 = tpu.memref_squeeze %dma_wait3A_164 : memref<1x2500x128xi32, #tpu.memory_space<hbm>> -> memref<2500x128xi32, #tpu.memory_space<hbm>>
        %dma_wait3A_166 = arith.constant 0 : i32
        %dma_wait3A_167 = tpu.memref_slice %dma_wait3A_165[%mul3A_16, %dma_wait3A_166] : memref<2500x128xi32, #tpu.memory_space<hbm>> -> memref<100x128xi32, #tpu.memory_space<hbm>>
        %dma_wait3A_168 = arith.constant 0 : i32
        %dma_wait3A_169 = arith.constant 0 : i32
        %dma_wait3A_170 = tpu.memref_slice %arg8[%dma_wait3A_168, %dma_wait3A_169] : memref<160x128xi32, #tpu.memory_space<vmem>> -> memref<100x128xi32, #tpu.memory_space<vmem>>
        %dma_wait3A_171 = arith.constant 0 : i32
        %dma_wait3A_172 = arith.constant 0 : i32
        %dma_wait3A_173 = tpu.memref_slice %arg3[%cond3A_30, %dma_wait3A_171, %dma_wait3A_172] : memref<2x2500x128xi32, #tpu.memory_space<hbm>> -> memref<1x2500x128xi32, #tpu.memory_space<hbm>>
        %dma_wait3A_174 = tpu.memref_squeeze %dma_wait3A_173 : memref<1x2500x128xi32, #tpu.memory_space<hbm>> -> memref<2500x128xi32, #tpu.memory_space<hbm>>
        %dma_wait3A_175 = arith.constant 0 : i32
        %dma_wait3A_176 = tpu.memref_slice %dma_wait3A_174[%mul3A_16, %dma_wait3A_175] : memref<2500x128xi32, #tpu.memory_space<hbm>> -> memref<100x128xi32, #tpu.memory_space<hbm>>
        tpu.wait_dma2 semaphore(%run_scoped3A : memref<!tpu.dma_semaphore, #tpu.memory_space<semaphore_mem>>) src(%dma_wait3A_176 : memref<100x128xi32, #tpu.memory_space<hbm>>) dst(%dma_wait3A_170 : memref<100x128xi32, #tpu.memory_space<vmem>>)
        tpu.yield
      }) : () -> ()
      "tpu.region"() ({
        %run_scoped3A = tpu.sem_alloc : memref<!tpu.dma_semaphore, #tpu.memory_space<semaphore_mem>>
        %dma_start3A_141 = arith.constant 100 : i32
        %dma_start3A_142 = arith.constant 0 : i32
        %dma_start3A_143 = tpu.memref_slice %arg8[%dma_start3A_141, %dma_start3A_142] : memref<160x128xi32, #tpu.memory_space<vmem>> -> memref<60x128xi32, #tpu.memory_space<vmem>>
        %dma_start3A_144 = arith.constant 0 : i32
        %dma_start3A_145 = arith.constant 0 : i32
        %dma_start3A_146 = tpu.memref_slice %arg4[%cond3A_31, %dma_start3A_144, %dma_start3A_145] : memref<2x60x128xi32, #tpu.memory_space<hbm>> -> memref<1x60x128xi32, #tpu.memory_space<hbm>>
        %dma_start3A_147 = tpu.memref_squeeze %dma_start3A_146 : memref<1x60x128xi32, #tpu.memory_space<hbm>> -> memref<60x128xi32, #tpu.memory_space<hbm>>
        %dma_start3A_148 = arith.constant 100 : i32
        %dma_start3A_149 = arith.constant 0 : i32
        %dma_start3A_150 = tpu.memref_slice %arg8[%dma_start3A_148, %dma_start3A_149] : memref<160x128xi32, #tpu.memory_space<vmem>> -> memref<60x128xi32, #tpu.memory_space<vmem>>
        %dma_start3A_151 = arith.constant 0 : i32
        %dma_start3A_152 = arith.constant 0 : i32
        %dma_start3A_153 = tpu.memref_slice %arg4[%cond3A_31, %dma_start3A_151, %dma_start3A_152] : memref<2x60x128xi32, #tpu.memory_space<hbm>> -> memref<1x60x128xi32, #tpu.memory_space<hbm>>
        %dma_start3A_154 = tpu.memref_squeeze %dma_start3A_153 : memref<1x60x128xi32, #tpu.memory_space<hbm>> -> memref<60x128xi32, #tpu.memory_space<hbm>>
        tpu.enqueue_dma source(%dma_start3A_154 : memref<60x128xi32, #tpu.memory_space<hbm>>) target(%dma_start3A_150 : memref<60x128xi32, #tpu.memory_space<vmem>>) target_semaphore(%run_scoped3A : memref<!tpu.dma_semaphore, #tpu.memory_space<semaphore_mem>>)
        %dma_wait3A_155 = arith.constant 100 : i32
        %dma_wait3A_156 = arith.constant 0 : i32
        %dma_wait3A_157 = tpu.memref_slice %arg8[%dma_wait3A_155, %dma_wait3A_156] : memref<160x128xi32, #tpu.memory_space<vmem>> -> memref<60x128xi32, #tpu.memory_space<vmem>>
        %dma_wait3A_158 = arith.constant 0 : i32
        %dma_wait3A_159 = arith.constant 0 : i32
        %dma_wait3A_160 = tpu.memref_slice %arg4[%cond3A_31, %dma_wait3A_158, %dma_wait3A_159] : memref<2x60x128xi32, #tpu.memory_space<hbm>> -> memref<1x60x128xi32, #tpu.memory_space<hbm>>
        %dma_wait3A_161 = tpu.memref_squeeze %dma_wait3A_160 : memref<1x60x128xi32, #tpu.memory_space<hbm>> -> memref<60x128xi32, #tpu.memory_space<hbm>>
        %dma_wait3A_162 = arith.constant 100 : i32
        %dma_wait3A_163 = arith.constant 0 : i32
        %dma_wait3A_164 = tpu.memref_slice %arg8[%dma_wait3A_162, %dma_wait3A_163] : memref<160x128xi32, #tpu.memory_space<vmem>> -> memref<60x128xi32, #tpu.memory_space<vmem>>
        %dma_wait3A_165 = arith.constant 0 : i32
        %dma_wait3A_166 = arith.constant 0 : i32
        %dma_wait3A_167 = tpu.memref_slice %arg4[%cond3A_31, %dma_wait3A_165, %dma_wait3A_166] : memref<2x60x128xi32, #tpu.memory_space<hbm>> -> memref<1x60x128xi32, #tpu.memory_space<hbm>>
        %dma_wait3A_168 = tpu.memref_squeeze %dma_wait3A_167 : memref<1x60x128xi32, #tpu.memory_space<hbm>> -> memref<60x128xi32, #tpu.memory_space<hbm>>
        tpu.wait_dma2 semaphore(%run_scoped3A : memref<!tpu.dma_semaphore, #tpu.memory_space<semaphore_mem>>) src(%dma_wait3A_168 : memref<60x128xi32, #tpu.memory_space<hbm>>) dst(%dma_wait3A_164 : memref<60x128xi32, #tpu.memory_space<vmem>>)
        tpu.yield
      }) : () -> ()
    } else {
    }
    %mul3A_34 = arith.constant 2 : i32
    %mul3A_35 = arith.muli %arg0, %mul3A_34 : i32
    %add3A_36 = arith.constant 0 : i32
    %add3A_37 = arith.addi %mul3A_35, %add3A_36 : i32
    %mul3A_38 = arith.constant 32 : i32
    %mul3A_39 = arith.muli %add3A_37, %mul3A_38 : i32
    "tpu.region"() ({
      %run_scoped3A = tpu.sem_alloc : memref<!tpu.dma_semaphore, #tpu.memory_space<semaphore_mem>>
      %dma_start3A_141 = arith.constant 0 : i32
      %dma_start3A_142 = tpu.memref_slice %arg11[%mul3A_0, %dma_start3A_141] : memref<10008x32xf32, #tpu.memory_space<vmem_shared>> -> memref<624x32xf32, #tpu.memory_space<vmem_shared>>
      %dma_start3A_143 = arith.constant 0 : i32
      %dma_start3A_144 = tpu.memref_slice %arg5[%mul3A_0, %dma_start3A_143] : memref<10000x32xf32, #tpu.memory_space<hbm>> -> memref<624x32xf32, #tpu.memory_space<hbm>>
      tpu.enqueue_dma source(%dma_start3A_144 : memref<624x32xf32, #tpu.memory_space<hbm>>) target(%dma_start3A_142 : memref<624x32xf32, #tpu.memory_space<vmem_shared>>) target_semaphore(%run_scoped3A : memref<!tpu.dma_semaphore, #tpu.memory_space<semaphore_mem>>)
      %dma_wait3A_145 = arith.constant 0 : i32
      %dma_wait3A_146 = tpu.memref_slice %arg11[%mul3A_0, %dma_wait3A_145] : memref<10008x32xf32, #tpu.memory_space<vmem_shared>> -> memref<624x32xf32, #tpu.memory_space<vmem_shared>>
      %dma_wait3A_147 = arith.constant 0 : i32
      %dma_wait3A_148 = tpu.memref_slice %arg5[%mul3A_0, %dma_wait3A_147] : memref<10000x32xf32, #tpu.memory_space<hbm>> -> memref<624x32xf32, #tpu.memory_space<hbm>>
      tpu.wait_dma2 semaphore(%run_scoped3A : memref<!tpu.dma_semaphore, #tpu.memory_space<semaphore_mem>>) src(%dma_wait3A_148 : memref<624x32xf32, #tpu.memory_space<hbm>>) dst(%dma_wait3A_146 : memref<624x32xf32, #tpu.memory_space<vmem_shared>>)
      tpu.yield
    }) : () -> ()
    %eq3A = arith.constant 15 : i32
    %eq3A_40 = arith.cmpi eq, %arg1, %eq3A : i32
    %convert_element_type3A_41 = arith.extui %eq3A_40 : i1 to i32
    %cond3A_42 = arith.constant 0 : i32
    %cond3A_43 = arith.cmpi ne, %convert_element_type3A_41, %cond3A_42 : i32
    scf.if %cond3A_43 {
      "tpu.region"() ({
        %run_scoped3A = tpu.sem_alloc : memref<!tpu.dma_semaphore, #tpu.memory_space<semaphore_mem>>
        %dma_start3A_141 = arith.constant 9984 : i32
        %dma_start3A_142 = arith.constant 0 : i32
        %dma_start3A_143 = tpu.memref_slice %arg11[%dma_start3A_141, %dma_start3A_142] : memref<10008x32xf32, #tpu.memory_space<vmem_shared>> -> memref<16x32xf32, #tpu.memory_space<vmem_shared>>
        %dma_start3A_144 = arith.constant 9984 : i32
        %dma_start3A_145 = arith.constant 0 : i32
        %dma_start3A_146 = tpu.memref_slice %arg5[%dma_start3A_144, %dma_start3A_145] : memref<10000x32xf32, #tpu.memory_space<hbm>> -> memref<16x32xf32, #tpu.memory_space<hbm>>
        tpu.enqueue_dma source(%dma_start3A_146 : memref<16x32xf32, #tpu.memory_space<hbm>>) target(%dma_start3A_143 : memref<16x32xf32, #tpu.memory_space<vmem_shared>>) target_semaphore(%run_scoped3A : memref<!tpu.dma_semaphore, #tpu.memory_space<semaphore_mem>>)
        %dma_wait3A_147 = arith.constant 9984 : i32
        %dma_wait3A_148 = arith.constant 0 : i32
        %dma_wait3A_149 = tpu.memref_slice %arg11[%dma_wait3A_147, %dma_wait3A_148] : memref<10008x32xf32, #tpu.memory_space<vmem_shared>> -> memref<16x32xf32, #tpu.memory_space<vmem_shared>>
        %dma_wait3A_150 = arith.constant 9984 : i32
        %dma_wait3A_151 = arith.constant 0 : i32
        %dma_wait3A_152 = tpu.memref_slice %arg5[%dma_wait3A_150, %dma_wait3A_151] : memref<10000x32xf32, #tpu.memory_space<hbm>> -> memref<16x32xf32, #tpu.memory_space<hbm>>
        tpu.wait_dma2 semaphore(%run_scoped3A : memref<!tpu.dma_semaphore, #tpu.memory_space<semaphore_mem>>) src(%dma_wait3A_152 : memref<16x32xf32, #tpu.memory_space<hbm>>) dst(%dma_wait3A_149 : memref<16x32xf32, #tpu.memory_space<vmem_shared>>)
        tpu.yield
      }) : () -> ()
    } else {
    }
    "tpu.region"() ({
      %run_scoped3A = tpu.sem_alloc : memref<!tpu.dma_semaphore, #tpu.memory_space<semaphore_mem>>
      %dma_start3A_141 = arith.constant 0 : i32
      %dma_start3A_142 = tpu.memref_slice %arg12[%mul3A_0, %dma_start3A_141] : memref<10008x32xf32, #tpu.memory_space<vmem_shared>> -> memref<624x32xf32, #tpu.memory_space<vmem_shared>>
      %dma_start3A_143 = tpu.memref_slice %arg2[%mul3A_0, %mul3A_39] : memref<10000x128xf32, #tpu.memory_space<hbm>> -> memref<624x32xf32, #tpu.memory_space<hbm>>
      tpu.enqueue_dma source(%dma_start3A_143 : memref<624x32xf32, #tpu.memory_space<hbm>>) target(%dma_start3A_142 : memref<624x32xf32, #tpu.memory_space<vmem_shared>>) target_semaphore(%run_scoped3A : memref<!tpu.dma_semaphore, #tpu.memory_space<semaphore_mem>>)
      %dma_wait3A_144 = arith.constant 0 : i32
      %dma_wait3A_145 = tpu.memref_slice %arg12[%mul3A_0, %dma_wait3A_144] : memref<10008x32xf32, #tpu.memory_space<vmem_shared>> -> memref<624x32xf32, #tpu.memory_space<vmem_shared>>
      %dma_wait3A_146 = tpu.memref_slice %arg2[%mul3A_0, %mul3A_39] : memref<10000x128xf32, #tpu.memory_space<hbm>> -> memref<624x32xf32, #tpu.memory_space<hbm>>
      tpu.wait_dma2 semaphore(%run_scoped3A : memref<!tpu.dma_semaphore, #tpu.memory_space<semaphore_mem>>) src(%dma_wait3A_146 : memref<624x32xf32, #tpu.memory_space<hbm>>) dst(%dma_wait3A_145 : memref<624x32xf32, #tpu.memory_space<vmem_shared>>)
      tpu.yield
    }) : () -> ()
    %eq3A_44 = arith.constant 15 : i32
    %eq3A_45 = arith.cmpi eq, %arg1, %eq3A_44 : i32
    %convert_element_type3A_46 = arith.extui %eq3A_45 : i1 to i32
    %cond3A_47 = arith.constant 0 : i32
    %cond3A_48 = arith.cmpi ne, %convert_element_type3A_46, %cond3A_47 : i32
    scf.if %cond3A_48 {
      "tpu.region"() ({
        %run_scoped3A = tpu.sem_alloc : memref<!tpu.dma_semaphore, #tpu.memory_space<semaphore_mem>>
        %dma_start3A_141 = arith.constant 9984 : i32
        %dma_start3A_142 = arith.constant 0 : i32
        %dma_start3A_143 = tpu.memref_slice %arg12[%dma_start3A_141, %dma_start3A_142] : memref<10008x32xf32, #tpu.memory_space<vmem_shared>> -> memref<16x32xf32, #tpu.memory_space<vmem_shared>>
        %dma_start3A_144 = arith.constant 9984 : i32
        %dma_start3A_145 = tpu.memref_slice %arg2[%dma_start3A_144, %mul3A_39] : memref<10000x128xf32, #tpu.memory_space<hbm>> -> memref<16x32xf32, #tpu.memory_space<hbm>>
        tpu.enqueue_dma source(%dma_start3A_145 : memref<16x32xf32, #tpu.memory_space<hbm>>) target(%dma_start3A_143 : memref<16x32xf32, #tpu.memory_space<vmem_shared>>) target_semaphore(%run_scoped3A : memref<!tpu.dma_semaphore, #tpu.memory_space<semaphore_mem>>)
        %dma_wait3A_146 = arith.constant 9984 : i32
        %dma_wait3A_147 = arith.constant 0 : i32
        %dma_wait3A_148 = tpu.memref_slice %arg12[%dma_wait3A_146, %dma_wait3A_147] : memref<10008x32xf32, #tpu.memory_space<vmem_shared>> -> memref<16x32xf32, #tpu.memory_space<vmem_shared>>
        %dma_wait3A_149 = arith.constant 9984 : i32
        %dma_wait3A_150 = tpu.memref_slice %arg2[%dma_wait3A_149, %mul3A_39] : memref<10000x128xf32, #tpu.memory_space<hbm>> -> memref<16x32xf32, #tpu.memory_space<hbm>>
        tpu.wait_dma2 semaphore(%run_scoped3A : memref<!tpu.dma_semaphore, #tpu.memory_space<semaphore_mem>>) src(%dma_wait3A_150 : memref<16x32xf32, #tpu.memory_space<hbm>>) dst(%dma_wait3A_148 : memref<16x32xf32, #tpu.memory_space<vmem_shared>>)
        tpu.yield
      }) : () -> ()
    } else {
    }
    %barrier3A = arith.constant 0 : index
    tpu.barrier barrier_id(%barrier3A)
    %dma_start3A = arith.constant 0 : i32
    %dma_start3A_49 = arith.constant 0 : i32
    %dma_start3A_50 = tpu.memref_slice %arg7[%dma_start3A, %dma_start3A_49] : memref<160x128xi32, #tpu.memory_space<vmem>> -> memref<1x128xi32, #tpu.memory_space<vmem>>
    %dma_start3A_51 = tpu.memref_squeeze %dma_start3A_50 : memref<1x128xi32, #tpu.memory_space<vmem>> -> memref<128xi32, #tpu.memory_space<vmem>>
    %dma_start3A_52 = arith.constant 0 : i32
    %dma_start3A_53 = arith.constant 0 : i32
    %dma_start3A_54 = tpu.memref_slice %arg12[%dma_start3A_52, %dma_start3A_53] : memref<10008x32xf32, #tpu.memory_space<vmem_shared>> -> memref<10008x32xf32, #tpu.memory_space<vmem_shared>>
    tpu.enqueue_indirect_dma source(%dma_start3A_54 : memref<10008x32xf32, #tpu.memory_space<vmem_shared>>) target(%arg9 : memref<128x32xf32, #tpu.memory_space<vmem>>) offsets(%dma_start3A_51 : memref<128xi32, #tpu.memory_space<vmem>>) semaphore(%arg13 : memref<!tpu.dma_semaphore, #tpu.memory_space<semaphore_mem>>)
    %dma_start3A_55 = arith.constant 1 : i32
    %dma_start3A_56 = arith.constant 0 : i32
    %dma_start3A_57 = tpu.memref_slice %arg7[%dma_start3A_55, %dma_start3A_56] : memref<160x128xi32, #tpu.memory_space<vmem>> -> memref<1x128xi32, #tpu.memory_space<vmem>>
    %dma_start3A_58 = tpu.memref_squeeze %dma_start3A_57 : memref<1x128xi32, #tpu.memory_space<vmem>> -> memref<128xi32, #tpu.memory_space<vmem>>
    %dma_start3A_59 = arith.constant 0 : i32
    %dma_start3A_60 = arith.constant 0 : i32
    %dma_start3A_61 = tpu.memref_slice %arg12[%dma_start3A_59, %dma_start3A_60] : memref<10008x32xf32, #tpu.memory_space<vmem_shared>> -> memref<10008x32xf32, #tpu.memory_space<vmem_shared>>
    tpu.enqueue_indirect_dma source(%dma_start3A_61 : memref<10008x32xf32, #tpu.memory_space<vmem_shared>>) target(%arg10 : memref<128x32xf32, #tpu.memory_space<vmem>>) offsets(%dma_start3A_58 : memref<128xi32, #tpu.memory_space<vmem>>) semaphore(%arg14 : memref<!tpu.dma_semaphore, #tpu.memory_space<semaphore_mem>>)
    %scan3A = arith.constant 0 : i32
    %scan3A_62 = arith.constant 80 : i32
    %scan3A_63 = arith.addi %scan3A, %scan3A_62 : i32
    %scan3A_64 = arith.constant 1 : i32
    scf.for %scan3A_141 = %scan3A to %scan3A_63 step %scan3A_64  : i32 {
      %mul3A_142 = arith.constant 1 : i32
      %mul3A_143 = arith.muli %scan3A_141, %mul3A_142 : i32
      %add3A_144 = arith.constant 0 : i32
      %add3A_145 = arith.addi %add3A_144, %mul3A_143 : i32
      %mul3A_146 = arith.constant 2 : i32
      %mul3A_147 = arith.muli %mul3A_146, %add3A_145 : i32
      %add3A_148 = arith.constant 1 : i32
      %add3A_149 = arith.addi %mul3A_147, %add3A_148 : i32
      %dma_wait3A_150 = arith.constant 0 : i32
      %dma_wait3A_151 = tpu.memref_slice %arg7[%mul3A_147, %dma_wait3A_150] : memref<160x128xi32, #tpu.memory_space<vmem>> -> memref<1x128xi32, #tpu.memory_space<vmem>>
      %dma_wait3A_152 = tpu.memref_squeeze %dma_wait3A_151 : memref<1x128xi32, #tpu.memory_space<vmem>> -> memref<128xi32, #tpu.memory_space<vmem>>
      %dma_wait3A_153 = arith.constant 0 : i32
      %dma_wait3A_154 = arith.constant 0 : i32
      %dma_wait3A_155 = tpu.memref_slice %arg12[%dma_wait3A_153, %dma_wait3A_154] : memref<10008x32xf32, #tpu.memory_space<vmem_shared>> -> memref<10008x32xf32, #tpu.memory_space<vmem_shared>>
      tpu.wait_indirect_dma semaphore(%arg13 : memref<!tpu.dma_semaphore, #tpu.memory_space<semaphore_mem>>) src(%dma_wait3A_155 : memref<10008x32xf32, #tpu.memory_space<vmem_shared>>) dst(%arg9 : memref<128x32xf32, #tpu.memory_space<vmem>>)
      %dma_start3A_156 = arith.constant 0 : i32
      %dma_start3A_157 = tpu.memref_slice %arg8[%mul3A_147, %dma_start3A_156] : memref<160x128xi32, #tpu.memory_space<vmem>> -> memref<1x128xi32, #tpu.memory_space<vmem>>
      %dma_start3A_158 = tpu.memref_squeeze %dma_start3A_157 : memref<1x128xi32, #tpu.memory_space<vmem>> -> memref<128xi32, #tpu.memory_space<vmem>>
      %dma_start3A_159 = arith.constant 0 : i32
      %dma_start3A_160 = arith.constant 0 : i32
      %dma_start3A_161 = tpu.memref_slice %arg11[%dma_start3A_159, %dma_start3A_160] : memref<10008x32xf32, #tpu.memory_space<vmem_shared>> -> memref<10008x32xf32, #tpu.memory_space<vmem_shared>>
      tpu.enqueue_indirect_dma source(%arg9 : memref<128x32xf32, #tpu.memory_space<vmem>>) target(%dma_start3A_161 : memref<10008x32xf32, #tpu.memory_space<vmem_shared>>) offsets(%dma_start3A_158 : memref<128xi32, #tpu.memory_space<vmem>>) semaphore(%arg15 : memref<!tpu.dma_semaphore, #tpu.memory_space<semaphore_mem>>) {add = true}
      %dma_wait3A_162 = arith.constant 0 : i32
      %dma_wait3A_163 = tpu.memref_slice %arg7[%add3A_149, %dma_wait3A_162] : memref<160x128xi32, #tpu.memory_space<vmem>> -> memref<1x128xi32, #tpu.memory_space<vmem>>
      %dma_wait3A_164 = tpu.memref_squeeze %dma_wait3A_163 : memref<1x128xi32, #tpu.memory_space<vmem>> -> memref<128xi32, #tpu.memory_space<vmem>>
      %dma_wait3A_165 = arith.constant 0 : i32
      %dma_wait3A_166 = arith.constant 0 : i32
      %dma_wait3A_167 = tpu.memref_slice %arg12[%dma_wait3A_165, %dma_wait3A_166] : memref<10008x32xf32, #tpu.memory_space<vmem_shared>> -> memref<10008x32xf32, #tpu.memory_space<vmem_shared>>
      tpu.wait_indirect_dma semaphore(%arg14 : memref<!tpu.dma_semaphore, #tpu.memory_space<semaphore_mem>>) src(%dma_wait3A_167 : memref<10008x32xf32, #tpu.memory_space<vmem_shared>>) dst(%arg10 : memref<128x32xf32, #tpu.memory_space<vmem>>)
      %dma_start3A_168 = arith.constant 0 : i32
      %dma_start3A_169 = tpu.memref_slice %arg8[%add3A_149, %dma_start3A_168] : memref<160x128xi32, #tpu.memory_space<vmem>> -> memref<1x128xi32, #tpu.memory_space<vmem>>
      %dma_start3A_170 = tpu.memref_squeeze %dma_start3A_169 : memref<1x128xi32, #tpu.memory_space<vmem>> -> memref<128xi32, #tpu.memory_space<vmem>>
      %dma_start3A_171 = arith.constant 0 : i32
      %dma_start3A_172 = arith.constant 0 : i32
      %dma_start3A_173 = tpu.memref_slice %arg11[%dma_start3A_171, %dma_start3A_172] : memref<10008x32xf32, #tpu.memory_space<vmem_shared>> -> memref<10008x32xf32, #tpu.memory_space<vmem_shared>>
      tpu.enqueue_indirect_dma source(%arg10 : memref<128x32xf32, #tpu.memory_space<vmem>>) target(%dma_start3A_173 : memref<10008x32xf32, #tpu.memory_space<vmem_shared>>) offsets(%dma_start3A_170 : memref<128xi32, #tpu.memory_space<vmem>>) semaphore(%arg16 : memref<!tpu.dma_semaphore, #tpu.memory_space<semaphore_mem>>) {add = true}
      %add3A_174 = arith.constant 2 : i32
      %add3A_175 = arith.addi %mul3A_147, %add3A_174 : i32
      %lt3A = arith.constant 160 : i32
      %lt3A_176 = arith.cmpi slt, %add3A_175, %lt3A : i32
      %convert_element_type3A_177 = arith.extui %lt3A_176 : i1 to i32
      %cond3A_178 = arith.constant 0 : i32
      %cond3A_179 = arith.cmpi ne, %convert_element_type3A_177, %cond3A_178 : i32
      scf.if %cond3A_179 {
        %dma_wait3A_180 = arith.constant 0 : i32
        %dma_wait3A_181 = tpu.memref_slice %arg8[%mul3A_147, %dma_wait3A_180] : memref<160x128xi32, #tpu.memory_space<vmem>> -> memref<1x128xi32, #tpu.memory_space<vmem>>
        %dma_wait3A_182 = tpu.memref_squeeze %dma_wait3A_181 : memref<1x128xi32, #tpu.memory_space<vmem>> -> memref<128xi32, #tpu.memory_space<vmem>>
        %dma_wait3A_183 = arith.constant 0 : i32
        %dma_wait3A_184 = arith.constant 0 : i32
        %dma_wait3A_185 = tpu.memref_slice %arg11[%dma_wait3A_183, %dma_wait3A_184] : memref<10008x32xf32, #tpu.memory_space<vmem_shared>> -> memref<10008x32xf32, #tpu.memory_space<vmem_shared>>
        tpu.wait_indirect_dma semaphore(%arg15 : memref<!tpu.dma_semaphore, #tpu.memory_space<semaphore_mem>>) src(%arg9 : memref<128x32xf32, #tpu.memory_space<vmem>>) dst(%dma_wait3A_185 : memref<10008x32xf32, #tpu.memory_space<vmem_shared>>)
        %add3A_186 = arith.constant 2 : i32
        %add3A_187 = arith.addi %mul3A_147, %add3A_186 : i32
        %dma_start3A_188 = arith.constant 0 : i32
        %dma_start3A_189 = tpu.memref_slice %arg7[%add3A_187, %dma_start3A_188] : memref<160x128xi32, #tpu.memory_space<vmem>> -> memref<1x128xi32, #tpu.memory_space<vmem>>
        %dma_start3A_190 = tpu.memref_squeeze %dma_start3A_189 : memref<1x128xi32, #tpu.memory_space<vmem>> -> memref<128xi32, #tpu.memory_space<vmem>>
        %dma_start3A_191 = arith.constant 0 : i32
        %dma_start3A_192 = arith.constant 0 : i32
        %dma_start3A_193 = tpu.memref_slice %arg12[%dma_start3A_191, %dma_start3A_192] : memref<10008x32xf32, #tpu.memory_space<vmem_shared>> -> memref<10008x32xf32, #tpu.memory_space<vmem_shared>>
        tpu.enqueue_indirect_dma source(%dma_start3A_193 : memref<10008x32xf32, #tpu.memory_space<vmem_shared>>) target(%arg9 : memref<128x32xf32, #tpu.memory_space<vmem>>) offsets(%dma_start3A_190 : memref<128xi32, #tpu.memory_space<vmem>>) semaphore(%arg13 : memref<!tpu.dma_semaphore, #tpu.memory_space<semaphore_mem>>)
        %dma_wait3A_194 = arith.constant 0 : i32
        %dma_wait3A_195 = tpu.memref_slice %arg8[%add3A_149, %dma_wait3A_194] : memref<160x128xi32, #tpu.memory_space<vmem>> -> memref<1x128xi32, #tpu.memory_space<vmem>>
        %dma_wait3A_196 = tpu.memref_squeeze %dma_wait3A_195 : memref<1x128xi32, #tpu.memory_space<vmem>> -> memref<128xi32, #tpu.memory_space<vmem>>
        %dma_wait3A_197 = arith.constant 0 : i32
        %dma_wait3A_198 = arith.constant 0 : i32
        %dma_wait3A_199 = tpu.memref_slice %arg11[%dma_wait3A_197, %dma_wait3A_198] : memref<10008x32xf32, #tpu.memory_space<vmem_shared>> -> memref<10008x32xf32, #tpu.memory_space<vmem_shared>>
        tpu.wait_indirect_dma semaphore(%arg16 : memref<!tpu.dma_semaphore, #tpu.memory_space<semaphore_mem>>) src(%arg10 : memref<128x32xf32, #tpu.memory_space<vmem>>) dst(%dma_wait3A_199 : memref<10008x32xf32, #tpu.memory_space<vmem_shared>>)
        %add3A_200 = arith.constant 2 : i32
        %add3A_201 = arith.addi %add3A_149, %add3A_200 : i32
        %dma_start3A_202 = arith.constant 0 : i32
        %dma_start3A_203 = tpu.memref_slice %arg7[%add3A_201, %dma_start3A_202] : memref<160x128xi32, #tpu.memory_space<vmem>> -> memref<1x128xi32, #tpu.memory_space<vmem>>
        %dma_start3A_204 = tpu.memref_squeeze %dma_start3A_203 : memref<1x128xi32, #tpu.memory_space<vmem>> -> memref<128xi32, #tpu.memory_space<vmem>>
        %dma_start3A_205 = arith.constant 0 : i32
        %dma_start3A_206 = arith.constant 0 : i32
        %dma_start3A_207 = tpu.memref_slice %arg12[%dma_start3A_205, %dma_start3A_206] : memref<10008x32xf32, #tpu.memory_space<vmem_shared>> -> memref<10008x32xf32, #tpu.memory_space<vmem_shared>>
        tpu.enqueue_indirect_dma source(%dma_start3A_207 : memref<10008x32xf32, #tpu.memory_space<vmem_shared>>) target(%arg10 : memref<128x32xf32, #tpu.memory_space<vmem>>) offsets(%dma_start3A_204 : memref<128xi32, #tpu.memory_space<vmem>>) semaphore(%arg14 : memref<!tpu.dma_semaphore, #tpu.memory_space<semaphore_mem>>)
      } else {
      }
    }
    %scan3A_65 = arith.constant 80 : i32
    %dma_wait3A = arith.constant 158 : i32
    %dma_wait3A_66 = arith.constant 0 : i32
    %dma_wait3A_67 = tpu.memref_slice %arg8[%dma_wait3A, %dma_wait3A_66] : memref<160x128xi32, #tpu.memory_space<vmem>> -> memref<1x128xi32, #tpu.memory_space<vmem>>
    %dma_wait3A_68 = tpu.memref_squeeze %dma_wait3A_67 : memref<1x128xi32, #tpu.memory_space<vmem>> -> memref<128xi32, #tpu.memory_space<vmem>>
    %dma_wait3A_69 = arith.constant 0 : i32
    %dma_wait3A_70 = arith.constant 0 : i32
    %dma_wait3A_71 = tpu.memref_slice %arg11[%dma_wait3A_69, %dma_wait3A_70] : memref<10008x32xf32, #tpu.memory_space<vmem_shared>> -> memref<10008x32xf32, #tpu.memory_space<vmem_shared>>
    tpu.wait_indirect_dma semaphore(%arg15 : memref<!tpu.dma_semaphore, #tpu.memory_space<semaphore_mem>>) src(%arg9 : memref<128x32xf32, #tpu.memory_space<vmem>>) dst(%dma_wait3A_71 : memref<10008x32xf32, #tpu.memory_space<vmem_shared>>)
    %dma_wait3A_72 = arith.constant 159 : i32
    %dma_wait3A_73 = arith.constant 0 : i32
    %dma_wait3A_74 = tpu.memref_slice %arg8[%dma_wait3A_72, %dma_wait3A_73] : memref<160x128xi32, #tpu.memory_space<vmem>> -> memref<1x128xi32, #tpu.memory_space<vmem>>
    %dma_wait3A_75 = tpu.memref_squeeze %dma_wait3A_74 : memref<1x128xi32, #tpu.memory_space<vmem>> -> memref<128xi32, #tpu.memory_space<vmem>>
    %dma_wait3A_76 = arith.constant 0 : i32
    %dma_wait3A_77 = arith.constant 0 : i32
    %dma_wait3A_78 = tpu.memref_slice %arg11[%dma_wait3A_76, %dma_wait3A_77] : memref<10008x32xf32, #tpu.memory_space<vmem_shared>> -> memref<10008x32xf32, #tpu.memory_space<vmem_shared>>
    tpu.wait_indirect_dma semaphore(%arg16 : memref<!tpu.dma_semaphore, #tpu.memory_space<semaphore_mem>>) src(%arg10 : memref<128x32xf32, #tpu.memory_space<vmem>>) dst(%dma_wait3A_78 : memref<10008x32xf32, #tpu.memory_space<vmem_shared>>)
    %barrier3A_79 = arith.constant 0 : index
    tpu.barrier barrier_id(%barrier3A_79)
    "tpu.region"() ({
      %run_scoped3A = tpu.sem_alloc : memref<!tpu.dma_semaphore, #tpu.memory_space<semaphore_mem>>
      %dma_start3A_141 = tpu.memref_slice %arg6[%mul3A_0, %mul3A_39] : memref<10000x128xf32, #tpu.memory_space<hbm>> -> memref<624x32xf32, #tpu.memory_space<hbm>>
      %dma_start3A_142 = arith.constant 0 : i32
      %dma_start3A_143 = tpu.memref_slice %arg11[%mul3A_0, %dma_start3A_142] : memref<10008x32xf32, #tpu.memory_space<vmem_shared>> -> memref<624x32xf32, #tpu.memory_space<vmem_shared>>
      tpu.enqueue_dma source(%dma_start3A_143 : memref<624x32xf32, #tpu.memory_space<vmem_shared>>) target(%dma_start3A_141 : memref<624x32xf32, #tpu.memory_space<hbm>>) target_semaphore(%run_scoped3A : memref<!tpu.dma_semaphore, #tpu.memory_space<semaphore_mem>>)
      %dma_wait3A_144 = tpu.memref_slice %arg6[%mul3A_0, %mul3A_39] : memref<10000x128xf32, #tpu.memory_space<hbm>> -> memref<624x32xf32, #tpu.memory_space<hbm>>
      %dma_wait3A_145 = arith.constant 0 : i32
      %dma_wait3A_146 = tpu.memref_slice %arg11[%mul3A_0, %dma_wait3A_145] : memref<10008x32xf32, #tpu.memory_space<vmem_shared>> -> memref<624x32xf32, #tpu.memory_space<vmem_shared>>
      tpu.wait_dma2 semaphore(%run_scoped3A : memref<!tpu.dma_semaphore, #tpu.memory_space<semaphore_mem>>) src(%dma_wait3A_146 : memref<624x32xf32, #tpu.memory_space<vmem_shared>>) dst(%dma_wait3A_144 : memref<624x32xf32, #tpu.memory_space<hbm>>)
      tpu.yield
    }) : () -> ()
    %eq3A_80 = arith.constant 15 : i32
    %eq3A_81 = arith.cmpi eq, %arg1, %eq3A_80 : i32
    %convert_element_type3A_82 = arith.extui %eq3A_81 : i1 to i32
    %cond3A_83 = arith.constant 0 : i32
    %cond3A_84 = arith.cmpi ne, %convert_element_type3A_82, %cond3A_83 : i32
    scf.if %cond3A_84 {
      "tpu.region"() ({
        %run_scoped3A = tpu.sem_alloc : memref<!tpu.dma_semaphore, #tpu.memory_space<semaphore_mem>>
        %dma_start3A_141 = arith.constant 9984 : i32
        %dma_start3A_142 = tpu.memref_slice %arg6[%dma_start3A_141, %mul3A_39] : memref<10000x128xf32, #tpu.memory_space<hbm>> -> memref<16x32xf32, #tpu.memory_space<hbm>>
        %dma_start3A_143 = arith.constant 9984 : i32
        %dma_start3A_144 = arith.constant 0 : i32
        %dma_start3A_145 = tpu.memref_slice %arg11[%dma_start3A_143, %dma_start3A_144] : memref<10008x32xf32, #tpu.memory_space<vmem_shared>> -> memref<16x32xf32, #tpu.memory_space<vmem_shared>>
        tpu.enqueue_dma source(%dma_start3A_145 : memref<16x32xf32, #tpu.memory_space<vmem_shared>>) target(%dma_start3A_142 : memref<16x32xf32, #tpu.memory_space<hbm>>) target_semaphore(%run_scoped3A : memref<!tpu.dma_semaphore, #tpu.memory_space<semaphore_mem>>)
        %dma_wait3A_146 = arith.constant 9984 : i32
        %dma_wait3A_147 = tpu.memref_slice %arg6[%dma_wait3A_146, %mul3A_39] : memref<10000x128xf32, #tpu.memory_space<hbm>> -> memref<16x32xf32, #tpu.memory_space<hbm>>
        %dma_wait3A_148 = arith.constant 9984 : i32
        %dma_wait3A_149 = arith.constant 0 : i32
        %dma_wait3A_150 = tpu.memref_slice %arg11[%dma_wait3A_148, %dma_wait3A_149] : memref<10008x32xf32, #tpu.memory_space<vmem_shared>> -> memref<16x32xf32, #tpu.memory_space<vmem_shared>>
        tpu.wait_dma2 semaphore(%run_scoped3A : memref<!tpu.dma_semaphore, #tpu.memory_space<semaphore_mem>>) src(%dma_wait3A_150 : memref<16x32xf32, #tpu.memory_space<vmem_shared>>) dst(%dma_wait3A_147 : memref<16x32xf32, #tpu.memory_space<hbm>>)
        tpu.yield
      }) : () -> ()
    } else {
    }
    %mul3A_85 = arith.constant 2 : i32
    %mul3A_86 = arith.muli %arg0, %mul3A_85 : i32
    %add3A_87 = arith.constant 1 : i32
    %add3A_88 = arith.addi %mul3A_86, %add3A_87 : i32
    %mul3A_89 = arith.constant 32 : i32
    %mul3A_90 = arith.muli %add3A_88, %mul3A_89 : i32
    "tpu.region"() ({
      %run_scoped3A = tpu.sem_alloc : memref<!tpu.dma_semaphore, #tpu.memory_space<semaphore_mem>>
      %dma_start3A_141 = arith.constant 0 : i32
      %dma_start3A_142 = tpu.memref_slice %arg11[%mul3A_0, %dma_start3A_141] : memref<10008x32xf32, #tpu.memory_space<vmem_shared>> -> memref<624x32xf32, #tpu.memory_space<vmem_shared>>
      %dma_start3A_143 = arith.constant 0 : i32
      %dma_start3A_144 = tpu.memref_slice %arg5[%mul3A_0, %dma_start3A_143] : memref<10000x32xf32, #tpu.memory_space<hbm>> -> memref<624x32xf32, #tpu.memory_space<hbm>>
      tpu.enqueue_dma source(%dma_start3A_144 : memref<624x32xf32, #tpu.memory_space<hbm>>) target(%dma_start3A_142 : memref<624x32xf32, #tpu.memory_space<vmem_shared>>) target_semaphore(%run_scoped3A : memref<!tpu.dma_semaphore, #tpu.memory_space<semaphore_mem>>)
      %dma_wait3A_145 = arith.constant 0 : i32
      %dma_wait3A_146 = tpu.memref_slice %arg11[%mul3A_0, %dma_wait3A_145] : memref<10008x32xf32, #tpu.memory_space<vmem_shared>> -> memref<624x32xf32, #tpu.memory_space<vmem_shared>>
      %dma_wait3A_147 = arith.constant 0 : i32
      %dma_wait3A_148 = tpu.memref_slice %arg5[%mul3A_0, %dma_wait3A_147] : memref<10000x32xf32, #tpu.memory_space<hbm>> -> memref<624x32xf32, #tpu.memory_space<hbm>>
      tpu.wait_dma2 semaphore(%run_scoped3A : memref<!tpu.dma_semaphore, #tpu.memory_space<semaphore_mem>>) src(%dma_wait3A_148 : memref<624x32xf32, #tpu.memory_space<hbm>>) dst(%dma_wait3A_146 : memref<624x32xf32, #tpu.memory_space<vmem_shared>>)
      tpu.yield
    }) : () -> ()
    %eq3A_91 = arith.constant 15 : i32
    %eq3A_92 = arith.cmpi eq, %arg1, %eq3A_91 : i32
    %convert_element_type3A_93 = arith.extui %eq3A_92 : i1 to i32
    %cond3A_94 = arith.constant 0 : i32
    %cond3A_95 = arith.cmpi ne, %convert_element_type3A_93, %cond3A_94 : i32
    scf.if %cond3A_95 {
      "tpu.region"() ({
        %run_scoped3A = tpu.sem_alloc : memref<!tpu.dma_semaphore, #tpu.memory_space<semaphore_mem>>
        %dma_start3A_141 = arith.constant 9984 : i32
        %dma_start3A_142 = arith.constant 0 : i32
        %dma_start3A_143 = tpu.memref_slice %arg11[%dma_start3A_141, %dma_start3A_142] : memref<10008x32xf32, #tpu.memory_space<vmem_shared>> -> memref<16x32xf32, #tpu.memory_space<vmem_shared>>
        %dma_start3A_144 = arith.constant 9984 : i32
        %dma_start3A_145 = arith.constant 0 : i32
        %dma_start3A_146 = tpu.memref_slice %arg5[%dma_start3A_144, %dma_start3A_145] : memref<10000x32xf32, #tpu.memory_space<hbm>> -> memref<16x32xf32, #tpu.memory_space<hbm>>
        tpu.enqueue_dma source(%dma_start3A_146 : memref<16x32xf32, #tpu.memory_space<hbm>>) target(%dma_start3A_143 : memref<16x32xf32, #tpu.memory_space<vmem_shared>>) target_semaphore(%run_scoped3A : memref<!tpu.dma_semaphore, #tpu.memory_space<semaphore_mem>>)
        %dma_wait3A_147 = arith.constant 9984 : i32
        %dma_wait3A_148 = arith.constant 0 : i32
        %dma_wait3A_149 = tpu.memref_slice %arg11[%dma_wait3A_147, %dma_wait3A_148] : memref<10008x32xf32, #tpu.memory_space<vmem_shared>> -> memref<16x32xf32, #tpu.memory_space<vmem_shared>>
        %dma_wait3A_150 = arith.constant 9984 : i32
        %dma_wait3A_151 = arith.constant 0 : i32
        %dma_wait3A_152 = tpu.memref_slice %arg5[%dma_wait3A_150, %dma_wait3A_151] : memref<10000x32xf32, #tpu.memory_space<hbm>> -> memref<16x32xf32, #tpu.memory_space<hbm>>
        tpu.wait_dma2 semaphore(%run_scoped3A : memref<!tpu.dma_semaphore, #tpu.memory_space<semaphore_mem>>) src(%dma_wait3A_152 : memref<16x32xf32, #tpu.memory_space<hbm>>) dst(%dma_wait3A_149 : memref<16x32xf32, #tpu.memory_space<vmem_shared>>)
        tpu.yield
      }) : () -> ()
    } else {
    }
    "tpu.region"() ({
      %run_scoped3A = tpu.sem_alloc : memref<!tpu.dma_semaphore, #tpu.memory_space<semaphore_mem>>
      %dma_start3A_141 = arith.constant 0 : i32
      %dma_start3A_142 = tpu.memref_slice %arg12[%mul3A_0, %dma_start3A_141] : memref<10008x32xf32, #tpu.memory_space<vmem_shared>> -> memref<624x32xf32, #tpu.memory_space<vmem_shared>>
      %dma_start3A_143 = tpu.memref_slice %arg2[%mul3A_0, %mul3A_90] : memref<10000x128xf32, #tpu.memory_space<hbm>> -> memref<624x32xf32, #tpu.memory_space<hbm>>
      tpu.enqueue_dma source(%dma_start3A_143 : memref<624x32xf32, #tpu.memory_space<hbm>>) target(%dma_start3A_142 : memref<624x32xf32, #tpu.memory_space<vmem_shared>>) target_semaphore(%run_scoped3A : memref<!tpu.dma_semaphore, #tpu.memory_space<semaphore_mem>>)
      %dma_wait3A_144 = arith.constant 0 : i32
      %dma_wait3A_145 = tpu.memref_slice %arg12[%mul3A_0, %dma_wait3A_144] : memref<10008x32xf32, #tpu.memory_space<vmem_shared>> -> memref<624x32xf32, #tpu.memory_space<vmem_shared>>
      %dma_wait3A_146 = tpu.memref_slice %arg2[%mul3A_0, %mul3A_90] : memref<10000x128xf32, #tpu.memory_space<hbm>> -> memref<624x32xf32, #tpu.memory_space<hbm>>
      tpu.wait_dma2 semaphore(%run_scoped3A : memref<!tpu.dma_semaphore, #tpu.memory_space<semaphore_mem>>) src(%dma_wait3A_146 : memref<624x32xf32, #tpu.memory_space<hbm>>) dst(%dma_wait3A_145 : memref<624x32xf32, #tpu.memory_space<vmem_shared>>)
      tpu.yield
    }) : () -> ()
    %eq3A_96 = arith.constant 15 : i32
    %eq3A_97 = arith.cmpi eq, %arg1, %eq3A_96 : i32
    %convert_element_type3A_98 = arith.extui %eq3A_97 : i1 to i32
    %cond3A_99 = arith.constant 0 : i32
    %cond3A_100 = arith.cmpi ne, %convert_element_type3A_98, %cond3A_99 : i32
    scf.if %cond3A_100 {
      "tpu.region"() ({
        %run_scoped3A = tpu.sem_alloc : memref<!tpu.dma_semaphore, #tpu.memory_space<semaphore_mem>>
        %dma_start3A_141 = arith.constant 9984 : i32
        %dma_start3A_142 = arith.constant 0 : i32
        %dma_start3A_143 = tpu.memref_slice %arg12[%dma_start3A_141, %dma_start3A_142] : memref<10008x32xf32, #tpu.memory_space<vmem_shared>> -> memref<16x32xf32, #tpu.memory_space<vmem_shared>>
        %dma_start3A_144 = arith.constant 9984 : i32
        %dma_start3A_145 = tpu.memref_slice %arg2[%dma_start3A_144, %mul3A_90] : memref<10000x128xf32, #tpu.memory_space<hbm>> -> memref<16x32xf32, #tpu.memory_space<hbm>>
        tpu.enqueue_dma source(%dma_start3A_145 : memref<16x32xf32, #tpu.memory_space<hbm>>) target(%dma_start3A_143 : memref<16x32xf32, #tpu.memory_space<vmem_shared>>) target_semaphore(%run_scoped3A : memref<!tpu.dma_semaphore, #tpu.memory_space<semaphore_mem>>)
        %dma_wait3A_146 = arith.constant 9984 : i32
        %dma_wait3A_147 = arith.constant 0 : i32
        %dma_wait3A_148 = tpu.memref_slice %arg12[%dma_wait3A_146, %dma_wait3A_147] : memref<10008x32xf32, #tpu.memory_space<vmem_shared>> -> memref<16x32xf32, #tpu.memory_space<vmem_shared>>
        %dma_wait3A_149 = arith.constant 9984 : i32
        %dma_wait3A_150 = tpu.memref_slice %arg2[%dma_wait3A_149, %mul3A_90] : memref<10000x128xf32, #tpu.memory_space<hbm>> -> memref<16x32xf32, #tpu.memory_space<hbm>>
        tpu.wait_dma2 semaphore(%run_scoped3A : memref<!tpu.dma_semaphore, #tpu.memory_space<semaphore_mem>>) src(%dma_wait3A_150 : memref<16x32xf32, #tpu.memory_space<hbm>>) dst(%dma_wait3A_148 : memref<16x32xf32, #tpu.memory_space<vmem_shared>>)
        tpu.yield
      }) : () -> ()
    } else {
    }
    %barrier3A_101 = arith.constant 0 : index
    tpu.barrier barrier_id(%barrier3A_101)
    %dma_start3A_102 = arith.constant 0 : i32
    %dma_start3A_103 = arith.constant 0 : i32
    %dma_start3A_104 = tpu.memref_slice %arg7[%dma_start3A_102, %dma_start3A_103] : memref<160x128xi32, #tpu.memory_space<vmem>> -> memref<1x128xi32, #tpu.memory_space<vmem>>
    %dma_start3A_105 = tpu.memref_squeeze %dma_start3A_104 : memref<1x128xi32, #tpu.memory_space<vmem>> -> memref<128xi32, #tpu.memory_space<vmem>>
    %dma_start3A_106 = arith.constant 0 : i32
    %dma_start3A_107 = arith.constant 0 : i32
    %dma_start3A_108 = tpu.memref_slice %arg12[%dma_start3A_106, %dma_start3A_107] : memref<10008x32xf32, #tpu.memory_space<vmem_shared>> -> memref<10008x32xf32, #tpu.memory_space<vmem_shared>>
    tpu.enqueue_indirect_dma source(%dma_start3A_108 : memref<10008x32xf32, #tpu.memory_space<vmem_shared>>) target(%arg9 : memref<128x32xf32, #tpu.memory_space<vmem>>) offsets(%dma_start3A_105 : memref<128xi32, #tpu.memory_space<vmem>>) semaphore(%arg13 : memref<!tpu.dma_semaphore, #tpu.memory_space<semaphore_mem>>)
    %dma_start3A_109 = arith.constant 1 : i32
    %dma_start3A_110 = arith.constant 0 : i32
    %dma_start3A_111 = tpu.memref_slice %arg7[%dma_start3A_109, %dma_start3A_110] : memref<160x128xi32, #tpu.memory_space<vmem>> -> memref<1x128xi32, #tpu.memory_space<vmem>>
    %dma_start3A_112 = tpu.memref_squeeze %dma_start3A_111 : memref<1x128xi32, #tpu.memory_space<vmem>> -> memref<128xi32, #tpu.memory_space<vmem>>
    %dma_start3A_113 = arith.constant 0 : i32
    %dma_start3A_114 = arith.constant 0 : i32
    %dma_start3A_115 = tpu.memref_slice %arg12[%dma_start3A_113, %dma_start3A_114] : memref<10008x32xf32, #tpu.memory_space<vmem_shared>> -> memref<10008x32xf32, #tpu.memory_space<vmem_shared>>
    tpu.enqueue_indirect_dma source(%dma_start3A_115 : memref<10008x32xf32, #tpu.memory_space<vmem_shared>>) target(%arg10 : memref<128x32xf32, #tpu.memory_space<vmem>>) offsets(%dma_start3A_112 : memref<128xi32, #tpu.memory_space<vmem>>) semaphore(%arg14 : memref<!tpu.dma_semaphore, #tpu.memory_space<semaphore_mem>>)
    %scan3A_116 = arith.constant 0 : i32
    %scan3A_117 = arith.constant 80 : i32
    %scan3A_118 = arith.addi %scan3A_116, %scan3A_117 : i32
    %scan3A_119 = arith.constant 1 : i32
    scf.for %scan3A_141 = %scan3A_116 to %scan3A_118 step %scan3A_119  : i32 {
      %mul3A_142 = arith.constant 1 : i32
      %mul3A_143 = arith.muli %scan3A_141, %mul3A_142 : i32
      %add3A_144 = arith.constant 0 : i32
      %add3A_145 = arith.addi %add3A_144, %mul3A_143 : i32
      %mul3A_146 = arith.constant 2 : i32
      %mul3A_147 = arith.muli %mul3A_146, %add3A_145 : i32
      %add3A_148 = arith.constant 1 : i32
      %add3A_149 = arith.addi %mul3A_147, %add3A_148 : i32
      %dma_wait3A_150 = arith.constant 0 : i32
      %dma_wait3A_151 = tpu.memref_slice %arg7[%mul3A_147, %dma_wait3A_150] : memref<160x128xi32, #tpu.memory_space<vmem>> -> memref<1x128xi32, #tpu.memory_space<vmem>>
      %dma_wait3A_152 = tpu.memref_squeeze %dma_wait3A_151 : memref<1x128xi32, #tpu.memory_space<vmem>> -> memref<128xi32, #tpu.memory_space<vmem>>
      %dma_wait3A_153 = arith.constant 0 : i32
      %dma_wait3A_154 = arith.constant 0 : i32
      %dma_wait3A_155 = tpu.memref_slice %arg12[%dma_wait3A_153, %dma_wait3A_154] : memref<10008x32xf32, #tpu.memory_space<vmem_shared>> -> memref<10008x32xf32, #tpu.memory_space<vmem_shared>>
      tpu.wait_indirect_dma semaphore(%arg13 : memref<!tpu.dma_semaphore, #tpu.memory_space<semaphore_mem>>) src(%dma_wait3A_155 : memref<10008x32xf32, #tpu.memory_space<vmem_shared>>) dst(%arg9 : memref<128x32xf32, #tpu.memory_space<vmem>>)
      %dma_start3A_156 = arith.constant 0 : i32
      %dma_start3A_157 = tpu.memref_slice %arg8[%mul3A_147, %dma_start3A_156] : memref<160x128xi32, #tpu.memory_space<vmem>> -> memref<1x128xi32, #tpu.memory_space<vmem>>
      %dma_start3A_158 = tpu.memref_squeeze %dma_start3A_157 : memref<1x128xi32, #tpu.memory_space<vmem>> -> memref<128xi32, #tpu.memory_space<vmem>>
      %dma_start3A_159 = arith.constant 0 : i32
      %dma_start3A_160 = arith.constant 0 : i32
      %dma_start3A_161 = tpu.memref_slice %arg11[%dma_start3A_159, %dma_start3A_160] : memref<10008x32xf32, #tpu.memory_space<vmem_shared>> -> memref<10008x32xf32, #tpu.memory_space<vmem_shared>>
      tpu.enqueue_indirect_dma source(%arg9 : memref<128x32xf32, #tpu.memory_space<vmem>>) target(%dma_start3A_161 : memref<10008x32xf32, #tpu.memory_space<vmem_shared>>) offsets(%dma_start3A_158 : memref<128xi32, #tpu.memory_space<vmem>>) semaphore(%arg15 : memref<!tpu.dma_semaphore, #tpu.memory_space<semaphore_mem>>) {add = true}
      %dma_wait3A_162 = arith.constant 0 : i32
      %dma_wait3A_163 = tpu.memref_slice %arg7[%add3A_149, %dma_wait3A_162] : memref<160x128xi32, #tpu.memory_space<vmem>> -> memref<1x128xi32, #tpu.memory_space<vmem>>
      %dma_wait3A_164 = tpu.memref_squeeze %dma_wait3A_163 : memref<1x128xi32, #tpu.memory_space<vmem>> -> memref<128xi32, #tpu.memory_space<vmem>>
      %dma_wait3A_165 = arith.constant 0 : i32
      %dma_wait3A_166 = arith.constant 0 : i32
      %dma_wait3A_167 = tpu.memref_slice %arg12[%dma_wait3A_165, %dma_wait3A_166] : memref<10008x32xf32, #tpu.memory_space<vmem_shared>> -> memref<10008x32xf32, #tpu.memory_space<vmem_shared>>
      tpu.wait_indirect_dma semaphore(%arg14 : memref<!tpu.dma_semaphore, #tpu.memory_space<semaphore_mem>>) src(%dma_wait3A_167 : memref<10008x32xf32, #tpu.memory_space<vmem_shared>>) dst(%arg10 : memref<128x32xf32, #tpu.memory_space<vmem>>)
      %dma_start3A_168 = arith.constant 0 : i32
      %dma_start3A_169 = tpu.memref_slice %arg8[%add3A_149, %dma_start3A_168] : memref<160x128xi32, #tpu.memory_space<vmem>> -> memref<1x128xi32, #tpu.memory_space<vmem>>
      %dma_start3A_170 = tpu.memref_squeeze %dma_start3A_169 : memref<1x128xi32, #tpu.memory_space<vmem>> -> memref<128xi32, #tpu.memory_space<vmem>>
      %dma_start3A_171 = arith.constant 0 : i32
      %dma_start3A_172 = arith.constant 0 : i32
      %dma_start3A_173 = tpu.memref_slice %arg11[%dma_start3A_171, %dma_start3A_172] : memref<10008x32xf32, #tpu.memory_space<vmem_shared>> -> memref<10008x32xf32, #tpu.memory_space<vmem_shared>>
      tpu.enqueue_indirect_dma source(%arg10 : memref<128x32xf32, #tpu.memory_space<vmem>>) target(%dma_start3A_173 : memref<10008x32xf32, #tpu.memory_space<vmem_shared>>) offsets(%dma_start3A_170 : memref<128xi32, #tpu.memory_space<vmem>>) semaphore(%arg16 : memref<!tpu.dma_semaphore, #tpu.memory_space<semaphore_mem>>) {add = true}
      %add3A_174 = arith.constant 2 : i32
      %add3A_175 = arith.addi %mul3A_147, %add3A_174 : i32
      %lt3A = arith.constant 160 : i32
      %lt3A_176 = arith.cmpi slt, %add3A_175, %lt3A : i32
      %convert_element_type3A_177 = arith.extui %lt3A_176 : i1 to i32
      %cond3A_178 = arith.constant 0 : i32
      %cond3A_179 = arith.cmpi ne, %convert_element_type3A_177, %cond3A_178 : i32
      scf.if %cond3A_179 {
        %dma_wait3A_180 = arith.constant 0 : i32
        %dma_wait3A_181 = tpu.memref_slice %arg8[%mul3A_147, %dma_wait3A_180] : memref<160x128xi32, #tpu.memory_space<vmem>> -> memref<1x128xi32, #tpu.memory_space<vmem>>
        %dma_wait3A_182 = tpu.memref_squeeze %dma_wait3A_181 : memref<1x128xi32, #tpu.memory_space<vmem>> -> memref<128xi32, #tpu.memory_space<vmem>>
        %dma_wait3A_183 = arith.constant 0 : i32
        %dma_wait3A_184 = arith.constant 0 : i32
        %dma_wait3A_185 = tpu.memref_slice %arg11[%dma_wait3A_183, %dma_wait3A_184] : memref<10008x32xf32, #tpu.memory_space<vmem_shared>> -> memref<10008x32xf32, #tpu.memory_space<vmem_shared>>
        tpu.wait_indirect_dma semaphore(%arg15 : memref<!tpu.dma_semaphore, #tpu.memory_space<semaphore_mem>>) src(%arg9 : memref<128x32xf32, #tpu.memory_space<vmem>>) dst(%dma_wait3A_185 : memref<10008x32xf32, #tpu.memory_space<vmem_shared>>)
        %add3A_186 = arith.constant 2 : i32
        %add3A_187 = arith.addi %mul3A_147, %add3A_186 : i32
        %dma_start3A_188 = arith.constant 0 : i32
        %dma_start3A_189 = tpu.memref_slice %arg7[%add3A_187, %dma_start3A_188] : memref<160x128xi32, #tpu.memory_space<vmem>> -> memref<1x128xi32, #tpu.memory_space<vmem>>
        %dma_start3A_190 = tpu.memref_squeeze %dma_start3A_189 : memref<1x128xi32, #tpu.memory_space<vmem>> -> memref<128xi32, #tpu.memory_space<vmem>>
        %dma_start3A_191 = arith.constant 0 : i32
        %dma_start3A_192 = arith.constant 0 : i32
        %dma_start3A_193 = tpu.memref_slice %arg12[%dma_start3A_191, %dma_start3A_192] : memref<10008x32xf32, #tpu.memory_space<vmem_shared>> -> memref<10008x32xf32, #tpu.memory_space<vmem_shared>>
        tpu.enqueue_indirect_dma source(%dma_start3A_193 : memref<10008x32xf32, #tpu.memory_space<vmem_shared>>) target(%arg9 : memref<128x32xf32, #tpu.memory_space<vmem>>) offsets(%dma_start3A_190 : memref<128xi32, #tpu.memory_space<vmem>>) semaphore(%arg13 : memref<!tpu.dma_semaphore, #tpu.memory_space<semaphore_mem>>)
        %dma_wait3A_194 = arith.constant 0 : i32
        %dma_wait3A_195 = tpu.memref_slice %arg8[%add3A_149, %dma_wait3A_194] : memref<160x128xi32, #tpu.memory_space<vmem>> -> memref<1x128xi32, #tpu.memory_space<vmem>>
        %dma_wait3A_196 = tpu.memref_squeeze %dma_wait3A_195 : memref<1x128xi32, #tpu.memory_space<vmem>> -> memref<128xi32, #tpu.memory_space<vmem>>
        %dma_wait3A_197 = arith.constant 0 : i32
        %dma_wait3A_198 = arith.constant 0 : i32
        %dma_wait3A_199 = tpu.memref_slice %arg11[%dma_wait3A_197, %dma_wait3A_198] : memref<10008x32xf32, #tpu.memory_space<vmem_shared>> -> memref<10008x32xf32, #tpu.memory_space<vmem_shared>>
        tpu.wait_indirect_dma semaphore(%arg16 : memref<!tpu.dma_semaphore, #tpu.memory_space<semaphore_mem>>) src(%arg10 : memref<128x32xf32, #tpu.memory_space<vmem>>) dst(%dma_wait3A_199 : memref<10008x32xf32, #tpu.memory_space<vmem_shared>>)
        %add3A_200 = arith.constant 2 : i32
        %add3A_201 = arith.addi %add3A_149, %add3A_200 : i32
        %dma_start3A_202 = arith.constant 0 : i32
        %dma_start3A_203 = tpu.memref_slice %arg7[%add3A_201, %dma_start3A_202] : memref<160x128xi32, #tpu.memory_space<vmem>> -> memref<1x128xi32, #tpu.memory_space<vmem>>
        %dma_start3A_204 = tpu.memref_squeeze %dma_start3A_203 : memref<1x128xi32, #tpu.memory_space<vmem>> -> memref<128xi32, #tpu.memory_space<vmem>>
        %dma_start3A_205 = arith.constant 0 : i32
        %dma_start3A_206 = arith.constant 0 : i32
        %dma_start3A_207 = tpu.memref_slice %arg12[%dma_start3A_205, %dma_start3A_206] : memref<10008x32xf32, #tpu.memory_space<vmem_shared>> -> memref<10008x32xf32, #tpu.memory_space<vmem_shared>>
        tpu.enqueue_indirect_dma source(%dma_start3A_207 : memref<10008x32xf32, #tpu.memory_space<vmem_shared>>) target(%arg10 : memref<128x32xf32, #tpu.memory_space<vmem>>) offsets(%dma_start3A_204 : memref<128xi32, #tpu.memory_space<vmem>>) semaphore(%arg14 : memref<!tpu.dma_semaphore, #tpu.memory_space<semaphore_mem>>)
      } else {
      }
    }
    %scan3A_120 = arith.constant 80 : i32
    %dma_wait3A_121 = arith.constant 158 : i32
    %dma_wait3A_122 = arith.constant 0 : i32
    %dma_wait3A_123 = tpu.memref_slice %arg8[%dma_wait3A_121, %dma_wait3A_122] : memref<160x128xi32, #tpu.memory_space<vmem>> -> memref<1x128xi32, #tpu.memory_space<vmem>>
    %dma_wait3A_124 = tpu.memref_squeeze %dma_wait3A_123 : memref<1x128xi32, #tpu.memory_space<vmem>> -> memref<128xi32, #tpu.memory_space<vmem>>
    %dma_wait3A_125 = arith.constant 0 : i32
    %dma_wait3A_126 = arith.constant 0 : i32
    %dma_wait3A_127 = tpu.memref_slice %arg11[%dma_wait3A_125, %dma_wait3A_126] : memref<10008x32xf32, #tpu.memory_space<vmem_shared>> -> memref<10008x32xf32, #tpu.memory_space<vmem_shared>>
    tpu.wait_indirect_dma semaphore(%arg15 : memref<!tpu.dma_semaphore, #tpu.memory_space<semaphore_mem>>) src(%arg9 : memref<128x32xf32, #tpu.memory_space<vmem>>) dst(%dma_wait3A_127 : memref<10008x32xf32, #tpu.memory_space<vmem_shared>>)
    %dma_wait3A_128 = arith.constant 159 : i32
    %dma_wait3A_129 = arith.constant 0 : i32
    %dma_wait3A_130 = tpu.memref_slice %arg8[%dma_wait3A_128, %dma_wait3A_129] : memref<160x128xi32, #tpu.memory_space<vmem>> -> memref<1x128xi32, #tpu.memory_space<vmem>>
    %dma_wait3A_131 = tpu.memref_squeeze %dma_wait3A_130 : memref<1x128xi32, #tpu.memory_space<vmem>> -> memref<128xi32, #tpu.memory_space<vmem>>
    %dma_wait3A_132 = arith.constant 0 : i32
    %dma_wait3A_133 = arith.constant 0 : i32
    %dma_wait3A_134 = tpu.memref_slice %arg11[%dma_wait3A_132, %dma_wait3A_133] : memref<10008x32xf32, #tpu.memory_space<vmem_shared>> -> memref<10008x32xf32, #tpu.memory_space<vmem_shared>>
    tpu.wait_indirect_dma semaphore(%arg16 : memref<!tpu.dma_semaphore, #tpu.memory_space<semaphore_mem>>) src(%arg10 : memref<128x32xf32, #tpu.memory_space<vmem>>) dst(%dma_wait3A_134 : memref<10008x32xf32, #tpu.memory_space<vmem_shared>>)
    %barrier3A_135 = arith.constant 0 : index
    tpu.barrier barrier_id(%barrier3A_135)
    "tpu.region"() ({
      %run_scoped3A = tpu.sem_alloc : memref<!tpu.dma_semaphore, #tpu.memory_space<semaphore_mem>>
      %dma_start3A_141 = tpu.memref_slice %arg6[%mul3A_0, %mul3A_90] : memref<10000x128xf32, #tpu.memory_space<hbm>> -> memref<624x32xf32, #tpu.memory_space<hbm>>
      %dma_start3A_142 = arith.constant 0 : i32
      %dma_start3A_143 = tpu.memref_slice %arg11[%mul3A_0, %dma_start3A_142] : memref<10008x32xf32, #tpu.memory_space<vmem_shared>> -> memref<624x32xf32, #tpu.memory_space<vmem_shared>>
      tpu.enqueue_dma source(%dma_start3A_143 : memref<624x32xf32, #tpu.memory_space<vmem_shared>>) target(%dma_start3A_141 : memref<624x32xf32, #tpu.memory_space<hbm>>) target_semaphore(%run_scoped3A : memref<!tpu.dma_semaphore, #tpu.memory_space<semaphore_mem>>)
      %dma_wait3A_144 = tpu.memref_slice %arg6[%mul3A_0, %mul3A_90] : memref<10000x128xf32, #tpu.memory_space<hbm>> -> memref<624x32xf32, #tpu.memory_space<hbm>>
      %dma_wait3A_145 = arith.constant 0 : i32
      %dma_wait3A_146 = tpu.memref_slice %arg11[%mul3A_0, %dma_wait3A_145] : memref<10008x32xf32, #tpu.memory_space<vmem_shared>> -> memref<624x32xf32, #tpu.memory_space<vmem_shared>>
      tpu.wait_dma2 semaphore(%run_scoped3A : memref<!tpu.dma_semaphore, #tpu.memory_space<semaphore_mem>>) src(%dma_wait3A_146 : memref<624x32xf32, #tpu.memory_space<vmem_shared>>) dst(%dma_wait3A_144 : memref<624x32xf32, #tpu.memory_space<hbm>>)
      tpu.yield
    }) : () -> ()
    %eq3A_136 = arith.constant 15 : i32
    %eq3A_137 = arith.cmpi eq, %arg1, %eq3A_136 : i32
    %convert_element_type3A_138 = arith.extui %eq3A_137 : i1 to i32
    %cond3A_139 = arith.constant 0 : i32
    %cond3A_140 = arith.cmpi ne, %convert_element_type3A_138, %cond3A_139 : i32
    scf.if %cond3A_140 {
      "tpu.region"() ({
        %run_scoped3A = tpu.sem_alloc : memref<!tpu.dma_semaphore, #tpu.memory_space<semaphore_mem>>
        %dma_start3A_141 = arith.constant 9984 : i32
        %dma_start3A_142 = tpu.memref_slice %arg6[%dma_start3A_141, %mul3A_90] : memref<10000x128xf32, #tpu.memory_space<hbm>> -> memref<16x32xf32, #tpu.memory_space<hbm>>
        %dma_start3A_143 = arith.constant 9984 : i32
        %dma_start3A_144 = arith.constant 0 : i32
        %dma_start3A_145 = tpu.memref_slice %arg11[%dma_start3A_143, %dma_start3A_144] : memref<10008x32xf32, #tpu.memory_space<vmem_shared>> -> memref<16x32xf32, #tpu.memory_space<vmem_shared>>
        tpu.enqueue_dma source(%dma_start3A_145 : memref<16x32xf32, #tpu.memory_space<vmem_shared>>) target(%dma_start3A_142 : memref<16x32xf32, #tpu.memory_space<hbm>>) target_semaphore(%run_scoped3A : memref<!tpu.dma_semaphore, #tpu.memory_space<semaphore_mem>>)
        %dma_wait3A_146 = arith.constant 9984 : i32
        %dma_wait3A_147 = tpu.memref_slice %arg6[%dma_wait3A_146, %mul3A_90] : memref<10000x128xf32, #tpu.memory_space<hbm>> -> memref<16x32xf32, #tpu.memory_space<hbm>>
        %dma_wait3A_148 = arith.constant 9984 : i32
        %dma_wait3A_149 = arith.constant 0 : i32
        %dma_wait3A_150 = tpu.memref_slice %arg11[%dma_wait3A_148, %dma_wait3A_149] : memref<10008x32xf32, #tpu.memory_space<vmem_shared>> -> memref<16x32xf32, #tpu.memory_space<vmem_shared>>
        tpu.wait_dma2 semaphore(%run_scoped3A : memref<!tpu.dma_semaphore, #tpu.memory_space<semaphore_mem>>) src(%dma_wait3A_150 : memref<16x32xf32, #tpu.memory_space<vmem_shared>>) dst(%dma_wait3A_147 : memref<16x32xf32, #tpu.memory_space<hbm>>)
        tpu.yield
      }) : () -> ()
    } else {
    }
    return
  }
}

#map = affine_map<(d0, d1) -> (0, 0)>
#map1 = affine_map<(d0, d1) -> (0, 0, 0)>
module attributes {stable_mosaic.version = 14 : i64} {
  func.func @deg(%arg0: i32, %arg1: i32, %arg2: memref<128x16xf32, #tpu.memory_space<hbm>>, %arg3: memref<2x2500x128xi32, #tpu.memory_space<hbm>>, %arg4: memref<2x60x128xi32, #tpu.memory_space<hbm>>, %arg5: memref<10000x16xf32, #tpu.memory_space<hbm>>, %arg6: memref<10000x128xf32, #tpu.memory_space<hbm>>, %arg7: memref<80x128xi32, #tpu.memory_space<vmem>>, %arg8: memref<128x16xf32, #tpu.memory_space<vmem>>, %arg9: memref<10008x16xf32, #tpu.memory_space<vmem_shared>>, %arg10: memref<!tpu.dma_semaphore, #tpu.memory_space<semaphore_mem>>) attributes {dimension_semantics = [#tpu.dimension_semantics<core_parallel>, #tpu.dimension_semantics<subcore_parallel>], iteration_bounds = array<i64: 2, 16>, scalar_prefetch = 0 : i64, scratch_operands = 4 : i64, tpu.core_type = #tpu.core_type<sc_vector_subcore>, window_params = [{transform_indices = #map}, {transform_indices = #map1}, {transform_indices = #map1}, {transform_indices = #map}, {transform_indices = #map}]} {
    %mul3A = arith.constant 16 : i32
    %mul3A_0 = arith.muli %arg0, %mul3A : i32
    %add3A = arith.addi %mul3A_0, %arg1 : i32
    %mul3A_1 = arith.constant 624 : i32
    %mul3A_2 = arith.muli %arg1, %mul3A_1 : i32
    "tpu.region"() ({
      %run_scoped3A = tpu.sem_alloc : memref<!tpu.dma_semaphore, #tpu.memory_space<semaphore_mem>>
      %dma_start3A = arith.constant 0 : i32
      %dma_start3A_34 = tpu.memref_slice %arg9[%mul3A_2, %dma_start3A] : memref<10008x16xf32, #tpu.memory_space<vmem_shared>> -> memref<624x16xf32, #tpu.memory_space<vmem_shared>>
      %dma_start3A_35 = arith.constant 0 : i32
      %dma_start3A_36 = tpu.memref_slice %arg5[%mul3A_2, %dma_start3A_35] : memref<10000x16xf32, #tpu.memory_space<hbm>> -> memref<624x16xf32, #tpu.memory_space<hbm>>
      tpu.enqueue_dma source(%dma_start3A_36 : memref<624x16xf32, #tpu.memory_space<hbm>>) target(%dma_start3A_34 : memref<624x16xf32, #tpu.memory_space<vmem_shared>>) target_semaphore(%run_scoped3A : memref<!tpu.dma_semaphore, #tpu.memory_space<semaphore_mem>>)
      %dma_wait3A = arith.constant 0 : i32
      %dma_wait3A_37 = tpu.memref_slice %arg9[%mul3A_2, %dma_wait3A] : memref<10008x16xf32, #tpu.memory_space<vmem_shared>> -> memref<624x16xf32, #tpu.memory_space<vmem_shared>>
      %dma_wait3A_38 = arith.constant 0 : i32
      %dma_wait3A_39 = tpu.memref_slice %arg5[%mul3A_2, %dma_wait3A_38] : memref<10000x16xf32, #tpu.memory_space<hbm>> -> memref<624x16xf32, #tpu.memory_space<hbm>>
      tpu.wait_dma2 semaphore(%run_scoped3A : memref<!tpu.dma_semaphore, #tpu.memory_space<semaphore_mem>>) src(%dma_wait3A_39 : memref<624x16xf32, #tpu.memory_space<hbm>>) dst(%dma_wait3A_37 : memref<624x16xf32, #tpu.memory_space<vmem_shared>>)
      tpu.yield
    }) : () -> ()
    %eq3A = arith.constant 15 : i32
    %eq3A_3 = arith.cmpi eq, %arg1, %eq3A : i32
    %convert_element_type3A = arith.extui %eq3A_3 : i1 to i32
    %cond3A = arith.constant 0 : i32
    %cond3A_4 = arith.cmpi ne, %convert_element_type3A, %cond3A : i32
    scf.if %cond3A_4 {
      "tpu.region"() ({
        %run_scoped3A = tpu.sem_alloc : memref<!tpu.dma_semaphore, #tpu.memory_space<semaphore_mem>>
        %dma_start3A = arith.constant 9984 : i32
        %dma_start3A_34 = arith.constant 0 : i32
        %dma_start3A_35 = tpu.memref_slice %arg9[%dma_start3A, %dma_start3A_34] : memref<10008x16xf32, #tpu.memory_space<vmem_shared>> -> memref<16x16xf32, #tpu.memory_space<vmem_shared>>
        %dma_start3A_36 = arith.constant 9984 : i32
        %dma_start3A_37 = arith.constant 0 : i32
        %dma_start3A_38 = tpu.memref_slice %arg5[%dma_start3A_36, %dma_start3A_37] : memref<10000x16xf32, #tpu.memory_space<hbm>> -> memref<16x16xf32, #tpu.memory_space<hbm>>
        tpu.enqueue_dma source(%dma_start3A_38 : memref<16x16xf32, #tpu.memory_space<hbm>>) target(%dma_start3A_35 : memref<16x16xf32, #tpu.memory_space<vmem_shared>>) target_semaphore(%run_scoped3A : memref<!tpu.dma_semaphore, #tpu.memory_space<semaphore_mem>>)
        %dma_wait3A = arith.constant 9984 : i32
        %dma_wait3A_39 = arith.constant 0 : i32
        %dma_wait3A_40 = tpu.memref_slice %arg9[%dma_wait3A, %dma_wait3A_39] : memref<10008x16xf32, #tpu.memory_space<vmem_shared>> -> memref<16x16xf32, #tpu.memory_space<vmem_shared>>
        %dma_wait3A_41 = arith.constant 9984 : i32
        %dma_wait3A_42 = arith.constant 0 : i32
        %dma_wait3A_43 = tpu.memref_slice %arg5[%dma_wait3A_41, %dma_wait3A_42] : memref<10000x16xf32, #tpu.memory_space<hbm>> -> memref<16x16xf32, #tpu.memory_space<hbm>>
        tpu.wait_dma2 semaphore(%run_scoped3A : memref<!tpu.dma_semaphore, #tpu.memory_space<semaphore_mem>>) src(%dma_wait3A_43 : memref<16x16xf32, #tpu.memory_space<hbm>>) dst(%dma_wait3A_40 : memref<16x16xf32, #tpu.memory_space<vmem_shared>>)
        tpu.yield
      }) : () -> ()
    } else {
    }
    "tpu.region"() ({
      %run_scoped3A = tpu.sem_alloc : memref<!tpu.dma_semaphore, #tpu.memory_space<semaphore_mem>>
      tpu.enqueue_dma source(%arg2 : memref<128x16xf32, #tpu.memory_space<hbm>>) target(%arg8 : memref<128x16xf32, #tpu.memory_space<vmem>>) target_semaphore(%run_scoped3A : memref<!tpu.dma_semaphore, #tpu.memory_space<semaphore_mem>>)
      tpu.wait_dma2 semaphore(%run_scoped3A : memref<!tpu.dma_semaphore, #tpu.memory_space<semaphore_mem>>) src(%arg2 : memref<128x16xf32, #tpu.memory_space<hbm>>) dst(%arg8 : memref<128x16xf32, #tpu.memory_space<vmem>>)
      tpu.yield
    }) : () -> ()
    %mul3A_5 = arith.constant 80 : i32
    %mul3A_6 = arith.muli %add3A, %mul3A_5 : i32
    %add3A_7 = arith.constant 80 : i32
    %add3A_8 = arith.addi %mul3A_6, %add3A_7 : i32
    %le3A = arith.constant 2500 : i32
    %le3A_9 = arith.cmpi sle, %add3A_8, %le3A : i32
    %convert_element_type3A_10 = arith.extui %le3A_9 : i1 to i32
    %cond3A_11 = arith.constant 1 : i32
    %cond3A_12 = arith.constant 0 : i32
    %cond3A_13 = arith.cmpi ne, %convert_element_type3A_10, %cond3A_12 : i32
    scf.if %cond3A_13 {
      "tpu.region"() ({
        %run_scoped3A = tpu.sem_alloc : memref<!tpu.dma_semaphore, #tpu.memory_space<semaphore_mem>>
        %dma_start3A = arith.constant 0 : i32
        %dma_start3A_34 = arith.constant 0 : i32
        %dma_start3A_35 = tpu.memref_slice %arg3[%cond3A_11, %dma_start3A, %dma_start3A_34] : memref<2x2500x128xi32, #tpu.memory_space<hbm>> -> memref<1x2500x128xi32, #tpu.memory_space<hbm>>
        %dma_start3A_36 = tpu.memref_squeeze %dma_start3A_35 : memref<1x2500x128xi32, #tpu.memory_space<hbm>> -> memref<2500x128xi32, #tpu.memory_space<hbm>>
        %dma_start3A_37 = arith.constant 0 : i32
        %dma_start3A_38 = tpu.memref_slice %dma_start3A_36[%mul3A_6, %dma_start3A_37] : memref<2500x128xi32, #tpu.memory_space<hbm>> -> memref<80x128xi32, #tpu.memory_space<hbm>>
        %dma_start3A_39 = arith.constant 0 : i32
        %dma_start3A_40 = arith.constant 0 : i32
        %dma_start3A_41 = tpu.memref_slice %arg3[%cond3A_11, %dma_start3A_39, %dma_start3A_40] : memref<2x2500x128xi32, #tpu.memory_space<hbm>> -> memref<1x2500x128xi32, #tpu.memory_space<hbm>>
        %dma_start3A_42 = tpu.memref_squeeze %dma_start3A_41 : memref<1x2500x128xi32, #tpu.memory_space<hbm>> -> memref<2500x128xi32, #tpu.memory_space<hbm>>
        %dma_start3A_43 = arith.constant 0 : i32
        %dma_start3A_44 = tpu.memref_slice %dma_start3A_42[%mul3A_6, %dma_start3A_43] : memref<2500x128xi32, #tpu.memory_space<hbm>> -> memref<80x128xi32, #tpu.memory_space<hbm>>
        tpu.enqueue_dma source(%dma_start3A_44 : memref<80x128xi32, #tpu.memory_space<hbm>>) target(%arg7 : memref<80x128xi32, #tpu.memory_space<vmem>>) target_semaphore(%run_scoped3A : memref<!tpu.dma_semaphore, #tpu.memory_space<semaphore_mem>>)
        %dma_wait3A = arith.constant 0 : i32
        %dma_wait3A_45 = arith.constant 0 : i32
        %dma_wait3A_46 = tpu.memref_slice %arg3[%cond3A_11, %dma_wait3A, %dma_wait3A_45] : memref<2x2500x128xi32, #tpu.memory_space<hbm>> -> memref<1x2500x128xi32, #tpu.memory_space<hbm>>
        %dma_wait3A_47 = tpu.memref_squeeze %dma_wait3A_46 : memref<1x2500x128xi32, #tpu.memory_space<hbm>> -> memref<2500x128xi32, #tpu.memory_space<hbm>>
        %dma_wait3A_48 = arith.constant 0 : i32
        %dma_wait3A_49 = tpu.memref_slice %dma_wait3A_47[%mul3A_6, %dma_wait3A_48] : memref<2500x128xi32, #tpu.memory_space<hbm>> -> memref<80x128xi32, #tpu.memory_space<hbm>>
        %dma_wait3A_50 = arith.constant 0 : i32
        %dma_wait3A_51 = arith.constant 0 : i32
        %dma_wait3A_52 = tpu.memref_slice %arg3[%cond3A_11, %dma_wait3A_50, %dma_wait3A_51] : memref<2x2500x128xi32, #tpu.memory_space<hbm>> -> memref<1x2500x128xi32, #tpu.memory_space<hbm>>
        %dma_wait3A_53 = tpu.memref_squeeze %dma_wait3A_52 : memref<1x2500x128xi32, #tpu.memory_space<hbm>> -> memref<2500x128xi32, #tpu.memory_space<hbm>>
        %dma_wait3A_54 = arith.constant 0 : i32
        %dma_wait3A_55 = tpu.memref_slice %dma_wait3A_53[%mul3A_6, %dma_wait3A_54] : memref<2500x128xi32, #tpu.memory_space<hbm>> -> memref<80x128xi32, #tpu.memory_space<hbm>>
        tpu.wait_dma2 semaphore(%run_scoped3A : memref<!tpu.dma_semaphore, #tpu.memory_space<semaphore_mem>>) src(%dma_wait3A_55 : memref<80x128xi32, #tpu.memory_space<hbm>>) dst(%arg7 : memref<80x128xi32, #tpu.memory_space<vmem>>)
        tpu.yield
      }) : () -> ()
    } else {
    }
    %add3A_14 = arith.constant 80 : i32
    %add3A_15 = arith.addi %mul3A_6, %add3A_14 : i32
    %gt3A = arith.constant 2500 : i32
    %gt3A_16 = arith.cmpi sgt, %add3A_15, %gt3A : i32
    %convert_element_type3A_17 = arith.extui %gt3A_16 : i1 to i32
    %cond3A_18 = arith.constant 1 : i32
    %cond3A_19 = arith.constant 1 : i32
    %cond3A_20 = arith.constant 0 : i32
    %cond3A_21 = arith.cmpi ne, %convert_element_type3A_17, %cond3A_20 : i32
    scf.if %cond3A_21 {
      "tpu.region"() ({
        %run_scoped3A = tpu.sem_alloc : memref<!tpu.dma_semaphore, #tpu.memory_space<semaphore_mem>>
        %dma_start3A = arith.constant 0 : i32
        %dma_start3A_34 = arith.constant 0 : i32
        %dma_start3A_35 = tpu.memref_slice %arg7[%dma_start3A, %dma_start3A_34] : memref<80x128xi32, #tpu.memory_space<vmem>> -> memref<20x128xi32, #tpu.memory_space<vmem>>
        %dma_start3A_36 = arith.constant 0 : i32
        %dma_start3A_37 = arith.constant 0 : i32
        %dma_start3A_38 = tpu.memref_slice %arg3[%cond3A_18, %dma_start3A_36, %dma_start3A_37] : memref<2x2500x128xi32, #tpu.memory_space<hbm>> -> memref<1x2500x128xi32, #tpu.memory_space<hbm>>
        %dma_start3A_39 = tpu.memref_squeeze %dma_start3A_38 : memref<1x2500x128xi32, #tpu.memory_space<hbm>> -> memref<2500x128xi32, #tpu.memory_space<hbm>>
        %dma_start3A_40 = arith.constant 0 : i32
        %dma_start3A_41 = tpu.memref_slice %dma_start3A_39[%mul3A_6, %dma_start3A_40] : memref<2500x128xi32, #tpu.memory_space<hbm>> -> memref<20x128xi32, #tpu.memory_space<hbm>>
        %dma_start3A_42 = arith.constant 0 : i32
        %dma_start3A_43 = arith.constant 0 : i32
        %dma_start3A_44 = tpu.memref_slice %arg7[%dma_start3A_42, %dma_start3A_43] : memref<80x128xi32, #tpu.memory_space<vmem>> -> memref<20x128xi32, #tpu.memory_space<vmem>>
        %dma_start3A_45 = arith.constant 0 : i32
        %dma_start3A_46 = arith.constant 0 : i32
        %dma_start3A_47 = tpu.memref_slice %arg3[%cond3A_18, %dma_start3A_45, %dma_start3A_46] : memref<2x2500x128xi32, #tpu.memory_space<hbm>> -> memref<1x2500x128xi32, #tpu.memory_space<hbm>>
        %dma_start3A_48 = tpu.memref_squeeze %dma_start3A_47 : memref<1x2500x128xi32, #tpu.memory_space<hbm>> -> memref<2500x128xi32, #tpu.memory_space<hbm>>
        %dma_start3A_49 = arith.constant 0 : i32
        %dma_start3A_50 = tpu.memref_slice %dma_start3A_48[%mul3A_6, %dma_start3A_49] : memref<2500x128xi32, #tpu.memory_space<hbm>> -> memref<20x128xi32, #tpu.memory_space<hbm>>
        tpu.enqueue_dma source(%dma_start3A_50 : memref<20x128xi32, #tpu.memory_space<hbm>>) target(%dma_start3A_44 : memref<20x128xi32, #tpu.memory_space<vmem>>) target_semaphore(%run_scoped3A : memref<!tpu.dma_semaphore, #tpu.memory_space<semaphore_mem>>)
        %dma_wait3A = arith.constant 0 : i32
        %dma_wait3A_51 = arith.constant 0 : i32
        %dma_wait3A_52 = tpu.memref_slice %arg7[%dma_wait3A, %dma_wait3A_51] : memref<80x128xi32, #tpu.memory_space<vmem>> -> memref<20x128xi32, #tpu.memory_space<vmem>>
        %dma_wait3A_53 = arith.constant 0 : i32
        %dma_wait3A_54 = arith.constant 0 : i32
        %dma_wait3A_55 = tpu.memref_slice %arg3[%cond3A_18, %dma_wait3A_53, %dma_wait3A_54] : memref<2x2500x128xi32, #tpu.memory_space<hbm>> -> memref<1x2500x128xi32, #tpu.memory_space<hbm>>
        %dma_wait3A_56 = tpu.memref_squeeze %dma_wait3A_55 : memref<1x2500x128xi32, #tpu.memory_space<hbm>> -> memref<2500x128xi32, #tpu.memory_space<hbm>>
        %dma_wait3A_57 = arith.constant 0 : i32
        %dma_wait3A_58 = tpu.memref_slice %dma_wait3A_56[%mul3A_6, %dma_wait3A_57] : memref<2500x128xi32, #tpu.memory_space<hbm>> -> memref<20x128xi32, #tpu.memory_space<hbm>>
        %dma_wait3A_59 = arith.constant 0 : i32
        %dma_wait3A_60 = arith.constant 0 : i32
        %dma_wait3A_61 = tpu.memref_slice %arg7[%dma_wait3A_59, %dma_wait3A_60] : memref<80x128xi32, #tpu.memory_space<vmem>> -> memref<20x128xi32, #tpu.memory_space<vmem>>
        %dma_wait3A_62 = arith.constant 0 : i32
        %dma_wait3A_63 = arith.constant 0 : i32
        %dma_wait3A_64 = tpu.memref_slice %arg3[%cond3A_18, %dma_wait3A_62, %dma_wait3A_63] : memref<2x2500x128xi32, #tpu.memory_space<hbm>> -> memref<1x2500x128xi32, #tpu.memory_space<hbm>>
        %dma_wait3A_65 = tpu.memref_squeeze %dma_wait3A_64 : memref<1x2500x128xi32, #tpu.memory_space<hbm>> -> memref<2500x128xi32, #tpu.memory_space<hbm>>
        %dma_wait3A_66 = arith.constant 0 : i32
        %dma_wait3A_67 = tpu.memref_slice %dma_wait3A_65[%mul3A_6, %dma_wait3A_66] : memref<2500x128xi32, #tpu.memory_space<hbm>> -> memref<20x128xi32, #tpu.memory_space<hbm>>
        tpu.wait_dma2 semaphore(%run_scoped3A : memref<!tpu.dma_semaphore, #tpu.memory_space<semaphore_mem>>) src(%dma_wait3A_67 : memref<20x128xi32, #tpu.memory_space<hbm>>) dst(%dma_wait3A_61 : memref<20x128xi32, #tpu.memory_space<vmem>>)
        tpu.yield
      }) : () -> ()
      "tpu.region"() ({
        %run_scoped3A = tpu.sem_alloc : memref<!tpu.dma_semaphore, #tpu.memory_space<semaphore_mem>>
        %dma_start3A = arith.constant 20 : i32
        %dma_start3A_34 = arith.constant 0 : i32
        %dma_start3A_35 = tpu.memref_slice %arg7[%dma_start3A, %dma_start3A_34] : memref<80x128xi32, #tpu.memory_space<vmem>> -> memref<60x128xi32, #tpu.memory_space<vmem>>
        %dma_start3A_36 = arith.constant 0 : i32
        %dma_start3A_37 = arith.constant 0 : i32
        %dma_start3A_38 = tpu.memref_slice %arg4[%cond3A_19, %dma_start3A_36, %dma_start3A_37] : memref<2x60x128xi32, #tpu.memory_space<hbm>> -> memref<1x60x128xi32, #tpu.memory_space<hbm>>
        %dma_start3A_39 = tpu.memref_squeeze %dma_start3A_38 : memref<1x60x128xi32, #tpu.memory_space<hbm>> -> memref<60x128xi32, #tpu.memory_space<hbm>>
        %dma_start3A_40 = arith.constant 20 : i32
        %dma_start3A_41 = arith.constant 0 : i32
        %dma_start3A_42 = tpu.memref_slice %arg7[%dma_start3A_40, %dma_start3A_41] : memref<80x128xi32, #tpu.memory_space<vmem>> -> memref<60x128xi32, #tpu.memory_space<vmem>>
        %dma_start3A_43 = arith.constant 0 : i32
        %dma_start3A_44 = arith.constant 0 : i32
        %dma_start3A_45 = tpu.memref_slice %arg4[%cond3A_19, %dma_start3A_43, %dma_start3A_44] : memref<2x60x128xi32, #tpu.memory_space<hbm>> -> memref<1x60x128xi32, #tpu.memory_space<hbm>>
        %dma_start3A_46 = tpu.memref_squeeze %dma_start3A_45 : memref<1x60x128xi32, #tpu.memory_space<hbm>> -> memref<60x128xi32, #tpu.memory_space<hbm>>
        tpu.enqueue_dma source(%dma_start3A_46 : memref<60x128xi32, #tpu.memory_space<hbm>>) target(%dma_start3A_42 : memref<60x128xi32, #tpu.memory_space<vmem>>) target_semaphore(%run_scoped3A : memref<!tpu.dma_semaphore, #tpu.memory_space<semaphore_mem>>)
        %dma_wait3A = arith.constant 20 : i32
        %dma_wait3A_47 = arith.constant 0 : i32
        %dma_wait3A_48 = tpu.memref_slice %arg7[%dma_wait3A, %dma_wait3A_47] : memref<80x128xi32, #tpu.memory_space<vmem>> -> memref<60x128xi32, #tpu.memory_space<vmem>>
        %dma_wait3A_49 = arith.constant 0 : i32
        %dma_wait3A_50 = arith.constant 0 : i32
        %dma_wait3A_51 = tpu.memref_slice %arg4[%cond3A_19, %dma_wait3A_49, %dma_wait3A_50] : memref<2x60x128xi32, #tpu.memory_space<hbm>> -> memref<1x60x128xi32, #tpu.memory_space<hbm>>
        %dma_wait3A_52 = tpu.memref_squeeze %dma_wait3A_51 : memref<1x60x128xi32, #tpu.memory_space<hbm>> -> memref<60x128xi32, #tpu.memory_space<hbm>>
        %dma_wait3A_53 = arith.constant 20 : i32
        %dma_wait3A_54 = arith.constant 0 : i32
        %dma_wait3A_55 = tpu.memref_slice %arg7[%dma_wait3A_53, %dma_wait3A_54] : memref<80x128xi32, #tpu.memory_space<vmem>> -> memref<60x128xi32, #tpu.memory_space<vmem>>
        %dma_wait3A_56 = arith.constant 0 : i32
        %dma_wait3A_57 = arith.constant 0 : i32
        %dma_wait3A_58 = tpu.memref_slice %arg4[%cond3A_19, %dma_wait3A_56, %dma_wait3A_57] : memref<2x60x128xi32, #tpu.memory_space<hbm>> -> memref<1x60x128xi32, #tpu.memory_space<hbm>>
        %dma_wait3A_59 = tpu.memref_squeeze %dma_wait3A_58 : memref<1x60x128xi32, #tpu.memory_space<hbm>> -> memref<60x128xi32, #tpu.memory_space<hbm>>
        tpu.wait_dma2 semaphore(%run_scoped3A : memref<!tpu.dma_semaphore, #tpu.memory_space<semaphore_mem>>) src(%dma_wait3A_59 : memref<60x128xi32, #tpu.memory_space<hbm>>) dst(%dma_wait3A_55 : memref<60x128xi32, #tpu.memory_space<vmem>>)
        tpu.yield
      }) : () -> ()
    } else {
    }
    %barrier3A = arith.constant 0 : index
    tpu.barrier barrier_id(%barrier3A)
    %scan3A = arith.constant 0 : i32
    %scan3A_22 = arith.constant 10 : i32
    %scan3A_23 = arith.addi %scan3A, %scan3A_22 : i32
    %scan3A_24 = arith.constant 1 : i32
    scf.for %scan3A_34 = %scan3A to %scan3A_23 step %scan3A_24  : i32 {
      %mul3A_35 = arith.constant 1 : i32
      %mul3A_36 = arith.muli %scan3A_34, %mul3A_35 : i32
      %add3A_37 = arith.constant 0 : i32
      %add3A_38 = arith.addi %add3A_37, %mul3A_36 : i32
      %mul3A_39 = arith.constant 8 : i32
      %mul3A_40 = arith.muli %add3A_38, %mul3A_39 : i32
      %add3A_41 = arith.constant 0 : i32
      %add3A_42 = arith.addi %mul3A_40, %add3A_41 : i32
      %dma_start3A = arith.constant 0 : i32
      %dma_start3A_43 = tpu.memref_slice %arg7[%add3A_42, %dma_start3A] : memref<80x128xi32, #tpu.memory_space<vmem>> -> memref<1x128xi32, #tpu.memory_space<vmem>>
      %dma_start3A_44 = tpu.memref_squeeze %dma_start3A_43 : memref<1x128xi32, #tpu.memory_space<vmem>> -> memref<128xi32, #tpu.memory_space<vmem>>
      %dma_start3A_45 = arith.constant 0 : i32
      %dma_start3A_46 = arith.constant 0 : i32
      %dma_start3A_47 = tpu.memref_slice %arg9[%dma_start3A_45, %dma_start3A_46] : memref<10008x16xf32, #tpu.memory_space<vmem_shared>> -> memref<10008x16xf32, #tpu.memory_space<vmem_shared>>
      tpu.enqueue_indirect_dma source(%arg8 : memref<128x16xf32, #tpu.memory_space<vmem>>) target(%dma_start3A_47 : memref<10008x16xf32, #tpu.memory_space<vmem_shared>>) offsets(%dma_start3A_44 : memref<128xi32, #tpu.memory_space<vmem>>) semaphore(%arg10 : memref<!tpu.dma_semaphore, #tpu.memory_space<semaphore_mem>>) {add = true}
      %add3A_48 = arith.constant 1 : i32
      %add3A_49 = arith.addi %mul3A_40, %add3A_48 : i32
      %dma_start3A_50 = arith.constant 0 : i32
      %dma_start3A_51 = tpu.memref_slice %arg7[%add3A_49, %dma_start3A_50] : memref<80x128xi32, #tpu.memory_space<vmem>> -> memref<1x128xi32, #tpu.memory_space<vmem>>
      %dma_start3A_52 = tpu.memref_squeeze %dma_start3A_51 : memref<1x128xi32, #tpu.memory_space<vmem>> -> memref<128xi32, #tpu.memory_space<vmem>>
      %dma_start3A_53 = arith.constant 0 : i32
      %dma_start3A_54 = arith.constant 0 : i32
      %dma_start3A_55 = tpu.memref_slice %arg9[%dma_start3A_53, %dma_start3A_54] : memref<10008x16xf32, #tpu.memory_space<vmem_shared>> -> memref<10008x16xf32, #tpu.memory_space<vmem_shared>>
      tpu.enqueue_indirect_dma source(%arg8 : memref<128x16xf32, #tpu.memory_space<vmem>>) target(%dma_start3A_55 : memref<10008x16xf32, #tpu.memory_space<vmem_shared>>) offsets(%dma_start3A_52 : memref<128xi32, #tpu.memory_space<vmem>>) semaphore(%arg10 : memref<!tpu.dma_semaphore, #tpu.memory_space<semaphore_mem>>) {add = true}
      %add3A_56 = arith.constant 2 : i32
      %add3A_57 = arith.addi %mul3A_40, %add3A_56 : i32
      %dma_start3A_58 = arith.constant 0 : i32
      %dma_start3A_59 = tpu.memref_slice %arg7[%add3A_57, %dma_start3A_58] : memref<80x128xi32, #tpu.memory_space<vmem>> -> memref<1x128xi32, #tpu.memory_space<vmem>>
      %dma_start3A_60 = tpu.memref_squeeze %dma_start3A_59 : memref<1x128xi32, #tpu.memory_space<vmem>> -> memref<128xi32, #tpu.memory_space<vmem>>
      %dma_start3A_61 = arith.constant 0 : i32
      %dma_start3A_62 = arith.constant 0 : i32
      %dma_start3A_63 = tpu.memref_slice %arg9[%dma_start3A_61, %dma_start3A_62] : memref<10008x16xf32, #tpu.memory_space<vmem_shared>> -> memref<10008x16xf32, #tpu.memory_space<vmem_shared>>
      tpu.enqueue_indirect_dma source(%arg8 : memref<128x16xf32, #tpu.memory_space<vmem>>) target(%dma_start3A_63 : memref<10008x16xf32, #tpu.memory_space<vmem_shared>>) offsets(%dma_start3A_60 : memref<128xi32, #tpu.memory_space<vmem>>) semaphore(%arg10 : memref<!tpu.dma_semaphore, #tpu.memory_space<semaphore_mem>>) {add = true}
      %add3A_64 = arith.constant 3 : i32
      %add3A_65 = arith.addi %mul3A_40, %add3A_64 : i32
      %dma_start3A_66 = arith.constant 0 : i32
      %dma_start3A_67 = tpu.memref_slice %arg7[%add3A_65, %dma_start3A_66] : memref<80x128xi32, #tpu.memory_space<vmem>> -> memref<1x128xi32, #tpu.memory_space<vmem>>
      %dma_start3A_68 = tpu.memref_squeeze %dma_start3A_67 : memref<1x128xi32, #tpu.memory_space<vmem>> -> memref<128xi32, #tpu.memory_space<vmem>>
      %dma_start3A_69 = arith.constant 0 : i32
      %dma_start3A_70 = arith.constant 0 : i32
      %dma_start3A_71 = tpu.memref_slice %arg9[%dma_start3A_69, %dma_start3A_70] : memref<10008x16xf32, #tpu.memory_space<vmem_shared>> -> memref<10008x16xf32, #tpu.memory_space<vmem_shared>>
      tpu.enqueue_indirect_dma source(%arg8 : memref<128x16xf32, #tpu.memory_space<vmem>>) target(%dma_start3A_71 : memref<10008x16xf32, #tpu.memory_space<vmem_shared>>) offsets(%dma_start3A_68 : memref<128xi32, #tpu.memory_space<vmem>>) semaphore(%arg10 : memref<!tpu.dma_semaphore, #tpu.memory_space<semaphore_mem>>) {add = true}
      %add3A_72 = arith.constant 4 : i32
      %add3A_73 = arith.addi %mul3A_40, %add3A_72 : i32
      %dma_start3A_74 = arith.constant 0 : i32
      %dma_start3A_75 = tpu.memref_slice %arg7[%add3A_73, %dma_start3A_74] : memref<80x128xi32, #tpu.memory_space<vmem>> -> memref<1x128xi32, #tpu.memory_space<vmem>>
      %dma_start3A_76 = tpu.memref_squeeze %dma_start3A_75 : memref<1x128xi32, #tpu.memory_space<vmem>> -> memref<128xi32, #tpu.memory_space<vmem>>
      %dma_start3A_77 = arith.constant 0 : i32
      %dma_start3A_78 = arith.constant 0 : i32
      %dma_start3A_79 = tpu.memref_slice %arg9[%dma_start3A_77, %dma_start3A_78] : memref<10008x16xf32, #tpu.memory_space<vmem_shared>> -> memref<10008x16xf32, #tpu.memory_space<vmem_shared>>
      tpu.enqueue_indirect_dma source(%arg8 : memref<128x16xf32, #tpu.memory_space<vmem>>) target(%dma_start3A_79 : memref<10008x16xf32, #tpu.memory_space<vmem_shared>>) offsets(%dma_start3A_76 : memref<128xi32, #tpu.memory_space<vmem>>) semaphore(%arg10 : memref<!tpu.dma_semaphore, #tpu.memory_space<semaphore_mem>>) {add = true}
      %add3A_80 = arith.constant 5 : i32
      %add3A_81 = arith.addi %mul3A_40, %add3A_80 : i32
      %dma_start3A_82 = arith.constant 0 : i32
      %dma_start3A_83 = tpu.memref_slice %arg7[%add3A_81, %dma_start3A_82] : memref<80x128xi32, #tpu.memory_space<vmem>> -> memref<1x128xi32, #tpu.memory_space<vmem>>
      %dma_start3A_84 = tpu.memref_squeeze %dma_start3A_83 : memref<1x128xi32, #tpu.memory_space<vmem>> -> memref<128xi32, #tpu.memory_space<vmem>>
      %dma_start3A_85 = arith.constant 0 : i32
      %dma_start3A_86 = arith.constant 0 : i32
      %dma_start3A_87 = tpu.memref_slice %arg9[%dma_start3A_85, %dma_start3A_86] : memref<10008x16xf32, #tpu.memory_space<vmem_shared>> -> memref<10008x16xf32, #tpu.memory_space<vmem_shared>>
      tpu.enqueue_indirect_dma source(%arg8 : memref<128x16xf32, #tpu.memory_space<vmem>>) target(%dma_start3A_87 : memref<10008x16xf32, #tpu.memory_space<vmem_shared>>) offsets(%dma_start3A_84 : memref<128xi32, #tpu.memory_space<vmem>>) semaphore(%arg10 : memref<!tpu.dma_semaphore, #tpu.memory_space<semaphore_mem>>) {add = true}
      %add3A_88 = arith.constant 6 : i32
      %add3A_89 = arith.addi %mul3A_40, %add3A_88 : i32
      %dma_start3A_90 = arith.constant 0 : i32
      %dma_start3A_91 = tpu.memref_slice %arg7[%add3A_89, %dma_start3A_90] : memref<80x128xi32, #tpu.memory_space<vmem>> -> memref<1x128xi32, #tpu.memory_space<vmem>>
      %dma_start3A_92 = tpu.memref_squeeze %dma_start3A_91 : memref<1x128xi32, #tpu.memory_space<vmem>> -> memref<128xi32, #tpu.memory_space<vmem>>
      %dma_start3A_93 = arith.constant 0 : i32
      %dma_start3A_94 = arith.constant 0 : i32
      %dma_start3A_95 = tpu.memref_slice %arg9[%dma_start3A_93, %dma_start3A_94] : memref<10008x16xf32, #tpu.memory_space<vmem_shared>> -> memref<10008x16xf32, #tpu.memory_space<vmem_shared>>
      tpu.enqueue_indirect_dma source(%arg8 : memref<128x16xf32, #tpu.memory_space<vmem>>) target(%dma_start3A_95 : memref<10008x16xf32, #tpu.memory_space<vmem_shared>>) offsets(%dma_start3A_92 : memref<128xi32, #tpu.memory_space<vmem>>) semaphore(%arg10 : memref<!tpu.dma_semaphore, #tpu.memory_space<semaphore_mem>>) {add = true}
      %add3A_96 = arith.constant 7 : i32
      %add3A_97 = arith.addi %mul3A_40, %add3A_96 : i32
      %dma_start3A_98 = arith.constant 0 : i32
      %dma_start3A_99 = tpu.memref_slice %arg7[%add3A_97, %dma_start3A_98] : memref<80x128xi32, #tpu.memory_space<vmem>> -> memref<1x128xi32, #tpu.memory_space<vmem>>
      %dma_start3A_100 = tpu.memref_squeeze %dma_start3A_99 : memref<1x128xi32, #tpu.memory_space<vmem>> -> memref<128xi32, #tpu.memory_space<vmem>>
      %dma_start3A_101 = arith.constant 0 : i32
      %dma_start3A_102 = arith.constant 0 : i32
      %dma_start3A_103 = tpu.memref_slice %arg9[%dma_start3A_101, %dma_start3A_102] : memref<10008x16xf32, #tpu.memory_space<vmem_shared>> -> memref<10008x16xf32, #tpu.memory_space<vmem_shared>>
      tpu.enqueue_indirect_dma source(%arg8 : memref<128x16xf32, #tpu.memory_space<vmem>>) target(%dma_start3A_103 : memref<10008x16xf32, #tpu.memory_space<vmem_shared>>) offsets(%dma_start3A_100 : memref<128xi32, #tpu.memory_space<vmem>>) semaphore(%arg10 : memref<!tpu.dma_semaphore, #tpu.memory_space<semaphore_mem>>) {add = true}
      %add3A_104 = arith.constant 0 : i32
      %add3A_105 = arith.addi %mul3A_40, %add3A_104 : i32
      %dma_wait3A = arith.constant 0 : i32
      %dma_wait3A_106 = tpu.memref_slice %arg7[%add3A_105, %dma_wait3A] : memref<80x128xi32, #tpu.memory_space<vmem>> -> memref<1x128xi32, #tpu.memory_space<vmem>>
      %dma_wait3A_107 = tpu.memref_squeeze %dma_wait3A_106 : memref<1x128xi32, #tpu.memory_space<vmem>> -> memref<128xi32, #tpu.memory_space<vmem>>
      %dma_wait3A_108 = arith.constant 0 : i32
      %dma_wait3A_109 = arith.constant 0 : i32
      %dma_wait3A_110 = tpu.memref_slice %arg9[%dma_wait3A_108, %dma_wait3A_109] : memref<10008x16xf32, #tpu.memory_space<vmem_shared>> -> memref<10008x16xf32, #tpu.memory_space<vmem_shared>>
      tpu.wait_indirect_dma semaphore(%arg10 : memref<!tpu.dma_semaphore, #tpu.memory_space<semaphore_mem>>) src(%arg8 : memref<128x16xf32, #tpu.memory_space<vmem>>) dst(%dma_wait3A_110 : memref<10008x16xf32, #tpu.memory_space<vmem_shared>>)
      %add3A_111 = arith.constant 1 : i32
      %add3A_112 = arith.addi %mul3A_40, %add3A_111 : i32
      %dma_wait3A_113 = arith.constant 0 : i32
      %dma_wait3A_114 = tpu.memref_slice %arg7[%add3A_112, %dma_wait3A_113] : memref<80x128xi32, #tpu.memory_space<vmem>> -> memref<1x128xi32, #tpu.memory_space<vmem>>
      %dma_wait3A_115 = tpu.memref_squeeze %dma_wait3A_114 : memref<1x128xi32, #tpu.memory_space<vmem>> -> memref<128xi32, #tpu.memory_space<vmem>>
      %dma_wait3A_116 = arith.constant 0 : i32
      %dma_wait3A_117 = arith.constant 0 : i32
      %dma_wait3A_118 = tpu.memref_slice %arg9[%dma_wait3A_116, %dma_wait3A_117] : memref<10008x16xf32, #tpu.memory_space<vmem_shared>> -> memref<10008x16xf32, #tpu.memory_space<vmem_shared>>
      tpu.wait_indirect_dma semaphore(%arg10 : memref<!tpu.dma_semaphore, #tpu.memory_space<semaphore_mem>>) src(%arg8 : memref<128x16xf32, #tpu.memory_space<vmem>>) dst(%dma_wait3A_118 : memref<10008x16xf32, #tpu.memory_space<vmem_shared>>)
      %add3A_119 = arith.constant 2 : i32
      %add3A_120 = arith.addi %mul3A_40, %add3A_119 : i32
      %dma_wait3A_121 = arith.constant 0 : i32
      %dma_wait3A_122 = tpu.memref_slice %arg7[%add3A_120, %dma_wait3A_121] : memref<80x128xi32, #tpu.memory_space<vmem>> -> memref<1x128xi32, #tpu.memory_space<vmem>>
      %dma_wait3A_123 = tpu.memref_squeeze %dma_wait3A_122 : memref<1x128xi32, #tpu.memory_space<vmem>> -> memref<128xi32, #tpu.memory_space<vmem>>
      %dma_wait3A_124 = arith.constant 0 : i32
      %dma_wait3A_125 = arith.constant 0 : i32
      %dma_wait3A_126 = tpu.memref_slice %arg9[%dma_wait3A_124, %dma_wait3A_125] : memref<10008x16xf32, #tpu.memory_space<vmem_shared>> -> memref<10008x16xf32, #tpu.memory_space<vmem_shared>>
      tpu.wait_indirect_dma semaphore(%arg10 : memref<!tpu.dma_semaphore, #tpu.memory_space<semaphore_mem>>) src(%arg8 : memref<128x16xf32, #tpu.memory_space<vmem>>) dst(%dma_wait3A_126 : memref<10008x16xf32, #tpu.memory_space<vmem_shared>>)
      %add3A_127 = arith.constant 3 : i32
      %add3A_128 = arith.addi %mul3A_40, %add3A_127 : i32
      %dma_wait3A_129 = arith.constant 0 : i32
      %dma_wait3A_130 = tpu.memref_slice %arg7[%add3A_128, %dma_wait3A_129] : memref<80x128xi32, #tpu.memory_space<vmem>> -> memref<1x128xi32, #tpu.memory_space<vmem>>
      %dma_wait3A_131 = tpu.memref_squeeze %dma_wait3A_130 : memref<1x128xi32, #tpu.memory_space<vmem>> -> memref<128xi32, #tpu.memory_space<vmem>>
      %dma_wait3A_132 = arith.constant 0 : i32
      %dma_wait3A_133 = arith.constant 0 : i32
      %dma_wait3A_134 = tpu.memref_slice %arg9[%dma_wait3A_132, %dma_wait3A_133] : memref<10008x16xf32, #tpu.memory_space<vmem_shared>> -> memref<10008x16xf32, #tpu.memory_space<vmem_shared>>
      tpu.wait_indirect_dma semaphore(%arg10 : memref<!tpu.dma_semaphore, #tpu.memory_space<semaphore_mem>>) src(%arg8 : memref<128x16xf32, #tpu.memory_space<vmem>>) dst(%dma_wait3A_134 : memref<10008x16xf32, #tpu.memory_space<vmem_shared>>)
      %add3A_135 = arith.constant 4 : i32
      %add3A_136 = arith.addi %mul3A_40, %add3A_135 : i32
      %dma_wait3A_137 = arith.constant 0 : i32
      %dma_wait3A_138 = tpu.memref_slice %arg7[%add3A_136, %dma_wait3A_137] : memref<80x128xi32, #tpu.memory_space<vmem>> -> memref<1x128xi32, #tpu.memory_space<vmem>>
      %dma_wait3A_139 = tpu.memref_squeeze %dma_wait3A_138 : memref<1x128xi32, #tpu.memory_space<vmem>> -> memref<128xi32, #tpu.memory_space<vmem>>
      %dma_wait3A_140 = arith.constant 0 : i32
      %dma_wait3A_141 = arith.constant 0 : i32
      %dma_wait3A_142 = tpu.memref_slice %arg9[%dma_wait3A_140, %dma_wait3A_141] : memref<10008x16xf32, #tpu.memory_space<vmem_shared>> -> memref<10008x16xf32, #tpu.memory_space<vmem_shared>>
      tpu.wait_indirect_dma semaphore(%arg10 : memref<!tpu.dma_semaphore, #tpu.memory_space<semaphore_mem>>) src(%arg8 : memref<128x16xf32, #tpu.memory_space<vmem>>) dst(%dma_wait3A_142 : memref<10008x16xf32, #tpu.memory_space<vmem_shared>>)
      %add3A_143 = arith.constant 5 : i32
      %add3A_144 = arith.addi %mul3A_40, %add3A_143 : i32
      %dma_wait3A_145 = arith.constant 0 : i32
      %dma_wait3A_146 = tpu.memref_slice %arg7[%add3A_144, %dma_wait3A_145] : memref<80x128xi32, #tpu.memory_space<vmem>> -> memref<1x128xi32, #tpu.memory_space<vmem>>
      %dma_wait3A_147 = tpu.memref_squeeze %dma_wait3A_146 : memref<1x128xi32, #tpu.memory_space<vmem>> -> memref<128xi32, #tpu.memory_space<vmem>>
      %dma_wait3A_148 = arith.constant 0 : i32
      %dma_wait3A_149 = arith.constant 0 : i32
      %dma_wait3A_150 = tpu.memref_slice %arg9[%dma_wait3A_148, %dma_wait3A_149] : memref<10008x16xf32, #tpu.memory_space<vmem_shared>> -> memref<10008x16xf32, #tpu.memory_space<vmem_shared>>
      tpu.wait_indirect_dma semaphore(%arg10 : memref<!tpu.dma_semaphore, #tpu.memory_space<semaphore_mem>>) src(%arg8 : memref<128x16xf32, #tpu.memory_space<vmem>>) dst(%dma_wait3A_150 : memref<10008x16xf32, #tpu.memory_space<vmem_shared>>)
      %add3A_151 = arith.constant 6 : i32
      %add3A_152 = arith.addi %mul3A_40, %add3A_151 : i32
      %dma_wait3A_153 = arith.constant 0 : i32
      %dma_wait3A_154 = tpu.memref_slice %arg7[%add3A_152, %dma_wait3A_153] : memref<80x128xi32, #tpu.memory_space<vmem>> -> memref<1x128xi32, #tpu.memory_space<vmem>>
      %dma_wait3A_155 = tpu.memref_squeeze %dma_wait3A_154 : memref<1x128xi32, #tpu.memory_space<vmem>> -> memref<128xi32, #tpu.memory_space<vmem>>
      %dma_wait3A_156 = arith.constant 0 : i32
      %dma_wait3A_157 = arith.constant 0 : i32
      %dma_wait3A_158 = tpu.memref_slice %arg9[%dma_wait3A_156, %dma_wait3A_157] : memref<10008x16xf32, #tpu.memory_space<vmem_shared>> -> memref<10008x16xf32, #tpu.memory_space<vmem_shared>>
      tpu.wait_indirect_dma semaphore(%arg10 : memref<!tpu.dma_semaphore, #tpu.memory_space<semaphore_mem>>) src(%arg8 : memref<128x16xf32, #tpu.memory_space<vmem>>) dst(%dma_wait3A_158 : memref<10008x16xf32, #tpu.memory_space<vmem_shared>>)
      %add3A_159 = arith.constant 7 : i32
      %add3A_160 = arith.addi %mul3A_40, %add3A_159 : i32
      %dma_wait3A_161 = arith.constant 0 : i32
      %dma_wait3A_162 = tpu.memref_slice %arg7[%add3A_160, %dma_wait3A_161] : memref<80x128xi32, #tpu.memory_space<vmem>> -> memref<1x128xi32, #tpu.memory_space<vmem>>
      %dma_wait3A_163 = tpu.memref_squeeze %dma_wait3A_162 : memref<1x128xi32, #tpu.memory_space<vmem>> -> memref<128xi32, #tpu.memory_space<vmem>>
      %dma_wait3A_164 = arith.constant 0 : i32
      %dma_wait3A_165 = arith.constant 0 : i32
      %dma_wait3A_166 = tpu.memref_slice %arg9[%dma_wait3A_164, %dma_wait3A_165] : memref<10008x16xf32, #tpu.memory_space<vmem_shared>> -> memref<10008x16xf32, #tpu.memory_space<vmem_shared>>
      tpu.wait_indirect_dma semaphore(%arg10 : memref<!tpu.dma_semaphore, #tpu.memory_space<semaphore_mem>>) src(%arg8 : memref<128x16xf32, #tpu.memory_space<vmem>>) dst(%dma_wait3A_166 : memref<10008x16xf32, #tpu.memory_space<vmem_shared>>)
    }
    %scan3A_25 = arith.constant 10 : i32
    %barrier3A_26 = arith.constant 0 : index
    tpu.barrier barrier_id(%barrier3A_26)
    %mul3A_27 = arith.constant 16 : i32
    %mul3A_28 = arith.muli %arg0, %mul3A_27 : i32
    "tpu.region"() ({
      %run_scoped3A = tpu.sem_alloc : memref<!tpu.dma_semaphore, #tpu.memory_space<semaphore_mem>>
      %dma_start3A = tpu.memref_slice %arg6[%mul3A_2, %mul3A_28] : memref<10000x128xf32, #tpu.memory_space<hbm>> -> memref<624x16xf32, #tpu.memory_space<hbm>>
      %dma_start3A_34 = arith.constant 0 : i32
      %dma_start3A_35 = tpu.memref_slice %arg9[%mul3A_2, %dma_start3A_34] : memref<10008x16xf32, #tpu.memory_space<vmem_shared>> -> memref<624x16xf32, #tpu.memory_space<vmem_shared>>
      tpu.enqueue_dma source(%dma_start3A_35 : memref<624x16xf32, #tpu.memory_space<vmem_shared>>) target(%dma_start3A : memref<624x16xf32, #tpu.memory_space<hbm>>) target_semaphore(%run_scoped3A : memref<!tpu.dma_semaphore, #tpu.memory_space<semaphore_mem>>)
      %dma_wait3A = tpu.memref_slice %arg6[%mul3A_2, %mul3A_28] : memref<10000x128xf32, #tpu.memory_space<hbm>> -> memref<624x16xf32, #tpu.memory_space<hbm>>
      %dma_wait3A_36 = arith.constant 0 : i32
      %dma_wait3A_37 = tpu.memref_slice %arg9[%mul3A_2, %dma_wait3A_36] : memref<10008x16xf32, #tpu.memory_space<vmem_shared>> -> memref<624x16xf32, #tpu.memory_space<vmem_shared>>
      tpu.wait_dma2 semaphore(%run_scoped3A : memref<!tpu.dma_semaphore, #tpu.memory_space<semaphore_mem>>) src(%dma_wait3A_37 : memref<624x16xf32, #tpu.memory_space<vmem_shared>>) dst(%dma_wait3A : memref<624x16xf32, #tpu.memory_space<hbm>>)
      tpu.yield
    }) : () -> ()
    %eq3A_29 = arith.constant 15 : i32
    %eq3A_30 = arith.cmpi eq, %arg1, %eq3A_29 : i32
    %convert_element_type3A_31 = arith.extui %eq3A_30 : i1 to i32
    %cond3A_32 = arith.constant 0 : i32
    %cond3A_33 = arith.cmpi ne, %convert_element_type3A_31, %cond3A_32 : i32
    scf.if %cond3A_33 {
      "tpu.region"() ({
        %run_scoped3A = tpu.sem_alloc : memref<!tpu.dma_semaphore, #tpu.memory_space<semaphore_mem>>
        %dma_start3A = arith.constant 9984 : i32
        %dma_start3A_34 = tpu.memref_slice %arg6[%dma_start3A, %mul3A_28] : memref<10000x128xf32, #tpu.memory_space<hbm>> -> memref<16x16xf32, #tpu.memory_space<hbm>>
        %dma_start3A_35 = arith.constant 9984 : i32
        %dma_start3A_36 = arith.constant 0 : i32
        %dma_start3A_37 = tpu.memref_slice %arg9[%dma_start3A_35, %dma_start3A_36] : memref<10008x16xf32, #tpu.memory_space<vmem_shared>> -> memref<16x16xf32, #tpu.memory_space<vmem_shared>>
        tpu.enqueue_dma source(%dma_start3A_37 : memref<16x16xf32, #tpu.memory_space<vmem_shared>>) target(%dma_start3A_34 : memref<16x16xf32, #tpu.memory_space<hbm>>) target_semaphore(%run_scoped3A : memref<!tpu.dma_semaphore, #tpu.memory_space<semaphore_mem>>)
        %dma_wait3A = arith.constant 9984 : i32
        %dma_wait3A_38 = tpu.memref_slice %arg6[%dma_wait3A, %mul3A_28] : memref<10000x128xf32, #tpu.memory_space<hbm>> -> memref<16x16xf32, #tpu.memory_space<hbm>>
        %dma_wait3A_39 = arith.constant 9984 : i32
        %dma_wait3A_40 = arith.constant 0 : i32
        %dma_wait3A_41 = tpu.memref_slice %arg9[%dma_wait3A_39, %dma_wait3A_40] : memref<10008x16xf32, #tpu.memory_space<vmem_shared>> -> memref<16x16xf32, #tpu.memory_space<vmem_shared>>
        tpu.wait_dma2 semaphore(%run_scoped3A : memref<!tpu.dma_semaphore, #tpu.memory_space<semaphore_mem>>) src(%dma_wait3A_41 : memref<16x16xf32, #tpu.memory_space<vmem_shared>>) dst(%dma_wait3A_38 : memref<16x16xf32, #tpu.memory_space<hbm>>)
        tpu.yield
      }) : () -> ()
    } else {
    }
    return
  }
}

#map = affine_map<(d0, d1) -> (0, 0)>
#map1 = affine_map<(d0, d1) -> (0, 0, 0)>
module attributes {stable_mosaic.version = 14 : i64} {
  func.func @agg(%arg0: i32, %arg1: i32, %arg2: memref<10000x32xf32, #tpu.memory_space<hbm>>, %arg3: memref<2x2500x128xi32, #tpu.memory_space<hbm>>, %arg4: memref<2x60x128xi32, #tpu.memory_space<hbm>>, %arg5: memref<10000x32xf32, #tpu.memory_space<hbm>>, %arg6: memref<10000x128xf32, #tpu.memory_space<hbm>>, %arg7: memref<80x128xi32, #tpu.memory_space<vmem>>, %arg8: memref<80x128xi32, #tpu.memory_space<vmem>>, %arg9: memref<128x32xf32, #tpu.memory_space<vmem>>, %arg10: memref<128x32xf32, #tpu.memory_space<vmem>>, %arg11: memref<10008x32xf32, #tpu.memory_space<vmem_shared>>, %arg12: memref<10008x32xf32, #tpu.memory_space<vmem_shared>>, %arg13: memref<!tpu.dma_semaphore, #tpu.memory_space<semaphore_mem>>, %arg14: memref<!tpu.dma_semaphore, #tpu.memory_space<semaphore_mem>>, %arg15: memref<!tpu.dma_semaphore, #tpu.memory_space<semaphore_mem>>, %arg16: memref<!tpu.dma_semaphore, #tpu.memory_space<semaphore_mem>>) attributes {dimension_semantics = [#tpu.dimension_semantics<core_parallel>, #tpu.dimension_semantics<subcore_parallel>], iteration_bounds = array<i64: 2, 16>, scalar_prefetch = 0 : i64, scratch_operands = 10 : i64, tpu.core_type = #tpu.core_type<sc_vector_subcore>, window_params = [{transform_indices = #map}, {transform_indices = #map1}, {transform_indices = #map1}, {transform_indices = #map}, {transform_indices = #map}]} {
    %mul3A = arith.constant 16 : i32
    %mul3A_0 = arith.muli %arg0, %mul3A : i32
    %add3A = arith.addi %mul3A_0, %arg1 : i32
    %mul3A_1 = arith.constant 624 : i32
    %mul3A_2 = arith.muli %arg1, %mul3A_1 : i32
    "tpu.region"() ({
      %run_scoped3A = tpu.sem_alloc : memref<!tpu.dma_semaphore, #tpu.memory_space<semaphore_mem>>
      %dma_start3A_84 = arith.constant 0 : i32
      %dma_start3A_85 = tpu.memref_slice %arg11[%mul3A_2, %dma_start3A_84] : memref<10008x32xf32, #tpu.memory_space<vmem_shared>> -> memref<624x32xf32, #tpu.memory_space<vmem_shared>>
      %dma_start3A_86 = arith.constant 0 : i32
      %dma_start3A_87 = tpu.memref_slice %arg5[%mul3A_2, %dma_start3A_86] : memref<10000x32xf32, #tpu.memory_space<hbm>> -> memref<624x32xf32, #tpu.memory_space<hbm>>
      tpu.enqueue_dma source(%dma_start3A_87 : memref<624x32xf32, #tpu.memory_space<hbm>>) target(%dma_start3A_85 : memref<624x32xf32, #tpu.memory_space<vmem_shared>>) target_semaphore(%run_scoped3A : memref<!tpu.dma_semaphore, #tpu.memory_space<semaphore_mem>>)
      %dma_wait3A_88 = arith.constant 0 : i32
      %dma_wait3A_89 = tpu.memref_slice %arg11[%mul3A_2, %dma_wait3A_88] : memref<10008x32xf32, #tpu.memory_space<vmem_shared>> -> memref<624x32xf32, #tpu.memory_space<vmem_shared>>
      %dma_wait3A_90 = arith.constant 0 : i32
      %dma_wait3A_91 = tpu.memref_slice %arg5[%mul3A_2, %dma_wait3A_90] : memref<10000x32xf32, #tpu.memory_space<hbm>> -> memref<624x32xf32, #tpu.memory_space<hbm>>
      tpu.wait_dma2 semaphore(%run_scoped3A : memref<!tpu.dma_semaphore, #tpu.memory_space<semaphore_mem>>) src(%dma_wait3A_91 : memref<624x32xf32, #tpu.memory_space<hbm>>) dst(%dma_wait3A_89 : memref<624x32xf32, #tpu.memory_space<vmem_shared>>)
      tpu.yield
    }) : () -> ()
    %eq3A = arith.constant 15 : i32
    %eq3A_3 = arith.cmpi eq, %arg1, %eq3A : i32
    %convert_element_type3A = arith.extui %eq3A_3 : i1 to i32
    %cond3A = arith.constant 0 : i32
    %cond3A_4 = arith.cmpi ne, %convert_element_type3A, %cond3A : i32
    scf.if %cond3A_4 {
      "tpu.region"() ({
        %run_scoped3A = tpu.sem_alloc : memref<!tpu.dma_semaphore, #tpu.memory_space<semaphore_mem>>
        %dma_start3A_84 = arith.constant 9984 : i32
        %dma_start3A_85 = arith.constant 0 : i32
        %dma_start3A_86 = tpu.memref_slice %arg11[%dma_start3A_84, %dma_start3A_85] : memref<10008x32xf32, #tpu.memory_space<vmem_shared>> -> memref<16x32xf32, #tpu.memory_space<vmem_shared>>
        %dma_start3A_87 = arith.constant 9984 : i32
        %dma_start3A_88 = arith.constant 0 : i32
        %dma_start3A_89 = tpu.memref_slice %arg5[%dma_start3A_87, %dma_start3A_88] : memref<10000x32xf32, #tpu.memory_space<hbm>> -> memref<16x32xf32, #tpu.memory_space<hbm>>
        tpu.enqueue_dma source(%dma_start3A_89 : memref<16x32xf32, #tpu.memory_space<hbm>>) target(%dma_start3A_86 : memref<16x32xf32, #tpu.memory_space<vmem_shared>>) target_semaphore(%run_scoped3A : memref<!tpu.dma_semaphore, #tpu.memory_space<semaphore_mem>>)
        %dma_wait3A_90 = arith.constant 9984 : i32
        %dma_wait3A_91 = arith.constant 0 : i32
        %dma_wait3A_92 = tpu.memref_slice %arg11[%dma_wait3A_90, %dma_wait3A_91] : memref<10008x32xf32, #tpu.memory_space<vmem_shared>> -> memref<16x32xf32, #tpu.memory_space<vmem_shared>>
        %dma_wait3A_93 = arith.constant 9984 : i32
        %dma_wait3A_94 = arith.constant 0 : i32
        %dma_wait3A_95 = tpu.memref_slice %arg5[%dma_wait3A_93, %dma_wait3A_94] : memref<10000x32xf32, #tpu.memory_space<hbm>> -> memref<16x32xf32, #tpu.memory_space<hbm>>
        tpu.wait_dma2 semaphore(%run_scoped3A : memref<!tpu.dma_semaphore, #tpu.memory_space<semaphore_mem>>) src(%dma_wait3A_95 : memref<16x32xf32, #tpu.memory_space<hbm>>) dst(%dma_wait3A_92 : memref<16x32xf32, #tpu.memory_space<vmem_shared>>)
        tpu.yield
      }) : () -> ()
    } else {
    }
    "tpu.region"() ({
      %run_scoped3A = tpu.sem_alloc : memref<!tpu.dma_semaphore, #tpu.memory_space<semaphore_mem>>
      %dma_start3A_84 = arith.constant 0 : i32
      %dma_start3A_85 = tpu.memref_slice %arg12[%mul3A_2, %dma_start3A_84] : memref<10008x32xf32, #tpu.memory_space<vmem_shared>> -> memref<624x32xf32, #tpu.memory_space<vmem_shared>>
      %dma_start3A_86 = arith.constant 0 : i32
      %dma_start3A_87 = tpu.memref_slice %arg2[%mul3A_2, %dma_start3A_86] : memref<10000x32xf32, #tpu.memory_space<hbm>> -> memref<624x32xf32, #tpu.memory_space<hbm>>
      tpu.enqueue_dma source(%dma_start3A_87 : memref<624x32xf32, #tpu.memory_space<hbm>>) target(%dma_start3A_85 : memref<624x32xf32, #tpu.memory_space<vmem_shared>>) target_semaphore(%run_scoped3A : memref<!tpu.dma_semaphore, #tpu.memory_space<semaphore_mem>>)
      %dma_wait3A_88 = arith.constant 0 : i32
      %dma_wait3A_89 = tpu.memref_slice %arg12[%mul3A_2, %dma_wait3A_88] : memref<10008x32xf32, #tpu.memory_space<vmem_shared>> -> memref<624x32xf32, #tpu.memory_space<vmem_shared>>
      %dma_wait3A_90 = arith.constant 0 : i32
      %dma_wait3A_91 = tpu.memref_slice %arg2[%mul3A_2, %dma_wait3A_90] : memref<10000x32xf32, #tpu.memory_space<hbm>> -> memref<624x32xf32, #tpu.memory_space<hbm>>
      tpu.wait_dma2 semaphore(%run_scoped3A : memref<!tpu.dma_semaphore, #tpu.memory_space<semaphore_mem>>) src(%dma_wait3A_91 : memref<624x32xf32, #tpu.memory_space<hbm>>) dst(%dma_wait3A_89 : memref<624x32xf32, #tpu.memory_space<vmem_shared>>)
      tpu.yield
    }) : () -> ()
    %eq3A_5 = arith.constant 15 : i32
    %eq3A_6 = arith.cmpi eq, %arg1, %eq3A_5 : i32
    %convert_element_type3A_7 = arith.extui %eq3A_6 : i1 to i32
    %cond3A_8 = arith.constant 0 : i32
    %cond3A_9 = arith.cmpi ne, %convert_element_type3A_7, %cond3A_8 : i32
    scf.if %cond3A_9 {
      "tpu.region"() ({
        %run_scoped3A = tpu.sem_alloc : memref<!tpu.dma_semaphore, #tpu.memory_space<semaphore_mem>>
        %dma_start3A_84 = arith.constant 9984 : i32
        %dma_start3A_85 = arith.constant 0 : i32
        %dma_start3A_86 = tpu.memref_slice %arg12[%dma_start3A_84, %dma_start3A_85] : memref<10008x32xf32, #tpu.memory_space<vmem_shared>> -> memref<16x32xf32, #tpu.memory_space<vmem_shared>>
        %dma_start3A_87 = arith.constant 9984 : i32
        %dma_start3A_88 = arith.constant 0 : i32
        %dma_start3A_89 = tpu.memref_slice %arg2[%dma_start3A_87, %dma_start3A_88] : memref<10000x32xf32, #tpu.memory_space<hbm>> -> memref<16x32xf32, #tpu.memory_space<hbm>>
        tpu.enqueue_dma source(%dma_start3A_89 : memref<16x32xf32, #tpu.memory_space<hbm>>) target(%dma_start3A_86 : memref<16x32xf32, #tpu.memory_space<vmem_shared>>) target_semaphore(%run_scoped3A : memref<!tpu.dma_semaphore, #tpu.memory_space<semaphore_mem>>)
        %dma_wait3A_90 = arith.constant 9984 : i32
        %dma_wait3A_91 = arith.constant 0 : i32
        %dma_wait3A_92 = tpu.memref_slice %arg12[%dma_wait3A_90, %dma_wait3A_91] : memref<10008x32xf32, #tpu.memory_space<vmem_shared>> -> memref<16x32xf32, #tpu.memory_space<vmem_shared>>
        %dma_wait3A_93 = arith.constant 9984 : i32
        %dma_wait3A_94 = arith.constant 0 : i32
        %dma_wait3A_95 = tpu.memref_slice %arg2[%dma_wait3A_93, %dma_wait3A_94] : memref<10000x32xf32, #tpu.memory_space<hbm>> -> memref<16x32xf32, #tpu.memory_space<hbm>>
        tpu.wait_dma2 semaphore(%run_scoped3A : memref<!tpu.dma_semaphore, #tpu.memory_space<semaphore_mem>>) src(%dma_wait3A_95 : memref<16x32xf32, #tpu.memory_space<hbm>>) dst(%dma_wait3A_92 : memref<16x32xf32, #tpu.memory_space<vmem_shared>>)
        tpu.yield
      }) : () -> ()
    } else {
    }
    %mul3A_10 = arith.constant 80 : i32
    %mul3A_11 = arith.muli %add3A, %mul3A_10 : i32
    %add3A_12 = arith.constant 80 : i32
    %add3A_13 = arith.addi %mul3A_11, %add3A_12 : i32
    %le3A = arith.constant 2500 : i32
    %le3A_14 = arith.cmpi sle, %add3A_13, %le3A : i32
    %convert_element_type3A_15 = arith.extui %le3A_14 : i1 to i32
    %cond3A_16 = arith.constant 0 : i32
    %cond3A_17 = arith.constant 0 : i32
    %cond3A_18 = arith.cmpi ne, %convert_element_type3A_15, %cond3A_17 : i32
    scf.if %cond3A_18 {
      "tpu.region"() ({
        %run_scoped3A = tpu.sem_alloc : memref<!tpu.dma_semaphore, #tpu.memory_space<semaphore_mem>>
        %dma_start3A_84 = arith.constant 0 : i32
        %dma_start3A_85 = arith.constant 0 : i32
        %dma_start3A_86 = tpu.memref_slice %arg3[%cond3A_16, %dma_start3A_84, %dma_start3A_85] : memref<2x2500x128xi32, #tpu.memory_space<hbm>> -> memref<1x2500x128xi32, #tpu.memory_space<hbm>>
        %dma_start3A_87 = tpu.memref_squeeze %dma_start3A_86 : memref<1x2500x128xi32, #tpu.memory_space<hbm>> -> memref<2500x128xi32, #tpu.memory_space<hbm>>
        %dma_start3A_88 = arith.constant 0 : i32
        %dma_start3A_89 = tpu.memref_slice %dma_start3A_87[%mul3A_11, %dma_start3A_88] : memref<2500x128xi32, #tpu.memory_space<hbm>> -> memref<80x128xi32, #tpu.memory_space<hbm>>
        %dma_start3A_90 = arith.constant 0 : i32
        %dma_start3A_91 = arith.constant 0 : i32
        %dma_start3A_92 = tpu.memref_slice %arg3[%cond3A_16, %dma_start3A_90, %dma_start3A_91] : memref<2x2500x128xi32, #tpu.memory_space<hbm>> -> memref<1x2500x128xi32, #tpu.memory_space<hbm>>
        %dma_start3A_93 = tpu.memref_squeeze %dma_start3A_92 : memref<1x2500x128xi32, #tpu.memory_space<hbm>> -> memref<2500x128xi32, #tpu.memory_space<hbm>>
        %dma_start3A_94 = arith.constant 0 : i32
        %dma_start3A_95 = tpu.memref_slice %dma_start3A_93[%mul3A_11, %dma_start3A_94] : memref<2500x128xi32, #tpu.memory_space<hbm>> -> memref<80x128xi32, #tpu.memory_space<hbm>>
        tpu.enqueue_dma source(%dma_start3A_95 : memref<80x128xi32, #tpu.memory_space<hbm>>) target(%arg7 : memref<80x128xi32, #tpu.memory_space<vmem>>) target_semaphore(%run_scoped3A : memref<!tpu.dma_semaphore, #tpu.memory_space<semaphore_mem>>)
        %dma_wait3A_96 = arith.constant 0 : i32
        %dma_wait3A_97 = arith.constant 0 : i32
        %dma_wait3A_98 = tpu.memref_slice %arg3[%cond3A_16, %dma_wait3A_96, %dma_wait3A_97] : memref<2x2500x128xi32, #tpu.memory_space<hbm>> -> memref<1x2500x128xi32, #tpu.memory_space<hbm>>
        %dma_wait3A_99 = tpu.memref_squeeze %dma_wait3A_98 : memref<1x2500x128xi32, #tpu.memory_space<hbm>> -> memref<2500x128xi32, #tpu.memory_space<hbm>>
        %dma_wait3A_100 = arith.constant 0 : i32
        %dma_wait3A_101 = tpu.memref_slice %dma_wait3A_99[%mul3A_11, %dma_wait3A_100] : memref<2500x128xi32, #tpu.memory_space<hbm>> -> memref<80x128xi32, #tpu.memory_space<hbm>>
        %dma_wait3A_102 = arith.constant 0 : i32
        %dma_wait3A_103 = arith.constant 0 : i32
        %dma_wait3A_104 = tpu.memref_slice %arg3[%cond3A_16, %dma_wait3A_102, %dma_wait3A_103] : memref<2x2500x128xi32, #tpu.memory_space<hbm>> -> memref<1x2500x128xi32, #tpu.memory_space<hbm>>
        %dma_wait3A_105 = tpu.memref_squeeze %dma_wait3A_104 : memref<1x2500x128xi32, #tpu.memory_space<hbm>> -> memref<2500x128xi32, #tpu.memory_space<hbm>>
        %dma_wait3A_106 = arith.constant 0 : i32
        %dma_wait3A_107 = tpu.memref_slice %dma_wait3A_105[%mul3A_11, %dma_wait3A_106] : memref<2500x128xi32, #tpu.memory_space<hbm>> -> memref<80x128xi32, #tpu.memory_space<hbm>>
        tpu.wait_dma2 semaphore(%run_scoped3A : memref<!tpu.dma_semaphore, #tpu.memory_space<semaphore_mem>>) src(%dma_wait3A_107 : memref<80x128xi32, #tpu.memory_space<hbm>>) dst(%arg7 : memref<80x128xi32, #tpu.memory_space<vmem>>)
        tpu.yield
      }) : () -> ()
    } else {
    }
    %add3A_19 = arith.constant 80 : i32
    %add3A_20 = arith.addi %mul3A_11, %add3A_19 : i32
    %gt3A = arith.constant 2500 : i32
    %gt3A_21 = arith.cmpi sgt, %add3A_20, %gt3A : i32
    %convert_element_type3A_22 = arith.extui %gt3A_21 : i1 to i32
    %cond3A_23 = arith.constant 0 : i32
    %cond3A_24 = arith.constant 0 : i32
    %cond3A_25 = arith.constant 0 : i32
    %cond3A_26 = arith.cmpi ne, %convert_element_type3A_22, %cond3A_25 : i32
    scf.if %cond3A_26 {
      "tpu.region"() ({
        %run_scoped3A = tpu.sem_alloc : memref<!tpu.dma_semaphore, #tpu.memory_space<semaphore_mem>>
        %dma_start3A_84 = arith.constant 0 : i32
        %dma_start3A_85 = arith.constant 0 : i32
        %dma_start3A_86 = tpu.memref_slice %arg7[%dma_start3A_84, %dma_start3A_85] : memref<80x128xi32, #tpu.memory_space<vmem>> -> memref<20x128xi32, #tpu.memory_space<vmem>>
        %dma_start3A_87 = arith.constant 0 : i32
        %dma_start3A_88 = arith.constant 0 : i32
        %dma_start3A_89 = tpu.memref_slice %arg3[%cond3A_23, %dma_start3A_87, %dma_start3A_88] : memref<2x2500x128xi32, #tpu.memory_space<hbm>> -> memref<1x2500x128xi32, #tpu.memory_space<hbm>>
        %dma_start3A_90 = tpu.memref_squeeze %dma_start3A_89 : memref<1x2500x128xi32, #tpu.memory_space<hbm>> -> memref<2500x128xi32, #tpu.memory_space<hbm>>
        %dma_start3A_91 = arith.constant 0 : i32
        %dma_start3A_92 = tpu.memref_slice %dma_start3A_90[%mul3A_11, %dma_start3A_91] : memref<2500x128xi32, #tpu.memory_space<hbm>> -> memref<20x128xi32, #tpu.memory_space<hbm>>
        %dma_start3A_93 = arith.constant 0 : i32
        %dma_start3A_94 = arith.constant 0 : i32
        %dma_start3A_95 = tpu.memref_slice %arg7[%dma_start3A_93, %dma_start3A_94] : memref<80x128xi32, #tpu.memory_space<vmem>> -> memref<20x128xi32, #tpu.memory_space<vmem>>
        %dma_start3A_96 = arith.constant 0 : i32
        %dma_start3A_97 = arith.constant 0 : i32
        %dma_start3A_98 = tpu.memref_slice %arg3[%cond3A_23, %dma_start3A_96, %dma_start3A_97] : memref<2x2500x128xi32, #tpu.memory_space<hbm>> -> memref<1x2500x128xi32, #tpu.memory_space<hbm>>
        %dma_start3A_99 = tpu.memref_squeeze %dma_start3A_98 : memref<1x2500x128xi32, #tpu.memory_space<hbm>> -> memref<2500x128xi32, #tpu.memory_space<hbm>>
        %dma_start3A_100 = arith.constant 0 : i32
        %dma_start3A_101 = tpu.memref_slice %dma_start3A_99[%mul3A_11, %dma_start3A_100] : memref<2500x128xi32, #tpu.memory_space<hbm>> -> memref<20x128xi32, #tpu.memory_space<hbm>>
        tpu.enqueue_dma source(%dma_start3A_101 : memref<20x128xi32, #tpu.memory_space<hbm>>) target(%dma_start3A_95 : memref<20x128xi32, #tpu.memory_space<vmem>>) target_semaphore(%run_scoped3A : memref<!tpu.dma_semaphore, #tpu.memory_space<semaphore_mem>>)
        %dma_wait3A_102 = arith.constant 0 : i32
        %dma_wait3A_103 = arith.constant 0 : i32
        %dma_wait3A_104 = tpu.memref_slice %arg7[%dma_wait3A_102, %dma_wait3A_103] : memref<80x128xi32, #tpu.memory_space<vmem>> -> memref<20x128xi32, #tpu.memory_space<vmem>>
        %dma_wait3A_105 = arith.constant 0 : i32
        %dma_wait3A_106 = arith.constant 0 : i32
        %dma_wait3A_107 = tpu.memref_slice %arg3[%cond3A_23, %dma_wait3A_105, %dma_wait3A_106] : memref<2x2500x128xi32, #tpu.memory_space<hbm>> -> memref<1x2500x128xi32, #tpu.memory_space<hbm>>
        %dma_wait3A_108 = tpu.memref_squeeze %dma_wait3A_107 : memref<1x2500x128xi32, #tpu.memory_space<hbm>> -> memref<2500x128xi32, #tpu.memory_space<hbm>>
        %dma_wait3A_109 = arith.constant 0 : i32
        %dma_wait3A_110 = tpu.memref_slice %dma_wait3A_108[%mul3A_11, %dma_wait3A_109] : memref<2500x128xi32, #tpu.memory_space<hbm>> -> memref<20x128xi32, #tpu.memory_space<hbm>>
        %dma_wait3A_111 = arith.constant 0 : i32
        %dma_wait3A_112 = arith.constant 0 : i32
        %dma_wait3A_113 = tpu.memref_slice %arg7[%dma_wait3A_111, %dma_wait3A_112] : memref<80x128xi32, #tpu.memory_space<vmem>> -> memref<20x128xi32, #tpu.memory_space<vmem>>
        %dma_wait3A_114 = arith.constant 0 : i32
        %dma_wait3A_115 = arith.constant 0 : i32
        %dma_wait3A_116 = tpu.memref_slice %arg3[%cond3A_23, %dma_wait3A_114, %dma_wait3A_115] : memref<2x2500x128xi32, #tpu.memory_space<hbm>> -> memref<1x2500x128xi32, #tpu.memory_space<hbm>>
        %dma_wait3A_117 = tpu.memref_squeeze %dma_wait3A_116 : memref<1x2500x128xi32, #tpu.memory_space<hbm>> -> memref<2500x128xi32, #tpu.memory_space<hbm>>
        %dma_wait3A_118 = arith.constant 0 : i32
        %dma_wait3A_119 = tpu.memref_slice %dma_wait3A_117[%mul3A_11, %dma_wait3A_118] : memref<2500x128xi32, #tpu.memory_space<hbm>> -> memref<20x128xi32, #tpu.memory_space<hbm>>
        tpu.wait_dma2 semaphore(%run_scoped3A : memref<!tpu.dma_semaphore, #tpu.memory_space<semaphore_mem>>) src(%dma_wait3A_119 : memref<20x128xi32, #tpu.memory_space<hbm>>) dst(%dma_wait3A_113 : memref<20x128xi32, #tpu.memory_space<vmem>>)
        tpu.yield
      }) : () -> ()
      "tpu.region"() ({
        %run_scoped3A = tpu.sem_alloc : memref<!tpu.dma_semaphore, #tpu.memory_space<semaphore_mem>>
        %dma_start3A_84 = arith.constant 20 : i32
        %dma_start3A_85 = arith.constant 0 : i32
        %dma_start3A_86 = tpu.memref_slice %arg7[%dma_start3A_84, %dma_start3A_85] : memref<80x128xi32, #tpu.memory_space<vmem>> -> memref<60x128xi32, #tpu.memory_space<vmem>>
        %dma_start3A_87 = arith.constant 0 : i32
        %dma_start3A_88 = arith.constant 0 : i32
        %dma_start3A_89 = tpu.memref_slice %arg4[%cond3A_24, %dma_start3A_87, %dma_start3A_88] : memref<2x60x128xi32, #tpu.memory_space<hbm>> -> memref<1x60x128xi32, #tpu.memory_space<hbm>>
        %dma_start3A_90 = tpu.memref_squeeze %dma_start3A_89 : memref<1x60x128xi32, #tpu.memory_space<hbm>> -> memref<60x128xi32, #tpu.memory_space<hbm>>
        %dma_start3A_91 = arith.constant 20 : i32
        %dma_start3A_92 = arith.constant 0 : i32
        %dma_start3A_93 = tpu.memref_slice %arg7[%dma_start3A_91, %dma_start3A_92] : memref<80x128xi32, #tpu.memory_space<vmem>> -> memref<60x128xi32, #tpu.memory_space<vmem>>
        %dma_start3A_94 = arith.constant 0 : i32
        %dma_start3A_95 = arith.constant 0 : i32
        %dma_start3A_96 = tpu.memref_slice %arg4[%cond3A_24, %dma_start3A_94, %dma_start3A_95] : memref<2x60x128xi32, #tpu.memory_space<hbm>> -> memref<1x60x128xi32, #tpu.memory_space<hbm>>
        %dma_start3A_97 = tpu.memref_squeeze %dma_start3A_96 : memref<1x60x128xi32, #tpu.memory_space<hbm>> -> memref<60x128xi32, #tpu.memory_space<hbm>>
        tpu.enqueue_dma source(%dma_start3A_97 : memref<60x128xi32, #tpu.memory_space<hbm>>) target(%dma_start3A_93 : memref<60x128xi32, #tpu.memory_space<vmem>>) target_semaphore(%run_scoped3A : memref<!tpu.dma_semaphore, #tpu.memory_space<semaphore_mem>>)
        %dma_wait3A_98 = arith.constant 20 : i32
        %dma_wait3A_99 = arith.constant 0 : i32
        %dma_wait3A_100 = tpu.memref_slice %arg7[%dma_wait3A_98, %dma_wait3A_99] : memref<80x128xi32, #tpu.memory_space<vmem>> -> memref<60x128xi32, #tpu.memory_space<vmem>>
        %dma_wait3A_101 = arith.constant 0 : i32
        %dma_wait3A_102 = arith.constant 0 : i32
        %dma_wait3A_103 = tpu.memref_slice %arg4[%cond3A_24, %dma_wait3A_101, %dma_wait3A_102] : memref<2x60x128xi32, #tpu.memory_space<hbm>> -> memref<1x60x128xi32, #tpu.memory_space<hbm>>
        %dma_wait3A_104 = tpu.memref_squeeze %dma_wait3A_103 : memref<1x60x128xi32, #tpu.memory_space<hbm>> -> memref<60x128xi32, #tpu.memory_space<hbm>>
        %dma_wait3A_105 = arith.constant 20 : i32
        %dma_wait3A_106 = arith.constant 0 : i32
        %dma_wait3A_107 = tpu.memref_slice %arg7[%dma_wait3A_105, %dma_wait3A_106] : memref<80x128xi32, #tpu.memory_space<vmem>> -> memref<60x128xi32, #tpu.memory_space<vmem>>
        %dma_wait3A_108 = arith.constant 0 : i32
        %dma_wait3A_109 = arith.constant 0 : i32
        %dma_wait3A_110 = tpu.memref_slice %arg4[%cond3A_24, %dma_wait3A_108, %dma_wait3A_109] : memref<2x60x128xi32, #tpu.memory_space<hbm>> -> memref<1x60x128xi32, #tpu.memory_space<hbm>>
        %dma_wait3A_111 = tpu.memref_squeeze %dma_wait3A_110 : memref<1x60x128xi32, #tpu.memory_space<hbm>> -> memref<60x128xi32, #tpu.memory_space<hbm>>
        tpu.wait_dma2 semaphore(%run_scoped3A : memref<!tpu.dma_semaphore, #tpu.memory_space<semaphore_mem>>) src(%dma_wait3A_111 : memref<60x128xi32, #tpu.memory_space<hbm>>) dst(%dma_wait3A_107 : memref<60x128xi32, #tpu.memory_space<vmem>>)
        tpu.yield
      }) : () -> ()
    } else {
    }
    %mul3A_27 = arith.constant 80 : i32
    %mul3A_28 = arith.muli %add3A, %mul3A_27 : i32
    %add3A_29 = arith.constant 80 : i32
    %add3A_30 = arith.addi %mul3A_28, %add3A_29 : i32
    %le3A_31 = arith.constant 2500 : i32
    %le3A_32 = arith.cmpi sle, %add3A_30, %le3A_31 : i32
    %convert_element_type3A_33 = arith.extui %le3A_32 : i1 to i32
    %cond3A_34 = arith.constant 1 : i32
    %cond3A_35 = arith.constant 0 : i32
    %cond3A_36 = arith.cmpi ne, %convert_element_type3A_33, %cond3A_35 : i32
    scf.if %cond3A_36 {
      "tpu.region"() ({
        %run_scoped3A = tpu.sem_alloc : memref<!tpu.dma_semaphore, #tpu.memory_space<semaphore_mem>>
        %dma_start3A_84 = arith.constant 0 : i32
        %dma_start3A_85 = arith.constant 0 : i32
        %dma_start3A_86 = tpu.memref_slice %arg3[%cond3A_34, %dma_start3A_84, %dma_start3A_85] : memref<2x2500x128xi32, #tpu.memory_space<hbm>> -> memref<1x2500x128xi32, #tpu.memory_space<hbm>>
        %dma_start3A_87 = tpu.memref_squeeze %dma_start3A_86 : memref<1x2500x128xi32, #tpu.memory_space<hbm>> -> memref<2500x128xi32, #tpu.memory_space<hbm>>
        %dma_start3A_88 = arith.constant 0 : i32
        %dma_start3A_89 = tpu.memref_slice %dma_start3A_87[%mul3A_28, %dma_start3A_88] : memref<2500x128xi32, #tpu.memory_space<hbm>> -> memref<80x128xi32, #tpu.memory_space<hbm>>
        %dma_start3A_90 = arith.constant 0 : i32
        %dma_start3A_91 = arith.constant 0 : i32
        %dma_start3A_92 = tpu.memref_slice %arg3[%cond3A_34, %dma_start3A_90, %dma_start3A_91] : memref<2x2500x128xi32, #tpu.memory_space<hbm>> -> memref<1x2500x128xi32, #tpu.memory_space<hbm>>
        %dma_start3A_93 = tpu.memref_squeeze %dma_start3A_92 : memref<1x2500x128xi32, #tpu.memory_space<hbm>> -> memref<2500x128xi32, #tpu.memory_space<hbm>>
        %dma_start3A_94 = arith.constant 0 : i32
        %dma_start3A_95 = tpu.memref_slice %dma_start3A_93[%mul3A_28, %dma_start3A_94] : memref<2500x128xi32, #tpu.memory_space<hbm>> -> memref<80x128xi32, #tpu.memory_space<hbm>>
        tpu.enqueue_dma source(%dma_start3A_95 : memref<80x128xi32, #tpu.memory_space<hbm>>) target(%arg8 : memref<80x128xi32, #tpu.memory_space<vmem>>) target_semaphore(%run_scoped3A : memref<!tpu.dma_semaphore, #tpu.memory_space<semaphore_mem>>)
        %dma_wait3A_96 = arith.constant 0 : i32
        %dma_wait3A_97 = arith.constant 0 : i32
        %dma_wait3A_98 = tpu.memref_slice %arg3[%cond3A_34, %dma_wait3A_96, %dma_wait3A_97] : memref<2x2500x128xi32, #tpu.memory_space<hbm>> -> memref<1x2500x128xi32, #tpu.memory_space<hbm>>
        %dma_wait3A_99 = tpu.memref_squeeze %dma_wait3A_98 : memref<1x2500x128xi32, #tpu.memory_space<hbm>> -> memref<2500x128xi32, #tpu.memory_space<hbm>>
        %dma_wait3A_100 = arith.constant 0 : i32
        %dma_wait3A_101 = tpu.memref_slice %dma_wait3A_99[%mul3A_28, %dma_wait3A_100] : memref<2500x128xi32, #tpu.memory_space<hbm>> -> memref<80x128xi32, #tpu.memory_space<hbm>>
        %dma_wait3A_102 = arith.constant 0 : i32
        %dma_wait3A_103 = arith.constant 0 : i32
        %dma_wait3A_104 = tpu.memref_slice %arg3[%cond3A_34, %dma_wait3A_102, %dma_wait3A_103] : memref<2x2500x128xi32, #tpu.memory_space<hbm>> -> memref<1x2500x128xi32, #tpu.memory_space<hbm>>
        %dma_wait3A_105 = tpu.memref_squeeze %dma_wait3A_104 : memref<1x2500x128xi32, #tpu.memory_space<hbm>> -> memref<2500x128xi32, #tpu.memory_space<hbm>>
        %dma_wait3A_106 = arith.constant 0 : i32
        %dma_wait3A_107 = tpu.memref_slice %dma_wait3A_105[%mul3A_28, %dma_wait3A_106] : memref<2500x128xi32, #tpu.memory_space<hbm>> -> memref<80x128xi32, #tpu.memory_space<hbm>>
        tpu.wait_dma2 semaphore(%run_scoped3A : memref<!tpu.dma_semaphore, #tpu.memory_space<semaphore_mem>>) src(%dma_wait3A_107 : memref<80x128xi32, #tpu.memory_space<hbm>>) dst(%arg8 : memref<80x128xi32, #tpu.memory_space<vmem>>)
        tpu.yield
      }) : () -> ()
    } else {
    }
    %add3A_37 = arith.constant 80 : i32
    %add3A_38 = arith.addi %mul3A_28, %add3A_37 : i32
    %gt3A_39 = arith.constant 2500 : i32
    %gt3A_40 = arith.cmpi sgt, %add3A_38, %gt3A_39 : i32
    %convert_element_type3A_41 = arith.extui %gt3A_40 : i1 to i32
    %cond3A_42 = arith.constant 1 : i32
    %cond3A_43 = arith.constant 1 : i32
    %cond3A_44 = arith.constant 0 : i32
    %cond3A_45 = arith.cmpi ne, %convert_element_type3A_41, %cond3A_44 : i32
    scf.if %cond3A_45 {
      "tpu.region"() ({
        %run_scoped3A = tpu.sem_alloc : memref<!tpu.dma_semaphore, #tpu.memory_space<semaphore_mem>>
        %dma_start3A_84 = arith.constant 0 : i32
        %dma_start3A_85 = arith.constant 0 : i32
        %dma_start3A_86 = tpu.memref_slice %arg8[%dma_start3A_84, %dma_start3A_85] : memref<80x128xi32, #tpu.memory_space<vmem>> -> memref<20x128xi32, #tpu.memory_space<vmem>>
        %dma_start3A_87 = arith.constant 0 : i32
        %dma_start3A_88 = arith.constant 0 : i32
        %dma_start3A_89 = tpu.memref_slice %arg3[%cond3A_42, %dma_start3A_87, %dma_start3A_88] : memref<2x2500x128xi32, #tpu.memory_space<hbm>> -> memref<1x2500x128xi32, #tpu.memory_space<hbm>>
        %dma_start3A_90 = tpu.memref_squeeze %dma_start3A_89 : memref<1x2500x128xi32, #tpu.memory_space<hbm>> -> memref<2500x128xi32, #tpu.memory_space<hbm>>
        %dma_start3A_91 = arith.constant 0 : i32
        %dma_start3A_92 = tpu.memref_slice %dma_start3A_90[%mul3A_28, %dma_start3A_91] : memref<2500x128xi32, #tpu.memory_space<hbm>> -> memref<20x128xi32, #tpu.memory_space<hbm>>
        %dma_start3A_93 = arith.constant 0 : i32
        %dma_start3A_94 = arith.constant 0 : i32
        %dma_start3A_95 = tpu.memref_slice %arg8[%dma_start3A_93, %dma_start3A_94] : memref<80x128xi32, #tpu.memory_space<vmem>> -> memref<20x128xi32, #tpu.memory_space<vmem>>
        %dma_start3A_96 = arith.constant 0 : i32
        %dma_start3A_97 = arith.constant 0 : i32
        %dma_start3A_98 = tpu.memref_slice %arg3[%cond3A_42, %dma_start3A_96, %dma_start3A_97] : memref<2x2500x128xi32, #tpu.memory_space<hbm>> -> memref<1x2500x128xi32, #tpu.memory_space<hbm>>
        %dma_start3A_99 = tpu.memref_squeeze %dma_start3A_98 : memref<1x2500x128xi32, #tpu.memory_space<hbm>> -> memref<2500x128xi32, #tpu.memory_space<hbm>>
        %dma_start3A_100 = arith.constant 0 : i32
        %dma_start3A_101 = tpu.memref_slice %dma_start3A_99[%mul3A_28, %dma_start3A_100] : memref<2500x128xi32, #tpu.memory_space<hbm>> -> memref<20x128xi32, #tpu.memory_space<hbm>>
        tpu.enqueue_dma source(%dma_start3A_101 : memref<20x128xi32, #tpu.memory_space<hbm>>) target(%dma_start3A_95 : memref<20x128xi32, #tpu.memory_space<vmem>>) target_semaphore(%run_scoped3A : memref<!tpu.dma_semaphore, #tpu.memory_space<semaphore_mem>>)
        %dma_wait3A_102 = arith.constant 0 : i32
        %dma_wait3A_103 = arith.constant 0 : i32
        %dma_wait3A_104 = tpu.memref_slice %arg8[%dma_wait3A_102, %dma_wait3A_103] : memref<80x128xi32, #tpu.memory_space<vmem>> -> memref<20x128xi32, #tpu.memory_space<vmem>>
        %dma_wait3A_105 = arith.constant 0 : i32
        %dma_wait3A_106 = arith.constant 0 : i32
        %dma_wait3A_107 = tpu.memref_slice %arg3[%cond3A_42, %dma_wait3A_105, %dma_wait3A_106] : memref<2x2500x128xi32, #tpu.memory_space<hbm>> -> memref<1x2500x128xi32, #tpu.memory_space<hbm>>
        %dma_wait3A_108 = tpu.memref_squeeze %dma_wait3A_107 : memref<1x2500x128xi32, #tpu.memory_space<hbm>> -> memref<2500x128xi32, #tpu.memory_space<hbm>>
        %dma_wait3A_109 = arith.constant 0 : i32
        %dma_wait3A_110 = tpu.memref_slice %dma_wait3A_108[%mul3A_28, %dma_wait3A_109] : memref<2500x128xi32, #tpu.memory_space<hbm>> -> memref<20x128xi32, #tpu.memory_space<hbm>>
        %dma_wait3A_111 = arith.constant 0 : i32
        %dma_wait3A_112 = arith.constant 0 : i32
        %dma_wait3A_113 = tpu.memref_slice %arg8[%dma_wait3A_111, %dma_wait3A_112] : memref<80x128xi32, #tpu.memory_space<vmem>> -> memref<20x128xi32, #tpu.memory_space<vmem>>
        %dma_wait3A_114 = arith.constant 0 : i32
        %dma_wait3A_115 = arith.constant 0 : i32
        %dma_wait3A_116 = tpu.memref_slice %arg3[%cond3A_42, %dma_wait3A_114, %dma_wait3A_115] : memref<2x2500x128xi32, #tpu.memory_space<hbm>> -> memref<1x2500x128xi32, #tpu.memory_space<hbm>>
        %dma_wait3A_117 = tpu.memref_squeeze %dma_wait3A_116 : memref<1x2500x128xi32, #tpu.memory_space<hbm>> -> memref<2500x128xi32, #tpu.memory_space<hbm>>
        %dma_wait3A_118 = arith.constant 0 : i32
        %dma_wait3A_119 = tpu.memref_slice %dma_wait3A_117[%mul3A_28, %dma_wait3A_118] : memref<2500x128xi32, #tpu.memory_space<hbm>> -> memref<20x128xi32, #tpu.memory_space<hbm>>
        tpu.wait_dma2 semaphore(%run_scoped3A : memref<!tpu.dma_semaphore, #tpu.memory_space<semaphore_mem>>) src(%dma_wait3A_119 : memref<20x128xi32, #tpu.memory_space<hbm>>) dst(%dma_wait3A_113 : memref<20x128xi32, #tpu.memory_space<vmem>>)
        tpu.yield
      }) : () -> ()
      "tpu.region"() ({
        %run_scoped3A = tpu.sem_alloc : memref<!tpu.dma_semaphore, #tpu.memory_space<semaphore_mem>>
        %dma_start3A_84 = arith.constant 20 : i32
        %dma_start3A_85 = arith.constant 0 : i32
        %dma_start3A_86 = tpu.memref_slice %arg8[%dma_start3A_84, %dma_start3A_85] : memref<80x128xi32, #tpu.memory_space<vmem>> -> memref<60x128xi32, #tpu.memory_space<vmem>>
        %dma_start3A_87 = arith.constant 0 : i32
        %dma_start3A_88 = arith.constant 0 : i32
        %dma_start3A_89 = tpu.memref_slice %arg4[%cond3A_43, %dma_start3A_87, %dma_start3A_88] : memref<2x60x128xi32, #tpu.memory_space<hbm>> -> memref<1x60x128xi32, #tpu.memory_space<hbm>>
        %dma_start3A_90 = tpu.memref_squeeze %dma_start3A_89 : memref<1x60x128xi32, #tpu.memory_space<hbm>> -> memref<60x128xi32, #tpu.memory_space<hbm>>
        %dma_start3A_91 = arith.constant 20 : i32
        %dma_start3A_92 = arith.constant 0 : i32
        %dma_start3A_93 = tpu.memref_slice %arg8[%dma_start3A_91, %dma_start3A_92] : memref<80x128xi32, #tpu.memory_space<vmem>> -> memref<60x128xi32, #tpu.memory_space<vmem>>
        %dma_start3A_94 = arith.constant 0 : i32
        %dma_start3A_95 = arith.constant 0 : i32
        %dma_start3A_96 = tpu.memref_slice %arg4[%cond3A_43, %dma_start3A_94, %dma_start3A_95] : memref<2x60x128xi32, #tpu.memory_space<hbm>> -> memref<1x60x128xi32, #tpu.memory_space<hbm>>
        %dma_start3A_97 = tpu.memref_squeeze %dma_start3A_96 : memref<1x60x128xi32, #tpu.memory_space<hbm>> -> memref<60x128xi32, #tpu.memory_space<hbm>>
        tpu.enqueue_dma source(%dma_start3A_97 : memref<60x128xi32, #tpu.memory_space<hbm>>) target(%dma_start3A_93 : memref<60x128xi32, #tpu.memory_space<vmem>>) target_semaphore(%run_scoped3A : memref<!tpu.dma_semaphore, #tpu.memory_space<semaphore_mem>>)
        %dma_wait3A_98 = arith.constant 20 : i32
        %dma_wait3A_99 = arith.constant 0 : i32
        %dma_wait3A_100 = tpu.memref_slice %arg8[%dma_wait3A_98, %dma_wait3A_99] : memref<80x128xi32, #tpu.memory_space<vmem>> -> memref<60x128xi32, #tpu.memory_space<vmem>>
        %dma_wait3A_101 = arith.constant 0 : i32
        %dma_wait3A_102 = arith.constant 0 : i32
        %dma_wait3A_103 = tpu.memref_slice %arg4[%cond3A_43, %dma_wait3A_101, %dma_wait3A_102] : memref<2x60x128xi32, #tpu.memory_space<hbm>> -> memref<1x60x128xi32, #tpu.memory_space<hbm>>
        %dma_wait3A_104 = tpu.memref_squeeze %dma_wait3A_103 : memref<1x60x128xi32, #tpu.memory_space<hbm>> -> memref<60x128xi32, #tpu.memory_space<hbm>>
        %dma_wait3A_105 = arith.constant 20 : i32
        %dma_wait3A_106 = arith.constant 0 : i32
        %dma_wait3A_107 = tpu.memref_slice %arg8[%dma_wait3A_105, %dma_wait3A_106] : memref<80x128xi32, #tpu.memory_space<vmem>> -> memref<60x128xi32, #tpu.memory_space<vmem>>
        %dma_wait3A_108 = arith.constant 0 : i32
        %dma_wait3A_109 = arith.constant 0 : i32
        %dma_wait3A_110 = tpu.memref_slice %arg4[%cond3A_43, %dma_wait3A_108, %dma_wait3A_109] : memref<2x60x128xi32, #tpu.memory_space<hbm>> -> memref<1x60x128xi32, #tpu.memory_space<hbm>>
        %dma_wait3A_111 = tpu.memref_squeeze %dma_wait3A_110 : memref<1x60x128xi32, #tpu.memory_space<hbm>> -> memref<60x128xi32, #tpu.memory_space<hbm>>
        tpu.wait_dma2 semaphore(%run_scoped3A : memref<!tpu.dma_semaphore, #tpu.memory_space<semaphore_mem>>) src(%dma_wait3A_111 : memref<60x128xi32, #tpu.memory_space<hbm>>) dst(%dma_wait3A_107 : memref<60x128xi32, #tpu.memory_space<vmem>>)
        tpu.yield
      }) : () -> ()
    } else {
    }
    %barrier3A = arith.constant 0 : index
    tpu.barrier barrier_id(%barrier3A)
    %dma_start3A = arith.constant 0 : i32
    %dma_start3A_46 = arith.constant 0 : i32
    %dma_start3A_47 = tpu.memref_slice %arg7[%dma_start3A, %dma_start3A_46] : memref<80x128xi32, #tpu.memory_space<vmem>> -> memref<1x128xi32, #tpu.memory_space<vmem>>
    %dma_start3A_48 = tpu.memref_squeeze %dma_start3A_47 : memref<1x128xi32, #tpu.memory_space<vmem>> -> memref<128xi32, #tpu.memory_space<vmem>>
    %dma_start3A_49 = arith.constant 0 : i32
    %dma_start3A_50 = arith.constant 0 : i32
    %dma_start3A_51 = tpu.memref_slice %arg12[%dma_start3A_49, %dma_start3A_50] : memref<10008x32xf32, #tpu.memory_space<vmem_shared>> -> memref<10008x32xf32, #tpu.memory_space<vmem_shared>>
    tpu.enqueue_indirect_dma source(%dma_start3A_51 : memref<10008x32xf32, #tpu.memory_space<vmem_shared>>) target(%arg9 : memref<128x32xf32, #tpu.memory_space<vmem>>) offsets(%dma_start3A_48 : memref<128xi32, #tpu.memory_space<vmem>>) semaphore(%arg13 : memref<!tpu.dma_semaphore, #tpu.memory_space<semaphore_mem>>)
    %dma_start3A_52 = arith.constant 1 : i32
    %dma_start3A_53 = arith.constant 0 : i32
    %dma_start3A_54 = tpu.memref_slice %arg7[%dma_start3A_52, %dma_start3A_53] : memref<80x128xi32, #tpu.memory_space<vmem>> -> memref<1x128xi32, #tpu.memory_space<vmem>>
    %dma_start3A_55 = tpu.memref_squeeze %dma_start3A_54 : memref<1x128xi32, #tpu.memory_space<vmem>> -> memref<128xi32, #tpu.memory_space<vmem>>
    %dma_start3A_56 = arith.constant 0 : i32
    %dma_start3A_57 = arith.constant 0 : i32
    %dma_start3A_58 = tpu.memref_slice %arg12[%dma_start3A_56, %dma_start3A_57] : memref<10008x32xf32, #tpu.memory_space<vmem_shared>> -> memref<10008x32xf32, #tpu.memory_space<vmem_shared>>
    tpu.enqueue_indirect_dma source(%dma_start3A_58 : memref<10008x32xf32, #tpu.memory_space<vmem_shared>>) target(%arg10 : memref<128x32xf32, #tpu.memory_space<vmem>>) offsets(%dma_start3A_55 : memref<128xi32, #tpu.memory_space<vmem>>) semaphore(%arg14 : memref<!tpu.dma_semaphore, #tpu.memory_space<semaphore_mem>>)
    %scan3A = arith.constant 0 : i32
    %scan3A_59 = arith.constant 40 : i32
    %scan3A_60 = arith.addi %scan3A, %scan3A_59 : i32
    %scan3A_61 = arith.constant 1 : i32
    scf.for %scan3A_84 = %scan3A to %scan3A_60 step %scan3A_61  : i32 {
      %mul3A_85 = arith.constant 1 : i32
      %mul3A_86 = arith.muli %scan3A_84, %mul3A_85 : i32
      %add3A_87 = arith.constant 0 : i32
      %add3A_88 = arith.addi %add3A_87, %mul3A_86 : i32
      %mul3A_89 = arith.constant 2 : i32
      %mul3A_90 = arith.muli %mul3A_89, %add3A_88 : i32
      %add3A_91 = arith.constant 1 : i32
      %add3A_92 = arith.addi %mul3A_90, %add3A_91 : i32
      %dma_wait3A_93 = arith.constant 0 : i32
      %dma_wait3A_94 = tpu.memref_slice %arg7[%mul3A_90, %dma_wait3A_93] : memref<80x128xi32, #tpu.memory_space<vmem>> -> memref<1x128xi32, #tpu.memory_space<vmem>>
      %dma_wait3A_95 = tpu.memref_squeeze %dma_wait3A_94 : memref<1x128xi32, #tpu.memory_space<vmem>> -> memref<128xi32, #tpu.memory_space<vmem>>
      %dma_wait3A_96 = arith.constant 0 : i32
      %dma_wait3A_97 = arith.constant 0 : i32
      %dma_wait3A_98 = tpu.memref_slice %arg12[%dma_wait3A_96, %dma_wait3A_97] : memref<10008x32xf32, #tpu.memory_space<vmem_shared>> -> memref<10008x32xf32, #tpu.memory_space<vmem_shared>>
      tpu.wait_indirect_dma semaphore(%arg13 : memref<!tpu.dma_semaphore, #tpu.memory_space<semaphore_mem>>) src(%dma_wait3A_98 : memref<10008x32xf32, #tpu.memory_space<vmem_shared>>) dst(%arg9 : memref<128x32xf32, #tpu.memory_space<vmem>>)
      %dma_start3A_99 = arith.constant 0 : i32
      %dma_start3A_100 = tpu.memref_slice %arg8[%mul3A_90, %dma_start3A_99] : memref<80x128xi32, #tpu.memory_space<vmem>> -> memref<1x128xi32, #tpu.memory_space<vmem>>
      %dma_start3A_101 = tpu.memref_squeeze %dma_start3A_100 : memref<1x128xi32, #tpu.memory_space<vmem>> -> memref<128xi32, #tpu.memory_space<vmem>>
      %dma_start3A_102 = arith.constant 0 : i32
      %dma_start3A_103 = arith.constant 0 : i32
      %dma_start3A_104 = tpu.memref_slice %arg11[%dma_start3A_102, %dma_start3A_103] : memref<10008x32xf32, #tpu.memory_space<vmem_shared>> -> memref<10008x32xf32, #tpu.memory_space<vmem_shared>>
      tpu.enqueue_indirect_dma source(%arg9 : memref<128x32xf32, #tpu.memory_space<vmem>>) target(%dma_start3A_104 : memref<10008x32xf32, #tpu.memory_space<vmem_shared>>) offsets(%dma_start3A_101 : memref<128xi32, #tpu.memory_space<vmem>>) semaphore(%arg15 : memref<!tpu.dma_semaphore, #tpu.memory_space<semaphore_mem>>) {add = true}
      %dma_wait3A_105 = arith.constant 0 : i32
      %dma_wait3A_106 = tpu.memref_slice %arg7[%add3A_92, %dma_wait3A_105] : memref<80x128xi32, #tpu.memory_space<vmem>> -> memref<1x128xi32, #tpu.memory_space<vmem>>
      %dma_wait3A_107 = tpu.memref_squeeze %dma_wait3A_106 : memref<1x128xi32, #tpu.memory_space<vmem>> -> memref<128xi32, #tpu.memory_space<vmem>>
      %dma_wait3A_108 = arith.constant 0 : i32
      %dma_wait3A_109 = arith.constant 0 : i32
      %dma_wait3A_110 = tpu.memref_slice %arg12[%dma_wait3A_108, %dma_wait3A_109] : memref<10008x32xf32, #tpu.memory_space<vmem_shared>> -> memref<10008x32xf32, #tpu.memory_space<vmem_shared>>
      tpu.wait_indirect_dma semaphore(%arg14 : memref<!tpu.dma_semaphore, #tpu.memory_space<semaphore_mem>>) src(%dma_wait3A_110 : memref<10008x32xf32, #tpu.memory_space<vmem_shared>>) dst(%arg10 : memref<128x32xf32, #tpu.memory_space<vmem>>)
      %dma_start3A_111 = arith.constant 0 : i32
      %dma_start3A_112 = tpu.memref_slice %arg8[%add3A_92, %dma_start3A_111] : memref<80x128xi32, #tpu.memory_space<vmem>> -> memref<1x128xi32, #tpu.memory_space<vmem>>
      %dma_start3A_113 = tpu.memref_squeeze %dma_start3A_112 : memref<1x128xi32, #tpu.memory_space<vmem>> -> memref<128xi32, #tpu.memory_space<vmem>>
      %dma_start3A_114 = arith.constant 0 : i32
      %dma_start3A_115 = arith.constant 0 : i32
      %dma_start3A_116 = tpu.memref_slice %arg11[%dma_start3A_114, %dma_start3A_115] : memref<10008x32xf32, #tpu.memory_space<vmem_shared>> -> memref<10008x32xf32, #tpu.memory_space<vmem_shared>>
      tpu.enqueue_indirect_dma source(%arg10 : memref<128x32xf32, #tpu.memory_space<vmem>>) target(%dma_start3A_116 : memref<10008x32xf32, #tpu.memory_space<vmem_shared>>) offsets(%dma_start3A_113 : memref<128xi32, #tpu.memory_space<vmem>>) semaphore(%arg16 : memref<!tpu.dma_semaphore, #tpu.memory_space<semaphore_mem>>) {add = true}
      %add3A_117 = arith.constant 2 : i32
      %add3A_118 = arith.addi %mul3A_90, %add3A_117 : i32
      %lt3A = arith.constant 80 : i32
      %lt3A_119 = arith.cmpi slt, %add3A_118, %lt3A : i32
      %convert_element_type3A_120 = arith.extui %lt3A_119 : i1 to i32
      %cond3A_121 = arith.constant 0 : i32
      %cond3A_122 = arith.cmpi ne, %convert_element_type3A_120, %cond3A_121 : i32
      scf.if %cond3A_122 {
        %dma_wait3A_123 = arith.constant 0 : i32
        %dma_wait3A_124 = tpu.memref_slice %arg8[%mul3A_90, %dma_wait3A_123] : memref<80x128xi32, #tpu.memory_space<vmem>> -> memref<1x128xi32, #tpu.memory_space<vmem>>
        %dma_wait3A_125 = tpu.memref_squeeze %dma_wait3A_124 : memref<1x128xi32, #tpu.memory_space<vmem>> -> memref<128xi32, #tpu.memory_space<vmem>>
        %dma_wait3A_126 = arith.constant 0 : i32
        %dma_wait3A_127 = arith.constant 0 : i32
        %dma_wait3A_128 = tpu.memref_slice %arg11[%dma_wait3A_126, %dma_wait3A_127] : memref<10008x32xf32, #tpu.memory_space<vmem_shared>> -> memref<10008x32xf32, #tpu.memory_space<vmem_shared>>
        tpu.wait_indirect_dma semaphore(%arg15 : memref<!tpu.dma_semaphore, #tpu.memory_space<semaphore_mem>>) src(%arg9 : memref<128x32xf32, #tpu.memory_space<vmem>>) dst(%dma_wait3A_128 : memref<10008x32xf32, #tpu.memory_space<vmem_shared>>)
        %add3A_129 = arith.constant 2 : i32
        %add3A_130 = arith.addi %mul3A_90, %add3A_129 : i32
        %dma_start3A_131 = arith.constant 0 : i32
        %dma_start3A_132 = tpu.memref_slice %arg7[%add3A_130, %dma_start3A_131] : memref<80x128xi32, #tpu.memory_space<vmem>> -> memref<1x128xi32, #tpu.memory_space<vmem>>
        %dma_start3A_133 = tpu.memref_squeeze %dma_start3A_132 : memref<1x128xi32, #tpu.memory_space<vmem>> -> memref<128xi32, #tpu.memory_space<vmem>>
        %dma_start3A_134 = arith.constant 0 : i32
        %dma_start3A_135 = arith.constant 0 : i32
        %dma_start3A_136 = tpu.memref_slice %arg12[%dma_start3A_134, %dma_start3A_135] : memref<10008x32xf32, #tpu.memory_space<vmem_shared>> -> memref<10008x32xf32, #tpu.memory_space<vmem_shared>>
        tpu.enqueue_indirect_dma source(%dma_start3A_136 : memref<10008x32xf32, #tpu.memory_space<vmem_shared>>) target(%arg9 : memref<128x32xf32, #tpu.memory_space<vmem>>) offsets(%dma_start3A_133 : memref<128xi32, #tpu.memory_space<vmem>>) semaphore(%arg13 : memref<!tpu.dma_semaphore, #tpu.memory_space<semaphore_mem>>)
        %dma_wait3A_137 = arith.constant 0 : i32
        %dma_wait3A_138 = tpu.memref_slice %arg8[%add3A_92, %dma_wait3A_137] : memref<80x128xi32, #tpu.memory_space<vmem>> -> memref<1x128xi32, #tpu.memory_space<vmem>>
        %dma_wait3A_139 = tpu.memref_squeeze %dma_wait3A_138 : memref<1x128xi32, #tpu.memory_space<vmem>> -> memref<128xi32, #tpu.memory_space<vmem>>
        %dma_wait3A_140 = arith.constant 0 : i32
        %dma_wait3A_141 = arith.constant 0 : i32
        %dma_wait3A_142 = tpu.memref_slice %arg11[%dma_wait3A_140, %dma_wait3A_141] : memref<10008x32xf32, #tpu.memory_space<vmem_shared>> -> memref<10008x32xf32, #tpu.memory_space<vmem_shared>>
        tpu.wait_indirect_dma semaphore(%arg16 : memref<!tpu.dma_semaphore, #tpu.memory_space<semaphore_mem>>) src(%arg10 : memref<128x32xf32, #tpu.memory_space<vmem>>) dst(%dma_wait3A_142 : memref<10008x32xf32, #tpu.memory_space<vmem_shared>>)
        %add3A_143 = arith.constant 2 : i32
        %add3A_144 = arith.addi %add3A_92, %add3A_143 : i32
        %dma_start3A_145 = arith.constant 0 : i32
        %dma_start3A_146 = tpu.memref_slice %arg7[%add3A_144, %dma_start3A_145] : memref<80x128xi32, #tpu.memory_space<vmem>> -> memref<1x128xi32, #tpu.memory_space<vmem>>
        %dma_start3A_147 = tpu.memref_squeeze %dma_start3A_146 : memref<1x128xi32, #tpu.memory_space<vmem>> -> memref<128xi32, #tpu.memory_space<vmem>>
        %dma_start3A_148 = arith.constant 0 : i32
        %dma_start3A_149 = arith.constant 0 : i32
        %dma_start3A_150 = tpu.memref_slice %arg12[%dma_start3A_148, %dma_start3A_149] : memref<10008x32xf32, #tpu.memory_space<vmem_shared>> -> memref<10008x32xf32, #tpu.memory_space<vmem_shared>>
        tpu.enqueue_indirect_dma source(%dma_start3A_150 : memref<10008x32xf32, #tpu.memory_space<vmem_shared>>) target(%arg10 : memref<128x32xf32, #tpu.memory_space<vmem>>) offsets(%dma_start3A_147 : memref<128xi32, #tpu.memory_space<vmem>>) semaphore(%arg14 : memref<!tpu.dma_semaphore, #tpu.memory_space<semaphore_mem>>)
      } else {
      }
    }
    %scan3A_62 = arith.constant 40 : i32
    %dma_wait3A = arith.constant 78 : i32
    %dma_wait3A_63 = arith.constant 0 : i32
    %dma_wait3A_64 = tpu.memref_slice %arg8[%dma_wait3A, %dma_wait3A_63] : memref<80x128xi32, #tpu.memory_space<vmem>> -> memref<1x128xi32, #tpu.memory_space<vmem>>
    %dma_wait3A_65 = tpu.memref_squeeze %dma_wait3A_64 : memref<1x128xi32, #tpu.memory_space<vmem>> -> memref<128xi32, #tpu.memory_space<vmem>>
    %dma_wait3A_66 = arith.constant 0 : i32
    %dma_wait3A_67 = arith.constant 0 : i32
    %dma_wait3A_68 = tpu.memref_slice %arg11[%dma_wait3A_66, %dma_wait3A_67] : memref<10008x32xf32, #tpu.memory_space<vmem_shared>> -> memref<10008x32xf32, #tpu.memory_space<vmem_shared>>
    tpu.wait_indirect_dma semaphore(%arg15 : memref<!tpu.dma_semaphore, #tpu.memory_space<semaphore_mem>>) src(%arg9 : memref<128x32xf32, #tpu.memory_space<vmem>>) dst(%dma_wait3A_68 : memref<10008x32xf32, #tpu.memory_space<vmem_shared>>)
    %dma_wait3A_69 = arith.constant 79 : i32
    %dma_wait3A_70 = arith.constant 0 : i32
    %dma_wait3A_71 = tpu.memref_slice %arg8[%dma_wait3A_69, %dma_wait3A_70] : memref<80x128xi32, #tpu.memory_space<vmem>> -> memref<1x128xi32, #tpu.memory_space<vmem>>
    %dma_wait3A_72 = tpu.memref_squeeze %dma_wait3A_71 : memref<1x128xi32, #tpu.memory_space<vmem>> -> memref<128xi32, #tpu.memory_space<vmem>>
    %dma_wait3A_73 = arith.constant 0 : i32
    %dma_wait3A_74 = arith.constant 0 : i32
    %dma_wait3A_75 = tpu.memref_slice %arg11[%dma_wait3A_73, %dma_wait3A_74] : memref<10008x32xf32, #tpu.memory_space<vmem_shared>> -> memref<10008x32xf32, #tpu.memory_space<vmem_shared>>
    tpu.wait_indirect_dma semaphore(%arg16 : memref<!tpu.dma_semaphore, #tpu.memory_space<semaphore_mem>>) src(%arg10 : memref<128x32xf32, #tpu.memory_space<vmem>>) dst(%dma_wait3A_75 : memref<10008x32xf32, #tpu.memory_space<vmem_shared>>)
    %barrier3A_76 = arith.constant 0 : index
    tpu.barrier barrier_id(%barrier3A_76)
    %mul3A_77 = arith.constant 32 : i32
    %mul3A_78 = arith.muli %arg0, %mul3A_77 : i32
    "tpu.region"() ({
      %run_scoped3A = tpu.sem_alloc : memref<!tpu.dma_semaphore, #tpu.memory_space<semaphore_mem>>
      %dma_start3A_84 = tpu.memref_slice %arg6[%mul3A_2, %mul3A_78] : memref<10000x128xf32, #tpu.memory_space<hbm>> -> memref<624x32xf32, #tpu.memory_space<hbm>>
      %dma_start3A_85 = arith.constant 0 : i32
      %dma_start3A_86 = tpu.memref_slice %arg11[%mul3A_2, %dma_start3A_85] : memref<10008x32xf32, #tpu.memory_space<vmem_shared>> -> memref<624x32xf32, #tpu.memory_space<vmem_shared>>
      tpu.enqueue_dma source(%dma_start3A_86 : memref<624x32xf32, #tpu.memory_space<vmem_shared>>) target(%dma_start3A_84 : memref<624x32xf32, #tpu.memory_space<hbm>>) target_semaphore(%run_scoped3A : memref<!tpu.dma_semaphore, #tpu.memory_space<semaphore_mem>>)
      %dma_wait3A_87 = tpu.memref_slice %arg6[%mul3A_2, %mul3A_78] : memref<10000x128xf32, #tpu.memory_space<hbm>> -> memref<624x32xf32, #tpu.memory_space<hbm>>
      %dma_wait3A_88 = arith.constant 0 : i32
      %dma_wait3A_89 = tpu.memref_slice %arg11[%mul3A_2, %dma_wait3A_88] : memref<10008x32xf32, #tpu.memory_space<vmem_shared>> -> memref<624x32xf32, #tpu.memory_space<vmem_shared>>
      tpu.wait_dma2 semaphore(%run_scoped3A : memref<!tpu.dma_semaphore, #tpu.memory_space<semaphore_mem>>) src(%dma_wait3A_89 : memref<624x32xf32, #tpu.memory_space<vmem_shared>>) dst(%dma_wait3A_87 : memref<624x32xf32, #tpu.memory_space<hbm>>)
      tpu.yield
    }) : () -> ()
    %eq3A_79 = arith.constant 15 : i32
    %eq3A_80 = arith.cmpi eq, %arg1, %eq3A_79 : i32
    %convert_element_type3A_81 = arith.extui %eq3A_80 : i1 to i32
    %cond3A_82 = arith.constant 0 : i32
    %cond3A_83 = arith.cmpi ne, %convert_element_type3A_81, %cond3A_82 : i32
    scf.if %cond3A_83 {
      "tpu.region"() ({
        %run_scoped3A = tpu.sem_alloc : memref<!tpu.dma_semaphore, #tpu.memory_space<semaphore_mem>>
        %dma_start3A_84 = arith.constant 9984 : i32
        %dma_start3A_85 = tpu.memref_slice %arg6[%dma_start3A_84, %mul3A_78] : memref<10000x128xf32, #tpu.memory_space<hbm>> -> memref<16x32xf32, #tpu.memory_space<hbm>>
        %dma_start3A_86 = arith.constant 9984 : i32
        %dma_start3A_87 = arith.constant 0 : i32
        %dma_start3A_88 = tpu.memref_slice %arg11[%dma_start3A_86, %dma_start3A_87] : memref<10008x32xf32, #tpu.memory_space<vmem_shared>> -> memref<16x32xf32, #tpu.memory_space<vmem_shared>>
        tpu.enqueue_dma source(%dma_start3A_88 : memref<16x32xf32, #tpu.memory_space<vmem_shared>>) target(%dma_start3A_85 : memref<16x32xf32, #tpu.memory_space<hbm>>) target_semaphore(%run_scoped3A : memref<!tpu.dma_semaphore, #tpu.memory_space<semaphore_mem>>)
        %dma_wait3A_89 = arith.constant 9984 : i32
        %dma_wait3A_90 = tpu.memref_slice %arg6[%dma_wait3A_89, %mul3A_78] : memref<10000x128xf32, #tpu.memory_space<hbm>> -> memref<16x32xf32, #tpu.memory_space<hbm>>
        %dma_wait3A_91 = arith.constant 9984 : i32
        %dma_wait3A_92 = arith.constant 0 : i32
        %dma_wait3A_93 = tpu.memref_slice %arg11[%dma_wait3A_91, %dma_wait3A_92] : memref<10008x32xf32, #tpu.memory_space<vmem_shared>> -> memref<16x32xf32, #tpu.memory_space<vmem_shared>>
        tpu.wait_dma2 semaphore(%run_scoped3A : memref<!tpu.dma_semaphore, #tpu.memory_space<semaphore_mem>>) src(%dma_wait3A_93 : memref<16x32xf32, #tpu.memory_space<vmem_shared>>) dst(%dma_wait3A_90 : memref<16x32xf32, #tpu.memory_space<hbm>>)
        tpu.yield
      }) : () -> ()
    } else {
    }
    return
  }
}

#map = affine_map<(d0, d1) -> (0, 0)>
#map1 = affine_map<(d0, d1) -> (0, 0, 0)>
module attributes {stable_mosaic.version = 14 : i64} {
  func.func @agg(%arg0: i32, %arg1: i32, %arg2: memref<10000x16xf32, #tpu.memory_space<hbm>>, %arg3: memref<2x2500x128xi32, #tpu.memory_space<hbm>>, %arg4: memref<2x60x128xi32, #tpu.memory_space<hbm>>, %arg5: memref<10000x16xf32, #tpu.memory_space<hbm>>, %arg6: memref<10000x128xf32, #tpu.memory_space<hbm>>, %arg7: memref<80x128xi32, #tpu.memory_space<vmem>>, %arg8: memref<80x128xi32, #tpu.memory_space<vmem>>, %arg9: memref<128x16xf32, #tpu.memory_space<vmem>>, %arg10: memref<128x16xf32, #tpu.memory_space<vmem>>, %arg11: memref<10008x16xf32, #tpu.memory_space<vmem_shared>>, %arg12: memref<10008x16xf32, #tpu.memory_space<vmem_shared>>, %arg13: memref<!tpu.dma_semaphore, #tpu.memory_space<semaphore_mem>>, %arg14: memref<!tpu.dma_semaphore, #tpu.memory_space<semaphore_mem>>, %arg15: memref<!tpu.dma_semaphore, #tpu.memory_space<semaphore_mem>>, %arg16: memref<!tpu.dma_semaphore, #tpu.memory_space<semaphore_mem>>) attributes {dimension_semantics = [#tpu.dimension_semantics<core_parallel>, #tpu.dimension_semantics<subcore_parallel>], iteration_bounds = array<i64: 2, 16>, scalar_prefetch = 0 : i64, scratch_operands = 10 : i64, tpu.core_type = #tpu.core_type<sc_vector_subcore>, window_params = [{transform_indices = #map}, {transform_indices = #map1}, {transform_indices = #map1}, {transform_indices = #map}, {transform_indices = #map}]} {
    %mul3A = arith.constant 16 : i32
    %mul3A_0 = arith.muli %arg0, %mul3A : i32
    %add3A = arith.addi %mul3A_0, %arg1 : i32
    %mul3A_1 = arith.constant 624 : i32
    %mul3A_2 = arith.muli %arg1, %mul3A_1 : i32
    "tpu.region"() ({
      %run_scoped3A = tpu.sem_alloc : memref<!tpu.dma_semaphore, #tpu.memory_space<semaphore_mem>>
      %dma_start3A_84 = arith.constant 0 : i32
      %dma_start3A_85 = tpu.memref_slice %arg11[%mul3A_2, %dma_start3A_84] : memref<10008x16xf32, #tpu.memory_space<vmem_shared>> -> memref<624x16xf32, #tpu.memory_space<vmem_shared>>
      %dma_start3A_86 = arith.constant 0 : i32
      %dma_start3A_87 = tpu.memref_slice %arg5[%mul3A_2, %dma_start3A_86] : memref<10000x16xf32, #tpu.memory_space<hbm>> -> memref<624x16xf32, #tpu.memory_space<hbm>>
      tpu.enqueue_dma source(%dma_start3A_87 : memref<624x16xf32, #tpu.memory_space<hbm>>) target(%dma_start3A_85 : memref<624x16xf32, #tpu.memory_space<vmem_shared>>) target_semaphore(%run_scoped3A : memref<!tpu.dma_semaphore, #tpu.memory_space<semaphore_mem>>)
      %dma_wait3A_88 = arith.constant 0 : i32
      %dma_wait3A_89 = tpu.memref_slice %arg11[%mul3A_2, %dma_wait3A_88] : memref<10008x16xf32, #tpu.memory_space<vmem_shared>> -> memref<624x16xf32, #tpu.memory_space<vmem_shared>>
      %dma_wait3A_90 = arith.constant 0 : i32
      %dma_wait3A_91 = tpu.memref_slice %arg5[%mul3A_2, %dma_wait3A_90] : memref<10000x16xf32, #tpu.memory_space<hbm>> -> memref<624x16xf32, #tpu.memory_space<hbm>>
      tpu.wait_dma2 semaphore(%run_scoped3A : memref<!tpu.dma_semaphore, #tpu.memory_space<semaphore_mem>>) src(%dma_wait3A_91 : memref<624x16xf32, #tpu.memory_space<hbm>>) dst(%dma_wait3A_89 : memref<624x16xf32, #tpu.memory_space<vmem_shared>>)
      tpu.yield
    }) : () -> ()
    %eq3A = arith.constant 15 : i32
    %eq3A_3 = arith.cmpi eq, %arg1, %eq3A : i32
    %convert_element_type3A = arith.extui %eq3A_3 : i1 to i32
    %cond3A = arith.constant 0 : i32
    %cond3A_4 = arith.cmpi ne, %convert_element_type3A, %cond3A : i32
    scf.if %cond3A_4 {
      "tpu.region"() ({
        %run_scoped3A = tpu.sem_alloc : memref<!tpu.dma_semaphore, #tpu.memory_space<semaphore_mem>>
        %dma_start3A_84 = arith.constant 9984 : i32
        %dma_start3A_85 = arith.constant 0 : i32
        %dma_start3A_86 = tpu.memref_slice %arg11[%dma_start3A_84, %dma_start3A_85] : memref<10008x16xf32, #tpu.memory_space<vmem_shared>> -> memref<16x16xf32, #tpu.memory_space<vmem_shared>>
        %dma_start3A_87 = arith.constant 9984 : i32
        %dma_start3A_88 = arith.constant 0 : i32
        %dma_start3A_89 = tpu.memref_slice %arg5[%dma_start3A_87, %dma_start3A_88] : memref<10000x16xf32, #tpu.memory_space<hbm>> -> memref<16x16xf32, #tpu.memory_space<hbm>>
        tpu.enqueue_dma source(%dma_start3A_89 : memref<16x16xf32, #tpu.memory_space<hbm>>) target(%dma_start3A_86 : memref<16x16xf32, #tpu.memory_space<vmem_shared>>) target_semaphore(%run_scoped3A : memref<!tpu.dma_semaphore, #tpu.memory_space<semaphore_mem>>)
        %dma_wait3A_90 = arith.constant 9984 : i32
        %dma_wait3A_91 = arith.constant 0 : i32
        %dma_wait3A_92 = tpu.memref_slice %arg11[%dma_wait3A_90, %dma_wait3A_91] : memref<10008x16xf32, #tpu.memory_space<vmem_shared>> -> memref<16x16xf32, #tpu.memory_space<vmem_shared>>
        %dma_wait3A_93 = arith.constant 9984 : i32
        %dma_wait3A_94 = arith.constant 0 : i32
        %dma_wait3A_95 = tpu.memref_slice %arg5[%dma_wait3A_93, %dma_wait3A_94] : memref<10000x16xf32, #tpu.memory_space<hbm>> -> memref<16x16xf32, #tpu.memory_space<hbm>>
        tpu.wait_dma2 semaphore(%run_scoped3A : memref<!tpu.dma_semaphore, #tpu.memory_space<semaphore_mem>>) src(%dma_wait3A_95 : memref<16x16xf32, #tpu.memory_space<hbm>>) dst(%dma_wait3A_92 : memref<16x16xf32, #tpu.memory_space<vmem_shared>>)
        tpu.yield
      }) : () -> ()
    } else {
    }
    "tpu.region"() ({
      %run_scoped3A = tpu.sem_alloc : memref<!tpu.dma_semaphore, #tpu.memory_space<semaphore_mem>>
      %dma_start3A_84 = arith.constant 0 : i32
      %dma_start3A_85 = tpu.memref_slice %arg12[%mul3A_2, %dma_start3A_84] : memref<10008x16xf32, #tpu.memory_space<vmem_shared>> -> memref<624x16xf32, #tpu.memory_space<vmem_shared>>
      %dma_start3A_86 = arith.constant 0 : i32
      %dma_start3A_87 = tpu.memref_slice %arg2[%mul3A_2, %dma_start3A_86] : memref<10000x16xf32, #tpu.memory_space<hbm>> -> memref<624x16xf32, #tpu.memory_space<hbm>>
      tpu.enqueue_dma source(%dma_start3A_87 : memref<624x16xf32, #tpu.memory_space<hbm>>) target(%dma_start3A_85 : memref<624x16xf32, #tpu.memory_space<vmem_shared>>) target_semaphore(%run_scoped3A : memref<!tpu.dma_semaphore, #tpu.memory_space<semaphore_mem>>)
      %dma_wait3A_88 = arith.constant 0 : i32
      %dma_wait3A_89 = tpu.memref_slice %arg12[%mul3A_2, %dma_wait3A_88] : memref<10008x16xf32, #tpu.memory_space<vmem_shared>> -> memref<624x16xf32, #tpu.memory_space<vmem_shared>>
      %dma_wait3A_90 = arith.constant 0 : i32
      %dma_wait3A_91 = tpu.memref_slice %arg2[%mul3A_2, %dma_wait3A_90] : memref<10000x16xf32, #tpu.memory_space<hbm>> -> memref<624x16xf32, #tpu.memory_space<hbm>>
      tpu.wait_dma2 semaphore(%run_scoped3A : memref<!tpu.dma_semaphore, #tpu.memory_space<semaphore_mem>>) src(%dma_wait3A_91 : memref<624x16xf32, #tpu.memory_space<hbm>>) dst(%dma_wait3A_89 : memref<624x16xf32, #tpu.memory_space<vmem_shared>>)
      tpu.yield
    }) : () -> ()
    %eq3A_5 = arith.constant 15 : i32
    %eq3A_6 = arith.cmpi eq, %arg1, %eq3A_5 : i32
    %convert_element_type3A_7 = arith.extui %eq3A_6 : i1 to i32
    %cond3A_8 = arith.constant 0 : i32
    %cond3A_9 = arith.cmpi ne, %convert_element_type3A_7, %cond3A_8 : i32
    scf.if %cond3A_9 {
      "tpu.region"() ({
        %run_scoped3A = tpu.sem_alloc : memref<!tpu.dma_semaphore, #tpu.memory_space<semaphore_mem>>
        %dma_start3A_84 = arith.constant 9984 : i32
        %dma_start3A_85 = arith.constant 0 : i32
        %dma_start3A_86 = tpu.memref_slice %arg12[%dma_start3A_84, %dma_start3A_85] : memref<10008x16xf32, #tpu.memory_space<vmem_shared>> -> memref<16x16xf32, #tpu.memory_space<vmem_shared>>
        %dma_start3A_87 = arith.constant 9984 : i32
        %dma_start3A_88 = arith.constant 0 : i32
        %dma_start3A_89 = tpu.memref_slice %arg2[%dma_start3A_87, %dma_start3A_88] : memref<10000x16xf32, #tpu.memory_space<hbm>> -> memref<16x16xf32, #tpu.memory_space<hbm>>
        tpu.enqueue_dma source(%dma_start3A_89 : memref<16x16xf32, #tpu.memory_space<hbm>>) target(%dma_start3A_86 : memref<16x16xf32, #tpu.memory_space<vmem_shared>>) target_semaphore(%run_scoped3A : memref<!tpu.dma_semaphore, #tpu.memory_space<semaphore_mem>>)
        %dma_wait3A_90 = arith.constant 9984 : i32
        %dma_wait3A_91 = arith.constant 0 : i32
        %dma_wait3A_92 = tpu.memref_slice %arg12[%dma_wait3A_90, %dma_wait3A_91] : memref<10008x16xf32, #tpu.memory_space<vmem_shared>> -> memref<16x16xf32, #tpu.memory_space<vmem_shared>>
        %dma_wait3A_93 = arith.constant 9984 : i32
        %dma_wait3A_94 = arith.constant 0 : i32
        %dma_wait3A_95 = tpu.memref_slice %arg2[%dma_wait3A_93, %dma_wait3A_94] : memref<10000x16xf32, #tpu.memory_space<hbm>> -> memref<16x16xf32, #tpu.memory_space<hbm>>
        tpu.wait_dma2 semaphore(%run_scoped3A : memref<!tpu.dma_semaphore, #tpu.memory_space<semaphore_mem>>) src(%dma_wait3A_95 : memref<16x16xf32, #tpu.memory_space<hbm>>) dst(%dma_wait3A_92 : memref<16x16xf32, #tpu.memory_space<vmem_shared>>)
        tpu.yield
      }) : () -> ()
    } else {
    }
    %mul3A_10 = arith.constant 80 : i32
    %mul3A_11 = arith.muli %add3A, %mul3A_10 : i32
    %add3A_12 = arith.constant 80 : i32
    %add3A_13 = arith.addi %mul3A_11, %add3A_12 : i32
    %le3A = arith.constant 2500 : i32
    %le3A_14 = arith.cmpi sle, %add3A_13, %le3A : i32
    %convert_element_type3A_15 = arith.extui %le3A_14 : i1 to i32
    %cond3A_16 = arith.constant 0 : i32
    %cond3A_17 = arith.constant 0 : i32
    %cond3A_18 = arith.cmpi ne, %convert_element_type3A_15, %cond3A_17 : i32
    scf.if %cond3A_18 {
      "tpu.region"() ({
        %run_scoped3A = tpu.sem_alloc : memref<!tpu.dma_semaphore, #tpu.memory_space<semaphore_mem>>
        %dma_start3A_84 = arith.constant 0 : i32
        %dma_start3A_85 = arith.constant 0 : i32
        %dma_start3A_86 = tpu.memref_slice %arg3[%cond3A_16, %dma_start3A_84, %dma_start3A_85] : memref<2x2500x128xi32, #tpu.memory_space<hbm>> -> memref<1x2500x128xi32, #tpu.memory_space<hbm>>
        %dma_start3A_87 = tpu.memref_squeeze %dma_start3A_86 : memref<1x2500x128xi32, #tpu.memory_space<hbm>> -> memref<2500x128xi32, #tpu.memory_space<hbm>>
        %dma_start3A_88 = arith.constant 0 : i32
        %dma_start3A_89 = tpu.memref_slice %dma_start3A_87[%mul3A_11, %dma_start3A_88] : memref<2500x128xi32, #tpu.memory_space<hbm>> -> memref<80x128xi32, #tpu.memory_space<hbm>>
        %dma_start3A_90 = arith.constant 0 : i32
        %dma_start3A_91 = arith.constant 0 : i32
        %dma_start3A_92 = tpu.memref_slice %arg3[%cond3A_16, %dma_start3A_90, %dma_start3A_91] : memref<2x2500x128xi32, #tpu.memory_space<hbm>> -> memref<1x2500x128xi32, #tpu.memory_space<hbm>>
        %dma_start3A_93 = tpu.memref_squeeze %dma_start3A_92 : memref<1x2500x128xi32, #tpu.memory_space<hbm>> -> memref<2500x128xi32, #tpu.memory_space<hbm>>
        %dma_start3A_94 = arith.constant 0 : i32
        %dma_start3A_95 = tpu.memref_slice %dma_start3A_93[%mul3A_11, %dma_start3A_94] : memref<2500x128xi32, #tpu.memory_space<hbm>> -> memref<80x128xi32, #tpu.memory_space<hbm>>
        tpu.enqueue_dma source(%dma_start3A_95 : memref<80x128xi32, #tpu.memory_space<hbm>>) target(%arg7 : memref<80x128xi32, #tpu.memory_space<vmem>>) target_semaphore(%run_scoped3A : memref<!tpu.dma_semaphore, #tpu.memory_space<semaphore_mem>>)
        %dma_wait3A_96 = arith.constant 0 : i32
        %dma_wait3A_97 = arith.constant 0 : i32
        %dma_wait3A_98 = tpu.memref_slice %arg3[%cond3A_16, %dma_wait3A_96, %dma_wait3A_97] : memref<2x2500x128xi32, #tpu.memory_space<hbm>> -> memref<1x2500x128xi32, #tpu.memory_space<hbm>>
        %dma_wait3A_99 = tpu.memref_squeeze %dma_wait3A_98 : memref<1x2500x128xi32, #tpu.memory_space<hbm>> -> memref<2500x128xi32, #tpu.memory_space<hbm>>
        %dma_wait3A_100 = arith.constant 0 : i32
        %dma_wait3A_101 = tpu.memref_slice %dma_wait3A_99[%mul3A_11, %dma_wait3A_100] : memref<2500x128xi32, #tpu.memory_space<hbm>> -> memref<80x128xi32, #tpu.memory_space<hbm>>
        %dma_wait3A_102 = arith.constant 0 : i32
        %dma_wait3A_103 = arith.constant 0 : i32
        %dma_wait3A_104 = tpu.memref_slice %arg3[%cond3A_16, %dma_wait3A_102, %dma_wait3A_103] : memref<2x2500x128xi32, #tpu.memory_space<hbm>> -> memref<1x2500x128xi32, #tpu.memory_space<hbm>>
        %dma_wait3A_105 = tpu.memref_squeeze %dma_wait3A_104 : memref<1x2500x128xi32, #tpu.memory_space<hbm>> -> memref<2500x128xi32, #tpu.memory_space<hbm>>
        %dma_wait3A_106 = arith.constant 0 : i32
        %dma_wait3A_107 = tpu.memref_slice %dma_wait3A_105[%mul3A_11, %dma_wait3A_106] : memref<2500x128xi32, #tpu.memory_space<hbm>> -> memref<80x128xi32, #tpu.memory_space<hbm>>
        tpu.wait_dma2 semaphore(%run_scoped3A : memref<!tpu.dma_semaphore, #tpu.memory_space<semaphore_mem>>) src(%dma_wait3A_107 : memref<80x128xi32, #tpu.memory_space<hbm>>) dst(%arg7 : memref<80x128xi32, #tpu.memory_space<vmem>>)
        tpu.yield
      }) : () -> ()
    } else {
    }
    %add3A_19 = arith.constant 80 : i32
    %add3A_20 = arith.addi %mul3A_11, %add3A_19 : i32
    %gt3A = arith.constant 2500 : i32
    %gt3A_21 = arith.cmpi sgt, %add3A_20, %gt3A : i32
    %convert_element_type3A_22 = arith.extui %gt3A_21 : i1 to i32
    %cond3A_23 = arith.constant 0 : i32
    %cond3A_24 = arith.constant 0 : i32
    %cond3A_25 = arith.constant 0 : i32
    %cond3A_26 = arith.cmpi ne, %convert_element_type3A_22, %cond3A_25 : i32
    scf.if %cond3A_26 {
      "tpu.region"() ({
        %run_scoped3A = tpu.sem_alloc : memref<!tpu.dma_semaphore, #tpu.memory_space<semaphore_mem>>
        %dma_start3A_84 = arith.constant 0 : i32
        %dma_start3A_85 = arith.constant 0 : i32
        %dma_start3A_86 = tpu.memref_slice %arg7[%dma_start3A_84, %dma_start3A_85] : memref<80x128xi32, #tpu.memory_space<vmem>> -> memref<20x128xi32, #tpu.memory_space<vmem>>
        %dma_start3A_87 = arith.constant 0 : i32
        %dma_start3A_88 = arith.constant 0 : i32
        %dma_start3A_89 = tpu.memref_slice %arg3[%cond3A_23, %dma_start3A_87, %dma_start3A_88] : memref<2x2500x128xi32, #tpu.memory_space<hbm>> -> memref<1x2500x128xi32, #tpu.memory_space<hbm>>
        %dma_start3A_90 = tpu.memref_squeeze %dma_start3A_89 : memref<1x2500x128xi32, #tpu.memory_space<hbm>> -> memref<2500x128xi32, #tpu.memory_space<hbm>>
        %dma_start3A_91 = arith.constant 0 : i32
        %dma_start3A_92 = tpu.memref_slice %dma_start3A_90[%mul3A_11, %dma_start3A_91] : memref<2500x128xi32, #tpu.memory_space<hbm>> -> memref<20x128xi32, #tpu.memory_space<hbm>>
        %dma_start3A_93 = arith.constant 0 : i32
        %dma_start3A_94 = arith.constant 0 : i32
        %dma_start3A_95 = tpu.memref_slice %arg7[%dma_start3A_93, %dma_start3A_94] : memref<80x128xi32, #tpu.memory_space<vmem>> -> memref<20x128xi32, #tpu.memory_space<vmem>>
        %dma_start3A_96 = arith.constant 0 : i32
        %dma_start3A_97 = arith.constant 0 : i32
        %dma_start3A_98 = tpu.memref_slice %arg3[%cond3A_23, %dma_start3A_96, %dma_start3A_97] : memref<2x2500x128xi32, #tpu.memory_space<hbm>> -> memref<1x2500x128xi32, #tpu.memory_space<hbm>>
        %dma_start3A_99 = tpu.memref_squeeze %dma_start3A_98 : memref<1x2500x128xi32, #tpu.memory_space<hbm>> -> memref<2500x128xi32, #tpu.memory_space<hbm>>
        %dma_start3A_100 = arith.constant 0 : i32
        %dma_start3A_101 = tpu.memref_slice %dma_start3A_99[%mul3A_11, %dma_start3A_100] : memref<2500x128xi32, #tpu.memory_space<hbm>> -> memref<20x128xi32, #tpu.memory_space<hbm>>
        tpu.enqueue_dma source(%dma_start3A_101 : memref<20x128xi32, #tpu.memory_space<hbm>>) target(%dma_start3A_95 : memref<20x128xi32, #tpu.memory_space<vmem>>) target_semaphore(%run_scoped3A : memref<!tpu.dma_semaphore, #tpu.memory_space<semaphore_mem>>)
        %dma_wait3A_102 = arith.constant 0 : i32
        %dma_wait3A_103 = arith.constant 0 : i32
        %dma_wait3A_104 = tpu.memref_slice %arg7[%dma_wait3A_102, %dma_wait3A_103] : memref<80x128xi32, #tpu.memory_space<vmem>> -> memref<20x128xi32, #tpu.memory_space<vmem>>
        %dma_wait3A_105 = arith.constant 0 : i32
        %dma_wait3A_106 = arith.constant 0 : i32
        %dma_wait3A_107 = tpu.memref_slice %arg3[%cond3A_23, %dma_wait3A_105, %dma_wait3A_106] : memref<2x2500x128xi32, #tpu.memory_space<hbm>> -> memref<1x2500x128xi32, #tpu.memory_space<hbm>>
        %dma_wait3A_108 = tpu.memref_squeeze %dma_wait3A_107 : memref<1x2500x128xi32, #tpu.memory_space<hbm>> -> memref<2500x128xi32, #tpu.memory_space<hbm>>
        %dma_wait3A_109 = arith.constant 0 : i32
        %dma_wait3A_110 = tpu.memref_slice %dma_wait3A_108[%mul3A_11, %dma_wait3A_109] : memref<2500x128xi32, #tpu.memory_space<hbm>> -> memref<20x128xi32, #tpu.memory_space<hbm>>
        %dma_wait3A_111 = arith.constant 0 : i32
        %dma_wait3A_112 = arith.constant 0 : i32
        %dma_wait3A_113 = tpu.memref_slice %arg7[%dma_wait3A_111, %dma_wait3A_112] : memref<80x128xi32, #tpu.memory_space<vmem>> -> memref<20x128xi32, #tpu.memory_space<vmem>>
        %dma_wait3A_114 = arith.constant 0 : i32
        %dma_wait3A_115 = arith.constant 0 : i32
        %dma_wait3A_116 = tpu.memref_slice %arg3[%cond3A_23, %dma_wait3A_114, %dma_wait3A_115] : memref<2x2500x128xi32, #tpu.memory_space<hbm>> -> memref<1x2500x128xi32, #tpu.memory_space<hbm>>
        %dma_wait3A_117 = tpu.memref_squeeze %dma_wait3A_116 : memref<1x2500x128xi32, #tpu.memory_space<hbm>> -> memref<2500x128xi32, #tpu.memory_space<hbm>>
        %dma_wait3A_118 = arith.constant 0 : i32
        %dma_wait3A_119 = tpu.memref_slice %dma_wait3A_117[%mul3A_11, %dma_wait3A_118] : memref<2500x128xi32, #tpu.memory_space<hbm>> -> memref<20x128xi32, #tpu.memory_space<hbm>>
        tpu.wait_dma2 semaphore(%run_scoped3A : memref<!tpu.dma_semaphore, #tpu.memory_space<semaphore_mem>>) src(%dma_wait3A_119 : memref<20x128xi32, #tpu.memory_space<hbm>>) dst(%dma_wait3A_113 : memref<20x128xi32, #tpu.memory_space<vmem>>)
        tpu.yield
      }) : () -> ()
      "tpu.region"() ({
        %run_scoped3A = tpu.sem_alloc : memref<!tpu.dma_semaphore, #tpu.memory_space<semaphore_mem>>
        %dma_start3A_84 = arith.constant 20 : i32
        %dma_start3A_85 = arith.constant 0 : i32
        %dma_start3A_86 = tpu.memref_slice %arg7[%dma_start3A_84, %dma_start3A_85] : memref<80x128xi32, #tpu.memory_space<vmem>> -> memref<60x128xi32, #tpu.memory_space<vmem>>
        %dma_start3A_87 = arith.constant 0 : i32
        %dma_start3A_88 = arith.constant 0 : i32
        %dma_start3A_89 = tpu.memref_slice %arg4[%cond3A_24, %dma_start3A_87, %dma_start3A_88] : memref<2x60x128xi32, #tpu.memory_space<hbm>> -> memref<1x60x128xi32, #tpu.memory_space<hbm>>
        %dma_start3A_90 = tpu.memref_squeeze %dma_start3A_89 : memref<1x60x128xi32, #tpu.memory_space<hbm>> -> memref<60x128xi32, #tpu.memory_space<hbm>>
        %dma_start3A_91 = arith.constant 20 : i32
        %dma_start3A_92 = arith.constant 0 : i32
        %dma_start3A_93 = tpu.memref_slice %arg7[%dma_start3A_91, %dma_start3A_92] : memref<80x128xi32, #tpu.memory_space<vmem>> -> memref<60x128xi32, #tpu.memory_space<vmem>>
        %dma_start3A_94 = arith.constant 0 : i32
        %dma_start3A_95 = arith.constant 0 : i32
        %dma_start3A_96 = tpu.memref_slice %arg4[%cond3A_24, %dma_start3A_94, %dma_start3A_95] : memref<2x60x128xi32, #tpu.memory_space<hbm>> -> memref<1x60x128xi32, #tpu.memory_space<hbm>>
        %dma_start3A_97 = tpu.memref_squeeze %dma_start3A_96 : memref<1x60x128xi32, #tpu.memory_space<hbm>> -> memref<60x128xi32, #tpu.memory_space<hbm>>
        tpu.enqueue_dma source(%dma_start3A_97 : memref<60x128xi32, #tpu.memory_space<hbm>>) target(%dma_start3A_93 : memref<60x128xi32, #tpu.memory_space<vmem>>) target_semaphore(%run_scoped3A : memref<!tpu.dma_semaphore, #tpu.memory_space<semaphore_mem>>)
        %dma_wait3A_98 = arith.constant 20 : i32
        %dma_wait3A_99 = arith.constant 0 : i32
        %dma_wait3A_100 = tpu.memref_slice %arg7[%dma_wait3A_98, %dma_wait3A_99] : memref<80x128xi32, #tpu.memory_space<vmem>> -> memref<60x128xi32, #tpu.memory_space<vmem>>
        %dma_wait3A_101 = arith.constant 0 : i32
        %dma_wait3A_102 = arith.constant 0 : i32
        %dma_wait3A_103 = tpu.memref_slice %arg4[%cond3A_24, %dma_wait3A_101, %dma_wait3A_102] : memref<2x60x128xi32, #tpu.memory_space<hbm>> -> memref<1x60x128xi32, #tpu.memory_space<hbm>>
        %dma_wait3A_104 = tpu.memref_squeeze %dma_wait3A_103 : memref<1x60x128xi32, #tpu.memory_space<hbm>> -> memref<60x128xi32, #tpu.memory_space<hbm>>
        %dma_wait3A_105 = arith.constant 20 : i32
        %dma_wait3A_106 = arith.constant 0 : i32
        %dma_wait3A_107 = tpu.memref_slice %arg7[%dma_wait3A_105, %dma_wait3A_106] : memref<80x128xi32, #tpu.memory_space<vmem>> -> memref<60x128xi32, #tpu.memory_space<vmem>>
        %dma_wait3A_108 = arith.constant 0 : i32
        %dma_wait3A_109 = arith.constant 0 : i32
        %dma_wait3A_110 = tpu.memref_slice %arg4[%cond3A_24, %dma_wait3A_108, %dma_wait3A_109] : memref<2x60x128xi32, #tpu.memory_space<hbm>> -> memref<1x60x128xi32, #tpu.memory_space<hbm>>
        %dma_wait3A_111 = tpu.memref_squeeze %dma_wait3A_110 : memref<1x60x128xi32, #tpu.memory_space<hbm>> -> memref<60x128xi32, #tpu.memory_space<hbm>>
        tpu.wait_dma2 semaphore(%run_scoped3A : memref<!tpu.dma_semaphore, #tpu.memory_space<semaphore_mem>>) src(%dma_wait3A_111 : memref<60x128xi32, #tpu.memory_space<hbm>>) dst(%dma_wait3A_107 : memref<60x128xi32, #tpu.memory_space<vmem>>)
        tpu.yield
      }) : () -> ()
    } else {
    }
    %mul3A_27 = arith.constant 80 : i32
    %mul3A_28 = arith.muli %add3A, %mul3A_27 : i32
    %add3A_29 = arith.constant 80 : i32
    %add3A_30 = arith.addi %mul3A_28, %add3A_29 : i32
    %le3A_31 = arith.constant 2500 : i32
    %le3A_32 = arith.cmpi sle, %add3A_30, %le3A_31 : i32
    %convert_element_type3A_33 = arith.extui %le3A_32 : i1 to i32
    %cond3A_34 = arith.constant 1 : i32
    %cond3A_35 = arith.constant 0 : i32
    %cond3A_36 = arith.cmpi ne, %convert_element_type3A_33, %cond3A_35 : i32
    scf.if %cond3A_36 {
      "tpu.region"() ({
        %run_scoped3A = tpu.sem_alloc : memref<!tpu.dma_semaphore, #tpu.memory_space<semaphore_mem>>
        %dma_start3A_84 = arith.constant 0 : i32
        %dma_start3A_85 = arith.constant 0 : i32
        %dma_start3A_86 = tpu.memref_slice %arg3[%cond3A_34, %dma_start3A_84, %dma_start3A_85] : memref<2x2500x128xi32, #tpu.memory_space<hbm>> -> memref<1x2500x128xi32, #tpu.memory_space<hbm>>
        %dma_start3A_87 = tpu.memref_squeeze %dma_start3A_86 : memref<1x2500x128xi32, #tpu.memory_space<hbm>> -> memref<2500x128xi32, #tpu.memory_space<hbm>>
        %dma_start3A_88 = arith.constant 0 : i32
        %dma_start3A_89 = tpu.memref_slice %dma_start3A_87[%mul3A_28, %dma_start3A_88] : memref<2500x128xi32, #tpu.memory_space<hbm>> -> memref<80x128xi32, #tpu.memory_space<hbm>>
        %dma_start3A_90 = arith.constant 0 : i32
        %dma_start3A_91 = arith.constant 0 : i32
        %dma_start3A_92 = tpu.memref_slice %arg3[%cond3A_34, %dma_start3A_90, %dma_start3A_91] : memref<2x2500x128xi32, #tpu.memory_space<hbm>> -> memref<1x2500x128xi32, #tpu.memory_space<hbm>>
        %dma_start3A_93 = tpu.memref_squeeze %dma_start3A_92 : memref<1x2500x128xi32, #tpu.memory_space<hbm>> -> memref<2500x128xi32, #tpu.memory_space<hbm>>
        %dma_start3A_94 = arith.constant 0 : i32
        %dma_start3A_95 = tpu.memref_slice %dma_start3A_93[%mul3A_28, %dma_start3A_94] : memref<2500x128xi32, #tpu.memory_space<hbm>> -> memref<80x128xi32, #tpu.memory_space<hbm>>
        tpu.enqueue_dma source(%dma_start3A_95 : memref<80x128xi32, #tpu.memory_space<hbm>>) target(%arg8 : memref<80x128xi32, #tpu.memory_space<vmem>>) target_semaphore(%run_scoped3A : memref<!tpu.dma_semaphore, #tpu.memory_space<semaphore_mem>>)
        %dma_wait3A_96 = arith.constant 0 : i32
        %dma_wait3A_97 = arith.constant 0 : i32
        %dma_wait3A_98 = tpu.memref_slice %arg3[%cond3A_34, %dma_wait3A_96, %dma_wait3A_97] : memref<2x2500x128xi32, #tpu.memory_space<hbm>> -> memref<1x2500x128xi32, #tpu.memory_space<hbm>>
        %dma_wait3A_99 = tpu.memref_squeeze %dma_wait3A_98 : memref<1x2500x128xi32, #tpu.memory_space<hbm>> -> memref<2500x128xi32, #tpu.memory_space<hbm>>
        %dma_wait3A_100 = arith.constant 0 : i32
        %dma_wait3A_101 = tpu.memref_slice %dma_wait3A_99[%mul3A_28, %dma_wait3A_100] : memref<2500x128xi32, #tpu.memory_space<hbm>> -> memref<80x128xi32, #tpu.memory_space<hbm>>
        %dma_wait3A_102 = arith.constant 0 : i32
        %dma_wait3A_103 = arith.constant 0 : i32
        %dma_wait3A_104 = tpu.memref_slice %arg3[%cond3A_34, %dma_wait3A_102, %dma_wait3A_103] : memref<2x2500x128xi32, #tpu.memory_space<hbm>> -> memref<1x2500x128xi32, #tpu.memory_space<hbm>>
        %dma_wait3A_105 = tpu.memref_squeeze %dma_wait3A_104 : memref<1x2500x128xi32, #tpu.memory_space<hbm>> -> memref<2500x128xi32, #tpu.memory_space<hbm>>
        %dma_wait3A_106 = arith.constant 0 : i32
        %dma_wait3A_107 = tpu.memref_slice %dma_wait3A_105[%mul3A_28, %dma_wait3A_106] : memref<2500x128xi32, #tpu.memory_space<hbm>> -> memref<80x128xi32, #tpu.memory_space<hbm>>
        tpu.wait_dma2 semaphore(%run_scoped3A : memref<!tpu.dma_semaphore, #tpu.memory_space<semaphore_mem>>) src(%dma_wait3A_107 : memref<80x128xi32, #tpu.memory_space<hbm>>) dst(%arg8 : memref<80x128xi32, #tpu.memory_space<vmem>>)
        tpu.yield
      }) : () -> ()
    } else {
    }
    %add3A_37 = arith.constant 80 : i32
    %add3A_38 = arith.addi %mul3A_28, %add3A_37 : i32
    %gt3A_39 = arith.constant 2500 : i32
    %gt3A_40 = arith.cmpi sgt, %add3A_38, %gt3A_39 : i32
    %convert_element_type3A_41 = arith.extui %gt3A_40 : i1 to i32
    %cond3A_42 = arith.constant 1 : i32
    %cond3A_43 = arith.constant 1 : i32
    %cond3A_44 = arith.constant 0 : i32
    %cond3A_45 = arith.cmpi ne, %convert_element_type3A_41, %cond3A_44 : i32
    scf.if %cond3A_45 {
      "tpu.region"() ({
        %run_scoped3A = tpu.sem_alloc : memref<!tpu.dma_semaphore, #tpu.memory_space<semaphore_mem>>
        %dma_start3A_84 = arith.constant 0 : i32
        %dma_start3A_85 = arith.constant 0 : i32
        %dma_start3A_86 = tpu.memref_slice %arg8[%dma_start3A_84, %dma_start3A_85] : memref<80x128xi32, #tpu.memory_space<vmem>> -> memref<20x128xi32, #tpu.memory_space<vmem>>
        %dma_start3A_87 = arith.constant 0 : i32
        %dma_start3A_88 = arith.constant 0 : i32
        %dma_start3A_89 = tpu.memref_slice %arg3[%cond3A_42, %dma_start3A_87, %dma_start3A_88] : memref<2x2500x128xi32, #tpu.memory_space<hbm>> -> memref<1x2500x128xi32, #tpu.memory_space<hbm>>
        %dma_start3A_90 = tpu.memref_squeeze %dma_start3A_89 : memref<1x2500x128xi32, #tpu.memory_space<hbm>> -> memref<2500x128xi32, #tpu.memory_space<hbm>>
        %dma_start3A_91 = arith.constant 0 : i32
        %dma_start3A_92 = tpu.memref_slice %dma_start3A_90[%mul3A_28, %dma_start3A_91] : memref<2500x128xi32, #tpu.memory_space<hbm>> -> memref<20x128xi32, #tpu.memory_space<hbm>>
        %dma_start3A_93 = arith.constant 0 : i32
        %dma_start3A_94 = arith.constant 0 : i32
        %dma_start3A_95 = tpu.memref_slice %arg8[%dma_start3A_93, %dma_start3A_94] : memref<80x128xi32, #tpu.memory_space<vmem>> -> memref<20x128xi32, #tpu.memory_space<vmem>>
        %dma_start3A_96 = arith.constant 0 : i32
        %dma_start3A_97 = arith.constant 0 : i32
        %dma_start3A_98 = tpu.memref_slice %arg3[%cond3A_42, %dma_start3A_96, %dma_start3A_97] : memref<2x2500x128xi32, #tpu.memory_space<hbm>> -> memref<1x2500x128xi32, #tpu.memory_space<hbm>>
        %dma_start3A_99 = tpu.memref_squeeze %dma_start3A_98 : memref<1x2500x128xi32, #tpu.memory_space<hbm>> -> memref<2500x128xi32, #tpu.memory_space<hbm>>
        %dma_start3A_100 = arith.constant 0 : i32
        %dma_start3A_101 = tpu.memref_slice %dma_start3A_99[%mul3A_28, %dma_start3A_100] : memref<2500x128xi32, #tpu.memory_space<hbm>> -> memref<20x128xi32, #tpu.memory_space<hbm>>
        tpu.enqueue_dma source(%dma_start3A_101 : memref<20x128xi32, #tpu.memory_space<hbm>>) target(%dma_start3A_95 : memref<20x128xi32, #tpu.memory_space<vmem>>) target_semaphore(%run_scoped3A : memref<!tpu.dma_semaphore, #tpu.memory_space<semaphore_mem>>)
        %dma_wait3A_102 = arith.constant 0 : i32
        %dma_wait3A_103 = arith.constant 0 : i32
        %dma_wait3A_104 = tpu.memref_slice %arg8[%dma_wait3A_102, %dma_wait3A_103] : memref<80x128xi32, #tpu.memory_space<vmem>> -> memref<20x128xi32, #tpu.memory_space<vmem>>
        %dma_wait3A_105 = arith.constant 0 : i32
        %dma_wait3A_106 = arith.constant 0 : i32
        %dma_wait3A_107 = tpu.memref_slice %arg3[%cond3A_42, %dma_wait3A_105, %dma_wait3A_106] : memref<2x2500x128xi32, #tpu.memory_space<hbm>> -> memref<1x2500x128xi32, #tpu.memory_space<hbm>>
        %dma_wait3A_108 = tpu.memref_squeeze %dma_wait3A_107 : memref<1x2500x128xi32, #tpu.memory_space<hbm>> -> memref<2500x128xi32, #tpu.memory_space<hbm>>
        %dma_wait3A_109 = arith.constant 0 : i32
        %dma_wait3A_110 = tpu.memref_slice %dma_wait3A_108[%mul3A_28, %dma_wait3A_109] : memref<2500x128xi32, #tpu.memory_space<hbm>> -> memref<20x128xi32, #tpu.memory_space<hbm>>
        %dma_wait3A_111 = arith.constant 0 : i32
        %dma_wait3A_112 = arith.constant 0 : i32
        %dma_wait3A_113 = tpu.memref_slice %arg8[%dma_wait3A_111, %dma_wait3A_112] : memref<80x128xi32, #tpu.memory_space<vmem>> -> memref<20x128xi32, #tpu.memory_space<vmem>>
        %dma_wait3A_114 = arith.constant 0 : i32
        %dma_wait3A_115 = arith.constant 0 : i32
        %dma_wait3A_116 = tpu.memref_slice %arg3[%cond3A_42, %dma_wait3A_114, %dma_wait3A_115] : memref<2x2500x128xi32, #tpu.memory_space<hbm>> -> memref<1x2500x128xi32, #tpu.memory_space<hbm>>
        %dma_wait3A_117 = tpu.memref_squeeze %dma_wait3A_116 : memref<1x2500x128xi32, #tpu.memory_space<hbm>> -> memref<2500x128xi32, #tpu.memory_space<hbm>>
        %dma_wait3A_118 = arith.constant 0 : i32
        %dma_wait3A_119 = tpu.memref_slice %dma_wait3A_117[%mul3A_28, %dma_wait3A_118] : memref<2500x128xi32, #tpu.memory_space<hbm>> -> memref<20x128xi32, #tpu.memory_space<hbm>>
        tpu.wait_dma2 semaphore(%run_scoped3A : memref<!tpu.dma_semaphore, #tpu.memory_space<semaphore_mem>>) src(%dma_wait3A_119 : memref<20x128xi32, #tpu.memory_space<hbm>>) dst(%dma_wait3A_113 : memref<20x128xi32, #tpu.memory_space<vmem>>)
        tpu.yield
      }) : () -> ()
      "tpu.region"() ({
        %run_scoped3A = tpu.sem_alloc : memref<!tpu.dma_semaphore, #tpu.memory_space<semaphore_mem>>
        %dma_start3A_84 = arith.constant 20 : i32
        %dma_start3A_85 = arith.constant 0 : i32
        %dma_start3A_86 = tpu.memref_slice %arg8[%dma_start3A_84, %dma_start3A_85] : memref<80x128xi32, #tpu.memory_space<vmem>> -> memref<60x128xi32, #tpu.memory_space<vmem>>
        %dma_start3A_87 = arith.constant 0 : i32
        %dma_start3A_88 = arith.constant 0 : i32
        %dma_start3A_89 = tpu.memref_slice %arg4[%cond3A_43, %dma_start3A_87, %dma_start3A_88] : memref<2x60x128xi32, #tpu.memory_space<hbm>> -> memref<1x60x128xi32, #tpu.memory_space<hbm>>
        %dma_start3A_90 = tpu.memref_squeeze %dma_start3A_89 : memref<1x60x128xi32, #tpu.memory_space<hbm>> -> memref<60x128xi32, #tpu.memory_space<hbm>>
        %dma_start3A_91 = arith.constant 20 : i32
        %dma_start3A_92 = arith.constant 0 : i32
        %dma_start3A_93 = tpu.memref_slice %arg8[%dma_start3A_91, %dma_start3A_92] : memref<80x128xi32, #tpu.memory_space<vmem>> -> memref<60x128xi32, #tpu.memory_space<vmem>>
        %dma_start3A_94 = arith.constant 0 : i32
        %dma_start3A_95 = arith.constant 0 : i32
        %dma_start3A_96 = tpu.memref_slice %arg4[%cond3A_43, %dma_start3A_94, %dma_start3A_95] : memref<2x60x128xi32, #tpu.memory_space<hbm>> -> memref<1x60x128xi32, #tpu.memory_space<hbm>>
        %dma_start3A_97 = tpu.memref_squeeze %dma_start3A_96 : memref<1x60x128xi32, #tpu.memory_space<hbm>> -> memref<60x128xi32, #tpu.memory_space<hbm>>
        tpu.enqueue_dma source(%dma_start3A_97 : memref<60x128xi32, #tpu.memory_space<hbm>>) target(%dma_start3A_93 : memref<60x128xi32, #tpu.memory_space<vmem>>) target_semaphore(%run_scoped3A : memref<!tpu.dma_semaphore, #tpu.memory_space<semaphore_mem>>)
        %dma_wait3A_98 = arith.constant 20 : i32
        %dma_wait3A_99 = arith.constant 0 : i32
        %dma_wait3A_100 = tpu.memref_slice %arg8[%dma_wait3A_98, %dma_wait3A_99] : memref<80x128xi32, #tpu.memory_space<vmem>> -> memref<60x128xi32, #tpu.memory_space<vmem>>
        %dma_wait3A_101 = arith.constant 0 : i32
        %dma_wait3A_102 = arith.constant 0 : i32
        %dma_wait3A_103 = tpu.memref_slice %arg4[%cond3A_43, %dma_wait3A_101, %dma_wait3A_102] : memref<2x60x128xi32, #tpu.memory_space<hbm>> -> memref<1x60x128xi32, #tpu.memory_space<hbm>>
        %dma_wait3A_104 = tpu.memref_squeeze %dma_wait3A_103 : memref<1x60x128xi32, #tpu.memory_space<hbm>> -> memref<60x128xi32, #tpu.memory_space<hbm>>
        %dma_wait3A_105 = arith.constant 20 : i32
        %dma_wait3A_106 = arith.constant 0 : i32
        %dma_wait3A_107 = tpu.memref_slice %arg8[%dma_wait3A_105, %dma_wait3A_106] : memref<80x128xi32, #tpu.memory_space<vmem>> -> memref<60x128xi32, #tpu.memory_space<vmem>>
        %dma_wait3A_108 = arith.constant 0 : i32
        %dma_wait3A_109 = arith.constant 0 : i32
        %dma_wait3A_110 = tpu.memref_slice %arg4[%cond3A_43, %dma_wait3A_108, %dma_wait3A_109] : memref<2x60x128xi32, #tpu.memory_space<hbm>> -> memref<1x60x128xi32, #tpu.memory_space<hbm>>
        %dma_wait3A_111 = tpu.memref_squeeze %dma_wait3A_110 : memref<1x60x128xi32, #tpu.memory_space<hbm>> -> memref<60x128xi32, #tpu.memory_space<hbm>>
        tpu.wait_dma2 semaphore(%run_scoped3A : memref<!tpu.dma_semaphore, #tpu.memory_space<semaphore_mem>>) src(%dma_wait3A_111 : memref<60x128xi32, #tpu.memory_space<hbm>>) dst(%dma_wait3A_107 : memref<60x128xi32, #tpu.memory_space<vmem>>)
        tpu.yield
      }) : () -> ()
    } else {
    }
    %barrier3A = arith.constant 0 : index
    tpu.barrier barrier_id(%barrier3A)
    %dma_start3A = arith.constant 0 : i32
    %dma_start3A_46 = arith.constant 0 : i32
    %dma_start3A_47 = tpu.memref_slice %arg7[%dma_start3A, %dma_start3A_46] : memref<80x128xi32, #tpu.memory_space<vmem>> -> memref<1x128xi32, #tpu.memory_space<vmem>>
    %dma_start3A_48 = tpu.memref_squeeze %dma_start3A_47 : memref<1x128xi32, #tpu.memory_space<vmem>> -> memref<128xi32, #tpu.memory_space<vmem>>
    %dma_start3A_49 = arith.constant 0 : i32
    %dma_start3A_50 = arith.constant 0 : i32
    %dma_start3A_51 = tpu.memref_slice %arg12[%dma_start3A_49, %dma_start3A_50] : memref<10008x16xf32, #tpu.memory_space<vmem_shared>> -> memref<10008x16xf32, #tpu.memory_space<vmem_shared>>
    tpu.enqueue_indirect_dma source(%dma_start3A_51 : memref<10008x16xf32, #tpu.memory_space<vmem_shared>>) target(%arg9 : memref<128x16xf32, #tpu.memory_space<vmem>>) offsets(%dma_start3A_48 : memref<128xi32, #tpu.memory_space<vmem>>) semaphore(%arg13 : memref<!tpu.dma_semaphore, #tpu.memory_space<semaphore_mem>>)
    %dma_start3A_52 = arith.constant 1 : i32
    %dma_start3A_53 = arith.constant 0 : i32
    %dma_start3A_54 = tpu.memref_slice %arg7[%dma_start3A_52, %dma_start3A_53] : memref<80x128xi32, #tpu.memory_space<vmem>> -> memref<1x128xi32, #tpu.memory_space<vmem>>
    %dma_start3A_55 = tpu.memref_squeeze %dma_start3A_54 : memref<1x128xi32, #tpu.memory_space<vmem>> -> memref<128xi32, #tpu.memory_space<vmem>>
    %dma_start3A_56 = arith.constant 0 : i32
    %dma_start3A_57 = arith.constant 0 : i32
    %dma_start3A_58 = tpu.memref_slice %arg12[%dma_start3A_56, %dma_start3A_57] : memref<10008x16xf32, #tpu.memory_space<vmem_shared>> -> memref<10008x16xf32, #tpu.memory_space<vmem_shared>>
    tpu.enqueue_indirect_dma source(%dma_start3A_58 : memref<10008x16xf32, #tpu.memory_space<vmem_shared>>) target(%arg10 : memref<128x16xf32, #tpu.memory_space<vmem>>) offsets(%dma_start3A_55 : memref<128xi32, #tpu.memory_space<vmem>>) semaphore(%arg14 : memref<!tpu.dma_semaphore, #tpu.memory_space<semaphore_mem>>)
    %scan3A = arith.constant 0 : i32
    %scan3A_59 = arith.constant 40 : i32
    %scan3A_60 = arith.addi %scan3A, %scan3A_59 : i32
    %scan3A_61 = arith.constant 1 : i32
    scf.for %scan3A_84 = %scan3A to %scan3A_60 step %scan3A_61  : i32 {
      %mul3A_85 = arith.constant 1 : i32
      %mul3A_86 = arith.muli %scan3A_84, %mul3A_85 : i32
      %add3A_87 = arith.constant 0 : i32
      %add3A_88 = arith.addi %add3A_87, %mul3A_86 : i32
      %mul3A_89 = arith.constant 2 : i32
      %mul3A_90 = arith.muli %mul3A_89, %add3A_88 : i32
      %add3A_91 = arith.constant 1 : i32
      %add3A_92 = arith.addi %mul3A_90, %add3A_91 : i32
      %dma_wait3A_93 = arith.constant 0 : i32
      %dma_wait3A_94 = tpu.memref_slice %arg7[%mul3A_90, %dma_wait3A_93] : memref<80x128xi32, #tpu.memory_space<vmem>> -> memref<1x128xi32, #tpu.memory_space<vmem>>
      %dma_wait3A_95 = tpu.memref_squeeze %dma_wait3A_94 : memref<1x128xi32, #tpu.memory_space<vmem>> -> memref<128xi32, #tpu.memory_space<vmem>>
      %dma_wait3A_96 = arith.constant 0 : i32
      %dma_wait3A_97 = arith.constant 0 : i32
      %dma_wait3A_98 = tpu.memref_slice %arg12[%dma_wait3A_96, %dma_wait3A_97] : memref<10008x16xf32, #tpu.memory_space<vmem_shared>> -> memref<10008x16xf32, #tpu.memory_space<vmem_shared>>
      tpu.wait_indirect_dma semaphore(%arg13 : memref<!tpu.dma_semaphore, #tpu.memory_space<semaphore_mem>>) src(%dma_wait3A_98 : memref<10008x16xf32, #tpu.memory_space<vmem_shared>>) dst(%arg9 : memref<128x16xf32, #tpu.memory_space<vmem>>)
      %dma_start3A_99 = arith.constant 0 : i32
      %dma_start3A_100 = tpu.memref_slice %arg8[%mul3A_90, %dma_start3A_99] : memref<80x128xi32, #tpu.memory_space<vmem>> -> memref<1x128xi32, #tpu.memory_space<vmem>>
      %dma_start3A_101 = tpu.memref_squeeze %dma_start3A_100 : memref<1x128xi32, #tpu.memory_space<vmem>> -> memref<128xi32, #tpu.memory_space<vmem>>
      %dma_start3A_102 = arith.constant 0 : i32
      %dma_start3A_103 = arith.constant 0 : i32
      %dma_start3A_104 = tpu.memref_slice %arg11[%dma_start3A_102, %dma_start3A_103] : memref<10008x16xf32, #tpu.memory_space<vmem_shared>> -> memref<10008x16xf32, #tpu.memory_space<vmem_shared>>
      tpu.enqueue_indirect_dma source(%arg9 : memref<128x16xf32, #tpu.memory_space<vmem>>) target(%dma_start3A_104 : memref<10008x16xf32, #tpu.memory_space<vmem_shared>>) offsets(%dma_start3A_101 : memref<128xi32, #tpu.memory_space<vmem>>) semaphore(%arg15 : memref<!tpu.dma_semaphore, #tpu.memory_space<semaphore_mem>>) {add = true}
      %dma_wait3A_105 = arith.constant 0 : i32
      %dma_wait3A_106 = tpu.memref_slice %arg7[%add3A_92, %dma_wait3A_105] : memref<80x128xi32, #tpu.memory_space<vmem>> -> memref<1x128xi32, #tpu.memory_space<vmem>>
      %dma_wait3A_107 = tpu.memref_squeeze %dma_wait3A_106 : memref<1x128xi32, #tpu.memory_space<vmem>> -> memref<128xi32, #tpu.memory_space<vmem>>
      %dma_wait3A_108 = arith.constant 0 : i32
      %dma_wait3A_109 = arith.constant 0 : i32
      %dma_wait3A_110 = tpu.memref_slice %arg12[%dma_wait3A_108, %dma_wait3A_109] : memref<10008x16xf32, #tpu.memory_space<vmem_shared>> -> memref<10008x16xf32, #tpu.memory_space<vmem_shared>>
      tpu.wait_indirect_dma semaphore(%arg14 : memref<!tpu.dma_semaphore, #tpu.memory_space<semaphore_mem>>) src(%dma_wait3A_110 : memref<10008x16xf32, #tpu.memory_space<vmem_shared>>) dst(%arg10 : memref<128x16xf32, #tpu.memory_space<vmem>>)
      %dma_start3A_111 = arith.constant 0 : i32
      %dma_start3A_112 = tpu.memref_slice %arg8[%add3A_92, %dma_start3A_111] : memref<80x128xi32, #tpu.memory_space<vmem>> -> memref<1x128xi32, #tpu.memory_space<vmem>>
      %dma_start3A_113 = tpu.memref_squeeze %dma_start3A_112 : memref<1x128xi32, #tpu.memory_space<vmem>> -> memref<128xi32, #tpu.memory_space<vmem>>
      %dma_start3A_114 = arith.constant 0 : i32
      %dma_start3A_115 = arith.constant 0 : i32
      %dma_start3A_116 = tpu.memref_slice %arg11[%dma_start3A_114, %dma_start3A_115] : memref<10008x16xf32, #tpu.memory_space<vmem_shared>> -> memref<10008x16xf32, #tpu.memory_space<vmem_shared>>
      tpu.enqueue_indirect_dma source(%arg10 : memref<128x16xf32, #tpu.memory_space<vmem>>) target(%dma_start3A_116 : memref<10008x16xf32, #tpu.memory_space<vmem_shared>>) offsets(%dma_start3A_113 : memref<128xi32, #tpu.memory_space<vmem>>) semaphore(%arg16 : memref<!tpu.dma_semaphore, #tpu.memory_space<semaphore_mem>>) {add = true}
      %add3A_117 = arith.constant 2 : i32
      %add3A_118 = arith.addi %mul3A_90, %add3A_117 : i32
      %lt3A = arith.constant 80 : i32
      %lt3A_119 = arith.cmpi slt, %add3A_118, %lt3A : i32
      %convert_element_type3A_120 = arith.extui %lt3A_119 : i1 to i32
      %cond3A_121 = arith.constant 0 : i32
      %cond3A_122 = arith.cmpi ne, %convert_element_type3A_120, %cond3A_121 : i32
      scf.if %cond3A_122 {
        %dma_wait3A_123 = arith.constant 0 : i32
        %dma_wait3A_124 = tpu.memref_slice %arg8[%mul3A_90, %dma_wait3A_123] : memref<80x128xi32, #tpu.memory_space<vmem>> -> memref<1x128xi32, #tpu.memory_space<vmem>>
        %dma_wait3A_125 = tpu.memref_squeeze %dma_wait3A_124 : memref<1x128xi32, #tpu.memory_space<vmem>> -> memref<128xi32, #tpu.memory_space<vmem>>
        %dma_wait3A_126 = arith.constant 0 : i32
        %dma_wait3A_127 = arith.constant 0 : i32
        %dma_wait3A_128 = tpu.memref_slice %arg11[%dma_wait3A_126, %dma_wait3A_127] : memref<10008x16xf32, #tpu.memory_space<vmem_shared>> -> memref<10008x16xf32, #tpu.memory_space<vmem_shared>>
        tpu.wait_indirect_dma semaphore(%arg15 : memref<!tpu.dma_semaphore, #tpu.memory_space<semaphore_mem>>) src(%arg9 : memref<128x16xf32, #tpu.memory_space<vmem>>) dst(%dma_wait3A_128 : memref<10008x16xf32, #tpu.memory_space<vmem_shared>>)
        %add3A_129 = arith.constant 2 : i32
        %add3A_130 = arith.addi %mul3A_90, %add3A_129 : i32
        %dma_start3A_131 = arith.constant 0 : i32
        %dma_start3A_132 = tpu.memref_slice %arg7[%add3A_130, %dma_start3A_131] : memref<80x128xi32, #tpu.memory_space<vmem>> -> memref<1x128xi32, #tpu.memory_space<vmem>>
        %dma_start3A_133 = tpu.memref_squeeze %dma_start3A_132 : memref<1x128xi32, #tpu.memory_space<vmem>> -> memref<128xi32, #tpu.memory_space<vmem>>
        %dma_start3A_134 = arith.constant 0 : i32
        %dma_start3A_135 = arith.constant 0 : i32
        %dma_start3A_136 = tpu.memref_slice %arg12[%dma_start3A_134, %dma_start3A_135] : memref<10008x16xf32, #tpu.memory_space<vmem_shared>> -> memref<10008x16xf32, #tpu.memory_space<vmem_shared>>
        tpu.enqueue_indirect_dma source(%dma_start3A_136 : memref<10008x16xf32, #tpu.memory_space<vmem_shared>>) target(%arg9 : memref<128x16xf32, #tpu.memory_space<vmem>>) offsets(%dma_start3A_133 : memref<128xi32, #tpu.memory_space<vmem>>) semaphore(%arg13 : memref<!tpu.dma_semaphore, #tpu.memory_space<semaphore_mem>>)
        %dma_wait3A_137 = arith.constant 0 : i32
        %dma_wait3A_138 = tpu.memref_slice %arg8[%add3A_92, %dma_wait3A_137] : memref<80x128xi32, #tpu.memory_space<vmem>> -> memref<1x128xi32, #tpu.memory_space<vmem>>
        %dma_wait3A_139 = tpu.memref_squeeze %dma_wait3A_138 : memref<1x128xi32, #tpu.memory_space<vmem>> -> memref<128xi32, #tpu.memory_space<vmem>>
        %dma_wait3A_140 = arith.constant 0 : i32
        %dma_wait3A_141 = arith.constant 0 : i32
        %dma_wait3A_142 = tpu.memref_slice %arg11[%dma_wait3A_140, %dma_wait3A_141] : memref<10008x16xf32, #tpu.memory_space<vmem_shared>> -> memref<10008x16xf32, #tpu.memory_space<vmem_shared>>
        tpu.wait_indirect_dma semaphore(%arg16 : memref<!tpu.dma_semaphore, #tpu.memory_space<semaphore_mem>>) src(%arg10 : memref<128x16xf32, #tpu.memory_space<vmem>>) dst(%dma_wait3A_142 : memref<10008x16xf32, #tpu.memory_space<vmem_shared>>)
        %add3A_143 = arith.constant 2 : i32
        %add3A_144 = arith.addi %add3A_92, %add3A_143 : i32
        %dma_start3A_145 = arith.constant 0 : i32
        %dma_start3A_146 = tpu.memref_slice %arg7[%add3A_144, %dma_start3A_145] : memref<80x128xi32, #tpu.memory_space<vmem>> -> memref<1x128xi32, #tpu.memory_space<vmem>>
        %dma_start3A_147 = tpu.memref_squeeze %dma_start3A_146 : memref<1x128xi32, #tpu.memory_space<vmem>> -> memref<128xi32, #tpu.memory_space<vmem>>
        %dma_start3A_148 = arith.constant 0 : i32
        %dma_start3A_149 = arith.constant 0 : i32
        %dma_start3A_150 = tpu.memref_slice %arg12[%dma_start3A_148, %dma_start3A_149] : memref<10008x16xf32, #tpu.memory_space<vmem_shared>> -> memref<10008x16xf32, #tpu.memory_space<vmem_shared>>
        tpu.enqueue_indirect_dma source(%dma_start3A_150 : memref<10008x16xf32, #tpu.memory_space<vmem_shared>>) target(%arg10 : memref<128x16xf32, #tpu.memory_space<vmem>>) offsets(%dma_start3A_147 : memref<128xi32, #tpu.memory_space<vmem>>) semaphore(%arg14 : memref<!tpu.dma_semaphore, #tpu.memory_space<semaphore_mem>>)
      } else {
      }
    }
    %scan3A_62 = arith.constant 40 : i32
    %dma_wait3A = arith.constant 78 : i32
    %dma_wait3A_63 = arith.constant 0 : i32
    %dma_wait3A_64 = tpu.memref_slice %arg8[%dma_wait3A, %dma_wait3A_63] : memref<80x128xi32, #tpu.memory_space<vmem>> -> memref<1x128xi32, #tpu.memory_space<vmem>>
    %dma_wait3A_65 = tpu.memref_squeeze %dma_wait3A_64 : memref<1x128xi32, #tpu.memory_space<vmem>> -> memref<128xi32, #tpu.memory_space<vmem>>
    %dma_wait3A_66 = arith.constant 0 : i32
    %dma_wait3A_67 = arith.constant 0 : i32
    %dma_wait3A_68 = tpu.memref_slice %arg11[%dma_wait3A_66, %dma_wait3A_67] : memref<10008x16xf32, #tpu.memory_space<vmem_shared>> -> memref<10008x16xf32, #tpu.memory_space<vmem_shared>>
    tpu.wait_indirect_dma semaphore(%arg15 : memref<!tpu.dma_semaphore, #tpu.memory_space<semaphore_mem>>) src(%arg9 : memref<128x16xf32, #tpu.memory_space<vmem>>) dst(%dma_wait3A_68 : memref<10008x16xf32, #tpu.memory_space<vmem_shared>>)
    %dma_wait3A_69 = arith.constant 79 : i32
    %dma_wait3A_70 = arith.constant 0 : i32
    %dma_wait3A_71 = tpu.memref_slice %arg8[%dma_wait3A_69, %dma_wait3A_70] : memref<80x128xi32, #tpu.memory_space<vmem>> -> memref<1x128xi32, #tpu.memory_space<vmem>>
    %dma_wait3A_72 = tpu.memref_squeeze %dma_wait3A_71 : memref<1x128xi32, #tpu.memory_space<vmem>> -> memref<128xi32, #tpu.memory_space<vmem>>
    %dma_wait3A_73 = arith.constant 0 : i32
    %dma_wait3A_74 = arith.constant 0 : i32
    %dma_wait3A_75 = tpu.memref_slice %arg11[%dma_wait3A_73, %dma_wait3A_74] : memref<10008x16xf32, #tpu.memory_space<vmem_shared>> -> memref<10008x16xf32, #tpu.memory_space<vmem_shared>>
    tpu.wait_indirect_dma semaphore(%arg16 : memref<!tpu.dma_semaphore, #tpu.memory_space<semaphore_mem>>) src(%arg10 : memref<128x16xf32, #tpu.memory_space<vmem>>) dst(%dma_wait3A_75 : memref<10008x16xf32, #tpu.memory_space<vmem_shared>>)
    %barrier3A_76 = arith.constant 0 : index
    tpu.barrier barrier_id(%barrier3A_76)
    %mul3A_77 = arith.constant 16 : i32
    %mul3A_78 = arith.muli %arg0, %mul3A_77 : i32
    "tpu.region"() ({
      %run_scoped3A = tpu.sem_alloc : memref<!tpu.dma_semaphore, #tpu.memory_space<semaphore_mem>>
      %dma_start3A_84 = tpu.memref_slice %arg6[%mul3A_2, %mul3A_78] : memref<10000x128xf32, #tpu.memory_space<hbm>> -> memref<624x16xf32, #tpu.memory_space<hbm>>
      %dma_start3A_85 = arith.constant 0 : i32
      %dma_start3A_86 = tpu.memref_slice %arg11[%mul3A_2, %dma_start3A_85] : memref<10008x16xf32, #tpu.memory_space<vmem_shared>> -> memref<624x16xf32, #tpu.memory_space<vmem_shared>>
      tpu.enqueue_dma source(%dma_start3A_86 : memref<624x16xf32, #tpu.memory_space<vmem_shared>>) target(%dma_start3A_84 : memref<624x16xf32, #tpu.memory_space<hbm>>) target_semaphore(%run_scoped3A : memref<!tpu.dma_semaphore, #tpu.memory_space<semaphore_mem>>)
      %dma_wait3A_87 = tpu.memref_slice %arg6[%mul3A_2, %mul3A_78] : memref<10000x128xf32, #tpu.memory_space<hbm>> -> memref<624x16xf32, #tpu.memory_space<hbm>>
      %dma_wait3A_88 = arith.constant 0 : i32
      %dma_wait3A_89 = tpu.memref_slice %arg11[%mul3A_2, %dma_wait3A_88] : memref<10008x16xf32, #tpu.memory_space<vmem_shared>> -> memref<624x16xf32, #tpu.memory_space<vmem_shared>>
      tpu.wait_dma2 semaphore(%run_scoped3A : memref<!tpu.dma_semaphore, #tpu.memory_space<semaphore_mem>>) src(%dma_wait3A_89 : memref<624x16xf32, #tpu.memory_space<vmem_shared>>) dst(%dma_wait3A_87 : memref<624x16xf32, #tpu.memory_space<hbm>>)
      tpu.yield
    }) : () -> ()
    %eq3A_79 = arith.constant 15 : i32
    %eq3A_80 = arith.cmpi eq, %arg1, %eq3A_79 : i32
    %convert_element_type3A_81 = arith.extui %eq3A_80 : i1 to i32
    %cond3A_82 = arith.constant 0 : i32
    %cond3A_83 = arith.cmpi ne, %convert_element_type3A_81, %cond3A_82 : i32
    scf.if %cond3A_83 {
      "tpu.region"() ({
        %run_scoped3A = tpu.sem_alloc : memref<!tpu.dma_semaphore, #tpu.memory_space<semaphore_mem>>
        %dma_start3A_84 = arith.constant 9984 : i32
        %dma_start3A_85 = tpu.memref_slice %arg6[%dma_start3A_84, %mul3A_78] : memref<10000x128xf32, #tpu.memory_space<hbm>> -> memref<16x16xf32, #tpu.memory_space<hbm>>
        %dma_start3A_86 = arith.constant 9984 : i32
        %dma_start3A_87 = arith.constant 0 : i32
        %dma_start3A_88 = tpu.memref_slice %arg11[%dma_start3A_86, %dma_start3A_87] : memref<10008x16xf32, #tpu.memory_space<vmem_shared>> -> memref<16x16xf32, #tpu.memory_space<vmem_shared>>
        tpu.enqueue_dma source(%dma_start3A_88 : memref<16x16xf32, #tpu.memory_space<vmem_shared>>) target(%dma_start3A_85 : memref<16x16xf32, #tpu.memory_space<hbm>>) target_semaphore(%run_scoped3A : memref<!tpu.dma_semaphore, #tpu.memory_space<semaphore_mem>>)
        %dma_wait3A_89 = arith.constant 9984 : i32
        %dma_wait3A_90 = tpu.memref_slice %arg6[%dma_wait3A_89, %mul3A_78] : memref<10000x128xf32, #tpu.memory_space<hbm>> -> memref<16x16xf32, #tpu.memory_space<hbm>>
        %dma_wait3A_91 = arith.constant 9984 : i32
        %dma_wait3A_92 = arith.constant 0 : i32
        %dma_wait3A_93 = tpu.memref_slice %arg11[%dma_wait3A_91, %dma_wait3A_92] : memref<10008x16xf32, #tpu.memory_space<vmem_shared>> -> memref<16x16xf32, #tpu.memory_space<vmem_shared>>
        tpu.wait_dma2 semaphore(%run_scoped3A : memref<!tpu.dma_semaphore, #tpu.memory_space<semaphore_mem>>) src(%dma_wait3A_93 : memref<16x16xf32, #tpu.memory_space<vmem_shared>>) dst(%dma_wait3A_90 : memref<16x16xf32, #tpu.memory_space<hbm>>)
        tpu.yield
      }) : () -> ()
    } else {
    }
    return
  }
}

module attributes {stable_mosaic.version = 14 : i64} {
  func.func @body(%arg0: i32, %arg1: memref<1000x128xf32, #tpu.memory_space<vmem>>, %arg2: memref<1000x128xf32, #tpu.memory_space<vmem>>, %arg3: memref<1000x128xf32, #tpu.memory_space<vmem>>) attributes {dimension_semantics = [#tpu.dimension_semantics<arbitrary>], iteration_bounds = array<i64: 10>, scalar_prefetch = 0 : i64, scratch_operands = 0 : i64, tpu.core_type = #tpu.core_type<tc>, window_params = [{transform_indices = @transform_0, window_bounds = array<i64: 1000, 128>}, {transform_indices = @transform_1, window_bounds = array<i64: 1000, 128>}, {transform_indices = @transform_2, window_bounds = array<i64: 1000, 128>}]} {
    %get3A = arith.constant 0 : index
    %get3A_0 = arith.constant 0 : index
    %get3A_1 = vector.load %arg1[%get3A, %get3A_0] : memref<1000x128xf32, #tpu.memory_space<vmem>>, vector<1000x128xf32>
    %get3A_2 = arith.constant 0 : index
    %get3A_3 = arith.constant 0 : index
    %get3A_4 = vector.load %arg2[%get3A_2, %get3A_3] : memref<1000x128xf32, #tpu.memory_space<vmem>>, vector<1000x128xf32>
    %slice3A = vector.extract_strided_slice %get3A_4 {offsets = [0, 0], sizes = [1000, 1], strides = [1, 1]} : vector<1000x128xf32> to vector<1000x1xf32>
    %slice3A_5 = vector.extract_strided_slice %get3A_4 {offsets = [0, 16], sizes = [1000, 1], strides = [1, 1]} : vector<1000x128xf32> to vector<1000x1xf32>
    %add3A = arith.addf %slice3A, %slice3A_5 : vector<1000x1xf32>
    %add3A_6 = arith.constant 1.000000e+00 : f32
    %add3A_7 = vector.broadcast %add3A_6 : f32 to vector<1000x1xf32>
    %add3A_8 = arith.addf %add3A, %add3A_7 : vector<1000x1xf32>
    %rsqrt3A = math.rsqrt %add3A_8 : vector<1000x1xf32>
    %mul3A = vector.broadcast %rsqrt3A : vector<1000x1xf32> to vector<1000x128xf32>
    %mul3A_9 = arith.mulf %get3A_1, %mul3A : vector<1000x128xf32>
    %swap3A = arith.constant 0 : index
    %swap3A_10 = arith.constant 0 : index
    %swap3A_11 = vector.load %arg3[%swap3A, %swap3A_10] : memref<1000x128xf32, #tpu.memory_space<vmem>>, vector<1000x128xf32>
    tpu.vector_store %arg3[%swap3A, %swap3A_10], %mul3A_9 {strides = array<i32>} : memref<1000x128xf32, #tpu.memory_space<vmem>>, vector<1000x128xf32>,
    return
  }
  func.func @transform_0(%arg0: i32) -> (i32, i32) {
    %c0_i32 = arith.constant 0 : i32
    %c0_i32_0 = arith.constant 0 : i32
    return %arg0, %c0_i32 : i32, i32
  }
  func.func @transform_1(%arg0: i32) -> (i32, i32) {
    %c0_i32 = arith.constant 0 : i32
    %c0_i32_0 = arith.constant 0 : i32
    return %arg0, %c0_i32 : i32, i32
  }
  func.func @transform_2(%arg0: i32) -> (i32, i32) {
    %c0_i32 = arith.constant 0 : i32
    %c0_i32_0 = arith.constant 0 : i32
    return %arg0, %c0_i32 : i32, i32
  }
}

module attributes {stable_mosaic.version = 14 : i64} {
  func.func @body(%arg0: i32, %arg1: memref<1000x128xf32, #tpu.memory_space<vmem>>, %arg2: memref<1000x128xf32, #tpu.memory_space<vmem>>, %arg3: memref<1000x128xf32, #tpu.memory_space<vmem>>, %arg4: memref<128x256xf32, #tpu.memory_space<vmem>>, %arg5: memref<1x256xf32, #tpu.memory_space<vmem>>, %arg6: memref<256x32xf32, #tpu.memory_space<vmem>>, %arg7: memref<1000x32xf32, #tpu.memory_space<vmem>>) attributes {dimension_semantics = [#tpu.dimension_semantics<arbitrary>], iteration_bounds = array<i64: 10>, scalar_prefetch = 0 : i64, scratch_operands = 0 : i64, tpu.core_type = #tpu.core_type<tc>, window_params = [{transform_indices = @transform_0, window_bounds = array<i64: 1000, 128>}, {transform_indices = @transform_1, window_bounds = array<i64: 1000, 128>}, {transform_indices = @transform_2, window_bounds = array<i64: 1000, 128>}, {pipeline_mode = #tpu.pipeline_mode<synchronous>, transform_indices = @transform_3, window_bounds = array<i64: 128, 256>}, {pipeline_mode = #tpu.pipeline_mode<synchronous>, transform_indices = @transform_4, window_bounds = array<i64: 1, 256>}, {pipeline_mode = #tpu.pipeline_mode<synchronous>, transform_indices = @transform_5, window_bounds = array<i64: 256, 32>}, {transform_indices = @transform_6, window_bounds = array<i64: 1000, 32>}]} {
    %get3A = arith.constant 0 : index
    %get3A_0 = arith.constant 0 : index
    %get3A_1 = vector.load %arg3[%get3A, %get3A_0] : memref<1000x128xf32, #tpu.memory_space<vmem>>, vector<1000x128xf32>
    %slice3A = vector.extract_strided_slice %get3A_1 {offsets = [0, 0], sizes = [1000, 1], strides = [1, 1]} : vector<1000x128xf32> to vector<1000x1xf32>
    %slice3A_2 = vector.extract_strided_slice %get3A_1 {offsets = [0, 16], sizes = [1000, 1], strides = [1, 1]} : vector<1000x128xf32> to vector<1000x1xf32>
    %add3A = arith.addf %slice3A, %slice3A_2 : vector<1000x1xf32>
    %add3A_3 = arith.constant 1.000000e+00 : f32
    %add3A_4 = vector.broadcast %add3A_3 : f32 to vector<1000x1xf32>
    %add3A_5 = arith.addf %add3A, %add3A_4 : vector<1000x1xf32>
    %rsqrt3A = math.rsqrt %add3A_5 : vector<1000x1xf32>
    %get3A_6 = arith.constant 0 : index
    %get3A_7 = arith.constant 0 : index
    %get3A_8 = vector.load %arg1[%get3A_6, %get3A_7] : memref<1000x128xf32, #tpu.memory_space<vmem>>, vector<1000x128xf32>
    %get3A_9 = arith.constant 0 : index
    %get3A_10 = arith.constant 0 : index
    %get3A_11 = vector.load %arg2[%get3A_9, %get3A_10] : memref<1000x128xf32, #tpu.memory_space<vmem>>, vector<1000x128xf32>
    %add3A_12 = arith.addf %get3A_8, %get3A_11 : vector<1000x128xf32>
    %mul3A = vector.broadcast %rsqrt3A : vector<1000x1xf32> to vector<1000x128xf32>
    %mul3A_13 = arith.mulf %add3A_12, %mul3A : vector<1000x128xf32>
    %get3A_14 = arith.constant 0 : index
    %get3A_15 = arith.constant 0 : index
    %get3A_16 = vector.load %arg4[%get3A_14, %get3A_15] : memref<128x256xf32, #tpu.memory_space<vmem>>, vector<128x256xf32>
    %dot_general3A = arith.constant dense<0.000000e+00> : vector<1000x256xf32>
    %dot_general3A_17 = tpu.matmul %mul3A_13, %get3A_16, %dot_general3A {dimension_numbers = #tpu.dot_dimension_numbers<[1], [0], [0], [1], [0, 0, 1, 1], [], []>, transpose_lhs_hint = false} : vector<1000x128xf32>, vector<128x256xf32>, vector<1000x256xf32> -> vector<1000x256xf32>
    %get3A_18 = arith.constant 0 : index
    %get3A_19 = arith.constant 0 : index
    %get3A_20 = vector.load %arg5[%get3A_18, %get3A_19] : memref<1x256xf32, #tpu.memory_space<vmem>>, vector<1x256xf32>
    %add3A_21 = vector.broadcast %get3A_20 : vector<1x256xf32> to vector<1000x256xf32>
    %add3A_22 = arith.addf %dot_general3A_17, %add3A_21 : vector<1000x256xf32>
    %max3A = arith.constant 0.000000e+00 : f32
    %max3A_23 = vector.broadcast %max3A : f32 to vector<1000x256xf32>
    %max3A_24 = arith.maximumf %add3A_22, %max3A_23 : vector<1000x256xf32>
    %get3A_25 = arith.constant 0 : index
    %get3A_26 = arith.constant 0 : index
    %get3A_27 = vector.load %arg6[%get3A_25, %get3A_26] : memref<256x32xf32, #tpu.memory_space<vmem>>, vector<256x32xf32>
    %dot_general3A_28 = arith.constant dense<0.000000e+00> : vector<1000x32xf32>
    %dot_general3A_29 = tpu.matmul %max3A_24, %get3A_27, %dot_general3A_28 {dimension_numbers = #tpu.dot_dimension_numbers<[1], [0], [0], [1], [0, 0, 1, 1], [], []>, transpose_lhs_hint = false} : vector<1000x256xf32>, vector<256x32xf32>, vector<1000x32xf32> -> vector<1000x32xf32>
    %mul3A_30 = vector.broadcast %rsqrt3A : vector<1000x1xf32> to vector<1000x32xf32>
    %mul3A_31 = arith.mulf %dot_general3A_29, %mul3A_30 : vector<1000x32xf32>
    %swap3A = arith.constant 0 : index
    %swap3A_32 = arith.constant 0 : index
    %swap3A_33 = vector.load %arg7[%swap3A, %swap3A_32] : memref<1000x32xf32, #tpu.memory_space<vmem>>, vector<1000x32xf32>
    tpu.vector_store %arg7[%swap3A, %swap3A_32], %mul3A_31 {strides = array<i32>} : memref<1000x32xf32, #tpu.memory_space<vmem>>, vector<1000x32xf32>,
    return
  }
  func.func @transform_0(%arg0: i32) -> (i32, i32) {
    %c0_i32 = arith.constant 0 : i32
    %c0_i32_0 = arith.constant 0 : i32
    return %arg0, %c0_i32 : i32, i32
  }
  func.func @transform_1(%arg0: i32) -> (i32, i32) {
    %c0_i32 = arith.constant 0 : i32
    %c0_i32_0 = arith.constant 0 : i32
    return %arg0, %c0_i32 : i32, i32
  }
  func.func @transform_2(%arg0: i32) -> (i32, i32) {
    %c0_i32 = arith.constant 0 : i32
    %c0_i32_0 = arith.constant 0 : i32
    return %arg0, %c0_i32 : i32, i32
  }
  func.func @transform_3(%arg0: i32) -> (i32, i32) {
    %c0_i32 = arith.constant 0 : i32
    %c0_i32_0 = arith.constant 0 : i32
    %c0_i32_1 = arith.constant 0 : i32
    return %c0_i32, %c0_i32_0 : i32, i32
  }
  func.func @transform_4(%arg0: i32) -> (i32, i32) {
    %c0_i32 = arith.constant 0 : i32
    %c0_i32_0 = arith.constant 0 : i32
    %c0_i32_1 = arith.constant 0 : i32
    return %c0_i32, %c0_i32_0 : i32, i32
  }
  func.func @transform_5(%arg0: i32) -> (i32, i32) {
    %c0_i32 = arith.constant 0 : i32
    %c0_i32_0 = arith.constant 0 : i32
    %c0_i32_1 = arith.constant 0 : i32
    return %c0_i32, %c0_i32_0 : i32, i32
  }
  func.func @transform_6(%arg0: i32) -> (i32, i32) {
    %c0_i32 = arith.constant 0 : i32
    %c0_i32_0 = arith.constant 0 : i32
    return %arg0, %c0_i32 : i32, i32
  }
}

module attributes {stable_mosaic.version = 14 : i64} {
  func.func @body(%arg0: i32, %arg1: memref<1000x128xf32, #tpu.memory_space<vmem>>, %arg2: memref<1000x32xf32, #tpu.memory_space<vmem>>, %arg3: memref<1000x128xf32, #tpu.memory_space<vmem>>, %arg4: memref<1x32xf32, #tpu.memory_space<vmem>>, %arg5: memref<32x16xf32, #tpu.memory_space<vmem>>, %arg6: memref<1000x16xf32, #tpu.memory_space<vmem>>) attributes {dimension_semantics = [#tpu.dimension_semantics<arbitrary>], iteration_bounds = array<i64: 10>, scalar_prefetch = 0 : i64, scratch_operands = 0 : i64, tpu.core_type = #tpu.core_type<tc>, window_params = [{transform_indices = @transform_0, window_bounds = array<i64: 1000, 128>}, {transform_indices = @transform_1, window_bounds = array<i64: 1000, 32>}, {transform_indices = @transform_2, window_bounds = array<i64: 1000, 128>}, {pipeline_mode = #tpu.pipeline_mode<synchronous>, transform_indices = @transform_3, window_bounds = array<i64: 1, 32>}, {pipeline_mode = #tpu.pipeline_mode<synchronous>, transform_indices = @transform_4, window_bounds = array<i64: 32, 16>}, {transform_indices = @transform_5, window_bounds = array<i64: 1000, 16>}]} {
    %get3A = arith.constant 0 : index
    %get3A_0 = arith.constant 0 : index
    %get3A_1 = vector.load %arg3[%get3A, %get3A_0] : memref<1000x128xf32, #tpu.memory_space<vmem>>, vector<1000x128xf32>
    %slice3A = vector.extract_strided_slice %get3A_1 {offsets = [0, 0], sizes = [1000, 1], strides = [1, 1]} : vector<1000x128xf32> to vector<1000x1xf32>
    %slice3A_2 = vector.extract_strided_slice %get3A_1 {offsets = [0, 16], sizes = [1000, 1], strides = [1, 1]} : vector<1000x128xf32> to vector<1000x1xf32>
    %add3A = arith.addf %slice3A, %slice3A_2 : vector<1000x1xf32>
    %add3A_3 = arith.constant 1.000000e+00 : f32
    %add3A_4 = vector.broadcast %add3A_3 : f32 to vector<1000x1xf32>
    %add3A_5 = arith.addf %add3A, %add3A_4 : vector<1000x1xf32>
    %rsqrt3A = math.rsqrt %add3A_5 : vector<1000x1xf32>
    %get3A_6 = arith.constant 0 : index
    %get3A_7 = arith.constant 0 : index
    %get3A_8 = vector.load %arg1[%get3A_6, %get3A_7] : memref<1000x128xf32, #tpu.memory_space<vmem>>, vector<1000x128xf32>
    %slice3A_9 = vector.extract_strided_slice %get3A_8 {offsets = [0, 0], sizes = [1000, 32], strides = [1, 1]} : vector<1000x128xf32> to vector<1000x32xf32>
    %slice3A_10 = vector.extract_strided_slice %get3A_8 {offsets = [0, 32], sizes = [1000, 32], strides = [1, 1]} : vector<1000x128xf32> to vector<1000x32xf32>
    %add3A_11 = arith.addf %slice3A_9, %slice3A_10 : vector<1000x32xf32>
    %get3A_12 = arith.constant 0 : index
    %get3A_13 = arith.constant 0 : index
    %get3A_14 = vector.load %arg2[%get3A_12, %get3A_13] : memref<1000x32xf32, #tpu.memory_space<vmem>>, vector<1000x32xf32>
    %add3A_15 = arith.addf %add3A_11, %get3A_14 : vector<1000x32xf32>
    %mul3A = vector.broadcast %rsqrt3A : vector<1000x1xf32> to vector<1000x32xf32>
    %mul3A_16 = arith.mulf %add3A_15, %mul3A : vector<1000x32xf32>
    %get3A_17 = arith.constant 0 : index
    %get3A_18 = arith.constant 0 : index
    %get3A_19 = vector.load %arg4[%get3A_17, %get3A_18] : memref<1x32xf32, #tpu.memory_space<vmem>>, vector<1x32xf32>
    %add3A_20 = vector.broadcast %get3A_19 : vector<1x32xf32> to vector<1000x32xf32>
    %add3A_21 = arith.addf %mul3A_16, %add3A_20 : vector<1000x32xf32>
    %max3A = arith.constant 0.000000e+00 : f32
    %max3A_22 = vector.broadcast %max3A : f32 to vector<1000x32xf32>
    %max3A_23 = arith.maximumf %add3A_21, %max3A_22 : vector<1000x32xf32>
    %get3A_24 = arith.constant 0 : index
    %get3A_25 = arith.constant 0 : index
    %get3A_26 = vector.load %arg5[%get3A_24, %get3A_25] : memref<32x16xf32, #tpu.memory_space<vmem>>, vector<32x16xf32>
    %dot_general3A = arith.constant dense<0.000000e+00> : vector<1000x16xf32>
    %dot_general3A_27 = tpu.matmul %max3A_23, %get3A_26, %dot_general3A {dimension_numbers = #tpu.dot_dimension_numbers<[1], [0], [0], [1], [0, 0, 1, 1], [], []>, transpose_lhs_hint = false} : vector<1000x32xf32>, vector<32x16xf32>, vector<1000x16xf32> -> vector<1000x16xf32>
    %mul3A_28 = vector.broadcast %rsqrt3A : vector<1000x1xf32> to vector<1000x16xf32>
    %mul3A_29 = arith.mulf %dot_general3A_27, %mul3A_28 : vector<1000x16xf32>
    %swap3A = arith.constant 0 : index
    %swap3A_30 = arith.constant 0 : index
    %swap3A_31 = vector.load %arg6[%swap3A, %swap3A_30] : memref<1000x16xf32, #tpu.memory_space<vmem>>, vector<1000x16xf32>
    tpu.vector_store %arg6[%swap3A, %swap3A_30], %mul3A_29 {strides = array<i32>} : memref<1000x16xf32, #tpu.memory_space<vmem>>, vector<1000x16xf32>,
    return
  }
  func.func @transform_0(%arg0: i32) -> (i32, i32) {
    %c0_i32 = arith.constant 0 : i32
    %c0_i32_0 = arith.constant 0 : i32
    return %arg0, %c0_i32 : i32, i32
  }
  func.func @transform_1(%arg0: i32) -> (i32, i32) {
    %c0_i32 = arith.constant 0 : i32
    %c0_i32_0 = arith.constant 0 : i32
    return %arg0, %c0_i32 : i32, i32
  }
  func.func @transform_2(%arg0: i32) -> (i32, i32) {
    %c0_i32 = arith.constant 0 : i32
    %c0_i32_0 = arith.constant 0 : i32
    return %arg0, %c0_i32 : i32, i32
  }
  func.func @transform_3(%arg0: i32) -> (i32, i32) {
    %c0_i32 = arith.constant 0 : i32
    %c0_i32_0 = arith.constant 0 : i32
    %c0_i32_1 = arith.constant 0 : i32
    return %c0_i32, %c0_i32_0 : i32, i32
  }
  func.func @transform_4(%arg0: i32) -> (i32, i32) {
    %c0_i32 = arith.constant 0 : i32
    %c0_i32_0 = arith.constant 0 : i32
    %c0_i32_1 = arith.constant 0 : i32
    return %c0_i32, %c0_i32_0 : i32, i32
  }
  func.func @transform_5(%arg0: i32) -> (i32, i32) {
    %c0_i32 = arith.constant 0 : i32
    %c0_i32_0 = arith.constant 0 : i32
    return %arg0, %c0_i32 : i32, i32
  }
}

module attributes {stable_mosaic.version = 14 : i64} {
  func.func @body(%arg0: i32, %arg1: memref<1000x128xf32, #tpu.memory_space<vmem>>, %arg2: memref<1000x16xf32, #tpu.memory_space<vmem>>, %arg3: memref<1000x128xf32, #tpu.memory_space<vmem>>, %arg4: memref<1x16xf32, #tpu.memory_space<vmem>>, %arg5: memref<1000x16xf32, #tpu.memory_space<vmem>>) attributes {dimension_semantics = [#tpu.dimension_semantics<arbitrary>], iteration_bounds = array<i64: 10>, scalar_prefetch = 0 : i64, scratch_operands = 0 : i64, tpu.core_type = #tpu.core_type<tc>, window_params = [{transform_indices = @transform_0, window_bounds = array<i64: 1000, 128>}, {transform_indices = @transform_1, window_bounds = array<i64: 1000, 16>}, {transform_indices = @transform_2, window_bounds = array<i64: 1000, 128>}, {pipeline_mode = #tpu.pipeline_mode<synchronous>, transform_indices = @transform_3, window_bounds = array<i64: 1, 16>}, {transform_indices = @transform_4, window_bounds = array<i64: 1000, 16>}]} {
    %get3A = arith.constant 0 : index
    %get3A_0 = arith.constant 0 : index
    %get3A_1 = vector.load %arg3[%get3A, %get3A_0] : memref<1000x128xf32, #tpu.memory_space<vmem>>, vector<1000x128xf32>
    %slice3A = vector.extract_strided_slice %get3A_1 {offsets = [0, 0], sizes = [1000, 1], strides = [1, 1]} : vector<1000x128xf32> to vector<1000x1xf32>
    %slice3A_2 = vector.extract_strided_slice %get3A_1 {offsets = [0, 16], sizes = [1000, 1], strides = [1, 1]} : vector<1000x128xf32> to vector<1000x1xf32>
    %add3A = arith.addf %slice3A, %slice3A_2 : vector<1000x1xf32>
    %add3A_3 = arith.constant 1.000000e+00 : f32
    %add3A_4 = vector.broadcast %add3A_3 : f32 to vector<1000x1xf32>
    %add3A_5 = arith.addf %add3A, %add3A_4 : vector<1000x1xf32>
    %rsqrt3A = math.rsqrt %add3A_5 : vector<1000x1xf32>
    %get3A_6 = arith.constant 0 : index
    %get3A_7 = arith.constant 0 : index
    %get3A_8 = vector.load %arg1[%get3A_6, %get3A_7] : memref<1000x128xf32, #tpu.memory_space<vmem>>, vector<1000x128xf32>
    %slice3A_9 = vector.extract_strided_slice %get3A_8 {offsets = [0, 0], sizes = [1000, 16], strides = [1, 1]} : vector<1000x128xf32> to vector<1000x16xf32>
    %slice3A_10 = vector.extract_strided_slice %get3A_8 {offsets = [0, 16], sizes = [1000, 16], strides = [1, 1]} : vector<1000x128xf32> to vector<1000x16xf32>
    %add3A_11 = arith.addf %slice3A_9, %slice3A_10 : vector<1000x16xf32>
    %get3A_12 = arith.constant 0 : index
    %get3A_13 = arith.constant 0 : index
    %get3A_14 = vector.load %arg2[%get3A_12, %get3A_13] : memref<1000x16xf32, #tpu.memory_space<vmem>>, vector<1000x16xf32>
    %add3A_15 = arith.addf %add3A_11, %get3A_14 : vector<1000x16xf32>
    %mul3A = vector.broadcast %rsqrt3A : vector<1000x1xf32> to vector<1000x16xf32>
    %mul3A_16 = arith.mulf %add3A_15, %mul3A : vector<1000x16xf32>
    %get3A_17 = arith.constant 0 : index
    %get3A_18 = arith.constant 0 : index
    %get3A_19 = vector.load %arg4[%get3A_17, %get3A_18] : memref<1x16xf32, #tpu.memory_space<vmem>>, vector<1x16xf32>
    %add3A_20 = vector.broadcast %get3A_19 : vector<1x16xf32> to vector<1000x16xf32>
    %add3A_21 = arith.addf %mul3A_16, %add3A_20 : vector<1000x16xf32>
    %swap3A = arith.constant 0 : index
    %swap3A_22 = arith.constant 0 : index
    %swap3A_23 = vector.load %arg5[%swap3A, %swap3A_22] : memref<1000x16xf32, #tpu.memory_space<vmem>>, vector<1000x16xf32>
    tpu.vector_store %arg5[%swap3A, %swap3A_22], %add3A_21 {strides = array<i32>} : memref<1000x16xf32, #tpu.memory_space<vmem>>, vector<1000x16xf32>,
    return
  }
  func.func @transform_0(%arg0: i32) -> (i32, i32) {
    %c0_i32 = arith.constant 0 : i32
    %c0_i32_0 = arith.constant 0 : i32
    return %arg0, %c0_i32 : i32, i32
  }
  func.func @transform_1(%arg0: i32) -> (i32, i32) {
    %c0_i32 = arith.constant 0 : i32
    %c0_i32_0 = arith.constant 0 : i32
    return %arg0, %c0_i32 : i32, i32
  }
  func.func @transform_2(%arg0: i32) -> (i32, i32) {
    %c0_i32 = arith.constant 0 : i32
    %c0_i32_0 = arith.constant 0 : i32
    return %arg0, %c0_i32 : i32, i32
  }
  func.func @transform_3(%arg0: i32) -> (i32, i32) {
    %c0_i32 = arith.constant 0 : i32
    %c0_i32_0 = arith.constant 0 : i32
    %c0_i32_1 = arith.constant 0 : i32
    return %c0_i32, %c0_i32_0 : i32, i32
  }
  func.func @transform_4(%arg0: i32) -> (i32, i32) {
    %c0_i32 = arith.constant 0 : i32
    %c0_i32_0 = arith.constant 0 : i32
    return %arg0, %c0_i32 : i32, i32
  }
}

</mosaic_0001>

<sc_bundles>
// kernel: kernel.10.cloned.1.call-start
scs
__scs_entry_jumppad:
0x0: {  	(pc) =	sbr.rel $0x88, $3  }
0x1: {  	(tag) =	ssettag $0x0;
	lr =	simm.s32 $0x1  }
0x2: {  	[smem:$0x3F99] =	sst lr;
	_ =	strace $0xD0000000  }
0x3: {  	_ = 	snop  }
0x4: {  	_ = 	snop  }
0x5: {  	_ = 	snop  }
0x6: {  	_ = 	snop  }
0x7: {  	_ = 	snop  }
__scs_overlays_trampoline_lowered:
0x8: {  	[smem:$0x3FA8] =	sst s0  }
0x9: {  	[smem:$0x3FA9] =	sst s1  }
0xa: {  	[smem:$0x3FAA] =	sst s2  }
0xb: {  	[smem:$0x3FAB] =	sst s3  }
0xc: {  	[smem:$0x3FAC] =	sst s4  }
0xd: {  	[smem:$0x3FAD] =	sst s5  }
0xe: {  	[smem:$0x3FAE] =	sst s6  }
0xf: {  	[smem:$0x3FAF] =	sst s7  }
0x10: {  	[smem:$0x3FB0] =	sst s8  }
0x11: {  	[smem:$0x3FB1] =	sst s9;
	s0 =	simm.s32 @!p0 $0x0  }
0x12: {  	s1 =	sld [smem:$0x3F97];
	s0 =	simm.s32 @p0 $0x1  }
0x13: {  	[smem:$0x3FB2] =	sst s0;
	s0 =	simm.s32 @!p1 $0x0  }
0x14: {  	s2 =	sld [smem:$0x3F96];
	s0 =	simm.s32 @p1 $0x1  }
0x15: {  	[smem:$0x3FB3] =	sst s0;
	s0 =	simm.s32 @!p2 $0x0  }
0x16: {  	s3 =	sld [smem:$0x3FDB];
	s0 =	simm.s32 @p2 $0x1  }
0x17: {  	s4 =	simm.s32 $0x1BF5;
	[smem:$0x3FB5] =	sst s0  }
0x18: {  	s0 =	sld [smem:$0x3F98];
	_ =	swait.ge [sflag:s4], $0x0  }
0x19: {  	s7 =	sld [smem:$0x3F99]  }
0x1a: {  	s8 =	sadd.s32 $0xFFFFE003, lr  }
0x1b: {  	s9 =	sadd.s32 $0xFFFFFEF7, lr;
	s5 =	simm.s32 $0xFFFFFFFF;
	p2 =	slt.u32 s8, $0xFFFFF086  }
0x1c: {  	p1 =	slt.u32 s9, $0xF7A;
	s5 =	simm.s32 @!p2 $0x0  }
0x1d: {  	s5 =	simm.s32 @p1 $0x1;
	p0 =	seq.s32 s7, s2  }
0x1e: {  	s7 =	smul.u32 @!p0 $0xF7A, s2;
	p2 =	seq.s32 @!p0 s5, $0x0  }
0x1f: {  	s9 =	smul.u32 $0xF7A, s1;
	s8 =	simm.s32 @!p0 $0x1BF5;
	p2 =	por !p2, p0  }
0x20: {  	[sflag:s8] =	ssyncset.s32 @!p0 $0xFFFFF086;
	s6 =	sadd.s32 @!p0 s3, s7;
	s7 =	simm.s32 @!p0 $0x108  }
0x21: {  	s3 =	sadd.s32 s3, s9;
	s6 =	sadd.s32 @!p0 $0x88, s6;
	s7 =	simm.s32 @p2 $0x1082  }
0x22: {  	[simem:s7], [sflag:s8] =	dma.local @!p0 [hbm:s6], $0xF7A  }
0x23: {  	s9 =	sor.u32 $0xD0000000, s2;
	s6 =	simm.s32 $0x108;
	_ =	swait.ge @!p0 [sflag:s8], $0x0  }
0x24: {  	s3 =	sadd.s32 $0x88, s3;
	s6 =	simm.s32 @!p1 $0x1082;
	[sflag:s4] =	ssyncset.s32 $0xFFFFF086  }
0x25: {  	[simem:s6], [sflag:s4] =	dma.local [hbm:s3], $0xF7A  }
0x26: {  	[smem:$0x3F99] =	sst s1;
	(tag) =	ssettag s2;
	_ =	strace s9  }
0x27: {  	s1 =	sld [smem:$0x3FA9]  }
0x28: {  	s2 =	sld [smem:$0x3FAA]  }
0x29: {  	s4 =	sld [smem:$0x3FAC]  }
0x2a: {  	p0 =	seq.s32 s5, $0x0;
	s5 =	sld [smem:$0x3FAD]  }
0x2b: {  	s6 =	sld [smem:$0x3FAE]  }
0x2c: {  	s7 =	sld [smem:$0x3FAF]  }
0x2d: {  	s3 =	simm.s32 $0x108;
	s8 =	sld [smem:$0x3FB0]  }
0x2e: {  	s3 =	simm.s32 @!p0 $0x1082;
	s9 =	sld [smem:$0x3FB1]  }
0x2f: {  	lr =	sadd.s32 s0, s3;
	s0 =	sld [smem:$0x3FA8]  }
0x30: {  	s3 =	sld [smem:$0x3FAB]  }
0x31: {  	[smem:$0x3FB4] =	sst s10  }
0x32: {  	s10 =	sld [smem:$0x3FB2];
	_ =	sdelay $0x3  }
0x33: {  	p0 =	seq.s32 s10, $0x1;
	s10 =	sld [smem:$0x3FB4];
	_ =	sdelay $0x3  }
0x34: {  	[smem:$0x3FB4] =	sst s10  }
0x35: {  	s10 =	sld [smem:$0x3FB3];
	_ =	sdelay $0x3  }
0x36: {  	p1 =	seq.s32 s10, $0x1;
	s10 =	sld [smem:$0x3FB4];
	_ =	sdelay $0x3  }
0x37: {  	[smem:$0x3FB4] =	sst s10  }
0x38: {  	s10 =	sld [smem:$0x3FB5]  }
0x39: {  	_ = 	snop;
	(pc) =	sbr.ind lr, $3  }
0x3a: {  	_ = 	snop  }
0x3b: {  	_ = 	snop  }
0x3c: {  	p2 =	seq.s32 s10, $0x1;
	s10 =	sld [smem:$0x3FB4]  }
0x3d: {  	_ =	shalt  }
0x3e: {  	_ =	shalt  }
0x3f: {  	_ =	shalt  }
0x40: {  	_ =	shalt  }
0x41: {  	_ =	shalt  }
0x42: {  	_ =	shalt  }
0x43: {  	_ =	shalt  }
0x44: {  	_ =	shalt  }
0x45: {  	_ =	shalt  }
0x46: {  	_ =	shalt  }
0x47: {  	_ =	shalt  }
0x48: {  	_ =	shalt  }
0x49: {  	_ =	shalt  }
0x4a: {  	_ =	shalt  }
0x4b: {  	_ =	shalt  }
0x4c: {  	_ =	shalt  }
0x4d: {  	_ =	shalt  }
0x4e: {  	_ =	shalt  }
0x4f: {  	_ =	shalt  }
0x50: {  	_ =	shalt  }
0x51: {  	_ =	shalt  }
0x52: {  	_ =	shalt  }
0x53: {  	_ =	shalt  }
0x54: {  	_ =	shalt  }
0x55: {  	_ =	shalt  }
0x56: {  	_ =	shalt  }
0x57: {  	_ =	shalt  }
0x58: {  	_ =	shalt  }
0x59: {  	_ =	shalt  }
0x5a: {  	_ =	shalt  }
0x5b: {  	_ =	shalt  }
0x5c: {  	_ =	shalt  }
0x5d: {  	_ =	shalt  }
0x5e: {  	_ =	shalt  }
0x5f: {  	_ =	shalt  }
0x60: {  	_ =	shalt  }
0x61: {  	_ =	shalt  }
0x62: {  	_ =	shalt  }
0x63: {  	_ =	shalt  }
0x64: {  	_ =	shalt  }
0x65: {  	_ =	shalt  }
0x66: {  	_ =	shalt  }
0x67: {  	_ =	shalt  }
0x68: {  	_ =	shalt  }
0x69: {  	_ =	shalt  }
0x6a: {  	_ =	shalt  }
0x6b: {  	_ =	shalt  }
0x6c: {  	_ =	shalt  }
0x6d: {  	_ =	shalt  }
0x6e: {  	_ =	shalt  }
0x6f: {  	_ =	shalt  }
0x70: {  	_ =	shalt  }
0x71: {  	_ =	shalt  }
0x72: {  	_ =	shalt  }
0x73: {  	_ =	shalt  }
0x74: {  	_ =	shalt  }
0x75: {  	_ =	shalt  }
0x76: {  	_ =	shalt  }
0x77: {  	_ =	shalt  }
0x78: {  	_ =	shalt  }
0x79: {  	_ =	shalt  }
0x7a: {  	_ =	shalt  }
0x7b: {  	_ =	shalt  }
0x7c: {  	_ =	shalt  }
0x7d: {  	_ =	shalt  }
0x7e: {  	_ =	shalt  }
0x7f: {  	_ =	shalt  }
0x80: {  	_ =	shalt  }
0x81: {  	_ =	shalt  }
0x82: {  	_ =	shalt  }
0x83: {  	_ =	shalt  }
0x84: {  	_ =	shalt  }
0x85: {  	_ =	shalt  }
0x86: {  	_ =	shalt  }
0x87: {  	_ =	shalt  }
.Lfunc_end0:
.L_simem_size_0:
called_computation_lowered:
.L_overlay_start_0:
0x88: {  	s2 =	sld [smem:$0x3FD9]  }
0x89: {  	s3 =	sld [smem:$0x3FFE];
	_ =	sdelay $0x1  }
0x8a: {  	s1 =	srdreg.scid  }
0x8b: {  	s0 =	sand.u32 $0x1, s1  }
0x8c: {  	s17 =	sshll.u32 s0, $0xA;
	s2 =	sadd.s32 s3, s2  }
0x8d: {  	s2 =	sadd.s32 s2, s17  }
0x8e: {  	[smem:$0x3FC0] =	sst s2  }
0x8f: {  	_ = 	snop  }
0x90: {  	s2 =	sld [smem:$0x3FD0];
	(tm) =	ssettm $0x1  }
0x91: {  	s18 =	sld [smem:$0x3FFB];
	_ =	sdelay $0x3  }
0x92: {  	_ =	strace s18  }
0x93: {  	s3 =	sld [smem:$0x3FFC];
	_ =	sdelay $0x3  }
0x94: {  	_ =	strace s3  }
0x95: {  	s3 =	sld [smem:$0x3FFD];
	_ =	sdelay $0x3  }
0x96: {  	_ =	strace s3  }
0x97: {  	_ =	strace $0x8FFFFFFF  }
0x98: {  	s19 =	sld [smem:$0x3FDB];
	_ =	sdelay $0x1  }
0x99: {  	s4 =	simm.s32 $_scs_section_size  }
0x9a: {  	s5 =	simm.s32 $_size__tile_overlayer_lowered;
	s6 =	simm.s32 $_tile_overlayer_lowered  }
0x9b: {  	s22 =	simm.s32 $0x1BFF;
	s21 =	sshll.u32 s6, $0x1;
	s3 =	sadd.s32 s4, s19  }
0x9c: {  	s7 =	simm.s32 $0x0;
	s20 =	sshll.u32 s5, $0x1;
	s5 =	sadd.s32 s21, s3  }
0x9d: {  	[timem:s7], [sflag:s22] =	dma.local [hbm:s5], s20  }
0x9e: {  	_ =	swait.ge [sflag:s22], s20  }
0x9f: {  	s4 =	ssub.s32 $0x0, s20;
	[sflag:s22] =	ssyncset.done $0x0  }
0xa0: {  	[sflag:s22] =	ssyncadd.s32 s4;
	_ =	sdelay $0x1  }
0xa1: {  	s23 =	simm.s32 $0x1B8B  }
0xa2: {  	_ =	swait.ge [sflag:s23], $0x1  }
0xa3: {  	[sflag:s23] =	ssyncset.done $0x0  }
0xa4: {  	s25 =	simm.s32 $0x1B8E;
	s24 =	sld [smem:$0x3FFE];
	[sflag:s23] =	ssyncadd.s32 $0xFFFFFFFF  }
0xa5: {  	s26 =	simm.s32 $execute0_lowered;
	[smem:$0x3FD2] =	sst s25  }
0xa6: {  	s5 =	sshll.u32 s26, $0x1;
	_ =	strace $0x80000046;
	[dreg:$0x1] =	wrdreg $0xFFFFFFFF  }
0xa7: {  	s28 =	simm.s32 $_size_execute0_lowered;
	s3 =	sadd.s32 s3, s5;
	[dreg:$0x0] =	wrdreg $0x0  }
0xa8: {  	s5 =	sshll.u32 s28, $0x1;
	[dreg:$0x2] =	wrdreg s3  }
0xa9: {  	[dreg:$0x3] =	wrdreg s5  }
0xaa: {  	[dreg:$0x4] =	wrdreg $0xC0  }
0xab: {  	_ =	task [dreg:s7], $0x5FFFF  }
0xac: {  	[dreg:$0x1] =	wrdreg $0xFFFFFFFF  }
0xad: {  	[dreg:$0x0] =	wrdreg $0x60  }
0xae: {  	[dreg:$0x2] =	wrdreg s24  }
0xaf: {  	[dreg:$0x3] =	wrdreg s2  }
0xb0: {  	[dreg:$0x4] =	wrdreg $0x30000  }
0xb1: {  	[dreg:$0x5] =	wrdreg $0x9  }
0xb2: {  	_ =	task.clear_ibuf [dreg:s7], $0x6FFFF;
	_ =	strace $0x90000046  }
0xb3: {  	s29 =	simm.s32 $0x9;
	_ =	strace $0x80000048  }
0xb4: {  	_ =	swait.ge [sflag:s29], $0x1  }
0xb5: {  	[sflag:s29] =	ssyncadd.s32 $0xFFFFFFFF  }
0xb6: {  	_ =	strace $0x90000048  }
0xb7: {  	_ =	sfence  }
0xb8: {  	s30 =	sld [smem:$0x0];
	_ =	sdelay $0x2  }
0xb9: {  	s31 =	sshll.u32 s1, $0xD;
	s1 =	sshrl.u32 s1, $0x2  }
0xba: {  	s3 =	sand.u32 $0x4000, s31;
	s1 =	sadd.s32 s1, s30  }
0xbb: {  	s0 =	sor.u32 s3, s0;
	s1 =	sshll.u32 s1, $0x11  }
0xbc: {  	s0 =	sor.u32 s1, s0  }
0xbd: {  	s0 =	sadd.s32 $0x8F2B, s0  }
0xbe: {  	[sflag:s0] =	ssyncadd.remote.s32 $0x1  }
0xbf: {  	_ =	sfence.sel $0xFFFF  }
0xc0: {  	[dreg:$0x0] =	wrdreg $0xFFFFFFFF;
	(pc) =	sbr.abs _section_cstart, $3  }
0xc1: {  	[dreg:$0x1] =	wrdreg $0xFFFFFFFF  }
0xc2: {  	_ =	task.clear_ibuf [dreg:s7], $0x2FFFF;
	_ =	strace $0x9FFFFFFF  }
0xc3: {  	(tm) =	ssettm $0x7FFFFFFF  }
tec
execute0_lowered:
.L_overlay_start_1:
0x0: {  	(tag) =	ssettag $0x1  }
0x1: {  	s8 =	rddreg [dreg:$0x0]  }
0x2: {  	s7 =	rddreg [dreg:$0x1]  }
0x3: {  	s1 =	rddreg [dreg:$0x2]  }
0x4: {  	s0 =	rddreg [dreg:$0x3];
	s2 =	simm.s32 $0x0  }
0x5: {  	s3 =	srdreg.scid;
	s19 =	simm.s32 $0x10;
	s20 =	simm.s32 $0x0  }
0x6: {  	[smem:$0x7FF] =	sst s2;
	s9 =	sand.u32 $0x1, s3;
	s3 =	stileid.u32  }
0x7: {  	s4 =	sadd.s32 $0x17800, s8;
	s11 =	sadd.s32 $0x17A00, s8;
	s16 =	sadd.s32 $0x27000, s1  }
0x8: {  	s17 =	sadd.s32 $0xD240, s8;
	s8 =	sadd.s32 $0x173C0, s8;
	_ =	strace $0x80000047  }
0x9: {  	s5 =	ssub.s32 $0x2, s9;
	s10 =	smul.u32 $0x2700, s3;
	s13 =	sshll.u32 s9, $0x4  }
0xa: {  	s29 =	sshll.u32 s3, $0x6;
	s30 =	smul.u32 $0x13800, s3;
	s9 =	sshll.u32 s9, $0x1  }
0xb: {  	p0 =	sne.s32 s3, $0xF;
	s6 =	sshrl.u32 s5, $0x1;
	s15 =	sor.u32 s3, s13  }
0xc: {  	s31 =	sadd.s32 s9, s11;
	s12 =	ssub.s32 s5, s6;
	s14 =	sadd.s32 s10, s1  }
0xd: {  	s28 =	sshrl.u32 s10, $0x3;
	s6 =	sor.u32 $0x1C02, s29;
	s10 =	sor.u32 s13, s30  }
0xe: {  	s18 =	smul.u32 $0x500, s15;
	s13 =	simm.s32 $0x2;
	p1 =	seq.s32 s15, $0x1F  }
0xf: {  	s15 =	simm.s32 $0x2800;
	s5 =	sadd.s32 s7, s28;
	s10 =	sshrl.u32 s10, $0x3  }
0x10: {  	s7 =	sadd.s32 $0x4E00, s7;
	s9 =	sadd.s32 s11, s10;
	s10 =	sadd.s32 $0x27000, s31  }
0x11: {  	s11 =	smax.u32 s12, $0x1;
	s12 =	sshrl.u32 s14, $0x3;
	s14 =	sshrl.u32 @!p0 s16, $0x3  }
0x12: {  	s16 =	sadd.s32 s18, s17;
	s17 =	simm.s32 $0x80;
	s18 =	simm.s32 $0x1  }
.LBB2_1:
0x13: {  	[spmem:s12], [sflag:s6] =	dma.local [hbm:s5], $0x4E0  }
0x14: {  	_ =	swait.ge [sflag:s13], $0x4E0  }
0x15: {  	[sflag:s13] =	ssyncset.done $0x0  }
0x16: {  	s21 =	simm.s32 @!p0 $0x2;
	[sflag:s13] =	ssyncadd.s32 $0xFFFFFB20  }
0x17: {  	[spmem:s14], [sflag:s6] =	dma.local @!p0 [hbm:s7], $0x20  }
0x18: {  	_ =	swait.ge @!p0 [sflag:s21], $0x20  }
0x19: {  	[sflag:s21] =	ssyncset.done @!p0 $0x0  }
0x1a: {  	[sflag:s21] =	ssyncadd.s32 @!p0 $0xFFFFFFE0  }
0x1b: {  	[tilespmem:s15], [sflag:$0x2] =	stream.linear.gather [hbm4b:s4+s2], $0x800, $0x38;
	[tilespmem:$0x5718] =	vst v63  }
0x1c: {  	_ =	swait.ge [sflag:s13], $0x800  }
0x1d: {  	[sflag:s13] =	ssyncset.done $0x0  }
0x1e: {  	s22 =	simm.s32 @p1 $0x2;
	s21 =	simm.s32 @p1 $0x0;
	[sflag:s13] =	ssyncadd.s32 $0xFFFFF800  }
0x1f: {  	[tilespmem:s21], [sflag:$0x2] =	stream.linear.gather @p1 [hbm4b:s16+s21], $0xA00, $0x38;
	[tilespmem:$0x5718] =	vst v63  }
0x20: {  	_ =	swait.ge @p1 [sflag:s22], $0xA00  }
0x21: {  	[sflag:s22] =	ssyncset.done @p1 $0x0  }
0x22: {  	s23 =	simm.s32 @p1 $0xA00;
	[sflag:s22] =	ssyncadd.s32 @p1 $0xFFFFF600  }
0x23: {  	[tilespmem:s23], [sflag:$0x2] =	stream.linear.gather @p1 [hbm4b:s8+s21], $0x1E00, $0x38;
	[tilespmem:$0x5718] =	vst v63  }
0x24: {  	_ =	swait.ge @p1 [sflag:s22], $0x1E00  }
0x25: {  	[sflag:s22] =	ssyncset.done @p1 $0x0  }
0x26: {  	s21 =	simm.s32 @!p1 $0x0;
	[sflag:s22] =	ssyncadd.s32 @p1 $0xFFFFE200  }
0x27: {  	[tilespmem:s21], [sflag:$0x2] =	stream.linear.gather @!p1 [hbm4b:s16+s21], $0x2800, $0x38;
	[tilespmem:$0x5718] =	vst v63  }
0x28: {  	s21 =	simm.s32 @!p1 $0x2  }
0x29: {  	_ =	swait.ge @!p1 [sflag:s21], $0x2800  }
0x2a: {  	[sflag:s21] =	ssyncset.done @!p1 $0x0  }
0x2b: {  	[sflag:s21] =	ssyncadd.s32 @!p1 $0xFFFFD800  }
0x2c: {  	s23 =	simm.s32 $0x0;
	[bflag:$0x0] =	sbarrier.arrive $0xFFFF  }
0x2d: {  	[spmem:s1] =	stream.indirect.scatter.add.f32 [tilespmem:s15], [sflag:$0x1], $0x10, s23, s17, $0xb8;
	[tilespmem:$0x5718] =	vst v63  }
0x2e: {  	s24 =	simm.s32 $0x80  }
0x2f: {  	[spmem:s1] =	stream.indirect.scatter.add.f32 [tilespmem:s15], [sflag:$0x1], $0x10, s24, s17, $0xb8;
	[tilespmem:$0x5718] =	vst v63  }
0x30: {  	s25 =	simm.s32 $0x100  }
0x31: {  	[spmem:s1] =	stream.indirect.scatter.add.f32 [tilespmem:s15], [sflag:$0x1], $0x10, s25, s17, $0xb8;
	[tilespmem:$0x5718] =	vst v63  }
0x32: {  	s26 =	simm.s32 $0x180  }
0x33: {  	[spmem:s1] =	stream.indirect.scatter.add.f32 [tilespmem:s15], [sflag:$0x1], $0x10, s26, s17, $0xb8;
	[tilespmem:$0x5718] =	vst v63  }
0x34: {  	s28 =	simm.s32 $0x200  }
0x35: {  	[spmem:s1] =	stream.indirect.scatter.add.f32 [tilespmem:s15], [sflag:$0x1], $0x10, s28, s17, $0xb8;
	[tilespmem:$0x5718] =	vst v63  }
0x36: {  	s29 =	simm.s32 $0x280  }
0x37: {  	[spmem:s1] =	stream.indirect.scatter.add.f32 [tilespmem:s15], [sflag:$0x1], $0x10, s29, s17, $0xb8;
	[tilespmem:$0x5718] =	vst v63  }
0x38: {  	s30 =	simm.s32 $0x300  }
0x39: {  	[spmem:s1] =	stream.indirect.scatter.add.f32 [tilespmem:s15], [sflag:$0x1], $0x10, s30, s17, $0xb8;
	[tilespmem:$0x5718] =	vst v63  }
0x3a: {  	s31 =	simm.s32 $0x380  }
0x3b: {  	[spmem:s1] =	stream.indirect.scatter.add.f32 [tilespmem:s15], [sflag:$0x1], $0x10, s31, s17, $0xb8;
	[tilespmem:$0x5718] =	vst v63  }
0x3c: {  	_ =	swait.ge [sflag:s18], $0x800  }
0x3d: {  	[sflag:s18] =	ssyncset.done $0x0  }
0x3e: {  	[sflag:s18] =	ssyncadd.s32 $0xFFFFF800  }
0x3f: {  	_ =	swait.ge [sflag:s18], $0x800  }
0x40: {  	[sflag:s18] =	ssyncset.done $0x0  }
0x41: {  	[sflag:s18] =	ssyncadd.s32 $0xFFFFF800  }
0x42: {  	_ =	swait.ge [sflag:s18], $0x800  }
0x43: {  	[sflag:s18] =	ssyncset.done $0x0  }
0x44: {  	[sflag:s18] =	ssyncadd.s32 $0xFFFFF800  }
0x45: {  	_ =	swait.ge [sflag:s18], $0x800  }
0x46: {  	[sflag:s18] =	ssyncset.done $0x0  }
0x47: {  	[sflag:s18] =	ssyncadd.s32 $0xFFFFF800  }
0x48: {  	_ =	swait.ge [sflag:s18], $0x800  }
0x49: {  	[sflag:s18] =	ssyncset.done $0x0  }
0x4a: {  	[sflag:s18] =	ssyncadd.s32 $0xFFFFF800  }
0x4b: {  	_ =	swait.ge [sflag:s18], $0x800  }
0x4c: {  	[sflag:s18] =	ssyncset.done $0x0  }
0x4d: {  	[sflag:s18] =	ssyncadd.s32 $0xFFFFF800  }
0x4e: {  	_ =	swait.ge [sflag:s18], $0x800  }
0x4f: {  	[sflag:s18] =	ssyncset.done $0x0  }
0x50: {  	[sflag:s18] =	ssyncadd.s32 $0xFFFFF800  }
0x51: {  	_ =	swait.ge [sflag:s18], $0x800  }
0x52: {  	s21 =	simm.s32 $0x1000;
	s23 =	simm.s32 $0x2000;
	[sflag:s18] =	ssyncset.done $0x0  }
.LBB2_2:
0x53: {  	s24 =	sshra.s32 s21, $0x2  }
0x54: {  	[sflag:s18] =	ssyncadd.s32 $0xFFFFF800;
	s21 =	smov.u32 s23;
	s22 =	sadd.s32 $0x1000, s23  }
0x55: {  	[spmem:s1] =	stream.indirect.scatter.add.f32 [tilespmem:s15], [sflag:$0x1], $0x10, s24, s17, $0xb8;
	[tilespmem:$0x5718] =	vst v63  }
0x56: {  	p2 =	sne.s32 s23, $0x9000;
	s23 =	sadd.s32 $0x80, s24  }
0x57: {  	[spmem:s1] =	stream.indirect.scatter.add.f32 [tilespmem:s15], [sflag:$0x1], $0x10, s23, s17, $0xb8;
	[tilespmem:$0x5718] =	vst v63  }
0x58: {  	s23 =	sadd.s32 $0x100, s24  }
0x59: {  	[spmem:s1] =	stream.indirect.scatter.add.f32 [tilespmem:s15], [sflag:$0x1], $0x10, s23, s17, $0xb8;
	[tilespmem:$0x5718] =	vst v63  }
0x5a: {  	s23 =	sadd.s32 $0x180, s24  }
0x5b: {  	[spmem:s1] =	stream.indirect.scatter.add.f32 [tilespmem:s15], [sflag:$0x1], $0x10, s23, s17, $0xb8;
	[tilespmem:$0x5718] =	vst v63  }
0x5c: {  	s23 =	sadd.s32 $0x200, s24  }
0x5d: {  	[spmem:s1] =	stream.indirect.scatter.add.f32 [tilespmem:s15], [sflag:$0x1], $0x10, s23, s17, $0xb8;
	[tilespmem:$0x5718] =	vst v63  }
0x5e: {  	s23 =	sadd.s32 $0x280, s24  }
0x5f: {  	[spmem:s1] =	stream.indirect.scatter.add.f32 [tilespmem:s15], [sflag:$0x1], $0x10, s23, s17, $0xb8;
	[tilespmem:$0x5718] =	vst v63  }
0x60: {  	s23 =	sadd.s32 $0x300, s24  }
0x61: {  	[spmem:s1] =	stream.indirect.scatter.add.f32 [tilespmem:s15], [sflag:$0x1], $0x10, s23, s17, $0xb8;
	[tilespmem:$0x5718] =	vst v63  }
0x62: {  	s23 =	sadd.s32 $0x380, s24  }
0x63: {  	[spmem:s1] =	stream.indirect.scatter.add.f32 [tilespmem:s15], [sflag:$0x1], $0x10, s23, s17, $0xb8;
	[tilespmem:$0x5718] =	vst v63  }
0x64: {  	_ =	swait.ge [sflag:s18], $0x800  }
0x65: {  	[sflag:s18] =	ssyncset.done $0x0  }
0x66: {  	[sflag:s18] =	ssyncadd.s32 $0xFFFFF800  }
0x67: {  	_ =	swait.ge [sflag:s18], $0x800  }
0x68: {  	[sflag:s18] =	ssyncset.done $0x0  }
0x69: {  	[sflag:s18] =	ssyncadd.s32 $0xFFFFF800  }
0x6a: {  	_ =	swait.ge [sflag:s18], $0x800  }
0x6b: {  	[sflag:s18] =	ssyncset.done $0x0  }
0x6c: {  	[sflag:s18] =	ssyncadd.s32 $0xFFFFF800  }
0x6d: {  	_ =	swait.ge [sflag:s18], $0x800  }
0x6e: {  	[sflag:s18] =	ssyncset.done $0x0  }
0x6f: {  	[sflag:s18] =	ssyncadd.s32 $0xFFFFF800  }
0x70: {  	_ =	swait.ge [sflag:s18], $0x800  }
0x71: {  	[sflag:s18] =	ssyncset.done $0x0  }
0x72: {  	[sflag:s18] =	ssyncadd.s32 $0xFFFFF800  }
0x73: {  	_ =	swait.ge [sflag:s18], $0x800  }
0x74: {  	[sflag:s18] =	ssyncset.done $0x0  }
0x75: {  	[sflag:s18] =	ssyncadd.s32 $0xFFFFF800  }
.Ltmp0:
0x76: {  	_ =	swait.ge [sflag:s18], $0x800;
	(pc) =	sbr.rel @p2 .LBB2_2-.Ltmp0, $4  }
0x77: {  	[sflag:s18] =	ssyncset.done $0x0  }
0x78: {  	[sflag:s18] =	ssyncadd.s32 $0xFFFFF800  }
0x79: {  	_ =	swait.ge [sflag:s18], $0x800  }
0x7a: {  	s23 =	smov.u32 s22;
	[sflag:s18] =	ssyncset.done $0x0  }
0x7b: {  	s21 =	sshra.s32 s21, $0x2;
	[sflag:s18] =	ssyncadd.s32 $0xFFFFF800  }
0x7c: {  	[spmem:s1] =	stream.indirect.scatter.add.f32 [tilespmem:s15], [sflag:$0x1], $0x10, s21, s17, $0xb8;
	[tilespmem:$0x5718] =	vst v63  }
0x7d: {  	s22 =	sadd.s32 $0x80, s21  }
0x7e: {  	[spmem:s1] =	stream.indirect.scatter.add.f32 [tilespmem:s15], [sflag:$0x1], $0x10, s22, s17, $0xb8;
	[tilespmem:$0x5718] =	vst v63  }
0x7f: {  	s26 =	sadd.s32 $0x100, s21  }
0x80: {  	[spmem:s1] =	stream.indirect.scatter.add.f32 [tilespmem:s15], [sflag:$0x1], $0x10, s26, s17, $0xb8;
	[tilespmem:$0x5718] =	vst v63  }
0x81: {  	s28 =	sadd.s32 $0x180, s21  }
0x82: {  	[spmem:s1] =	stream.indirect.scatter.add.f32 [tilespmem:s15], [sflag:$0x1], $0x10, s28, s17, $0xb8;
	[tilespmem:$0x5718] =	vst v63  }
0x83: {  	s29 =	sadd.s32 $0x200, s21  }
0x84: {  	[spmem:s1] =	stream.indirect.scatter.add.f32 [tilespmem:s15], [sflag:$0x1], $0x10, s29, s17, $0xb8;
	[tilespmem:$0x5718] =	vst v63  }
0x85: {  	s30 =	sadd.s32 $0x280, s21  }
0x86: {  	[spmem:s1] =	stream.indirect.scatter.add.f32 [tilespmem:s15], [sflag:$0x1], $0x10, s30, s17, $0xb8;
	[tilespmem:$0x5718] =	vst v63  }
0x87: {  	s31 =	sadd.s32 $0x300, s21  }
0x88: {  	[spmem:s1] =	stream.indirect.scatter.add.f32 [tilespmem:s15], [sflag:$0x1], $0x10, s31, s17, $0xb8;
	[tilespmem:$0x5718] =	vst v63  }
0x89: {  	s21 =	sadd.s32 $0x380, s21  }
0x8a: {  	[spmem:s1] =	stream.indirect.scatter.add.f32 [tilespmem:s15], [sflag:$0x1], $0x10, s21, s17, $0xb8;
	[tilespmem:$0x5718] =	vst v63  }
0x8b: {  	_ =	swait.ge [sflag:s18], $0x800  }
0x8c: {  	[sflag:s18] =	ssyncset.done $0x0  }
0x8d: {  	[sflag:s18] =	ssyncadd.s32 $0xFFFFF800  }
0x8e: {  	_ =	swait.ge [sflag:s18], $0x800  }
0x8f: {  	[sflag:s18] =	ssyncset.done $0x0  }
0x90: {  	[sflag:s18] =	ssyncadd.s32 $0xFFFFF800  }
0x91: {  	_ =	swait.ge [sflag:s18], $0x800  }
0x92: {  	[sflag:s18] =	ssyncset.done $0x0  }
0x93: {  	[sflag:s18] =	ssyncadd.s32 $0xFFFFF800  }
0x94: {  	_ =	swait.ge [sflag:s18], $0x800  }
0x95: {  	[sflag:s18] =	ssyncset.done $0x0  }
0x96: {  	[sflag:s18] =	ssyncadd.s32 $0xFFFFF800  }
0x97: {  	_ =	swait.ge [sflag:s18], $0x800  }
0x98: {  	[sflag:s18] =	ssyncset.done $0x0  }
0x99: {  	[sflag:s18] =	ssyncadd.s32 $0xFFFFF800  }
0x9a: {  	_ =	swait.ge [sflag:s18], $0x800  }
0x9b: {  	[sflag:s18] =	ssyncset.done $0x0  }
0x9c: {  	[sflag:s18] =	ssyncadd.s32 $0xFFFFF800  }
0x9d: {  	_ =	swait.ge [sflag:s18], $0x800  }
0x9e: {  	[sflag:s18] =	ssyncset.done $0x0  }
0x9f: {  	[sflag:s18] =	ssyncadd.s32 $0xFFFFF800  }
0xa0: {  	_ =	swait.ge [sflag:s18], $0x800  }
0xa1: {  	[sflag:s18] =	ssyncset.done $0x0  }
0xa2: {  	[sflag:s18] =	ssyncadd.s32 $0xFFFFF800  }
0xa3: {  	[bflag:$0x0] =	sbarrier.arrive $0xFFFF  }
0xa4: {  	[hbm:s9@s19], [sflag:s6] =	dma.strided [spmem:s12@s13], $0x4E0, s18, $0x2   }
0xa5: {  	s23 =	simm.s32 @!p0 $0x2;
	s20 =	sadd.s32 $0x1, s20;
	_ =	swait.ge [sflag:s13], $0x4E0  }
0xa6: {  	p2 =	sne.s32 s20, s11;
	s22 =	simm.s32 @!p0 $0x10;
	[sflag:s13] =	ssyncset.done $0x0  }
.Ltmp1:
0xa7: {  	s21 =	simm.s32 @!p0 $0x1;
	[sflag:s13] =	ssyncadd.s32 $0xFFFFFB20;
	(pc) =	sbr.rel @p2 .LBB2_1-.Ltmp1, $4  }
0xa8: {  	[hbm:s10@s22], [sflag:s6] =	dma.strided @!p0 [spmem:s14@s23], $0x20, s21, $0x2   }
0xa9: {  	_ =	swait.ge @!p0 [sflag:s23], $0x20  }
0xaa: {  	[sflag:s23] =	ssyncset.done @!p0 $0x0  }
0xab: {  	[sflag:s23] =	ssyncadd.s32 @!p0 $0xFFFFFFE0  }
0xac: {  	_ =	sfence.sel $0x180000  }
0xad: {  	[bflag:$0x0] =	sbarrier.arrive $0xFFFF  }
0xae: {  	p0 =	sne.s32 s3, $0x0;
	_ =	strace $0x90000047  }
0xaf: {  	s0 =	sadd.s32 @!p0 $0x100000, s0;
	[bflag:$0x2] =	sbarrier.arrive $0xFFFF  }
0xb0: {  	[sflag:s0] =	ssyncadd.tile.s32 @!p0 $0x1;
	_ =	shalt  }
.Lfunc_end2:
_tile_overlayer_lowered:
.L_overlay_start_2:
0xb1: {  	(tag) =	ssettag $0x2  }
0xb2: {  	s0 =	rddreg [dreg:$0x0];
	s2 =	stileid.u32  }
0xb3: {  	s1 =	rddreg [dreg:$0x1];
	p0 =	sne.s32 s2, $0x0  }
0xb4: {  	s3 =	rddreg [dreg:$0x2];
	[bflag:$0x3] =	sbarrier.arrive $0xFFFF;
	s2 =	simm.s32 @!p0 $0x1C02  }
0xb5: {  	[timem:s3], [sflag:s2] =	dma.local @!p0 [hbm:s0], s1  }
0xb6: {  	s0 =	simm.s32 @!p0 $0x2  }
0xb7: {  	_ =	swait.ge @!p0 [sflag:s0], s1  }
0xb8: {  	s1 =	ssub.s32 @!p0 $0x0, s1;
	[sflag:s0] =	ssyncset.done @!p0 $0x0  }
0xb9: {  	[sflag:s0] =	ssyncadd.s32 @!p0 s1  }
0xba: {  	[bflag:$0x3] =	sbarrier.arrive $0xFFFF  }
0xbb: {  	_ =	shalt  }

// kernel: kernel.13.cloned.1.call-start
scs
__scs_entry_jumppad:
0x0: {  	(pc) =	sbr.rel $0x88, $3  }
0x1: {  	(tag) =	ssettag $0x0;
	lr =	simm.s32 $0x1  }
0x2: {  	[smem:$0x3F99] =	sst lr;
	_ =	strace $0xD0000000  }
0x3: {  	_ = 	snop  }
0x4: {  	_ = 	snop  }
0x5: {  	_ = 	snop  }
0x6: {  	_ = 	snop  }
0x7: {  	_ = 	snop  }
__scs_overlays_trampoline_lowered:
0x8: {  	[smem:$0x3FA8] =	sst s0  }
0x9: {  	[smem:$0x3FA9] =	sst s1  }
0xa: {  	[smem:$0x3FAA] =	sst s2  }
0xb: {  	[smem:$0x3FAB] =	sst s3  }
0xc: {  	[smem:$0x3FAC] =	sst s4  }
0xd: {  	[smem:$0x3FAD] =	sst s5  }
0xe: {  	[smem:$0x3FAE] =	sst s6  }
0xf: {  	[smem:$0x3FAF] =	sst s7  }
0x10: {  	[smem:$0x3FB0] =	sst s8  }
0x11: {  	[smem:$0x3FB1] =	sst s9;
	s0 =	simm.s32 @!p0 $0x0  }
0x12: {  	s1 =	sld [smem:$0x3F97];
	s0 =	simm.s32 @p0 $0x1  }
0x13: {  	[smem:$0x3FB2] =	sst s0;
	s0 =	simm.s32 @!p1 $0x0  }
0x14: {  	s2 =	sld [smem:$0x3F96];
	s0 =	simm.s32 @p1 $0x1  }
0x15: {  	[smem:$0x3FB3] =	sst s0;
	s0 =	simm.s32 @!p2 $0x0  }
0x16: {  	s3 =	sld [smem:$0x3FDB];
	s0 =	simm.s32 @p2 $0x1  }
0x17: {  	s4 =	simm.s32 $0x1BF5;
	[smem:$0x3FB5] =	sst s0  }
0x18: {  	s0 =	sld [smem:$0x3F98];
	_ =	swait.ge [sflag:s4], $0x0  }
0x19: {  	s7 =	sld [smem:$0x3F99]  }
0x1a: {  	s8 =	sadd.s32 $0xFFFFE003, lr  }
0x1b: {  	s9 =	sadd.s32 $0xFFFFFEF7, lr;
	s5 =	simm.s32 $0xFFFFFFFF;
	p2 =	slt.u32 s8, $0xFFFFF086  }
0x1c: {  	p1 =	slt.u32 s9, $0xF7A;
	s5 =	simm.s32 @!p2 $0x0  }
0x1d: {  	s5 =	simm.s32 @p1 $0x1;
	p0 =	seq.s32 s7, s2  }
0x1e: {  	s7 =	smul.u32 @!p0 $0xF7A, s2;
	p2 =	seq.s32 @!p0 s5, $0x0  }
0x1f: {  	s9 =	smul.u32 $0xF7A, s1;
	s8 =	simm.s32 @!p0 $0x1BF5;
	p2 =	por !p2, p0  }
0x20: {  	[sflag:s8] =	ssyncset.s32 @!p0 $0xFFFFF086;
	s6 =	sadd.s32 @!p0 s3, s7;
	s7 =	simm.s32 @!p0 $0x108  }
0x21: {  	s3 =	sadd.s32 s3, s9;
	s6 =	sadd.s32 @!p0 $0x88, s6;
	s7 =	simm.s32 @p2 $0x1082  }
0x22: {  	[simem:s7], [sflag:s8] =	dma.local @!p0 [hbm:s6], $0xF7A  }
0x23: {  	s9 =	sor.u32 $0xD0000000, s2;
	s6 =	simm.s32 $0x108;
	_ =	swait.ge @!p0 [sflag:s8], $0x0  }
0x24: {  	s3 =	sadd.s32 $0x88, s3;
	s6 =	simm.s32 @!p1 $0x1082;
	[sflag:s4] =	ssyncset.s32 $0xFFFFF086  }
0x25: {  	[simem:s6], [sflag:s4] =	dma.local [hbm:s3], $0xF7A  }
0x26: {  	[smem:$0x3F99] =	sst s1;
	(tag) =	ssettag s2;
	_ =	strace s9  }
0x27: {  	s1 =	sld [smem:$0x3FA9]  }
0x28: {  	s2 =	sld [smem:$0x3FAA]  }
0x29: {  	s4 =	sld [smem:$0x3FAC]  }
0x2a: {  	p0 =	seq.s32 s5, $0x0;
	s5 =	sld [smem:$0x3FAD]  }
0x2b: {  	s6 =	sld [smem:$0x3FAE]  }
0x2c: {  	s7 =	sld [smem:$0x3FAF]  }
0x2d: {  	s3 =	simm.s32 $0x108;
	s8 =	sld [smem:$0x3FB0]  }
0x2e: {  	s3 =	simm.s32 @!p0 $0x1082;
	s9 =	sld [smem:$0x3FB1]  }
0x2f: {  	lr =	sadd.s32 s0, s3;
	s0 =	sld [smem:$0x3FA8]  }
0x30: {  	s3 =	sld [smem:$0x3FAB]  }
0x31: {  	[smem:$0x3FB4] =	sst s10  }
0x32: {  	s10 =	sld [smem:$0x3FB2];
	_ =	sdelay $0x3  }
0x33: {  	p0 =	seq.s32 s10, $0x1;
	s10 =	sld [smem:$0x3FB4];
	_ =	sdelay $0x3  }
0x34: {  	[smem:$0x3FB4] =	sst s10  }
0x35: {  	s10 =	sld [smem:$0x3FB3];
	_ =	sdelay $0x3  }
0x36: {  	p1 =	seq.s32 s10, $0x1;
	s10 =	sld [smem:$0x3FB4];
	_ =	sdelay $0x3  }
0x37: {  	[smem:$0x3FB4] =	sst s10  }
0x38: {  	s10 =	sld [smem:$0x3FB5]  }
0x39: {  	_ = 	snop;
	(pc) =	sbr.ind lr, $3  }
0x3a: {  	_ = 	snop  }
0x3b: {  	_ = 	snop  }
0x3c: {  	p2 =	seq.s32 s10, $0x1;
	s10 =	sld [smem:$0x3FB4]  }
0x3d: {  	_ =	shalt  }
0x3e: {  	_ =	shalt  }
0x3f: {  	_ =	shalt  }
0x40: {  	_ =	shalt  }
0x41: {  	_ =	shalt  }
0x42: {  	_ =	shalt  }
0x43: {  	_ =	shalt  }
0x44: {  	_ =	shalt  }
0x45: {  	_ =	shalt  }
0x46: {  	_ =	shalt  }
0x47: {  	_ =	shalt  }
0x48: {  	_ =	shalt  }
0x49: {  	_ =	shalt  }
0x4a: {  	_ =	shalt  }
0x4b: {  	_ =	shalt  }
0x4c: {  	_ =	shalt  }
0x4d: {  	_ =	shalt  }
0x4e: {  	_ =	shalt  }
0x4f: {  	_ =	shalt  }
0x50: {  	_ =	shalt  }
0x51: {  	_ =	shalt  }
0x52: {  	_ =	shalt  }
0x53: {  	_ =	shalt  }
0x54: {  	_ =	shalt  }
0x55: {  	_ =	shalt  }
0x56: {  	_ =	shalt  }
0x57: {  	_ =	shalt  }
0x58: {  	_ =	shalt  }
0x59: {  	_ =	shalt  }
0x5a: {  	_ =	shalt  }
0x5b: {  	_ =	shalt  }
0x5c: {  	_ =	shalt  }
0x5d: {  	_ =	shalt  }
0x5e: {  	_ =	shalt  }
0x5f: {  	_ =	shalt  }
0x60: {  	_ =	shalt  }
0x61: {  	_ =	shalt  }
0x62: {  	_ =	shalt  }
0x63: {  	_ =	shalt  }
0x64: {  	_ =	shalt  }
0x65: {  	_ =	shalt  }
0x66: {  	_ =	shalt  }
0x67: {  	_ =	shalt  }
0x68: {  	_ =	shalt  }
0x69: {  	_ =	shalt  }
0x6a: {  	_ =	shalt  }
0x6b: {  	_ =	shalt  }
0x6c: {  	_ =	shalt  }
0x6d: {  	_ =	shalt  }
0x6e: {  	_ =	shalt  }
0x6f: {  	_ =	shalt  }
0x70: {  	_ =	shalt  }
0x71: {  	_ =	shalt  }
0x72: {  	_ =	shalt  }
0x73: {  	_ =	shalt  }
0x74: {  	_ =	shalt  }
0x75: {  	_ =	shalt  }
0x76: {  	_ =	shalt  }
0x77: {  	_ =	shalt  }
0x78: {  	_ =	shalt  }
0x79: {  	_ =	shalt  }
0x7a: {  	_ =	shalt  }
0x7b: {  	_ =	shalt  }
0x7c: {  	_ =	shalt  }
0x7d: {  	_ =	shalt  }
0x7e: {  	_ =	shalt  }
0x7f: {  	_ =	shalt  }
0x80: {  	_ =	shalt  }
0x81: {  	_ =	shalt  }
0x82: {  	_ =	shalt  }
0x83: {  	_ =	shalt  }
0x84: {  	_ =	shalt  }
0x85: {  	_ =	shalt  }
0x86: {  	_ =	shalt  }
0x87: {  	_ =	shalt  }
.Lfunc_end0:
.L_simem_size_0:
called_computation.1_lowered:
.L_overlay_start_0:
0x88: {  	s2 =	sld [smem:$0x3FD9]  }
0x89: {  	s3 =	sld [smem:$0x3FFE];
	_ =	sdelay $0x1  }
0x8a: {  	s1 =	srdreg.scid  }
0x8b: {  	s0 =	sand.u32 $0x1, s1  }
0x8c: {  	s16 =	sshll.u32 s0, $0xA;
	s2 =	sadd.s32 s3, s2  }
0x8d: {  	s2 =	sadd.s32 s2, s16  }
0x8e: {  	[smem:$0x3FC0] =	sst s2  }
0x8f: {  	_ = 	snop  }
0x90: {  	(tm) =	ssettm $0x1  }
0x91: {  	s17 =	sld [smem:$0x3FFB];
	_ =	sdelay $0x3  }
0x92: {  	_ =	strace s17  }
0x93: {  	s2 =	sld [smem:$0x3FFC];
	_ =	sdelay $0x3  }
0x94: {  	_ =	strace s2  }
0x95: {  	s2 =	sld [smem:$0x3FFD];
	_ =	sdelay $0x3  }
0x96: {  	_ =	strace s2  }
0x97: {  	_ =	strace $0x8FFFFFFF  }
0x98: {  	s18 =	sld [smem:$0x3FDB];
	_ =	sdelay $0x1  }
0x99: {  	s19 =	simm.s32 $_scs_section_size  }
0x9a: {  	s4 =	simm.s32 $_size__tile_overlayer_lowered;
	s5 =	simm.s32 $_tile_overlayer_lowered  }
0x9b: {  	s22 =	simm.s32 $0x1BFF;
	s21 =	sshll.u32 s5, $0x1;
	s2 =	sadd.s32 s19, s18  }
0x9c: {  	s6 =	simm.s32 $0x0;
	s20 =	sshll.u32 s4, $0x1;
	s4 =	sadd.s32 s21, s2  }
0x9d: {  	[timem:s6], [sflag:s22] =	dma.local [hbm:s4], s20  }
0x9e: {  	_ =	swait.ge [sflag:s22], s20  }
0x9f: {  	s3 =	ssub.s32 $0x0, s20;
	[sflag:s22] =	ssyncset.done $0x0  }
0xa0: {  	[sflag:s22] =	ssyncadd.s32 s3;
	_ =	sdelay $0x1  }
0xa1: {  	s23 =	simm.s32 $0x1B8B  }
0xa2: {  	_ =	swait.ge [sflag:s23], $0x1  }
0xa3: {  	[sflag:s23] =	ssyncset.done $0x0  }
0xa4: {  	s25 =	simm.s32 $0x1B8E;
	s24 =	sld [smem:$0x3FFE];
	[sflag:s23] =	ssyncadd.s32 $0xFFFFFFFF  }
0xa5: {  	s26 =	simm.s32 $execute0_lowered;
	[smem:$0x3FD2] =	sst s25  }
0xa6: {  	s4 =	sshll.u32 s26, $0x1;
	_ =	strace $0x80000049;
	[dreg:$0x1] =	wrdreg $0xFFFFFFFF  }
0xa7: {  	s28 =	simm.s32 $_size_execute0_lowered;
	s2 =	sadd.s32 s2, s4;
	[dreg:$0x0] =	wrdreg $0x0  }
0xa8: {  	s4 =	sshll.u32 s28, $0x1;
	[dreg:$0x2] =	wrdreg s2  }
0xa9: {  	[dreg:$0x3] =	wrdreg s4  }
0xaa: {  	[dreg:$0x4] =	wrdreg $0xC0  }
0xab: {  	_ =	task [dreg:s6], $0x5FFFF  }
0xac: {  	[dreg:$0x1] =	wrdreg $0xFFFFFFFF  }
0xad: {  	[dreg:$0x0] =	wrdreg $0x60  }
0xae: {  	[dreg:$0x2] =	wrdreg s24  }
0xaf: {  	[dreg:$0x3] =	wrdreg $0xC0000  }
0xb0: {  	[dreg:$0x4] =	wrdreg $0x10E300  }
0xb1: {  	[dreg:$0x5] =	wrdreg $0x9  }
0xb2: {  	_ =	task.clear_ibuf [dreg:s6], $0x6FFFF;
	_ =	strace $0x90000049  }
0xb3: {  	s29 =	simm.s32 $0x9;
	_ =	strace $0x8000004B  }
0xb4: {  	_ =	swait.ge [sflag:s29], $0x1  }
0xb5: {  	[sflag:s29] =	ssyncadd.s32 $0xFFFFFFFF  }
0xb6: {  	_ =	strace $0x9000004B  }
0xb7: {  	_ =	sfence  }
0xb8: {  	s30 =	sld [smem:$0x0];
	_ =	sdelay $0x2  }
0xb9: {  	s31 =	sshll.u32 s1, $0xD;
	s1 =	sshrl.u32 s1, $0x2  }
0xba: {  	s3 =	sand.u32 $0x4000, s31;
	s1 =	sadd.s32 s1, s30  }
0xbb: {  	s0 =	sor.u32 s3, s0;
	s1 =	sshll.u32 s1, $0x11  }
0xbc: {  	s0 =	sor.u32 s1, s0  }
0xbd: {  	s0 =	sadd.s32 $0x8F2B, s0  }
0xbe: {  	[sflag:s0] =	ssyncadd.remote.s32 $0x1  }
0xbf: {  	_ =	sfence.sel $0xFFFF  }
0xc0: {  	[dreg:$0x0] =	wrdreg $0xFFFFFFFF;
	(pc) =	sbr.abs _section_cstart, $3  }
0xc1: {  	[dreg:$0x1] =	wrdreg $0xFFFFFFFF  }
0xc2: {  	_ =	task.clear_ibuf [dreg:s6], $0x2FFFF;
	_ =	strace $0x9FFFFFFF  }
0xc3: {  	(tm) =	ssettm $0x7FFFFFFF  }
tec
execute0_lowered:
.L_overlay_start_1:
0x0: {  	(tag) =	ssettag $0x1  }
0x1: {  	s0 =	rddreg [dreg:$0x0]  }
0x2: {  	s2 =	rddreg [dreg:$0x1]  }
0x3: {  	s3 =	rddreg [dreg:$0x2];
	s1 =	simm.s32 $0x0;
	s17 =	stileid.u32  }
0x4: {  	s4 =	srdreg.scid;
	s28 =	simm.s32 $0xA000;
	s29 =	simm.s32 $0xB000  }
0x5: {  	s30 =	simm.s32 $0x1;
	s31 =	simm.s32 $0x2;
	s5 =	smul.u32 $0xA00, s17  }
0x6: {  	[smem:$0x7FF] =	sst s1;
	s22 =	smul.u32 $0x4E00, s17;
	s6 =	sadd.s32 $0x17800, s0  }
0x7: {  	s4 =	sand.u32 $0x1, s4;
	s10 =	sadd.s32 $0x17000, s0;
	s12 =	sadd.s32 $0x48800, s0  }
0x8: {  	s24 =	sadd.s32 $0x173C0, s0;
	s14 =	smul.u32 $0x13800, s17;
	s13 =	sadd.s32 $0x4E000, s2  }
0x9: {  	s18 =	sadd.s32 $0x4E000, s3;
	_ =	strace $0x8000004A;
	[dreg:$0x4] =	wrdreg s10  }
0xa: {  	p0 =	seq.s32 s17, $0xF;
	p1 =	sne.s32 s17, $0xF;
	[dreg:$0x5] =	wrdreg s24  }
0xb: {  	s9 =	ssub.s32 $0x2, s4;
	s15 =	sshll.u32 s4, $0x6;
	[dreg:$0x6] =	wrdreg s13  }
0xc: {  	s13 =	sadd.s32 $0x48600, s0;
	s26 =	sshll.u32 s4, $0x3;
	[dreg:$0x7] =	wrdreg s18  }
0xd: {  	s4 =	simm.s32 $0x4;
	s7 =	sadd.s32 s5, s0;
	s8 =	sshrl.u32 s22, $0x3  }
0xe: {  	s23 =	sshrl.u32 s9, $0x1;
	s10 =	sadd.s32 s22, s2;
	s25 =	sor.u32 s15, s14  }
0xf: {  	s14 =	sadd.s32 s22, s3;
	s19 =	sadd.s32 s26, s6;
	s1 =	sadd.s32 s26, s12  }
0x10: {  	s11 =	sadd.s32 s8, s0;
	s9 =	ssub.s32 s9, s23;
	s7 =	sadd.s32 $0x3600, s7  }
0x11: {  	s8 =	sadd.s32 $0xD240, s0;
	s0 =	sshrl.u32 s25, $0x3;
	s16 =	sadd.s32 $0x27000, s19  }
0x12: {  	s21 =	sadd.s32 $0x27000, s1;
	s23 =	sadd.s32 $0x27004, s19;
	[dreg:$0x8] =	wrdreg s16  }
0x13: {  	s25 =	sadd.s32 $0x27004, s1;
	s11 =	sadd.s32 $0x3EA00, s11;
	[dreg:$0xa] =	wrdreg s21  }
0x14: {  	s15 =	sadd.s32 s6, s0;
	s20 =	sor.u32 $0x4, s0;
	[dreg:$0xc] =	wrdreg s23  }
0x15: {  	s0 =	sadd.s32 s12, s0;
	[dreg:$0xe] =	wrdreg s25;
	s26 =	smax.u32 s9, $0x1  }
0x16: {  	s25 =	simm.s32 $0x5;
	s9 =	simm.s32 $0x10;
	[dreg:$0x9] =	wrdreg s0  }
0x17: {  	s22 =	sadd.s32 s6, s20;
	s24 =	sadd.s32 s12, s20;
	[dreg:$0xf] =	wrdreg s26  }
0x18: {  	s26 =	simm.s32 $0x80;
	s0 =	simm.s32 $0x3;
	[dreg:$0xb] =	wrdreg s22  }
0x19: {  	s6 =	simm.s32 $0x9F80;
	s12 =	simm.s32 $0x0;
	[dreg:$0xd] =	wrdreg s24  }
.LBB2_1:
0x1a: {  	s16 =	simm.s32 @p0 $0x0;
	s17 =	simm.s32 @p0 $0x5  }
0x1b: {  	[tilespmem:s16], [sflag:$0x5] =	stream.linear.gather @p0 [hbm4b:s7+s16], $0x3200, $0x38;
	[tilespmem:$0x15C60] =	vst v63  }
0x1c: {  	_ =	swait.ge @p0 [sflag:s17], $0x3200  }
0x1d: {  	[sflag:s17] =	ssyncset.done @p0 $0x0  }
0x1e: {  	s18 =	simm.s32 @p0 $0x3200;
	s19 =	rddreg [dreg:$0x4];
	[sflag:s17] =	ssyncadd.s32 @p0 $0xFFFFCE00  }
0x1f: {  	[tilespmem:s18], [sflag:$0x5] =	stream.linear.gather @p0 [hbm4b:s19+s16], $0x1E00, $0x38;
	[tilespmem:$0x15C60] =	vst v63  }
0x20: {  	_ =	swait.ge @p0 [sflag:s17], $0x1E00  }
0x21: {  	[sflag:s17] =	ssyncset.done @p0 $0x0  }
0x22: {  	s18 =	sadd.s32 @p0 s5, s8;
	s19 =	simm.s32 @p0 $0x5000;
	[sflag:s17] =	ssyncadd.s32 @p0 $0xFFFFE200  }
0x23: {  	[tilespmem:s19], [sflag:$0x5] =	stream.linear.gather @p0 [hbm4b:s18+s16], $0x3200, $0x38;
	[tilespmem:$0x15C60] =	vst v63  }
0x24: {  	_ =	swait.ge @p0 [sflag:s17], $0x3200  }
0x25: {  	[sflag:s17] =	ssyncset.done @p0 $0x0  }
0x26: {  	s18 =	simm.s32 @p0 $0x8200;
	s19 =	rddreg [dreg:$0x5];
	[sflag:s17] =	ssyncadd.s32 @p0 $0xFFFFCE00  }
0x27: {  	[tilespmem:s18], [sflag:$0x5] =	stream.linear.gather @p0 [hbm4b:s19+s16], $0x1E00, $0x38;
	[tilespmem:$0x15C60] =	vst v63  }
0x28: {  	_ =	swait.ge @p0 [sflag:s17], $0x1E00  }
0x29: {  	[sflag:s17] =	ssyncset.done @p0 $0x0  }
0x2a: {  	s16 =	simm.s32 @!p0 $0x0;
	[sflag:s17] =	ssyncadd.s32 @p0 $0xFFFFE200;
	s17 =	simm.s32 @!p0 $0x5  }
0x2b: {  	[tilespmem:s16], [sflag:$0x5] =	stream.linear.gather @!p0 [hbm4b:s7+s16], $0x5000, $0x38;
	[tilespmem:$0x15C60] =	vst v63  }
0x2c: {  	_ =	swait.ge @!p0 [sflag:s17], $0x5000  }
0x2d: {  	[sflag:s17] =	ssyncset.done @!p0 $0x0  }
0x2e: {  	s18 =	sadd.s32 @!p0 s5, s8;
	s19 =	simm.s32 @!p0 $0x5000;
	[sflag:s17] =	ssyncadd.s32 @!p0 $0xFFFFB000  }
0x2f: {  	[tilespmem:s19], [sflag:$0x5] =	stream.linear.gather @!p0 [hbm4b:s18+s16], $0x5000, $0x38;
	[tilespmem:$0x15C60] =	vst v63  }
0x30: {  	s20 =	stileid.u32;
	_ =	swait.ge @!p0 [sflag:s17], $0x5000  }
0x31: {  	s16 =	sshll.u32 s20, $0x6;
	[sflag:s17] =	ssyncset.done @!p0 $0x0  }
0x32: {  	s16 =	sor.u32 $0x1C05, s16;
	[sflag:s17] =	ssyncadd.s32 @!p0 $0xFFFFB000;
	s17 =	sshrl.u32 s10, $0x3  }
0x33: {  	[spmem:s17], [sflag:s16] =	dma.local [hbm:s11], $0x9C0  }
0x34: {  	_ =	swait.ge [sflag:s25], $0x9C0  }
0x35: {  	s21 =	simm.s32 @p1 $0x10;
	s18 =	sshrl.u32 @p1 s14, $0x3;
	[sflag:s25] =	ssyncset.done $0x0  }
0x36: {  	s19 =	simm.s32 @p1 $0x1;
	s20 =	simm.s32 @p1 $0x4;
	[sflag:s25] =	ssyncadd.s32 $0xFFFFF640  }
0x37: {  	[spmem:s18@s20], [sflag:s16] =	dma.strided @p1 [hbm:s15@s21], $0x9C0, s19, $0x4   }
0x38: {  	s18 =	simm.s32 @p1 $0x5  }
0x39: {  	_ =	swait.ge @p1 [sflag:s18], $0x9C0  }
0x3a: {  	[sflag:s18] =	ssyncset.done @p1 $0x0  }
0x3b: {  	[sflag:s18] =	ssyncadd.s32 @p1 $0xFFFFF640;
	s18 =	rddreg [dreg:$0x6]  }
0x3c: {  	s20 =	simm.s32 @!p1 $0x5;
	s18 =	sshrl.u32 @!p1 s18, $0x3  }
0x3d: {  	[spmem:s18], [sflag:s16] =	dma.local @!p1 [hbm:s13], $0x40  }
0x3e: {  	_ =	swait.ge @!p1 [sflag:s20], $0x40  }
0x3f: {  	s22 =	simm.s32 @!p1 $0x4;
	s23 =	simm.s32 @!p1 $0x10;
	[sflag:s20] =	ssyncset.done @!p1 $0x0  }
0x40: {  	s19 =	sshrl.u32 @!p1 s14, $0x3;
	s21 =	simm.s32 @!p1 $0x1;
	[sflag:s20] =	ssyncadd.s32 @!p1 $0xFFFFFFC0  }
0x41: {  	[spmem:s19@s22], [sflag:s16] =	dma.strided @!p1 [hbm:s15@s23], $0x9C0, s21, $0x4   }
0x42: {  	_ =	swait.ge @!p1 [sflag:s20], $0x9C0  }
0x43: {  	[sflag:s20] =	ssyncset.done @!p1 $0x0;
	s19 =	rddreg [dreg:$0x7]  }
0x44: {  	s24 =	rddreg [dreg:$0x8];
	[sflag:s20] =	ssyncadd.s32 @!p1 $0xFFFFF640;
	s19 =	sshrl.u32 @!p1 s19, $0x3  }
0x45: {  	[spmem:s19@s22], [sflag:s16] =	dma.strided @!p1 [hbm:s24@s23], $0x40, s21, $0x4   }
0x46: {  	_ =	swait.ge @!p1 [sflag:s20], $0x40  }
0x47: {  	[sflag:s20] =	ssyncset.done @!p1 $0x0  }
0x48: {  	[sflag:s20] =	ssyncadd.s32 @!p1 $0xFFFFFFC0  }
0x49: {  	s21 =	simm.s32 $0x0;
	[bflag:$0x0] =	sbarrier.arrive $0xFFFF  }
0x4a: {  	[tilespmem:s28], [sflag:$0x1] =	stream.indirect.gather [spmem:s3], $0x20, s21, s26, $0xb8;
	[tilespmem:$0x15C60] =	vst v63  }
0x4b: {  	_ = 	snop  }
0x4c: {  	[tilespmem:s29], [sflag:$0x2] =	stream.indirect.gather [spmem:s3], $0x20, s26, s26, $0xb8;
	[tilespmem:$0x15C60] =	vst v63  }
0x4d: {  	_ =	swait.ge [sflag:s30], $0x1000  }
0x4e: {  	[sflag:s30] =	ssyncset.done $0x0  }
0x4f: {  	s22 =	simm.s32 $0x5000;
	[sflag:s30] =	ssyncadd.s32 $0xFFFFF000  }
0x50: {  	[spmem:s2] =	stream.indirect.scatter.add.f32 [tilespmem:s28], [sflag:$0x3], $0x20, s22, s26, $0xb8;
	[tilespmem:$0x15C60] =	vst v63  }
0x51: {  	_ =	swait.ge [sflag:s31], $0x1000  }
0x52: {  	[sflag:s31] =	ssyncset.done $0x0  }
0x53: {  	s23 =	simm.s32 $0x5080;
	[sflag:s31] =	ssyncadd.s32 $0xFFFFF000  }
0x54: {  	[spmem:s2] =	stream.indirect.scatter.add.f32 [tilespmem:s29], [sflag:$0x4], $0x20, s23, s26, $0xb8;
	[tilespmem:$0x15C60] =	vst v63  }
0x55: {  	_ =	swait.ge [sflag:s0], $0x1000  }
0x56: {  	[sflag:s0] =	ssyncset.done $0x0  }
0x57: {  	s24 =	simm.s32 $0x100;
	[sflag:s0] =	ssyncadd.s32 $0xFFFFF000  }
0x58: {  	[tilespmem:s28], [sflag:$0x1] =	stream.indirect.gather [spmem:s3], $0x20, s24, s26, $0xb8;
	[tilespmem:$0x15C60] =	vst v63  }
0x59: {  	_ =	swait.ge [sflag:s4], $0x1000  }
0x5a: {  	[sflag:s4] =	ssyncset.done $0x0  }
0x5b: {  	s20 =	simm.s32 $0x400;
	s21 =	simm.s32 $0x180;
	[sflag:s4] =	ssyncadd.s32 $0xFFFFF000  }
.LBB2_2:
0x5c: {  	[tilespmem:s29], [sflag:$0x2] =	stream.indirect.gather [spmem:s3], $0x20, s21, s26, $0xb8;
	[tilespmem:$0x15C60] =	vst v63  }
0x5d: {  	s21 =	smov.u32 s20  }
0x5e: {  	p2 =	sne.s32 s20, $0x13800;
	s20 =	sadd.s32 $0x400, s20;
	_ =	swait.ge [sflag:s30], $0x1000  }
0x5f: {  	s21 =	sshra.s32 s21, $0x2;
	[sflag:s30] =	ssyncset.done $0x0  }
0x60: {  	s22 =	sadd.s32 $0x5000, s21;
	[sflag:s30] =	ssyncadd.s32 $0xFFFFF000  }
0x61: {  	[spmem:s2] =	stream.indirect.scatter.add.f32 [tilespmem:s28], [sflag:$0x3], $0x20, s22, s26, $0xb8;
	[tilespmem:$0x15C60] =	vst v63  }
0x62: {  	_ =	swait.ge [sflag:s31], $0x1000  }
0x63: {  	[sflag:s31] =	ssyncset.done $0x0  }
0x64: {  	s22 =	sadd.s32 $0x5080, s21;
	[sflag:s31] =	ssyncadd.s32 $0xFFFFF000  }
0x65: {  	[spmem:s2] =	stream.indirect.scatter.add.f32 [tilespmem:s29], [sflag:$0x4], $0x20, s22, s26, $0xb8;
	[tilespmem:$0x15C60] =	vst v63  }
0x66: {  	_ =	swait.ge [sflag:s0], $0x1000  }
0x67: {  	[sflag:s0] =	ssyncset.done $0x0  }
.Ltmp0:
0x68: {  	s22 =	sadd.s32 $0x100, s21;
	[sflag:s0] =	ssyncadd.s32 $0xFFFFF000;
	(pc) =	sbr.rel @p2 .LBB2_2-.Ltmp0, $4  }
0x69: {  	[tilespmem:s28], [sflag:$0x1] =	stream.indirect.gather [spmem:s3], $0x20, s22, s26, $0xb8;
	[tilespmem:$0x15C60] =	vst v63  }
0x6a: {  	_ =	swait.ge [sflag:s4], $0x1000  }
0x6b: {  	[sflag:s4] =	ssyncset.done $0x0  }
0x6c: {  	s21 =	sadd.s32 $0x180, s21;
	[sflag:s4] =	ssyncadd.s32 $0xFFFFF000  }
0x6d: {  	[tilespmem:s29], [sflag:$0x2] =	stream.indirect.gather [spmem:s3], $0x20, s21, s26, $0xb8;
	[tilespmem:$0x15C60] =	vst v63  }
0x6e: {  	_ =	swait.ge [sflag:s30], $0x1000  }
0x6f: {  	[sflag:s30] =	ssyncset.done $0x0  }
0x70: {  	s1 =	simm.s32 $0x9F00;
	[sflag:s30] =	ssyncadd.s32 $0xFFFFF000  }
0x71: {  	[spmem:s2] =	stream.indirect.scatter.add.f32 [tilespmem:s28], [sflag:$0x3], $0x20, s1, s26, $0xb8;
	[tilespmem:$0x15C60] =	vst v63  }
0x72: {  	_ =	swait.ge [sflag:s31], $0x1000  }
0x73: {  	[sflag:s31] =	ssyncset.done $0x0  }
0x74: {  	[sflag:s31] =	ssyncadd.s32 $0xFFFFF000  }
0x75: {  	[spmem:s2] =	stream.indirect.scatter.add.f32 [tilespmem:s29], [sflag:$0x4], $0x20, s6, s26, $0xb8;
	[tilespmem:$0x15C60] =	vst v63  }
0x76: {  	_ =	swait.ge [sflag:s0], $0x1000  }
0x77: {  	[sflag:s0] =	ssyncset.done $0x0  }
0x78: {  	[sflag:s0] =	ssyncadd.s32 $0xFFFFF000  }
0x79: {  	_ =	swait.ge [sflag:s4], $0x1000  }
0x7a: {  	[sflag:s4] =	ssyncset.done $0x0  }
0x7b: {  	[sflag:s4] =	ssyncadd.s32 $0xFFFFF000  }
0x7c: {  	[bflag:$0x0] =	sbarrier.arrive $0xFFFF  }
0x7d: {  	s20 =	rddreg [dreg:$0x9]  }
0x7e: {  	[hbm:s20@s9], [sflag:s16] =	dma.strided [spmem:s17@s4], $0x9C0, s30, $0x4   }
0x7f: {  	_ =	swait.ge [sflag:s25], $0x9C0  }
0x80: {  	[sflag:s25] =	ssyncset.done $0x0  }
0x81: {  	s20 =	sshrl.u32 @p1 s10, $0x3;
	[sflag:s25] =	ssyncadd.s32 $0xFFFFF640  }
0x82: {  	[spmem:s20], [sflag:s16] =	dma.local @p1 [hbm:s11], $0x9C0  }
0x83: {  	s20 =	simm.s32 @p1 $0x5  }
0x84: {  	_ =	swait.ge @p1 [sflag:s20], $0x9C0  }
0x85: {  	s21 =	simm.s32 @!p1 $0x10;
	s22 =	simm.s32 @!p1 $0x4;
	[sflag:s20] =	ssyncset.done @p1 $0x0  }
0x86: {  	s23 =	rddreg [dreg:$0xa];
	[sflag:s20] =	ssyncadd.s32 @p1 $0xFFFFF640;
	s20 =	simm.s32 @!p1 $0x1  }
0x87: {  	[hbm:s23@s21], [sflag:s16] =	dma.strided @!p1 [spmem:s18@s22], $0x40, s20, $0x4   }
0x88: {  	s23 =	simm.s32 @!p1 $0x5  }
0x89: {  	_ =	swait.ge @!p1 [sflag:s23], $0x40  }
0x8a: {  	[sflag:s23] =	ssyncset.done @!p1 $0x0  }
0x8b: {  	s24 =	sshrl.u32 @!p1 s10, $0x3;
	[sflag:s23] =	ssyncadd.s32 @!p1 $0xFFFFFFC0  }
0x8c: {  	[spmem:s24], [sflag:s16] =	dma.local @!p1 [hbm:s11], $0x9C0  }
0x8d: {  	_ =	swait.ge @!p1 [sflag:s23], $0x9C0  }
0x8e: {  	[sflag:s23] =	ssyncset.done @!p1 $0x0  }
0x8f: {  	[sflag:s23] =	ssyncadd.s32 @!p1 $0xFFFFF640  }
0x90: {  	[spmem:s18], [sflag:s16] =	dma.local @!p1 [hbm:s13], $0x40  }
0x91: {  	_ =	swait.ge @!p1 [sflag:s23], $0x40  }
0x92: {  	[sflag:s23] =	ssyncset.done @!p1 $0x0  }
0x93: {  	s24 =	sshrl.u32 s14, $0x3;
	s1 =	rddreg [dreg:$0xb];
	[sflag:s23] =	ssyncadd.s32 @!p1 $0xFFFFFFC0  }
0x94: {  	[spmem:s24@s4], [sflag:s16] =	dma.strided [hbm:s1@s9], $0x9C0, s30, $0x4   }
0x95: {  	_ =	swait.ge [sflag:s25], $0x9C0  }
0x96: {  	[sflag:s25] =	ssyncset.done $0x0  }
0x97: {  	s1 =	rddreg [dreg:$0xc];
	[sflag:s25] =	ssyncadd.s32 $0xFFFFF640  }
0x98: {  	[spmem:s19@s22], [sflag:s16] =	dma.strided @!p1 [hbm:s1@s21], $0x40, s20, $0x4   }
0x99: {  	_ =	swait.ge @!p1 [sflag:s23], $0x40  }
0x9a: {  	[sflag:s23] =	ssyncset.done @!p1 $0x0  }
0x9b: {  	[sflag:s23] =	ssyncadd.s32 @!p1 $0xFFFFFFC0  }
0x9c: {  	s21 =	simm.s32 $0x0;
	[bflag:$0x0] =	sbarrier.arrive $0xFFFF  }
0x9d: {  	[tilespmem:s28], [sflag:$0x1] =	stream.indirect.gather [spmem:s3], $0x20, s21, s26, $0xb8;
	[tilespmem:$0x15C60] =	vst v63  }
0x9e: {  	_ = 	snop  }
0x9f: {  	[tilespmem:s29], [sflag:$0x2] =	stream.indirect.gather [spmem:s3], $0x20, s26, s26, $0xb8;
	[tilespmem:$0x15C60] =	vst v63  }
0xa0: {  	_ =	swait.ge [sflag:s30], $0x1000  }
0xa1: {  	[sflag:s30] =	ssyncset.done $0x0  }
0xa2: {  	s22 =	simm.s32 $0x5000;
	[sflag:s30] =	ssyncadd.s32 $0xFFFFF000  }
0xa3: {  	[spmem:s2] =	stream.indirect.scatter.add.f32 [tilespmem:s28], [sflag:$0x3], $0x20, s22, s26, $0xb8;
	[tilespmem:$0x15C60] =	vst v63  }
0xa4: {  	_ =	swait.ge [sflag:s31], $0x1000  }
0xa5: {  	[sflag:s31] =	ssyncset.done $0x0  }
0xa6: {  	s23 =	simm.s32 $0x5080;
	[sflag:s31] =	ssyncadd.s32 $0xFFFFF000  }
0xa7: {  	[spmem:s2] =	stream.indirect.scatter.add.f32 [tilespmem:s29], [sflag:$0x4], $0x20, s23, s26, $0xb8;
	[tilespmem:$0x15C60] =	vst v63  }
0xa8: {  	_ =	swait.ge [sflag:s0], $0x1000  }
0xa9: {  	[sflag:s0] =	ssyncset.done $0x0  }
0xaa: {  	s24 =	simm.s32 $0x100;
	[sflag:s0] =	ssyncadd.s32 $0xFFFFF000  }
0xab: {  	[tilespmem:s28], [sflag:$0x1] =	stream.indirect.gather [spmem:s3], $0x20, s24, s26, $0xb8;
	[tilespmem:$0x15C60] =	vst v63  }
0xac: {  	_ =	swait.ge [sflag:s4], $0x1000  }
0xad: {  	[sflag:s4] =	ssyncset.done $0x0  }
0xae: {  	s19 =	simm.s32 $0x400;
	s20 =	simm.s32 $0x180;
	[sflag:s4] =	ssyncadd.s32 $0xFFFFF000  }
.LBB2_4:
0xaf: {  	[tilespmem:s29], [sflag:$0x2] =	stream.indirect.gather [spmem:s3], $0x20, s20, s26, $0xb8;
	[tilespmem:$0x15C60] =	vst v63  }
0xb0: {  	s20 =	smov.u32 s19  }
0xb1: {  	p2 =	sne.s32 s19, $0x13800;
	s19 =	sadd.s32 $0x400, s19;
	_ =	swait.ge [sflag:s30], $0x1000  }
0xb2: {  	s20 =	sshra.s32 s20, $0x2;
	[sflag:s30] =	ssyncset.done $0x0  }
0xb3: {  	s21 =	sadd.s32 $0x5000, s20;
	[sflag:s30] =	ssyncadd.s32 $0xFFFFF000  }
0xb4: {  	[spmem:s2] =	stream.indirect.scatter.add.f32 [tilespmem:s28], [sflag:$0x3], $0x20, s21, s26, $0xb8;
	[tilespmem:$0x15C60] =	vst v63  }
0xb5: {  	_ =	swait.ge [sflag:s31], $0x1000  }
0xb6: {  	[sflag:s31] =	ssyncset.done $0x0  }
0xb7: {  	s21 =	sadd.s32 $0x5080, s20;
	[sflag:s31] =	ssyncadd.s32 $0xFFFFF000  }
0xb8: {  	[spmem:s2] =	stream.indirect.scatter.add.f32 [tilespmem:s29], [sflag:$0x4], $0x20, s21, s26, $0xb8;
	[tilespmem:$0x15C60] =	vst v63  }
0xb9: {  	_ =	swait.ge [sflag:s0], $0x1000  }
0xba: {  	[sflag:s0] =	ssyncset.done $0x0  }
.Ltmp1:
0xbb: {  	s21 =	sadd.s32 $0x100, s20;
	[sflag:s0] =	ssyncadd.s32 $0xFFFFF000;
	(pc) =	sbr.rel @p2 .LBB2_4-.Ltmp1, $4  }
0xbc: {  	[tilespmem:s28], [sflag:$0x1] =	stream.indirect.gather [spmem:s3], $0x20, s21, s26, $0xb8;
	[tilespmem:$0x15C60] =	vst v63  }
0xbd: {  	_ =	swait.ge [sflag:s4], $0x1000  }
0xbe: {  	[sflag:s4] =	ssyncset.done $0x0  }
0xbf: {  	s20 =	sadd.s32 $0x180, s20;
	[sflag:s4] =	ssyncadd.s32 $0xFFFFF000  }
0xc0: {  	[tilespmem:s29], [sflag:$0x2] =	stream.indirect.gather [spmem:s3], $0x20, s20, s26, $0xb8;
	[tilespmem:$0x15C60] =	vst v63  }
0xc1: {  	_ =	swait.ge [sflag:s30], $0x1000  }
0xc2: {  	[sflag:s30] =	ssyncset.done $0x0  }
0xc3: {  	s1 =	simm.s32 $0x9F00;
	[sflag:s30] =	ssyncadd.s32 $0xFFFFF000  }
0xc4: {  	[spmem:s2] =	stream.indirect.scatter.add.f32 [tilespmem:s28], [sflag:$0x3], $0x20, s1, s26, $0xb8;
	[tilespmem:$0x15C60] =	vst v63  }
0xc5: {  	_ =	swait.ge [sflag:s31], $0x1000  }
0xc6: {  	[sflag:s31] =	ssyncset.done $0x0  }
0xc7: {  	[sflag:s31] =	ssyncadd.s32 $0xFFFFF000  }
0xc8: {  	[spmem:s2] =	stream.indirect.scatter.add.f32 [tilespmem:s29], [sflag:$0x4], $0x20, s6, s26, $0xb8;
	[tilespmem:$0x15C60] =	vst v63  }
0xc9: {  	_ =	swait.ge [sflag:s0], $0x1000  }
0xca: {  	[sflag:s0] =	ssyncset.done $0x0  }
0xcb: {  	[sflag:s0] =	ssyncadd.s32 $0xFFFFF000  }
0xcc: {  	_ =	swait.ge [sflag:s4], $0x1000  }
0xcd: {  	[sflag:s4] =	ssyncset.done $0x0  }
0xce: {  	[sflag:s4] =	ssyncadd.s32 $0xFFFFF000  }
0xcf: {  	[bflag:$0x0] =	sbarrier.arrive $0xFFFF  }
0xd0: {  	s23 =	rddreg [dreg:$0xd]  }
0xd1: {  	[hbm:s23@s9], [sflag:s16] =	dma.strided [spmem:s17@s4], $0x9C0, s30, $0x4   }
0xd2: {  	_ =	swait.ge [sflag:s25], $0x9C0  }
0xd3: {  	s19 =	simm.s32 @!p1 $0x10;
	s20 =	simm.s32 @!p1 $0x4;
	[sflag:s25] =	ssyncset.done $0x0  }
0xd4: {  	s17 =	simm.s32 @!p1 $0x1;
	s1 =	rddreg [dreg:$0xe];
	[sflag:s25] =	ssyncadd.s32 $0xFFFFF640  }
0xd5: {  	[hbm:s1@s19], [sflag:s16] =	dma.strided @!p1 [spmem:s18@s20], $0x40, s17, $0x4   }
0xd6: {  	s16 =	simm.s32 @!p1 $0x5  }
0xd7: {  	_ =	swait.ge @!p1 [sflag:s16], $0x40  }
0xd8: {  	s12 =	sadd.s32 $0x1, s12;
	s24 =	rddreg [dreg:$0xf]  }
0xd9: {  	p2 =	sne.s32 s12, s24  }
.Ltmp2:
0xda: {  	_ = 	snop;
	(pc) =	sbr.rel @p2 .LBB2_1-.Ltmp2, $3  }
0xdb: {  	_ =	sdelay $0x1  }
0xdc: {  	[sflag:s16] =	ssyncset.done @!p1 $0x0  }
0xdd: {  	[sflag:s16] =	ssyncadd.s32 @!p1 $0xFFFFFFC0  }
0xde: {  	_ =	sfence.sel $0x180000  }
0xdf: {  	[bflag:$0x0] =	sbarrier.arrive $0xFFFF  }
0xe0: {  	_ =	strace $0x9000004A  }
0xe1: {  	s0 =	stileid.u32;
	[bflag:$0x2] =	sbarrier.arrive $0xFFFF  }
0xe2: {  	p0 =	sne.s32 s0, $0x0;
	s0 =	rddreg [dreg:$0x3]  }
0xe3: {  	s0 =	sadd.s32 @!p0 $0x100000, s0  }
0xe4: {  	[sflag:s0] =	ssyncadd.tile.s32 @!p0 $0x1;
	_ =	shalt  }
.Lfunc_end2:
_tile_overlayer_lowered:
.L_overlay_start_2:
0xe5: {  	(tag) =	ssettag $0x2  }
0xe6: {  	s0 =	rddreg [dreg:$0x0];
	s2 =	stileid.u32  }
0xe7: {  	s1 =	rddreg [dreg:$0x1];
	p0 =	sne.s32 s2, $0x0  }
0xe8: {  	s3 =	rddreg [dreg:$0x2];
	[bflag:$0x3] =	sbarrier.arrive $0xFFFF;
	s2 =	simm.s32 @!p0 $0x1C05  }
0xe9: {  	[timem:s3], [sflag:s2] =	dma.local @!p0 [hbm:s0], s1  }
0xea: {  	s0 =	simm.s32 @!p0 $0x5  }
0xeb: {  	_ =	swait.ge @!p0 [sflag:s0], s1  }
0xec: {  	s1 =	ssub.s32 @!p0 $0x0, s1;
	[sflag:s0] =	ssyncset.done @!p0 $0x0  }
0xed: {  	[sflag:s0] =	ssyncadd.s32 @!p0 s1  }
0xee: {  	[bflag:$0x3] =	sbarrier.arrive $0xFFFF  }
0xef: {  	_ =	shalt  }

// kernel: kernel.16.cloned.1.call-start
scs
__scs_entry_jumppad:
0x0: {  	(pc) =	sbr.rel $0x88, $3  }
0x1: {  	(tag) =	ssettag $0x0;
	lr =	simm.s32 $0x1  }
0x2: {  	[smem:$0x3F99] =	sst lr;
	_ =	strace $0xD0000000  }
0x3: {  	_ = 	snop  }
0x4: {  	_ = 	snop  }
0x5: {  	_ = 	snop  }
0x6: {  	_ = 	snop  }
0x7: {  	_ = 	snop  }
__scs_overlays_trampoline_lowered:
0x8: {  	[smem:$0x3FA8] =	sst s0  }
0x9: {  	[smem:$0x3FA9] =	sst s1  }
0xa: {  	[smem:$0x3FAA] =	sst s2  }
0xb: {  	[smem:$0x3FAB] =	sst s3  }
0xc: {  	[smem:$0x3FAC] =	sst s4  }
0xd: {  	[smem:$0x3FAD] =	sst s5  }
0xe: {  	[smem:$0x3FAE] =	sst s6  }
0xf: {  	[smem:$0x3FAF] =	sst s7  }
0x10: {  	[smem:$0x3FB0] =	sst s8  }
0x11: {  	[smem:$0x3FB1] =	sst s9;
	s0 =	simm.s32 @!p0 $0x0  }
0x12: {  	s1 =	sld [smem:$0x3F97];
	s0 =	simm.s32 @p0 $0x1  }
0x13: {  	[smem:$0x3FB2] =	sst s0;
	s0 =	simm.s32 @!p1 $0x0  }
0x14: {  	s2 =	sld [smem:$0x3F96];
	s0 =	simm.s32 @p1 $0x1  }
0x15: {  	[smem:$0x3FB3] =	sst s0;
	s0 =	simm.s32 @!p2 $0x0  }
0x16: {  	s3 =	sld [smem:$0x3FDB];
	s0 =	simm.s32 @p2 $0x1  }
0x17: {  	s4 =	simm.s32 $0x1BF5;
	[smem:$0x3FB5] =	sst s0  }
0x18: {  	s0 =	sld [smem:$0x3F98];
	_ =	swait.ge [sflag:s4], $0x0  }
0x19: {  	s7 =	sld [smem:$0x3F99]  }
0x1a: {  	s8 =	sadd.s32 $0xFFFFE003, lr  }
0x1b: {  	s9 =	sadd.s32 $0xFFFFFEF7, lr;
	s5 =	simm.s32 $0xFFFFFFFF;
	p2 =	slt.u32 s8, $0xFFFFF086  }
0x1c: {  	p1 =	slt.u32 s9, $0xF7A;
	s5 =	simm.s32 @!p2 $0x0  }
0x1d: {  	s5 =	simm.s32 @p1 $0x1;
	p0 =	seq.s32 s7, s2  }
0x1e: {  	s7 =	smul.u32 @!p0 $0xF7A, s2;
	p2 =	seq.s32 @!p0 s5, $0x0  }
0x1f: {  	s9 =	smul.u32 $0xF7A, s1;
	s8 =	simm.s32 @!p0 $0x1BF5;
	p2 =	por !p2, p0  }
0x20: {  	[sflag:s8] =	ssyncset.s32 @!p0 $0xFFFFF086;
	s6 =	sadd.s32 @!p0 s3, s7;
	s7 =	simm.s32 @!p0 $0x108  }
0x21: {  	s3 =	sadd.s32 s3, s9;
	s6 =	sadd.s32 @!p0 $0x88, s6;
	s7 =	simm.s32 @p2 $0x1082  }
0x22: {  	[simem:s7], [sflag:s8] =	dma.local @!p0 [hbm:s6], $0xF7A  }
0x23: {  	s9 =	sor.u32 $0xD0000000, s2;
	s6 =	simm.s32 $0x108;
	_ =	swait.ge @!p0 [sflag:s8], $0x0  }
0x24: {  	s3 =	sadd.s32 $0x88, s3;
	s6 =	simm.s32 @!p1 $0x1082;
	[sflag:s4] =	ssyncset.s32 $0xFFFFF086  }
0x25: {  	[simem:s6], [sflag:s4] =	dma.local [hbm:s3], $0xF7A  }
0x26: {  	[smem:$0x3F99] =	sst s1;
	(tag) =	ssettag s2;
	_ =	strace s9  }
0x27: {  	s1 =	sld [smem:$0x3FA9]  }
0x28: {  	s2 =	sld [smem:$0x3FAA]  }
0x29: {  	s4 =	sld [smem:$0x3FAC]  }
0x2a: {  	p0 =	seq.s32 s5, $0x0;
	s5 =	sld [smem:$0x3FAD]  }
0x2b: {  	s6 =	sld [smem:$0x3FAE]  }
0x2c: {  	s7 =	sld [smem:$0x3FAF]  }
0x2d: {  	s3 =	simm.s32 $0x108;
	s8 =	sld [smem:$0x3FB0]  }
0x2e: {  	s3 =	simm.s32 @!p0 $0x1082;
	s9 =	sld [smem:$0x3FB1]  }
0x2f: {  	lr =	sadd.s32 s0, s3;
	s0 =	sld [smem:$0x3FA8]  }
0x30: {  	s3 =	sld [smem:$0x3FAB]  }
0x31: {  	[smem:$0x3FB4] =	sst s10  }
0x32: {  	s10 =	sld [smem:$0x3FB2];
	_ =	sdelay $0x3  }
0x33: {  	p0 =	seq.s32 s10, $0x1;
	s10 =	sld [smem:$0x3FB4];
	_ =	sdelay $0x3  }
0x34: {  	[smem:$0x3FB4] =	sst s10  }
0x35: {  	s10 =	sld [smem:$0x3FB3];
	_ =	sdelay $0x3  }
0x36: {  	p1 =	seq.s32 s10, $0x1;
	s10 =	sld [smem:$0x3FB4];
	_ =	sdelay $0x3  }
0x37: {  	[smem:$0x3FB4] =	sst s10  }
0x38: {  	s10 =	sld [smem:$0x3FB5]  }
0x39: {  	_ = 	snop;
	(pc) =	sbr.ind lr, $3  }
0x3a: {  	_ = 	snop  }
0x3b: {  	_ = 	snop  }
0x3c: {  	p2 =	seq.s32 s10, $0x1;
	s10 =	sld [smem:$0x3FB4]  }
0x3d: {  	_ =	shalt  }
0x3e: {  	_ =	shalt  }
0x3f: {  	_ =	shalt  }
0x40: {  	_ =	shalt  }
0x41: {  	_ =	shalt  }
0x42: {  	_ =	shalt  }
0x43: {  	_ =	shalt  }
0x44: {  	_ =	shalt  }
0x45: {  	_ =	shalt  }
0x46: {  	_ =	shalt  }
0x47: {  	_ =	shalt  }
0x48: {  	_ =	shalt  }
0x49: {  	_ =	shalt  }
0x4a: {  	_ =	shalt  }
0x4b: {  	_ =	shalt  }
0x4c: {  	_ =	shalt  }
0x4d: {  	_ =	shalt  }
0x4e: {  	_ =	shalt  }
0x4f: {  	_ =	shalt  }
0x50: {  	_ =	shalt  }
0x51: {  	_ =	shalt  }
0x52: {  	_ =	shalt  }
0x53: {  	_ =	shalt  }
0x54: {  	_ =	shalt  }
0x55: {  	_ =	shalt  }
0x56: {  	_ =	shalt  }
0x57: {  	_ =	shalt  }
0x58: {  	_ =	shalt  }
0x59: {  	_ =	shalt  }
0x5a: {  	_ =	shalt  }
0x5b: {  	_ =	shalt  }
0x5c: {  	_ =	shalt  }
0x5d: {  	_ =	shalt  }
0x5e: {  	_ =	shalt  }
0x5f: {  	_ =	shalt  }
0x60: {  	_ =	shalt  }
0x61: {  	_ =	shalt  }
0x62: {  	_ =	shalt  }
0x63: {  	_ =	shalt  }
0x64: {  	_ =	shalt  }
0x65: {  	_ =	shalt  }
0x66: {  	_ =	shalt  }
0x67: {  	_ =	shalt  }
0x68: {  	_ =	shalt  }
0x69: {  	_ =	shalt  }
0x6a: {  	_ =	shalt  }
0x6b: {  	_ =	shalt  }
0x6c: {  	_ =	shalt  }
0x6d: {  	_ =	shalt  }
0x6e: {  	_ =	shalt  }
0x6f: {  	_ =	shalt  }
0x70: {  	_ =	shalt  }
0x71: {  	_ =	shalt  }
0x72: {  	_ =	shalt  }
0x73: {  	_ =	shalt  }
0x74: {  	_ =	shalt  }
0x75: {  	_ =	shalt  }
0x76: {  	_ =	shalt  }
0x77: {  	_ =	shalt  }
0x78: {  	_ =	shalt  }
0x79: {  	_ =	shalt  }
0x7a: {  	_ =	shalt  }
0x7b: {  	_ =	shalt  }
0x7c: {  	_ =	shalt  }
0x7d: {  	_ =	shalt  }
0x7e: {  	_ =	shalt  }
0x7f: {  	_ =	shalt  }
0x80: {  	_ =	shalt  }
0x81: {  	_ =	shalt  }
0x82: {  	_ =	shalt  }
0x83: {  	_ =	shalt  }
0x84: {  	_ =	shalt  }
0x85: {  	_ =	shalt  }
0x86: {  	_ =	shalt  }
0x87: {  	_ =	shalt  }
.Lfunc_end0:
.L_simem_size_0:
called_computation.2_lowered:
.L_overlay_start_0:
0x88: {  	s2 =	sld [smem:$0x3FD9]  }
0x89: {  	s3 =	sld [smem:$0x3FFE];
	_ =	sdelay $0x1  }
0x8a: {  	s1 =	srdreg.scid  }
0x8b: {  	s0 =	sand.u32 $0x1, s1  }
0x8c: {  	s16 =	sshll.u32 s0, $0xA;
	s2 =	sadd.s32 s3, s2  }
0x8d: {  	s2 =	sadd.s32 s2, s16  }
0x8e: {  	[smem:$0x3FC0] =	sst s2  }
0x8f: {  	_ = 	snop  }
0x90: {  	(tm) =	ssettm $0x1  }
0x91: {  	s17 =	sld [smem:$0x3FFB];
	_ =	sdelay $0x3  }
0x92: {  	_ =	strace s17  }
0x93: {  	s2 =	sld [smem:$0x3FFC];
	_ =	sdelay $0x3  }
0x94: {  	_ =	strace s2  }
0x95: {  	s2 =	sld [smem:$0x3FFD];
	_ =	sdelay $0x3  }
0x96: {  	_ =	strace s2  }
0x97: {  	_ =	strace $0x8FFFFFFF  }
0x98: {  	s18 =	sld [smem:$0x3FDB];
	_ =	sdelay $0x1  }
0x99: {  	s19 =	simm.s32 $_scs_section_size  }
0x9a: {  	s4 =	simm.s32 $_size__tile_overlayer_lowered;
	s5 =	simm.s32 $_tile_overlayer_lowered  }
0x9b: {  	s22 =	simm.s32 $0x1BFF;
	s21 =	sshll.u32 s5, $0x1;
	s2 =	sadd.s32 s19, s18  }
0x9c: {  	s6 =	simm.s32 $0x0;
	s20 =	sshll.u32 s4, $0x1;
	s4 =	sadd.s32 s21, s2  }
0x9d: {  	[timem:s6], [sflag:s22] =	dma.local [hbm:s4], s20  }
0x9e: {  	_ =	swait.ge [sflag:s22], s20  }
0x9f: {  	s3 =	ssub.s32 $0x0, s20;
	[sflag:s22] =	ssyncset.done $0x0  }
0xa0: {  	[sflag:s22] =	ssyncadd.s32 s3;
	_ =	sdelay $0x1  }
0xa1: {  	s23 =	simm.s32 $0x1B8B  }
0xa2: {  	_ =	swait.ge [sflag:s23], $0x1  }
0xa3: {  	[sflag:s23] =	ssyncset.done $0x0  }
0xa4: {  	s25 =	simm.s32 $0x1B8E;
	s24 =	sld [smem:$0x3FFE];
	[sflag:s23] =	ssyncadd.s32 $0xFFFFFFFF  }
0xa5: {  	s26 =	simm.s32 $execute0_lowered;
	[smem:$0x3FD2] =	sst s25  }
0xa6: {  	s4 =	sshll.u32 s26, $0x1;
	_ =	strace $0x8000004C;
	[dreg:$0x1] =	wrdreg $0xFFFFFFFF  }
0xa7: {  	s28 =	simm.s32 $_size_execute0_lowered;
	s2 =	sadd.s32 s2, s4;
	[dreg:$0x0] =	wrdreg $0x0  }
0xa8: {  	s4 =	sshll.u32 s28, $0x1;
	[dreg:$0x2] =	wrdreg s2  }
0xa9: {  	[dreg:$0x3] =	wrdreg s4  }
0xaa: {  	[dreg:$0x4] =	wrdreg $0xC0  }
0xab: {  	_ =	task [dreg:s6], $0x5FFFF  }
0xac: {  	[dreg:$0x1] =	wrdreg $0xFFFFFFFF  }
0xad: {  	[dreg:$0x0] =	wrdreg $0x60  }
0xae: {  	[dreg:$0x2] =	wrdreg s24  }
0xaf: {  	[dreg:$0x3] =	wrdreg $0x70000  }
0xb0: {  	[dreg:$0x4] =	wrdreg $0xBE300  }
0xb1: {  	[dreg:$0x5] =	wrdreg $0x9  }
0xb2: {  	_ =	task.clear_ibuf [dreg:s6], $0x6FFFF;
	_ =	strace $0x9000004C  }
0xb3: {  	s29 =	simm.s32 $0x9;
	_ =	strace $0x8000004E  }
0xb4: {  	_ =	swait.ge [sflag:s29], $0x1  }
0xb5: {  	[sflag:s29] =	ssyncadd.s32 $0xFFFFFFFF  }
0xb6: {  	_ =	strace $0x9000004E  }
0xb7: {  	_ =	sfence  }
0xb8: {  	s30 =	sld [smem:$0x0];
	_ =	sdelay $0x2  }
0xb9: {  	s31 =	sshll.u32 s1, $0xD;
	s1 =	sshrl.u32 s1, $0x2  }
0xba: {  	s3 =	sand.u32 $0x4000, s31;
	s1 =	sadd.s32 s1, s30  }
0xbb: {  	s0 =	sor.u32 s3, s0;
	s1 =	sshll.u32 s1, $0x11  }
0xbc: {  	s0 =	sor.u32 s1, s0  }
0xbd: {  	s0 =	sadd.s32 $0x8F2B, s0  }
0xbe: {  	[sflag:s0] =	ssyncadd.remote.s32 $0x1  }
0xbf: {  	_ =	sfence.sel $0xFFFF  }
0xc0: {  	[dreg:$0x0] =	wrdreg $0xFFFFFFFF;
	(pc) =	sbr.abs _section_cstart, $3  }
0xc1: {  	[dreg:$0x1] =	wrdreg $0xFFFFFFFF  }
0xc2: {  	_ =	task.clear_ibuf [dreg:s6], $0x2FFFF;
	_ =	strace $0x9FFFFFFF  }
0xc3: {  	(tm) =	ssettm $0x7FFFFFFF  }
tec
execute0_lowered:
.L_overlay_start_1:
0x0: {  	(tag) =	ssettag $0x1  }
0x1: {  	s0 =	rddreg [dreg:$0x0]  }
0x2: {  	s1 =	rddreg [dreg:$0x1]  }
0x3: {  	s2 =	srdreg.scid;
	s3 =	rddreg [dreg:$0x2]  }
0x4: {  	s21 =	stileid.u32;
	s5 =	simm.s32 $0x0;
	s23 =	simm.s32 $0x80  }
0x5: {  	s28 =	simm.s32 $0x2;
	s29 =	simm.s32 $0x3;
	s30 =	simm.s32 $0x4  }
0x6: {  	s2 =	sand.u32 $0x1, s2;
	s9 =	smul.u32 $0x4E00, s21;
	[smem:$0x7FF] =	sst s5  }
0x7: {  	s24 =	sadd.s32 $0x17000, s0;
	s18 =	sadd.s32 $0x48800, s0;
	s25 =	sshll.u32 s21, $0x6  }
0x8: {  	s11 =	sadd.s32 $0x4E000, s1;
	s15 =	smul.u32 $0x13800, s21;
	s12 =	sadd.s32 $0x48600, s0  }
0x9: {  	s22 =	sadd.s32 $0x4E000, s3;
	s13 =	sadd.s32 $0x21400, s0;
	p0 =	sne.s32 s21, $0xF  }
0xa: {  	s4 =	sshll.u32 s2, $0x4;
	_ =	strace $0x8000004D;
	s7 =	ssub.s32 $0x2, s2  }
0xb: {  	[dreg:$0x4] =	wrdreg s24;
	s16 =	sshll.u32 s2, $0x5;
	s2 =	sshll.u32 s2, $0x2  }
0xc: {  	s22 =	sshrl.u32 @!p0 s22, $0x3;
	s24 =	simm.s32 $0x5000;
	s4 =	sor.u32 s21, s4  }
0xd: {  	s6 =	sshrl.u32 s9, $0x3;
	s8 =	sshrl.u32 s7, $0x1;
	s20 =	sadd.s32 s9, s1  }
0xe: {  	s9 =	sadd.s32 s9, s3;
	s16 =	sor.u32 s16, s15;
	s15 =	sadd.s32 $0xD240, s0  }
0xf: {  	s31 =	sadd.s32 s2, s18;
	s21 =	simm.s32 $0x5;
	s5 =	smul.u32 $0x500, s4  }
0x10: {  	s10 =	sadd.s32 s6, s0;
	s19 =	ssub.s32 s7, s8;
	s8 =	sor.u32 $0x1C05, s25  }
0x11: {  	s17 =	sshrl.u32 s16, $0x3;
	s16 =	sadd.s32 $0x173C0, s0;
	s20 =	sshrl.u32 s20, $0x3  }
0x12: {  	p1 =	seq.s32 s4, $0x1F;
	s25 =	simm.s32 $0x6000;
	s4 =	simm.s32 $0x0  }
0x13: {  	s26 =	sadd.s32 $0x3EA00, s10;
	s10 =	sadd.s32 $0x17800, s10;
	s17 =	sadd.s32 s18, s17  }
0x14: {  	s18 =	sadd.s32 $0x27000, s31;
	s19 =	smax.u32 s19, $0x1;
	s14 =	sadd.s32 s5, s0  }
0x15: {  	[dreg:$0x5] =	wrdreg s26;
	s26 =	simm.s32 $0x1;
	s14 =	sadd.s32 $0x3600, s14  }
.LBB2_1:
0x16: {  	s0 =	rddreg [dreg:$0x5]  }
0x17: {  	[spmem:s20], [sflag:s8] =	dma.local [hbm:s0], $0x9C0  }
0x18: {  	_ =	swait.ge [sflag:s21], $0x9C0  }
0x19: {  	[sflag:s21] =	ssyncset.done $0x0  }
0x1a: {  	s0 =	sshrl.u32 @p0 s9, $0x3;
	[sflag:s21] =	ssyncadd.s32 $0xFFFFF640  }
0x1b: {  	[spmem:s0], [sflag:s8] =	dma.local @p0 [hbm:s10], $0x9C0  }
0x1c: {  	s0 =	simm.s32 @p0 $0x5  }
0x1d: {  	_ =	swait.ge @p0 [sflag:s0], $0x9C0  }
0x1e: {  	[sflag:s0] =	ssyncset.done @p0 $0x0  }
0x1f: {  	s31 =	sshrl.u32 @!p0 s11, $0x3;
	[sflag:s0] =	ssyncadd.s32 @p0 $0xFFFFF640;
	s0 =	simm.s32 @!p0 $0x5  }
0x20: {  	[spmem:s31], [sflag:s8] =	dma.local @!p0 [hbm:s12], $0x40  }
0x21: {  	_ =	swait.ge @!p0 [sflag:s0], $0x40  }
0x22: {  	[sflag:s0] =	ssyncset.done @!p0 $0x0  }
0x23: {  	s2 =	sshrl.u32 @!p0 s9, $0x3;
	[sflag:s0] =	ssyncadd.s32 @!p0 $0xFFFFFFC0  }
0x24: {  	[spmem:s2], [sflag:s8] =	dma.local @!p0 [hbm:s10], $0x9C0  }
0x25: {  	_ =	swait.ge @!p0 [sflag:s0], $0x9C0  }
0x26: {  	[sflag:s0] =	ssyncset.done @!p0 $0x0  }
0x27: {  	[sflag:s0] =	ssyncadd.s32 @!p0 $0xFFFFF640  }
0x28: {  	[spmem:s22], [sflag:s8] =	dma.local @!p0 [hbm:s13], $0x40  }
0x29: {  	_ =	swait.ge @!p0 [sflag:s0], $0x40  }
0x2a: {  	[sflag:s0] =	ssyncset.done @!p0 $0x0  }
0x2b: {  	s2 =	simm.s32 @p1 $0x5;
	[sflag:s0] =	ssyncadd.s32 @!p0 $0xFFFFFFC0;
	s0 =	simm.s32 @p1 $0x0  }
0x2c: {  	[tilespmem:s0], [sflag:$0x5] =	stream.linear.gather @p1 [hbm4b:s14+s0], $0xA00, $0x38;
	[tilespmem:$0x10C60] =	vst v63  }
0x2d: {  	_ =	swait.ge @p1 [sflag:s2], $0xA00  }
0x2e: {  	[sflag:s2] =	ssyncset.done @p1 $0x0  }
0x2f: {  	s6 =	simm.s32 @p1 $0xA00;
	s7 =	rddreg [dreg:$0x4];
	[sflag:s2] =	ssyncadd.s32 @p1 $0xFFFFF600  }
0x30: {  	[tilespmem:s6], [sflag:$0x5] =	stream.linear.gather @p1 [hbm4b:s7+s0], $0x1E00, $0x38;
	[tilespmem:$0x10C60] =	vst v63  }
0x31: {  	_ =	swait.ge @p1 [sflag:s2], $0x1E00  }
0x32: {  	[sflag:s2] =	ssyncset.done @p1 $0x0  }
0x33: {  	s6 =	sadd.s32 @p1 s5, s15;
	s7 =	simm.s32 @p1 $0x2800;
	[sflag:s2] =	ssyncadd.s32 @p1 $0xFFFFE200  }
0x34: {  	[tilespmem:s7], [sflag:$0x5] =	stream.linear.gather @p1 [hbm4b:s6+s0], $0xA00, $0x38;
	[tilespmem:$0x10C60] =	vst v63  }
0x35: {  	_ =	swait.ge @p1 [sflag:s2], $0xA00  }
0x36: {  	[sflag:s2] =	ssyncset.done @p1 $0x0  }
0x37: {  	s6 =	simm.s32 @p1 $0x3200;
	[sflag:s2] =	ssyncadd.s32 @p1 $0xFFFFF600  }
0x38: {  	[tilespmem:s6], [sflag:$0x5] =	stream.linear.gather @p1 [hbm4b:s16+s0], $0x1E00, $0x38;
	[tilespmem:$0x10C60] =	vst v63  }
0x39: {  	_ =	swait.ge @p1 [sflag:s2], $0x1E00  }
0x3a: {  	[sflag:s2] =	ssyncset.done @p1 $0x0  }
0x3b: {  	s0 =	simm.s32 @!p1 $0x0;
	[sflag:s2] =	ssyncadd.s32 @p1 $0xFFFFE200;
	s2 =	simm.s32 @!p1 $0x5  }
0x3c: {  	[tilespmem:s0], [sflag:$0x5] =	stream.linear.gather @!p1 [hbm4b:s14+s0], $0x2800, $0x38;
	[tilespmem:$0x10C60] =	vst v63  }
0x3d: {  	_ =	swait.ge @!p1 [sflag:s2], $0x2800  }
0x3e: {  	[sflag:s2] =	ssyncset.done @!p1 $0x0  }
0x3f: {  	s7 =	simm.s32 @!p1 $0x2800;
	s6 =	sadd.s32 @!p1 s5, s15;
	[sflag:s2] =	ssyncadd.s32 @!p1 $0xFFFFD800  }
0x40: {  	[tilespmem:s7], [sflag:$0x5] =	stream.linear.gather @!p1 [hbm4b:s6+s0], $0x2800, $0x38;
	[tilespmem:$0x10C60] =	vst v63  }
0x41: {  	_ =	swait.ge @!p1 [sflag:s2], $0x2800  }
0x42: {  	[sflag:s2] =	ssyncset.done @!p1 $0x0  }
0x43: {  	[sflag:s2] =	ssyncadd.s32 @!p1 $0xFFFFD800  }
0x44: {  	s7 =	simm.s32 $0x0;
	[bflag:$0x0] =	sbarrier.arrive $0xFFFF  }
0x45: {  	[tilespmem:s24], [sflag:$0x1] =	stream.indirect.gather [spmem:s3], $0x20, s7, s23, $0xb8;
	[tilespmem:$0x10C60] =	vst v63  }
0x46: {  	_ = 	snop  }
0x47: {  	[tilespmem:s25], [sflag:$0x2] =	stream.indirect.gather [spmem:s3], $0x20, s23, s23, $0xb8;
	[tilespmem:$0x10C60] =	vst v63  }
0x48: {  	_ =	swait.ge [sflag:s26], $0x1000  }
0x49: {  	[sflag:s26] =	ssyncset.done $0x0  }
0x4a: {  	s2 =	simm.s32 $0x2800;
	[sflag:s26] =	ssyncadd.s32 $0xFFFFF000  }
0x4b: {  	[spmem:s1] =	stream.indirect.scatter.add.f32 [tilespmem:s24], [sflag:$0x3], $0x20, s2, s23, $0xb8;
	[tilespmem:$0x10C60] =	vst v63  }
0x4c: {  	_ =	swait.ge [sflag:s28], $0x1000  }
0x4d: {  	[sflag:s28] =	ssyncset.done $0x0  }
0x4e: {  	s6 =	simm.s32 $0x2880;
	[sflag:s28] =	ssyncadd.s32 $0xFFFFF000  }
0x4f: {  	[spmem:s1] =	stream.indirect.scatter.add.f32 [tilespmem:s25], [sflag:$0x4], $0x20, s6, s23, $0xb8;
	[tilespmem:$0x10C60] =	vst v63  }
0x50: {  	_ =	swait.ge [sflag:s29], $0x1000  }
0x51: {  	[sflag:s29] =	ssyncset.done $0x0  }
0x52: {  	s7 =	simm.s32 $0x100;
	[sflag:s29] =	ssyncadd.s32 $0xFFFFF000  }
0x53: {  	[tilespmem:s24], [sflag:$0x1] =	stream.indirect.gather [spmem:s3], $0x20, s7, s23, $0xb8;
	[tilespmem:$0x10C60] =	vst v63  }
0x54: {  	_ =	swait.ge [sflag:s30], $0x1000  }
0x55: {  	[sflag:s30] =	ssyncset.done $0x0  }
0x56: {  	s0 =	simm.s32 $0x400;
	s2 =	simm.s32 $0x180;
	[sflag:s30] =	ssyncadd.s32 $0xFFFFF000  }
.LBB2_2:
0x57: {  	[tilespmem:s25], [sflag:$0x2] =	stream.indirect.gather [spmem:s3], $0x20, s2, s23, $0xb8;
	[tilespmem:$0x10C60] =	vst v63  }
0x58: {  	s2 =	smov.u32 s0  }
0x59: {  	p2 =	sne.s32 s0, $0x9800;
	s0 =	sadd.s32 $0x400, s0;
	_ =	swait.ge [sflag:s26], $0x1000  }
0x5a: {  	s2 =	sshra.s32 s2, $0x2;
	[sflag:s26] =	ssyncset.done $0x0  }
0x5b: {  	s6 =	sadd.s32 $0x2800, s2;
	[sflag:s26] =	ssyncadd.s32 $0xFFFFF000  }
0x5c: {  	[spmem:s1] =	stream.indirect.scatter.add.f32 [tilespmem:s24], [sflag:$0x3], $0x20, s6, s23, $0xb8;
	[tilespmem:$0x10C60] =	vst v63  }
0x5d: {  	_ =	swait.ge [sflag:s28], $0x1000  }
0x5e: {  	[sflag:s28] =	ssyncset.done $0x0  }
0x5f: {  	s6 =	sadd.s32 $0x2880, s2;
	[sflag:s28] =	ssyncadd.s32 $0xFFFFF000  }
0x60: {  	[spmem:s1] =	stream.indirect.scatter.add.f32 [tilespmem:s25], [sflag:$0x4], $0x20, s6, s23, $0xb8;
	[tilespmem:$0x10C60] =	vst v63  }
0x61: {  	_ =	swait.ge [sflag:s29], $0x1000  }
0x62: {  	[sflag:s29] =	ssyncset.done $0x0  }
.Ltmp0:
0x63: {  	s6 =	sadd.s32 $0x100, s2;
	[sflag:s29] =	ssyncadd.s32 $0xFFFFF000;
	(pc) =	sbr.rel @p2 .LBB2_2-.Ltmp0, $4  }
0x64: {  	[tilespmem:s24], [sflag:$0x1] =	stream.indirect.gather [spmem:s3], $0x20, s6, s23, $0xb8;
	[tilespmem:$0x10C60] =	vst v63  }
0x65: {  	_ =	swait.ge [sflag:s30], $0x1000  }
0x66: {  	[sflag:s30] =	ssyncset.done $0x0  }
0x67: {  	s2 =	sadd.s32 $0x180, s2;
	[sflag:s30] =	ssyncadd.s32 $0xFFFFF000  }
0x68: {  	[tilespmem:s25], [sflag:$0x2] =	stream.indirect.gather [spmem:s3], $0x20, s2, s23, $0xb8;
	[tilespmem:$0x10C60] =	vst v63  }
0x69: {  	_ =	swait.ge [sflag:s26], $0x1000  }
0x6a: {  	[sflag:s26] =	ssyncset.done $0x0  }
0x6b: {  	s0 =	simm.s32 $0x4F00;
	[sflag:s26] =	ssyncadd.s32 $0xFFFFF000  }
0x6c: {  	[spmem:s1] =	stream.indirect.scatter.add.f32 [tilespmem:s24], [sflag:$0x3], $0x20, s0, s23, $0xb8;
	[tilespmem:$0x10C60] =	vst v63  }
0x6d: {  	_ =	swait.ge [sflag:s28], $0x1000  }
0x6e: {  	[sflag:s28] =	ssyncset.done $0x0  }
0x6f: {  	s6 =	simm.s32 $0x4F80;
	[sflag:s28] =	ssyncadd.s32 $0xFFFFF000  }
0x70: {  	[spmem:s1] =	stream.indirect.scatter.add.f32 [tilespmem:s25], [sflag:$0x4], $0x20, s6, s23, $0xb8;
	[tilespmem:$0x10C60] =	vst v63  }
0x71: {  	_ =	swait.ge [sflag:s29], $0x1000  }
0x72: {  	[sflag:s29] =	ssyncset.done $0x0  }
0x73: {  	[sflag:s29] =	ssyncadd.s32 $0xFFFFF000  }
0x74: {  	_ =	swait.ge [sflag:s30], $0x1000  }
0x75: {  	[sflag:s30] =	ssyncset.done $0x0  }
0x76: {  	[sflag:s30] =	ssyncadd.s32 $0xFFFFF000  }
0x77: {  	s7 =	simm.s32 $0x10;
	[bflag:$0x0] =	sbarrier.arrive $0xFFFF  }
0x78: {  	[hbm:s17@s7], [sflag:s8] =	dma.strided [spmem:s20@s30], $0x9C0, s26, $0x4   }
0x79: {  	s4 =	sadd.s32 $0x1, s4;
	_ =	swait.ge [sflag:s21], $0x9C0  }
0x7a: {  	s2 =	simm.s32 @!p0 $0x10;
	p2 =	sne.s32 s4, s19;
	[sflag:s21] =	ssyncset.done $0x0  }
0x7b: {  	s0 =	simm.s32 @!p0 $0x1;
	s6 =	simm.s32 @!p0 $0x4;
	[sflag:s21] =	ssyncadd.s32 $0xFFFFF640  }
0x7c: {  	[hbm:s18@s2], [sflag:s8] =	dma.strided @!p0 [spmem:s31@s6], $0x40, s0, $0x4   }
.Ltmp1:
0x7d: {  	_ = 	snop;
	(pc) =	sbr.rel @p2 .LBB2_1-.Ltmp1, $4  }
0x7e: {  	s0 =	simm.s32 @!p0 $0x5  }
0x7f: {  	_ =	swait.ge @!p0 [sflag:s0], $0x40  }
0x80: {  	[sflag:s0] =	ssyncset.done @!p0 $0x0  }
0x81: {  	[sflag:s0] =	ssyncadd.s32 @!p0 $0xFFFFFFC0  }
0x82: {  	_ =	sfence.sel $0x180000  }
0x83: {  	[bflag:$0x0] =	sbarrier.arrive $0xFFFF  }
0x84: {  	_ =	strace $0x9000004D  }
0x85: {  	s0 =	stileid.u32;
	[bflag:$0x2] =	sbarrier.arrive $0xFFFF  }
0x86: {  	p0 =	sne.s32 s0, $0x0;
	s0 =	rddreg [dreg:$0x3]  }
0x87: {  	s0 =	sadd.s32 @!p0 $0x100000, s0  }
0x88: {  	[sflag:s0] =	ssyncadd.tile.s32 @!p0 $0x1;
	_ =	shalt  }
.Lfunc_end2:
_tile_overlayer_lowered:
.L_overlay_start_2:
0x89: {  	(tag) =	ssettag $0x2  }
0x8a: {  	s0 =	rddreg [dreg:$0x0];
	s2 =	stileid.u32  }
0x8b: {  	s1 =	rddreg [dreg:$0x1];
	p0 =	sne.s32 s2, $0x0  }
0x8c: {  	s3 =	rddreg [dreg:$0x2];
	[bflag:$0x3] =	sbarrier.arrive $0xFFFF;
	s2 =	simm.s32 @!p0 $0x1C05  }
0x8d: {  	[timem:s3], [sflag:s2] =	dma.local @!p0 [hbm:s0], s1  }
0x8e: {  	s0 =	simm.s32 @!p0 $0x5  }
0x8f: {  	_ =	swait.ge @!p0 [sflag:s0], s1  }
0x90: {  	s1 =	ssub.s32 @!p0 $0x0, s1;
	[sflag:s0] =	ssyncset.done @!p0 $0x0  }
0x91: {  	[sflag:s0] =	ssyncadd.s32 @!p0 s1  }
0x92: {  	[bflag:$0x3] =	sbarrier.arrive $0xFFFF  }
0x93: {  	_ =	shalt  }

// kernel: kernel.19.cloned.1.call-start
scs
__scs_entry_jumppad:
0x0: {  	(pc) =	sbr.rel $0x88, $3  }
0x1: {  	(tag) =	ssettag $0x0;
	lr =	simm.s32 $0x1  }
0x2: {  	[smem:$0x3F99] =	sst lr;
	_ =	strace $0xD0000000  }
0x3: {  	_ = 	snop  }
0x4: {  	_ = 	snop  }
0x5: {  	_ = 	snop  }
0x6: {  	_ = 	snop  }
0x7: {  	_ = 	snop  }
__scs_overlays_trampoline_lowered:
0x8: {  	[smem:$0x3FA8] =	sst s0  }
0x9: {  	[smem:$0x3FA9] =	sst s1  }
0xa: {  	[smem:$0x3FAA] =	sst s2  }
0xb: {  	[smem:$0x3FAB] =	sst s3  }
0xc: {  	[smem:$0x3FAC] =	sst s4  }
0xd: {  	[smem:$0x3FAD] =	sst s5  }
0xe: {  	[smem:$0x3FAE] =	sst s6  }
0xf: {  	[smem:$0x3FAF] =	sst s7  }
0x10: {  	[smem:$0x3FB0] =	sst s8  }
0x11: {  	[smem:$0x3FB1] =	sst s9;
	s0 =	simm.s32 @!p0 $0x0  }
0x12: {  	s1 =	sld [smem:$0x3F97];
	s0 =	simm.s32 @p0 $0x1  }
0x13: {  	[smem:$0x3FB2] =	sst s0;
	s0 =	simm.s32 @!p1 $0x0  }
0x14: {  	s2 =	sld [smem:$0x3F96];
	s0 =	simm.s32 @p1 $0x1  }
0x15: {  	[smem:$0x3FB3] =	sst s0;
	s0 =	simm.s32 @!p2 $0x0  }
0x16: {  	s3 =	sld [smem:$0x3FDB];
	s0 =	simm.s32 @p2 $0x1  }
0x17: {  	s4 =	simm.s32 $0x1BF5;
	[smem:$0x3FB5] =	sst s0  }
0x18: {  	s0 =	sld [smem:$0x3F98];
	_ =	swait.ge [sflag:s4], $0x0  }
0x19: {  	s7 =	sld [smem:$0x3F99]  }
0x1a: {  	s8 =	sadd.s32 $0xFFFFE003, lr  }
0x1b: {  	s9 =	sadd.s32 $0xFFFFFEF7, lr;
	s5 =	simm.s32 $0xFFFFFFFF;
	p2 =	slt.u32 s8, $0xFFFFF086  }
0x1c: {  	p1 =	slt.u32 s9, $0xF7A;
	s5 =	simm.s32 @!p2 $0x0  }
0x1d: {  	s5 =	simm.s32 @p1 $0x1;
	p0 =	seq.s32 s7, s2  }
0x1e: {  	s7 =	smul.u32 @!p0 $0xF7A, s2;
	p2 =	seq.s32 @!p0 s5, $0x0  }
0x1f: {  	s9 =	smul.u32 $0xF7A, s1;
	s8 =	simm.s32 @!p0 $0x1BF5;
	p2 =	por !p2, p0  }
0x20: {  	[sflag:s8] =	ssyncset.s32 @!p0 $0xFFFFF086;
	s6 =	sadd.s32 @!p0 s3, s7;
	s7 =	simm.s32 @!p0 $0x108  }
0x21: {  	s3 =	sadd.s32 s3, s9;
	s6 =	sadd.s32 @!p0 $0x88, s6;
	s7 =	simm.s32 @p2 $0x1082  }
0x22: {  	[simem:s7], [sflag:s8] =	dma.local @!p0 [hbm:s6], $0xF7A  }
0x23: {  	s9 =	sor.u32 $0xD0000000, s2;
	s6 =	simm.s32 $0x108;
	_ =	swait.ge @!p0 [sflag:s8], $0x0  }
0x24: {  	s3 =	sadd.s32 $0x88, s3;
	s6 =	simm.s32 @!p1 $0x1082;
	[sflag:s4] =	ssyncset.s32 $0xFFFFF086  }
0x25: {  	[simem:s6], [sflag:s4] =	dma.local [hbm:s3], $0xF7A  }
0x26: {  	[smem:$0x3F99] =	sst s1;
	(tag) =	ssettag s2;
	_ =	strace s9  }
0x27: {  	s1 =	sld [smem:$0x3FA9]  }
0x28: {  	s2 =	sld [smem:$0x3FAA]  }
0x29: {  	s4 =	sld [smem:$0x3FAC]  }
0x2a: {  	p0 =	seq.s32 s5, $0x0;
	s5 =	sld [smem:$0x3FAD]  }
0x2b: {  	s6 =	sld [smem:$0x3FAE]  }
0x2c: {  	s7 =	sld [smem:$0x3FAF]  }
0x2d: {  	s3 =	simm.s32 $0x108;
	s8 =	sld [smem:$0x3FB0]  }
0x2e: {  	s3 =	simm.s32 @!p0 $0x1082;
	s9 =	sld [smem:$0x3FB1]  }
0x2f: {  	lr =	sadd.s32 s0, s3;
	s0 =	sld [smem:$0x3FA8]  }
0x30: {  	s3 =	sld [smem:$0x3FAB]  }
0x31: {  	[smem:$0x3FB4] =	sst s10  }
0x32: {  	s10 =	sld [smem:$0x3FB2];
	_ =	sdelay $0x3  }
0x33: {  	p0 =	seq.s32 s10, $0x1;
	s10 =	sld [smem:$0x3FB4];
	_ =	sdelay $0x3  }
0x34: {  	[smem:$0x3FB4] =	sst s10  }
0x35: {  	s10 =	sld [smem:$0x3FB3];
	_ =	sdelay $0x3  }
0x36: {  	p1 =	seq.s32 s10, $0x1;
	s10 =	sld [smem:$0x3FB4];
	_ =	sdelay $0x3  }
0x37: {  	[smem:$0x3FB4] =	sst s10  }
0x38: {  	s10 =	sld [smem:$0x3FB5]  }
0x39: {  	_ = 	snop;
	(pc) =	sbr.ind lr, $3  }
0x3a: {  	_ = 	snop  }
0x3b: {  	_ = 	snop  }
0x3c: {  	p2 =	seq.s32 s10, $0x1;
	s10 =	sld [smem:$0x3FB4]  }
0x3d: {  	_ =	shalt  }
0x3e: {  	_ =	shalt  }
0x3f: {  	_ =	shalt  }
0x40: {  	_ =	shalt  }
0x41: {  	_ =	shalt  }
0x42: {  	_ =	shalt  }
0x43: {  	_ =	shalt  }
0x44: {  	_ =	shalt  }
0x45: {  	_ =	shalt  }
0x46: {  	_ =	shalt  }
0x47: {  	_ =	shalt  }
0x48: {  	_ =	shalt  }
0x49: {  	_ =	shalt  }
0x4a: {  	_ =	shalt  }
0x4b: {  	_ =	shalt  }
0x4c: {  	_ =	shalt  }
0x4d: {  	_ =	shalt  }
0x4e: {  	_ =	shalt  }
0x4f: {  	_ =	shalt  }
0x50: {  	_ =	shalt  }
0x51: {  	_ =	shalt  }
0x52: {  	_ =	shalt  }
0x53: {  	_ =	shalt  }
0x54: {  	_ =	shalt  }
0x55: {  	_ =	shalt  }
0x56: {  	_ =	shalt  }
0x57: {  	_ =	shalt  }
0x58: {  	_ =	shalt  }
0x59: {  	_ =	shalt  }
0x5a: {  	_ =	shalt  }
0x5b: {  	_ =	shalt  }
0x5c: {  	_ =	shalt  }
0x5d: {  	_ =	shalt  }
0x5e: {  	_ =	shalt  }
0x5f: {  	_ =	shalt  }
0x60: {  	_ =	shalt  }
0x61: {  	_ =	shalt  }
0x62: {  	_ =	shalt  }
0x63: {  	_ =	shalt  }
0x64: {  	_ =	shalt  }
0x65: {  	_ =	shalt  }
0x66: {  	_ =	shalt  }
0x67: {  	_ =	shalt  }
0x68: {  	_ =	shalt  }
0x69: {  	_ =	shalt  }
0x6a: {  	_ =	shalt  }
0x6b: {  	_ =	shalt  }
0x6c: {  	_ =	shalt  }
0x6d: {  	_ =	shalt  }
0x6e: {  	_ =	shalt  }
0x6f: {  	_ =	shalt  }
0x70: {  	_ =	shalt  }
0x71: {  	_ =	shalt  }
0x72: {  	_ =	shalt  }
0x73: {  	_ =	shalt  }
0x74: {  	_ =	shalt  }
0x75: {  	_ =	shalt  }
0x76: {  	_ =	shalt  }
0x77: {  	_ =	shalt  }
0x78: {  	_ =	shalt  }
0x79: {  	_ =	shalt  }
0x7a: {  	_ =	shalt  }
0x7b: {  	_ =	shalt  }
0x7c: {  	_ =	shalt  }
0x7d: {  	_ =	shalt  }
0x7e: {  	_ =	shalt  }
0x7f: {  	_ =	shalt  }
0x80: {  	_ =	shalt  }
0x81: {  	_ =	shalt  }
0x82: {  	_ =	shalt  }
0x83: {  	_ =	shalt  }
0x84: {  	_ =	shalt  }
0x85: {  	_ =	shalt  }
0x86: {  	_ =	shalt  }
0x87: {  	_ =	shalt  }
.Lfunc_end0:
.L_simem_size_0:
called_computation.3_lowered:
.L_overlay_start_0:
0x88: {  	s2 =	sld [smem:$0x3FD9]  }
0x89: {  	s3 =	sld [smem:$0x3FFE];
	_ =	sdelay $0x1  }
0x8a: {  	s1 =	srdreg.scid  }
0x8b: {  	s0 =	sand.u32 $0x1, s1  }
0x8c: {  	s17 =	sshll.u32 s0, $0xA;
	s2 =	sadd.s32 s3, s2  }
0x8d: {  	s2 =	sadd.s32 s2, s17  }
0x8e: {  	[smem:$0x3FC0] =	sst s2  }
0x8f: {  	_ = 	snop  }
0x90: {  	s2 =	sld [smem:$0x3FD0];
	(tm) =	ssettm $0x1  }
0x91: {  	s18 =	sld [smem:$0x3FFB];
	_ =	sdelay $0x3  }
0x92: {  	_ =	strace s18  }
0x93: {  	s3 =	sld [smem:$0x3FFC];
	_ =	sdelay $0x3  }
0x94: {  	_ =	strace s3  }
0x95: {  	s3 =	sld [smem:$0x3FFD];
	_ =	sdelay $0x3  }
0x96: {  	_ =	strace s3  }
0x97: {  	_ =	strace $0x8FFFFFFF  }
0x98: {  	s19 =	sld [smem:$0x3FDB];
	_ =	sdelay $0x1  }
0x99: {  	s4 =	simm.s32 $_scs_section_size  }
0x9a: {  	s5 =	simm.s32 $_size__tile_overlayer_lowered;
	s6 =	simm.s32 $_tile_overlayer_lowered  }
0x9b: {  	s22 =	simm.s32 $0x1BFF;
	s21 =	sshll.u32 s6, $0x1;
	s3 =	sadd.s32 s4, s19  }
0x9c: {  	s7 =	simm.s32 $0x0;
	s20 =	sshll.u32 s5, $0x1;
	s5 =	sadd.s32 s21, s3  }
0x9d: {  	[timem:s7], [sflag:s22] =	dma.local [hbm:s5], s20  }
0x9e: {  	_ =	swait.ge [sflag:s22], s20  }
0x9f: {  	s4 =	ssub.s32 $0x0, s20;
	[sflag:s22] =	ssyncset.done $0x0  }
0xa0: {  	[sflag:s22] =	ssyncadd.s32 s4;
	_ =	sdelay $0x1  }
0xa1: {  	s23 =	simm.s32 $0x1B8B  }
0xa2: {  	_ =	swait.ge [sflag:s23], $0x1  }
0xa3: {  	[sflag:s23] =	ssyncset.done $0x0  }
0xa4: {  	s25 =	simm.s32 $0x1B8E;
	s24 =	sld [smem:$0x3FFE];
	[sflag:s23] =	ssyncadd.s32 $0xFFFFFFFF  }
0xa5: {  	s26 =	simm.s32 $execute0_lowered;
	[smem:$0x3FD2] =	sst s25  }
0xa6: {  	s5 =	sshll.u32 s26, $0x1;
	_ =	strace $0x8000004F;
	[dreg:$0x1] =	wrdreg $0xFFFFFFFF  }
0xa7: {  	s28 =	simm.s32 $_size_execute0_lowered;
	s3 =	sadd.s32 s3, s5;
	[dreg:$0x0] =	wrdreg $0x0  }
0xa8: {  	s5 =	sshll.u32 s28, $0x1;
	[dreg:$0x2] =	wrdreg s3  }
0xa9: {  	[dreg:$0x3] =	wrdreg s5  }
0xaa: {  	[dreg:$0x4] =	wrdreg $0xC0  }
0xab: {  	_ =	task [dreg:s7], $0x5FFFF  }
0xac: {  	[dreg:$0x1] =	wrdreg $0xFFFFFFFF  }
0xad: {  	[dreg:$0x0] =	wrdreg $0x60  }
0xae: {  	[dreg:$0x2] =	wrdreg s24  }
0xaf: {  	[dreg:$0x3] =	wrdreg s2  }
0xb0: {  	[dreg:$0x4] =	wrdreg $0x60000  }
0xb1: {  	[dreg:$0x5] =	wrdreg $0x87180  }
0xb2: {  	[dreg:$0x6] =	wrdreg $0x9  }
0xb3: {  	_ =	task.clear_ibuf [dreg:s7], $0x7FFFF;
	_ =	strace $0x9000004F  }
0xb4: {  	s29 =	simm.s32 $0x9;
	_ =	strace $0x80000051  }
0xb5: {  	_ =	swait.ge [sflag:s29], $0x1  }
0xb6: {  	[sflag:s29] =	ssyncadd.s32 $0xFFFFFFFF  }
0xb7: {  	_ =	strace $0x90000051  }
0xb8: {  	_ =	sfence  }
0xb9: {  	s30 =	sld [smem:$0x0];
	_ =	sdelay $0x2  }
0xba: {  	s31 =	sshll.u32 s1, $0xD;
	s1 =	sshrl.u32 s1, $0x2  }
0xbb: {  	s3 =	sand.u32 $0x4000, s31;
	s1 =	sadd.s32 s1, s30  }
0xbc: {  	s0 =	sor.u32 s3, s0;
	s1 =	sshll.u32 s1, $0x11  }
0xbd: {  	s0 =	sor.u32 s1, s0  }
0xbe: {  	s0 =	sadd.s32 $0x8F2B, s0  }
0xbf: {  	[sflag:s0] =	ssyncadd.remote.s32 $0x1  }
0xc0: {  	_ =	sfence.sel $0xFFFF  }
0xc1: {  	[dreg:$0x0] =	wrdreg $0xFFFFFFFF;
	(pc) =	sbr.abs _section_cstart, $3  }
0xc2: {  	[dreg:$0x1] =	wrdreg $0xFFFFFFFF  }
0xc3: {  	_ =	task.clear_ibuf [dreg:s7], $0x2FFFF;
	_ =	strace $0x9FFFFFFF  }
0xc4: {  	(tm) =	ssettm $0x7FFFFFFF  }
0xc5: {  	_ =	shalt  }
tec
execute0_lowered:
.L_overlay_start_1:
0x0: {  	(tag) =	ssettag $0x1  }
0x1: {  	s0 =	rddreg [dreg:$0x0]  }
0x2: {  	s2 =	rddreg [dreg:$0x1]  }
0x3: {  	s1 =	rddreg [dreg:$0x2];
	s4 =	srdreg.scid  }
0x4: {  	s3 =	rddreg [dreg:$0x3];
	s21 =	stileid.u32;
	s5 =	simm.s32 $0x0  }
0x5: {  	s28 =	simm.s32 $0x2;
	s29 =	simm.s32 $0x3;
	s30 =	simm.s32 $0x4  }
0x6: {  	s4 =	sand.u32 $0x1, s4;
	s10 =	smul.u32 $0x2700, s21;
	[smem:$0x7FF] =	sst s5  }
0x7: {  	s12 =	sadd.s32 $0x17000, s0;
	s18 =	sadd.s32 $0x1C800, s0;
	s24 =	sshll.u32 s21, $0x6  }
0x8: {  	s13 =	sadd.s32 $0x4E00, s2;
	s25 =	smul.u32 $0x13800, s21;
	s14 =	sadd.s32 $0x1C600, s0  }
0x9: {  	s16 =	sadd.s32 $0xD240, s0;
	s17 =	sadd.s32 $0x173C0, s0;
	p0 =	sne.s32 s21, $0xF  }
0xa: {  	s6 =	sshll.u32 s4, $0x4;
	_ =	strace $0x80000050;
	s7 =	ssub.s32 $0x2, s4  }
0xb: {  	[dreg:$0x5] =	wrdreg s12;
	s12 =	sadd.s32 $0x27000, s1;
	s4 =	sshll.u32 s4, $0x1  }
0xc: {  	s23 =	sor.u32 s21, s6;
	s8 =	sshrl.u32 s10, $0x3;
	s9 =	sshrl.u32 s7, $0x1  }
0xd: {  	s19 =	sadd.s32 s10, s1;
	s10 =	sadd.s32 s10, s3;
	s31 =	sadd.s32 s4, s18  }
0xe: {  	s21 =	simm.s32 $0x5;
	s4 =	simm.s32 $0x0;
	s5 =	smul.u32 $0x500, s23  }
0xf: {  	s11 =	sadd.s32 s8, s0;
	s20 =	ssub.s32 s7, s9;
	[dreg:$0x6] =	wrdreg s19  }
0x10: {  	s22 =	sadd.s32 s2, s8;
	s9 =	sor.u32 $0x1C05, s24;
	s2 =	sor.u32 s6, s25  }
0x11: {  	s19 =	sadd.s32 $0x27000, s31;
	p1 =	seq.s32 s23, $0x1F;
	s23 =	simm.s32 $0x80  }
0x12: {  	s24 =	simm.s32 $0x5000;
	s25 =	simm.s32 $0x5800;
	[dreg:$0x7] =	wrdreg s22  }
0x13: {  	s11 =	sadd.s32 $0x17800, s11;
	s22 =	sadd.s32 $0x27000, s3;
	s26 =	sshrl.u32 s2, $0x3  }
0x14: {  	s20 =	smax.u32 s20, $0x1;
	s15 =	sadd.s32 s5, s0;
	s18 =	sadd.s32 s18, s26  }
0x15: {  	s22 =	sshrl.u32 @!p0 s22, $0x3;
	s26 =	simm.s32 $0x1;
	s15 =	sadd.s32 $0x3600, s15  }
.LBB2_1:
0x16: {  	s0 =	rddreg [dreg:$0x6]  }
0x17: {  	s7 =	rddreg [dreg:$0x7];
	s31 =	sshrl.u32 s0, $0x3  }
0x18: {  	[spmem:s31], [sflag:s9] =	dma.local [hbm:s7], $0x4E0  }
0x19: {  	_ =	swait.ge [sflag:s21], $0x4E0  }
0x1a: {  	[sflag:s21] =	ssyncset.done $0x0  }
0x1b: {  	s0 =	sshrl.u32 @p0 s10, $0x3;
	[sflag:s21] =	ssyncadd.s32 $0xFFFFFB20  }
0x1c: {  	[spmem:s0], [sflag:s9] =	dma.local @p0 [hbm:s11], $0x4E0  }
0x1d: {  	s0 =	simm.s32 @p0 $0x5  }
0x1e: {  	_ =	swait.ge @p0 [sflag:s0], $0x4E0  }
0x1f: {  	[sflag:s0] =	ssyncset.done @p0 $0x0  }
0x20: {  	s2 =	simm.s32 @!p0 $0x5;
	[sflag:s0] =	ssyncadd.s32 @p0 $0xFFFFFB20;
	s0 =	sshrl.u32 @!p0 s12, $0x3  }
0x21: {  	[spmem:s0], [sflag:s9] =	dma.local @!p0 [hbm:s13], $0x20  }
0x22: {  	_ =	swait.ge @!p0 [sflag:s2], $0x20  }
0x23: {  	[sflag:s2] =	ssyncset.done @!p0 $0x0  }
0x24: {  	s6 =	sshrl.u32 @!p0 s10, $0x3;
	[sflag:s2] =	ssyncadd.s32 @!p0 $0xFFFFFFE0  }
0x25: {  	[spmem:s6], [sflag:s9] =	dma.local @!p0 [hbm:s11], $0x4E0  }
0x26: {  	_ =	swait.ge @!p0 [sflag:s2], $0x4E0  }
0x27: {  	[sflag:s2] =	ssyncset.done @!p0 $0x0  }
0x28: {  	[sflag:s2] =	ssyncadd.s32 @!p0 $0xFFFFFB20  }
0x29: {  	[spmem:s22], [sflag:s9] =	dma.local @!p0 [hbm:s14], $0x20  }
0x2a: {  	_ =	swait.ge @!p0 [sflag:s2], $0x20  }
0x2b: {  	[sflag:s2] =	ssyncset.done @!p0 $0x0  }
0x2c: {  	s6 =	simm.s32 @p1 $0x5;
	[sflag:s2] =	ssyncadd.s32 @!p0 $0xFFFFFFE0;
	s2 =	simm.s32 @p1 $0x0  }
0x2d: {  	[tilespmem:s2], [sflag:$0x5] =	stream.linear.gather @p1 [hbm4b:s15+s2], $0xA00, $0x38;
	[tilespmem:$0xAE30] =	vst v63  }
0x2e: {  	_ =	swait.ge @p1 [sflag:s6], $0xA00  }
0x2f: {  	[sflag:s6] =	ssyncset.done @p1 $0x0  }
0x30: {  	s7 =	simm.s32 @p1 $0xA00;
	s8 =	rddreg [dreg:$0x5];
	[sflag:s6] =	ssyncadd.s32 @p1 $0xFFFFF600  }
0x31: {  	[tilespmem:s7], [sflag:$0x5] =	stream.linear.gather @p1 [hbm4b:s8+s2], $0x1E00, $0x38;
	[tilespmem:$0xAE30] =	vst v63  }
0x32: {  	_ =	swait.ge @p1 [sflag:s6], $0x1E00  }
0x33: {  	[sflag:s6] =	ssyncset.done @p1 $0x0  }
0x34: {  	s7 =	sadd.s32 @p1 s5, s16;
	s8 =	simm.s32 @p1 $0x2800;
	[sflag:s6] =	ssyncadd.s32 @p1 $0xFFFFE200  }
0x35: {  	[tilespmem:s8], [sflag:$0x5] =	stream.linear.gather @p1 [hbm4b:s7+s2], $0xA00, $0x38;
	[tilespmem:$0xAE30] =	vst v63  }
0x36: {  	_ =	swait.ge @p1 [sflag:s6], $0xA00  }
0x37: {  	[sflag:s6] =	ssyncset.done @p1 $0x0  }
0x38: {  	s7 =	simm.s32 @p1 $0x3200;
	[sflag:s6] =	ssyncadd.s32 @p1 $0xFFFFF600  }
0x39: {  	[tilespmem:s7], [sflag:$0x5] =	stream.linear.gather @p1 [hbm4b:s17+s2], $0x1E00, $0x38;
	[tilespmem:$0xAE30] =	vst v63  }
0x3a: {  	_ =	swait.ge @p1 [sflag:s6], $0x1E00  }
0x3b: {  	[sflag:s6] =	ssyncset.done @p1 $0x0  }
0x3c: {  	s2 =	simm.s32 @!p1 $0x0;
	[sflag:s6] =	ssyncadd.s32 @p1 $0xFFFFE200;
	s6 =	simm.s32 @!p1 $0x5  }
0x3d: {  	[tilespmem:s2], [sflag:$0x5] =	stream.linear.gather @!p1 [hbm4b:s15+s2], $0x2800, $0x38;
	[tilespmem:$0xAE30] =	vst v63  }
0x3e: {  	_ =	swait.ge @!p1 [sflag:s6], $0x2800  }
0x3f: {  	[sflag:s6] =	ssyncset.done @!p1 $0x0  }
0x40: {  	s8 =	simm.s32 @!p1 $0x2800;
	s7 =	sadd.s32 @!p1 s5, s16;
	[sflag:s6] =	ssyncadd.s32 @!p1 $0xFFFFD800  }
0x41: {  	[tilespmem:s8], [sflag:$0x5] =	stream.linear.gather @!p1 [hbm4b:s7+s2], $0x2800, $0x38;
	[tilespmem:$0xAE30] =	vst v63  }
0x42: {  	_ =	swait.ge @!p1 [sflag:s6], $0x2800  }
0x43: {  	[sflag:s6] =	ssyncset.done @!p1 $0x0  }
0x44: {  	[sflag:s6] =	ssyncadd.s32 @!p1 $0xFFFFD800  }
0x45: {  	s8 =	simm.s32 $0x0;
	[bflag:$0x0] =	sbarrier.arrive $0xFFFF  }
0x46: {  	[tilespmem:s24], [sflag:$0x1] =	stream.indirect.gather [spmem:s3], $0x10, s8, s23, $0xb8;
	[tilespmem:$0xAE30] =	vst v63  }
0x47: {  	_ = 	snop  }
0x48: {  	[tilespmem:s25], [sflag:$0x2] =	stream.indirect.gather [spmem:s3], $0x10, s23, s23, $0xb8;
	[tilespmem:$0xAE30] =	vst v63  }
0x49: {  	_ =	swait.ge [sflag:s26], $0x800  }
0x4a: {  	[sflag:s26] =	ssyncset.done $0x0  }
0x4b: {  	s6 =	simm.s32 $0x2800;
	[sflag:s26] =	ssyncadd.s32 $0xFFFFF800  }
0x4c: {  	[spmem:s1] =	stream.indirect.scatter.add.f32 [tilespmem:s24], [sflag:$0x3], $0x10, s6, s23, $0xb8;
	[tilespmem:$0xAE30] =	vst v63  }
0x4d: {  	_ =	swait.ge [sflag:s28], $0x800  }
0x4e: {  	[sflag:s28] =	ssyncset.done $0x0  }
0x4f: {  	s7 =	simm.s32 $0x2880;
	[sflag:s28] =	ssyncadd.s32 $0xFFFFF800  }
0x50: {  	[spmem:s1] =	stream.indirect.scatter.add.f32 [tilespmem:s25], [sflag:$0x4], $0x10, s7, s23, $0xb8;
	[tilespmem:$0xAE30] =	vst v63  }
0x51: {  	_ =	swait.ge [sflag:s29], $0x800  }
0x52: {  	[sflag:s29] =	ssyncset.done $0x0  }
0x53: {  	s8 =	simm.s32 $0x100;
	[sflag:s29] =	ssyncadd.s32 $0xFFFFF800  }
0x54: {  	[tilespmem:s24], [sflag:$0x1] =	stream.indirect.gather [spmem:s3], $0x10, s8, s23, $0xb8;
	[tilespmem:$0xAE30] =	vst v63  }
0x55: {  	_ =	swait.ge [sflag:s30], $0x800  }
0x56: {  	[sflag:s30] =	ssyncset.done $0x0  }
0x57: {  	s2 =	simm.s32 $0x400;
	s6 =	simm.s32 $0x180;
	[sflag:s30] =	ssyncadd.s32 $0xFFFFF800  }
.LBB2_2:
0x58: {  	[tilespmem:s25], [sflag:$0x2] =	stream.indirect.gather [spmem:s3], $0x10, s6, s23, $0xb8;
	[tilespmem:$0xAE30] =	vst v63  }
0x59: {  	s6 =	smov.u32 s2  }
0x5a: {  	p2 =	sne.s32 s2, $0x9800;
	s2 =	sadd.s32 $0x400, s2;
	_ =	swait.ge [sflag:s26], $0x800  }
0x5b: {  	s6 =	sshra.s32 s6, $0x2;
	[sflag:s26] =	ssyncset.done $0x0  }
0x5c: {  	s7 =	sadd.s32 $0x2800, s6;
	[sflag:s26] =	ssyncadd.s32 $0xFFFFF800  }
0x5d: {  	[spmem:s1] =	stream.indirect.scatter.add.f32 [tilespmem:s24], [sflag:$0x3], $0x10, s7, s23, $0xb8;
	[tilespmem:$0xAE30] =	vst v63  }
0x5e: {  	_ =	swait.ge [sflag:s28], $0x800  }
0x5f: {  	[sflag:s28] =	ssyncset.done $0x0  }
0x60: {  	s7 =	sadd.s32 $0x2880, s6;
	[sflag:s28] =	ssyncadd.s32 $0xFFFFF800  }
0x61: {  	[spmem:s1] =	stream.indirect.scatter.add.f32 [tilespmem:s25], [sflag:$0x4], $0x10, s7, s23, $0xb8;
	[tilespmem:$0xAE30] =	vst v63  }
0x62: {  	_ =	swait.ge [sflag:s29], $0x800  }
0x63: {  	[sflag:s29] =	ssyncset.done $0x0  }
.Ltmp0:
0x64: {  	s7 =	sadd.s32 $0x100, s6;
	[sflag:s29] =	ssyncadd.s32 $0xFFFFF800;
	(pc) =	sbr.rel @p2 .LBB2_2-.Ltmp0, $4  }
0x65: {  	[tilespmem:s24], [sflag:$0x1] =	stream.indirect.gather [spmem:s3], $0x10, s7, s23, $0xb8;
	[tilespmem:$0xAE30] =	vst v63  }
0x66: {  	_ =	swait.ge [sflag:s30], $0x800  }
0x67: {  	[sflag:s30] =	ssyncset.done $0x0  }
0x68: {  	s6 =	sadd.s32 $0x180, s6;
	[sflag:s30] =	ssyncadd.s32 $0xFFFFF800  }
0x69: {  	[tilespmem:s25], [sflag:$0x2] =	stream.indirect.gather [spmem:s3], $0x10, s6, s23, $0xb8;
	[tilespmem:$0xAE30] =	vst v63  }
0x6a: {  	_ =	swait.ge [sflag:s26], $0x800  }
0x6b: {  	[sflag:s26] =	ssyncset.done $0x0  }
0x6c: {  	s2 =	simm.s32 $0x4F00;
	[sflag:s26] =	ssyncadd.s32 $0xFFFFF800  }
0x6d: {  	[spmem:s1] =	stream.indirect.scatter.add.f32 [tilespmem:s24], [sflag:$0x3], $0x10, s2, s23, $0xb8;
	[tilespmem:$0xAE30] =	vst v63  }
0x6e: {  	_ =	swait.ge [sflag:s28], $0x800  }
0x6f: {  	[sflag:s28] =	ssyncset.done $0x0  }
0x70: {  	s7 =	simm.s32 $0x4F80;
	[sflag:s28] =	ssyncadd.s32 $0xFFFFF800  }
0x71: {  	[spmem:s1] =	stream.indirect.scatter.add.f32 [tilespmem:s25], [sflag:$0x4], $0x10, s7, s23, $0xb8;
	[tilespmem:$0xAE30] =	vst v63  }
0x72: {  	_ =	swait.ge [sflag:s29], $0x800  }
0x73: {  	[sflag:s29] =	ssyncset.done $0x0  }
0x74: {  	[sflag:s29] =	ssyncadd.s32 $0xFFFFF800  }
0x75: {  	_ =	swait.ge [sflag:s30], $0x800  }
0x76: {  	[sflag:s30] =	ssyncset.done $0x0  }
0x77: {  	[sflag:s30] =	ssyncadd.s32 $0xFFFFF800  }
0x78: {  	s8 =	simm.s32 $0x10;
	[bflag:$0x0] =	sbarrier.arrive $0xFFFF  }
0x79: {  	[hbm:s18@s8], [sflag:s9] =	dma.strided [spmem:s31@s28], $0x4E0, s26, $0x2   }
0x7a: {  	s4 =	sadd.s32 $0x1, s4;
	_ =	swait.ge [sflag:s21], $0x4E0  }
0x7b: {  	s6 =	simm.s32 @!p0 $0x10;
	p2 =	sne.s32 s4, s20;
	[sflag:s21] =	ssyncset.done $0x0  }
0x7c: {  	s2 =	simm.s32 @!p0 $0x1;
	s7 =	simm.s32 @!p0 $0x2;
	[sflag:s21] =	ssyncadd.s32 $0xFFFFFB20  }
0x7d: {  	[hbm:s19@s6], [sflag:s9] =	dma.strided @!p0 [spmem:s0@s7], $0x20, s2, $0x2   }
.Ltmp1:
0x7e: {  	_ = 	snop;
	(pc) =	sbr.rel @p2 .LBB2_1-.Ltmp1, $4  }
0x7f: {  	s0 =	simm.s32 @!p0 $0x5  }
0x80: {  	_ =	swait.ge @!p0 [sflag:s0], $0x20  }
0x81: {  	[sflag:s0] =	ssyncset.done @!p0 $0x0  }
0x82: {  	[sflag:s0] =	ssyncadd.s32 @!p0 $0xFFFFFFE0  }
0x83: {  	_ =	sfence.sel $0x180000  }
0x84: {  	[bflag:$0x0] =	sbarrier.arrive $0xFFFF  }
0x85: {  	_ =	strace $0x90000050  }
0x86: {  	s0 =	stileid.u32;
	[bflag:$0x2] =	sbarrier.arrive $0xFFFF  }
0x87: {  	p0 =	sne.s32 s0, $0x0;
	s0 =	rddreg [dreg:$0x4]  }
0x88: {  	s0 =	sadd.s32 @!p0 $0x100000, s0  }
0x89: {  	[sflag:s0] =	ssyncadd.tile.s32 @!p0 $0x1;
	_ =	shalt  }
.Lfunc_end2:
_tile_overlayer_lowered:
.L_overlay_start_2:
0x8a: {  	(tag) =	ssettag $0x2  }
0x8b: {  	s0 =	rddreg [dreg:$0x0];
	s2 =	stileid.u32  }
0x8c: {  	s1 =	rddreg [dreg:$0x1];
	p0 =	sne.s32 s2, $0x0  }
0x8d: {  	s3 =	rddreg [dreg:$0x2];
	[bflag:$0x3] =	sbarrier.arrive $0xFFFF;
	s2 =	simm.s32 @!p0 $0x1C05  }
0x8e: {  	[timem:s3], [sflag:s2] =	dma.local @!p0 [hbm:s0], s1  }
0x8f: {  	s0 =	simm.s32 @!p0 $0x5  }
0x90: {  	_ =	swait.ge @!p0 [sflag:s0], s1  }
0x91: {  	s1 =	ssub.s32 @!p0 $0x0, s1;
	[sflag:s0] =	ssyncset.done @!p0 $0x0  }
0x92: {  	[sflag:s0] =	ssyncadd.s32 @!p0 s1  }
0x93: {  	[bflag:$0x3] =	sbarrier.arrive $0xFFFF  }
0x94: {  	_ =	shalt  }

</sc_bundles>
